<compile_context>
chip_gen: v7x
topology: tpu7x:2x2x1
jax: 0.10.2.dev20260603
libtpu: 0.0.44.dev20260713+nightly
codegen_flags: <defaults>
</compile_context>

<pallas_src>
import functools

import jax
import jax.numpy as jnp
from jax import lax
from jax.experimental import pallas as pl
from jax.experimental.pallas import tpu as pltpu
from jax.experimental.pallas import tpu_sc as plsc

N_NODES = 10000
N_EDGES = 320000
D = 128
DH = 64

C = 128
NW = 32
NP = 10240
EP_CHUNKS = 2528
EP = EP_CHUNKS * C
CHUNKS_PER_W = EP_CHUNKS // NW
ZCH_PER_SUB = NP // C // 16
DEGW = 16
DUMMY_DST = N_NODES + 8


def _sc_body(with_deg, *refs):
    if with_deg:
        (ylo_hbm, yhi_hbm, src_hbm, dst_hbm,
         outlo_hbm, outhi_hbm, deg_hbm,
         src_all, dst_all, rows_v, rows1_v, rows2_v, zbuf_v, ones_v,
         accum_s, deg_s, sem, sem1, sem2) = refs
    else:
        (ylo_hbm, yhi_hbm, src_hbm, dst_hbm,
         outlo_hbm, outhi_hbm,
         src_all, dst_all, rows_v, rows1_v, rows2_v, zbuf_v,
         accum_s, sem, sem1, sem2) = refs

    c = lax.axis_index("c")
    s = lax.axis_index("s")
    wid = s * 2 + c

    def zrow(r, _):
        def zcol(k, _):
            zbuf_v[r, pl.ds(k * 16, 16)] = jnp.zeros((16,), jnp.float32)
            return 0
        return lax.fori_loop(0, DH // 16, zcol, 0)
    lax.fori_loop(0, C, zrow, 0)

    if with_deg:
        def zo(r, _):
            ones_v[r, :] = jnp.zeros((DEGW,), jnp.float32)
            return 0
        lax.fori_loop(0, C, zo, 0)

    def zero_accum():
        for j in range(ZCH_PER_SUB):
            pltpu.sync_copy(zbuf_v, accum_s.at[pl.ds((s + 16 * j) * C, C)])

    pltpu.sync_copy(src_hbm.at[wid], src_all)
    pltpu.sync_copy(dst_hbm.at[wid], dst_all)

    zero_accum()
    if with_deg:
        for j in range(ZCH_PER_SUB):
            pltpu.sync_copy(ones_v, deg_s.at[pl.ds((s + 16 * j) * C, C)])

        def so(r, _):
            ones_v[r, :] = jnp.full((DEGW,), 1.0, jnp.float32)
            return 0
        lax.fori_loop(0, C, so, 0)

    plsc.subcore_barrier()

    def edge_pass(y_ref, add_deg):
        def scat(buf, j):
            pltpu.sync_copy(buf, accum_s.at[dst_all.at[j]], add=True)
            if add_deg:
                pltpu.sync_copy(ones_v, deg_s.at[dst_all.at[j]], add=True)

        def gath(j, buf, sm):
            pltpu.async_copy(y_ref.at[src_all.at[j]], buf, sm)

        def gwait(j, buf, sm):
            pltpu.make_async_copy(y_ref.at[src_all.at[j]], buf, sm).wait()

        gath(0, rows_v, sem)
        gath(1, rows1_v, sem1)
        gath(2, rows2_v, sem2)

        @pl.loop(0, CHUNKS_PER_W - 4, step=3)
        def chunk(j):
            gwait(j, rows_v, sem)
            scat(rows_v, j)
            gath(j + 3, rows_v, sem)
            gwait(j + 1, rows1_v, sem1)
            scat(rows1_v, j + 1)
            gath(j + 4, rows1_v, sem1)
            gwait(j + 2, rows2_v, sem2)
            scat(rows2_v, j + 2)
            gath(j + 5, rows2_v, sem2)

        gwait(75, rows_v, sem)
        scat(rows_v, 75)
        gath(78, rows_v, sem)
        gwait(76, rows1_v, sem1)
        scat(rows1_v, 76)
        gwait(77, rows2_v, sem2)
        scat(rows2_v, 77)
        gwait(78, rows_v, sem)
        scat(rows_v, 78)

    def writeback(dst_ref):
        for j in range(ZCH_PER_SUB):
            off = (s + 16 * j) * C
            pltpu.sync_copy(accum_s.at[pl.ds(off, C)],
                            dst_ref.at[c, pl.ds(off, C)])

    edge_pass(ylo_hbm, with_deg)
    plsc.subcore_barrier()
    writeback(outlo_hbm)
    if with_deg:
        for j in range(ZCH_PER_SUB):
            off = (s + 16 * j) * C
            pltpu.sync_copy(deg_s.at[pl.ds(off, C)],
                            deg_hbm.at[c, pl.ds(off, C)])
    zero_accum()
    plsc.subcore_barrier()

    edge_pass(yhi_hbm, False)
    plsc.subcore_barrier()
    writeback(outhi_hbm)


def _make_sc_aggregate(with_deg):
    mesh = plsc.VectorSubcoreMesh(core_axis_name="c", subcore_axis_name="s")
    out_type = [
        jax.ShapeDtypeStruct((2, NP, DH), jnp.float32),
        jax.ShapeDtypeStruct((2, NP, DH), jnp.float32),
    ]
    scratch = [
        pltpu.VMEM((CHUNKS_PER_W, C), jnp.int32),
        pltpu.VMEM((CHUNKS_PER_W, C), jnp.int32),
        pltpu.VMEM((C, DH), jnp.float32),
        pltpu.VMEM((C, DH), jnp.float32),
        pltpu.VMEM((C, DH), jnp.float32),
        pltpu.VMEM((C, DH), jnp.float32),
    ]
    if with_deg:
        out_type.append(jax.ShapeDtypeStruct((2, NP, DEGW), jnp.float32))
        scratch.append(pltpu.VMEM((C, DEGW), jnp.float32))
    scratch.append(pltpu.VMEM_SHARED((NP, DH), jnp.float32))
    if with_deg:
        scratch.append(pltpu.VMEM_SHARED((NP, DEGW), jnp.float32))
    scratch.append(pltpu.SemaphoreType.DMA)
    scratch.append(pltpu.SemaphoreType.DMA)
    scratch.append(pltpu.SemaphoreType.DMA)

    return pl.kernel(
        functools.partial(_sc_body, with_deg),
        out_type=tuple(out_type),
        mesh=mesh,
        scratch_types=tuple(scratch),
        compiler_params=pltpu.CompilerParams(use_tc_tiling_on_sc=False),
    )


_sc_aggregate_deg = _make_sc_aggregate(True)
_sc_aggregate = _make_sc_aggregate(False)



R = 400
GRID = N_NODES // R


def _mm_body(x_ref, w_ref, lo_ref, hi_ref):
    y = jnp.dot(x_ref[...], w_ref[...], preferred_element_type=jnp.float32)
    lo_ref[...] = y[:, :DH]
    hi_ref[...] = y[:, DH:]


def _tc_matmul_split(x, w):
    return pl.pallas_call(
        _mm_body,
        grid=(GRID,),
        in_specs=[
            pl.BlockSpec((R, D), lambda i: (i, 0)),
            pl.BlockSpec((D, D), lambda i: (0, 0)),
        ],
        out_specs=[
            pl.BlockSpec((R, DH), lambda i: (i, 0)),
            pl.BlockSpec((R, DH), lambda i: (i, 0)),
        ],
        out_shape=[
            jax.ShapeDtypeStruct((N_NODES, DH), jnp.float32),
            jax.ShapeDtypeStruct((N_NODES, DH), jnp.float32),
        ],
    )(x, w)


def _mid_body(plo_ref, phi_ref, deg_ref, x_ref, wr0_ref, b0_ref, wl1_ref,
              h_ref, y1lo_ref, y1hi_ref):
    agg = jnp.concatenate(
        [plo_ref[0] + plo_ref[1], phi_ref[0] + phi_ref[1]], axis=1)
    d = deg_ref[0, :, 0:1] + deg_ref[1, :, 0:1]
    agg = agg / jnp.maximum(d, 1.0)
    h = agg + jnp.dot(x_ref[...], wr0_ref[...],
                      preferred_element_type=jnp.float32) + b0_ref[...]
    h = jnp.maximum(h, 0.0)
    h_ref[...] = h
    y1 = jnp.dot(h, wl1_ref[...], preferred_element_type=jnp.float32)
    y1lo_ref[...] = y1[:, :DH]
    y1hi_ref[...] = y1[:, DH:]


def _tc_mid(p0lo, p0hi, degp, x, wr0, b0, wl1):
    return pl.pallas_call(
        _mid_body,
        grid=(GRID,),
        in_specs=[
            pl.BlockSpec((2, R, DH), lambda i: (0, i, 0)),
            pl.BlockSpec((2, R, DH), lambda i: (0, i, 0)),
            pl.BlockSpec((2, R, DEGW), lambda i: (0, i, 0)),
            pl.BlockSpec((R, D), lambda i: (i, 0)),
            pl.BlockSpec((D, D), lambda i: (0, 0)),
            pl.BlockSpec((1, D), lambda i: (0, 0)),
            pl.BlockSpec((D, D), lambda i: (0, 0)),
        ],
        out_specs=[
            pl.BlockSpec((R, D), lambda i: (i, 0)),
            pl.BlockSpec((R, DH), lambda i: (i, 0)),
            pl.BlockSpec((R, DH), lambda i: (i, 0)),
        ],
        out_shape=[
            jax.ShapeDtypeStruct((N_NODES, D), jnp.float32),
            jax.ShapeDtypeStruct((N_NODES, DH), jnp.float32),
            jax.ShapeDtypeStruct((N_NODES, DH), jnp.float32),
        ],
    )(p0lo, p0hi, degp, x, wr0, b0, wl1)


def _fin_body(plo_ref, phi_ref, deg_ref, h_ref, wr1_ref, b1_ref, o_ref):
    agg = jnp.concatenate(
        [plo_ref[0] + plo_ref[1], phi_ref[0] + phi_ref[1]], axis=1)
    d = deg_ref[0, :, 0:1] + deg_ref[1, :, 0:1]
    agg = agg / jnp.maximum(d, 1.0)
    o_ref[...] = agg + jnp.dot(h_ref[...], wr1_ref[...],
                               preferred_element_type=jnp.float32) + b1_ref[...]


def _tc_final(p1lo, p1hi, degp, h, wr1, b1):
    return pl.pallas_call(
        _fin_body,
        grid=(GRID,),
        in_specs=[
            pl.BlockSpec((2, R, DH), lambda i: (0, i, 0)),
            pl.BlockSpec((2, R, DH), lambda i: (0, i, 0)),
            pl.BlockSpec((2, R, DEGW), lambda i: (0, i, 0)),
            pl.BlockSpec((R, D), lambda i: (i, 0)),
            pl.BlockSpec((D, D), lambda i: (0, 0)),
            pl.BlockSpec((1, D), lambda i: (0, 0)),
        ],
        out_specs=pl.BlockSpec((R, D), lambda i: (i, 0)),
        out_shape=jax.ShapeDtypeStruct((N_NODES, D), jnp.float32),
    )(p1lo, p1hi, degp, h, wr1, b1)


@jax.jit
def kernel(x, edge_index, Wl0, Wr0, b0, Wl1, Wr1, b1):
    ei = edge_index.astype(jnp.int32)
    pad = EP - N_EDGES
    src = jnp.concatenate([ei[0], jnp.zeros((pad,), jnp.int32)])
    dst = jnp.concatenate([ei[1], jnp.full((pad,), DUMMY_DST, jnp.int32)])
    src = src.reshape(CHUNKS_PER_W, NW, C).transpose(1, 0, 2)
    dst = dst.reshape(CHUNKS_PER_W, NW, C).transpose(1, 0, 2)
    b0r = b0.reshape(1, D)
    b1r = b1.reshape(1, D)

    y0lo, y0hi = _tc_matmul_split(x, Wl0)
    p0lo, p0hi, degp = _sc_aggregate_deg(y0lo, y0hi, src, dst)
    h, y1lo, y1hi = _tc_mid(p0lo, p0hi, degp, x, Wr0, b0r, Wl1)
    p1lo, p1hi = _sc_aggregate(y1lo, y1hi, src, dst)
    return _tc_final(p1lo, p1hi, degp, h, Wr1, b1r)

# --- scband reference (transcript-rebuilt; emitter-appended) ---
"""Pipeline reference for scband-user-embedding-generator-3521873183303 (READ-ONLY COPY).

The authoritative reference and input builder live on the scoring server;
editing this copy changes nothing except your own understanding.
"""

import jax, jax.numpy as jnp
import numpy as np

N_NODES = 10000
N_EDGES = 320000
D_IN = 128
D_HID = 128
D_OUT = 128


def _glorot(key, shape):
    fan_in = shape[0]
    return jax.random.normal(key, shape, dtype=jnp.float32) / jnp.sqrt(jnp.float32(fan_in))


def setup_inputs(seed: int = 0) -> dict:
    key = jax.random.key(seed)
    ks = jax.random.split(key, 9)
    x = jax.random.normal(ks[0], (N_NODES, D_IN), dtype=jnp.float32)
    edge_index = jax.random.randint(ks[1], (2, N_EDGES), 0, N_NODES)
    # SAGEConv layer 0: lin_l (applied to aggregated neighbors, has bias), lin_r (applied to root, no bias)
    Wl0 = _glorot(ks[2], (D_IN, D_HID))
    Wr0 = _glorot(ks[3], (D_IN, D_HID))
    b0 = jnp.zeros((D_HID,), dtype=jnp.float32)
    # SAGEConv layer 1
    Wl1 = _glorot(ks[4], (D_HID, D_OUT))
    Wr1 = _glorot(ks[5], (D_HID, D_OUT))
    b1 = jnp.zeros((D_OUT,), dtype=jnp.float32)
    return {"x": x, "edge_index": edge_index, "Wl0": Wl0, "Wr0": Wr0, "b0": b0, "Wl1": Wl1, "Wr1": Wr1, "b1": b1}


def _sage_conv(x, edge_index, Wl, Wr, b):
    # PyG SAGEConv with mean aggregation:
    #   out = lin_l(mean_{j in N(i)} x_j) + lin_r(x_i)
    src = edge_index[0]
    dst = edge_index[1]
    msgs = jnp.take(x, src, axis=0)                     # gather: [E, d]
    agg = jax.ops.segment_sum(msgs, dst, num_segments=x.shape[0])   # scatter-add: [N, d]
    deg = jax.ops.segment_sum(jnp.ones((src.shape[0],), dtype=x.dtype), dst, num_segments=x.shape[0])
    agg = agg / jnp.maximum(deg, 1.0)[:, None]          # mean aggregation
    return agg @ Wl + x @ Wr + b


def reference(x, edge_index, Wl0, Wr0, b0, Wl1, Wr1, b1):
    # Layer 0 + ReLU (dropout is identity in eval mode / training=False)
    h = _sage_conv(x, edge_index, Wl0, Wr0, b0)
    h = jax.nn.relu(h)
    # Layer 1 (final layer: no activation)
    out = _sage_conv(h, edge_index, Wl1, Wr1, b1)
    return out

if __name__ == "__main__":
    import jax
    _d = setup_inputs()
    print(jax.jit(kernel)(*tuple(_d.values())))

</pallas_src>

<mosaic_0001>
#map = affine_map<(d0, d1) -> (0, 0)>
#map1 = affine_map<(d0, d1) -> (0, 0, 0)>
module attributes {stable_mosaic.version = 14 : i64} {
  func.func @_sc_body(%arg0: i32, %arg1: i32, %arg2: memref<10000x64xf32, #tpu.memory_space<hbm>>, %arg3: memref<10000x64xf32, #tpu.memory_space<hbm>>, %arg4: memref<32x79x128xi32, #tpu.memory_space<hbm>>, %arg5: memref<32x79x128xi32, #tpu.memory_space<hbm>>, %arg6: memref<2x10240x64xf32, #tpu.memory_space<hbm>>, %arg7: memref<2x10240x64xf32, #tpu.memory_space<hbm>>, %arg8: memref<79x128xi32, #tpu.memory_space<vmem>>, %arg9: memref<79x128xi32, #tpu.memory_space<vmem>>, %arg10: memref<128x64xf32, #tpu.memory_space<vmem>>, %arg11: memref<128x64xf32, #tpu.memory_space<vmem>>, %arg12: memref<128x64xf32, #tpu.memory_space<vmem>>, %arg13: memref<128x64xf32, #tpu.memory_space<vmem>>, %arg14: memref<10240x64xf32, #tpu.memory_space<vmem_shared>>, %arg15: memref<!tpu.dma_semaphore, #tpu.memory_space<semaphore_mem>>, %arg16: memref<!tpu.dma_semaphore, #tpu.memory_space<semaphore_mem>>, %arg17: memref<!tpu.dma_semaphore, #tpu.memory_space<semaphore_mem>>) attributes {dimension_semantics = [#tpu.dimension_semantics<core_parallel>, #tpu.dimension_semantics<subcore_parallel>], iteration_bounds = array<i64: 2, 16>, scalar_prefetch = 0 : i64, scratch_operands = 10 : i64, tpu.core_type = #tpu.core_type<sc_vector_subcore>, window_params = [{transform_indices = #map}, {transform_indices = #map}, {transform_indices = #map1}, {transform_indices = #map1}, {transform_indices = #map1}, {transform_indices = #map1}]} {
    %mul3A = arith.constant 2 : i32
    %mul3A_0 = arith.muli %arg1, %mul3A : i32
    %add3A = arith.addi %mul3A_0, %arg0 : i32
    %scan3A = arith.constant 0 : i32
    %scan3A_1 = arith.constant 0 : i32
    %scan3A_2 = arith.constant 128 : i32
    %scan3A_3 = arith.addi %scan3A_1, %scan3A_2 : i32
    %scan3A_4 = arith.constant 1 : i32
    %scan3A_5 = scf.for %scan3A_217 = %scan3A_1 to %scan3A_3 step %scan3A_4 iter_args(%scan3A_218 = %scan3A) -> (i32)  : i32 {
      %scan3A_219 = arith.constant 0 : i32
      %scan3A_220 = arith.constant 0 : i32
      %scan3A_221 = arith.constant 4 : i32
      %scan3A_222 = arith.addi %scan3A_220, %scan3A_221 : i32
      %scan3A_223 = arith.constant 1 : i32
      %scan3A_224 = scf.for %scan3A_226 = %scan3A_220 to %scan3A_222 step %scan3A_223 iter_args(%scan3A_227 = %scan3A_219) -> (i32)  : i32 {
        %broadcast_in_dim3A = arith.constant 0.000000e+00 : f32
        %broadcast_in_dim3A_228 = vector.broadcast %broadcast_in_dim3A : f32 to vector<16xf32>
        %mul3A_229 = arith.constant 16 : i32
        %mul3A_230 = arith.muli %scan3A_226, %mul3A_229 : i32
        %swap3A = arith.index_cast %scan3A_217 : i32 to index
        %swap3A_231 = arith.index_cast %mul3A_230 : i32 to index
        %swap3A_232 = tpu.vector_load %arg13[%swap3A, %swap3A_231] {strides = array<i32>} : memref<128x64xf32, #tpu.memory_space<vmem>>, vector<1x16xf32>,
        %swap3A_233 = vector.shape_cast %swap3A_232 : vector<1x16xf32> to vector<16xf32>
        %swap3A_234 = vector.shape_cast %broadcast_in_dim3A_228 : vector<16xf32> to vector<1x16xf32>
        tpu.vector_store %arg13[%swap3A, %swap3A_231], %swap3A_234 {strides = array<i32>} : memref<128x64xf32, #tpu.memory_space<vmem>>, vector<1x16xf32>,
        %scan3A_235 = arith.constant 0 : i32
        scf.yield %scan3A_235 : i32
      }
      %scan3A_225 = arith.constant 4 : i32
      scf.yield %scan3A_224 : i32
    }
    %scan3A_6 = arith.constant 128 : i32
    "tpu.region"() ({
      %run_scoped3A_217 = tpu.sem_alloc : memref<!tpu.dma_semaphore, #tpu.memory_space<semaphore_mem>>
      %dma_start3A_218 = arith.constant 0 : i32
      %dma_start3A_219 = arith.constant 0 : i32
      %dma_start3A_220 = tpu.memref_slice %arg4[%add3A, %dma_start3A_218, %dma_start3A_219] : memref<32x79x128xi32, #tpu.memory_space<hbm>> -> memref<1x79x128xi32, #tpu.memory_space<hbm>>
      %dma_start3A_221 = tpu.memref_squeeze %dma_start3A_220 : memref<1x79x128xi32, #tpu.memory_space<hbm>> -> memref<79x128xi32, #tpu.memory_space<hbm>>
      %dma_start3A_222 = arith.constant 0 : i32
      %dma_start3A_223 = arith.constant 0 : i32
      %dma_start3A_224 = tpu.memref_slice %arg4[%add3A, %dma_start3A_222, %dma_start3A_223] : memref<32x79x128xi32, #tpu.memory_space<hbm>> -> memref<1x79x128xi32, #tpu.memory_space<hbm>>
      %dma_start3A_225 = tpu.memref_squeeze %dma_start3A_224 : memref<1x79x128xi32, #tpu.memory_space<hbm>> -> memref<79x128xi32, #tpu.memory_space<hbm>>
      tpu.enqueue_dma source(%dma_start3A_225 : memref<79x128xi32, #tpu.memory_space<hbm>>) target(%arg8 : memref<79x128xi32, #tpu.memory_space<vmem>>) target_semaphore(%run_scoped3A_217 : memref<!tpu.dma_semaphore, #tpu.memory_space<semaphore_mem>>)
      %dma_wait3A_226 = arith.constant 0 : i32
      %dma_wait3A_227 = arith.constant 0 : i32
      %dma_wait3A_228 = tpu.memref_slice %arg4[%add3A, %dma_wait3A_226, %dma_wait3A_227] : memref<32x79x128xi32, #tpu.memory_space<hbm>> -> memref<1x79x128xi32, #tpu.memory_space<hbm>>
      %dma_wait3A_229 = tpu.memref_squeeze %dma_wait3A_228 : memref<1x79x128xi32, #tpu.memory_space<hbm>> -> memref<79x128xi32, #tpu.memory_space<hbm>>
      %dma_wait3A_230 = arith.constant 0 : i32
      %dma_wait3A_231 = arith.constant 0 : i32
      %dma_wait3A_232 = tpu.memref_slice %arg4[%add3A, %dma_wait3A_230, %dma_wait3A_231] : memref<32x79x128xi32, #tpu.memory_space<hbm>> -> memref<1x79x128xi32, #tpu.memory_space<hbm>>
      %dma_wait3A_233 = tpu.memref_squeeze %dma_wait3A_232 : memref<1x79x128xi32, #tpu.memory_space<hbm>> -> memref<79x128xi32, #tpu.memory_space<hbm>>
      tpu.wait_dma2 semaphore(%run_scoped3A_217 : memref<!tpu.dma_semaphore, #tpu.memory_space<semaphore_mem>>) src(%dma_wait3A_233 : memref<79x128xi32, #tpu.memory_space<hbm>>) dst(%arg8 : memref<79x128xi32, #tpu.memory_space<vmem>>)
      tpu.yield
    }) : () -> ()
    "tpu.region"() ({
      %run_scoped3A_217 = tpu.sem_alloc : memref<!tpu.dma_semaphore, #tpu.memory_space<semaphore_mem>>
      %dma_start3A_218 = arith.constant 0 : i32
      %dma_start3A_219 = arith.constant 0 : i32
      %dma_start3A_220 = tpu.memref_slice %arg5[%add3A, %dma_start3A_218, %dma_start3A_219] : memref<32x79x128xi32, #tpu.memory_space<hbm>> -> memref<1x79x128xi32, #tpu.memory_space<hbm>>
      %dma_start3A_221 = tpu.memref_squeeze %dma_start3A_220 : memref<1x79x128xi32, #tpu.memory_space<hbm>> -> memref<79x128xi32, #tpu.memory_space<hbm>>
      %dma_start3A_222 = arith.constant 0 : i32
      %dma_start3A_223 = arith.constant 0 : i32
      %dma_start3A_224 = tpu.memref_slice %arg5[%add3A, %dma_start3A_222, %dma_start3A_223] : memref<32x79x128xi32, #tpu.memory_space<hbm>> -> memref<1x79x128xi32, #tpu.memory_space<hbm>>
      %dma_start3A_225 = tpu.memref_squeeze %dma_start3A_224 : memref<1x79x128xi32, #tpu.memory_space<hbm>> -> memref<79x128xi32, #tpu.memory_space<hbm>>
      tpu.enqueue_dma source(%dma_start3A_225 : memref<79x128xi32, #tpu.memory_space<hbm>>) target(%arg9 : memref<79x128xi32, #tpu.memory_space<vmem>>) target_semaphore(%run_scoped3A_217 : memref<!tpu.dma_semaphore, #tpu.memory_space<semaphore_mem>>)
      %dma_wait3A_226 = arith.constant 0 : i32
      %dma_wait3A_227 = arith.constant 0 : i32
      %dma_wait3A_228 = tpu.memref_slice %arg5[%add3A, %dma_wait3A_226, %dma_wait3A_227] : memref<32x79x128xi32, #tpu.memory_space<hbm>> -> memref<1x79x128xi32, #tpu.memory_space<hbm>>
      %dma_wait3A_229 = tpu.memref_squeeze %dma_wait3A_228 : memref<1x79x128xi32, #tpu.memory_space<hbm>> -> memref<79x128xi32, #tpu.memory_space<hbm>>
      %dma_wait3A_230 = arith.constant 0 : i32
      %dma_wait3A_231 = arith.constant 0 : i32
      %dma_wait3A_232 = tpu.memref_slice %arg5[%add3A, %dma_wait3A_230, %dma_wait3A_231] : memref<32x79x128xi32, #tpu.memory_space<hbm>> -> memref<1x79x128xi32, #tpu.memory_space<hbm>>
      %dma_wait3A_233 = tpu.memref_squeeze %dma_wait3A_232 : memref<1x79x128xi32, #tpu.memory_space<hbm>> -> memref<79x128xi32, #tpu.memory_space<hbm>>
      tpu.wait_dma2 semaphore(%run_scoped3A_217 : memref<!tpu.dma_semaphore, #tpu.memory_space<semaphore_mem>>) src(%dma_wait3A_233 : memref<79x128xi32, #tpu.memory_space<hbm>>) dst(%arg9 : memref<79x128xi32, #tpu.memory_space<vmem>>)
      tpu.yield
    }) : () -> ()
    %add3A_7 = arith.constant 0 : i32
    %add3A_8 = arith.addi %arg1, %add3A_7 : i32
    %mul3A_9 = arith.constant 128 : i32
    %mul3A_10 = arith.muli %add3A_8, %mul3A_9 : i32
    "tpu.region"() ({
      %run_scoped3A_217 = tpu.sem_alloc : memref<!tpu.dma_semaphore, #tpu.memory_space<semaphore_mem>>
      %dma_start3A_218 = arith.constant 0 : i32
      %dma_start3A_219 = tpu.memref_slice %arg14[%mul3A_10, %dma_start3A_218] : memref<10240x64xf32, #tpu.memory_space<vmem_shared>> -> memref<128x64xf32, #tpu.memory_space<vmem_shared>>
      %dma_start3A_220 = arith.constant 0 : i32
      %dma_start3A_221 = tpu.memref_slice %arg14[%mul3A_10, %dma_start3A_220] : memref<10240x64xf32, #tpu.memory_space<vmem_shared>> -> memref<128x64xf32, #tpu.memory_space<vmem_shared>>
      tpu.enqueue_dma source(%arg13 : memref<128x64xf32, #tpu.memory_space<vmem>>) target(%dma_start3A_221 : memref<128x64xf32, #tpu.memory_space<vmem_shared>>) target_semaphore(%run_scoped3A_217 : memref<!tpu.dma_semaphore, #tpu.memory_space<semaphore_mem>>)
      %dma_wait3A_222 = arith.constant 0 : i32
      %dma_wait3A_223 = tpu.memref_slice %arg14[%mul3A_10, %dma_wait3A_222] : memref<10240x64xf32, #tpu.memory_space<vmem_shared>> -> memref<128x64xf32, #tpu.memory_space<vmem_shared>>
      %dma_wait3A_224 = arith.constant 0 : i32
      %dma_wait3A_225 = tpu.memref_slice %arg14[%mul3A_10, %dma_wait3A_224] : memref<10240x64xf32, #tpu.memory_space<vmem_shared>> -> memref<128x64xf32, #tpu.memory_space<vmem_shared>>
      tpu.wait_dma2 semaphore(%run_scoped3A_217 : memref<!tpu.dma_semaphore, #tpu.memory_space<semaphore_mem>>) src(%arg13 : memref<128x64xf32, #tpu.memory_space<vmem>>) dst(%dma_wait3A_225 : memref<128x64xf32, #tpu.memory_space<vmem_shared>>)
      tpu.yield
    }) : () -> ()
    %add3A_11 = arith.constant 16 : i32
    %add3A_12 = arith.addi %arg1, %add3A_11 : i32
    %mul3A_13 = arith.constant 128 : i32
    %mul3A_14 = arith.muli %add3A_12, %mul3A_13 : i32
    "tpu.region"() ({
      %run_scoped3A_217 = tpu.sem_alloc : memref<!tpu.dma_semaphore, #tpu.memory_space<semaphore_mem>>
      %dma_start3A_218 = arith.constant 0 : i32
      %dma_start3A_219 = tpu.memref_slice %arg14[%mul3A_14, %dma_start3A_218] : memref<10240x64xf32, #tpu.memory_space<vmem_shared>> -> memref<128x64xf32, #tpu.memory_space<vmem_shared>>
      %dma_start3A_220 = arith.constant 0 : i32
      %dma_start3A_221 = tpu.memref_slice %arg14[%mul3A_14, %dma_start3A_220] : memref<10240x64xf32, #tpu.memory_space<vmem_shared>> -> memref<128x64xf32, #tpu.memory_space<vmem_shared>>
      tpu.enqueue_dma source(%arg13 : memref<128x64xf32, #tpu.memory_space<vmem>>) target(%dma_start3A_221 : memref<128x64xf32, #tpu.memory_space<vmem_shared>>) target_semaphore(%run_scoped3A_217 : memref<!tpu.dma_semaphore, #tpu.memory_space<semaphore_mem>>)
      %dma_wait3A_222 = arith.constant 0 : i32
      %dma_wait3A_223 = tpu.memref_slice %arg14[%mul3A_14, %dma_wait3A_222] : memref<10240x64xf32, #tpu.memory_space<vmem_shared>> -> memref<128x64xf32, #tpu.memory_space<vmem_shared>>
      %dma_wait3A_224 = arith.constant 0 : i32
      %dma_wait3A_225 = tpu.memref_slice %arg14[%mul3A_14, %dma_wait3A_224] : memref<10240x64xf32, #tpu.memory_space<vmem_shared>> -> memref<128x64xf32, #tpu.memory_space<vmem_shared>>
      tpu.wait_dma2 semaphore(%run_scoped3A_217 : memref<!tpu.dma_semaphore, #tpu.memory_space<semaphore_mem>>) src(%arg13 : memref<128x64xf32, #tpu.memory_space<vmem>>) dst(%dma_wait3A_225 : memref<128x64xf32, #tpu.memory_space<vmem_shared>>)
      tpu.yield
    }) : () -> ()
    %add3A_15 = arith.constant 32 : i32
    %add3A_16 = arith.addi %arg1, %add3A_15 : i32
    %mul3A_17 = arith.constant 128 : i32
    %mul3A_18 = arith.muli %add3A_16, %mul3A_17 : i32
    "tpu.region"() ({
      %run_scoped3A_217 = tpu.sem_alloc : memref<!tpu.dma_semaphore, #tpu.memory_space<semaphore_mem>>
      %dma_start3A_218 = arith.constant 0 : i32
      %dma_start3A_219 = tpu.memref_slice %arg14[%mul3A_18, %dma_start3A_218] : memref<10240x64xf32, #tpu.memory_space<vmem_shared>> -> memref<128x64xf32, #tpu.memory_space<vmem_shared>>
      %dma_start3A_220 = arith.constant 0 : i32
      %dma_start3A_221 = tpu.memref_slice %arg14[%mul3A_18, %dma_start3A_220] : memref<10240x64xf32, #tpu.memory_space<vmem_shared>> -> memref<128x64xf32, #tpu.memory_space<vmem_shared>>
      tpu.enqueue_dma source(%arg13 : memref<128x64xf32, #tpu.memory_space<vmem>>) target(%dma_start3A_221 : memref<128x64xf32, #tpu.memory_space<vmem_shared>>) target_semaphore(%run_scoped3A_217 : memref<!tpu.dma_semaphore, #tpu.memory_space<semaphore_mem>>)
      %dma_wait3A_222 = arith.constant 0 : i32
      %dma_wait3A_223 = tpu.memref_slice %arg14[%mul3A_18, %dma_wait3A_222] : memref<10240x64xf32, #tpu.memory_space<vmem_shared>> -> memref<128x64xf32, #tpu.memory_space<vmem_shared>>
      %dma_wait3A_224 = arith.constant 0 : i32
      %dma_wait3A_225 = tpu.memref_slice %arg14[%mul3A_18, %dma_wait3A_224] : memref<10240x64xf32, #tpu.memory_space<vmem_shared>> -> memref<128x64xf32, #tpu.memory_space<vmem_shared>>
      tpu.wait_dma2 semaphore(%run_scoped3A_217 : memref<!tpu.dma_semaphore, #tpu.memory_space<semaphore_mem>>) src(%arg13 : memref<128x64xf32, #tpu.memory_space<vmem>>) dst(%dma_wait3A_225 : memref<128x64xf32, #tpu.memory_space<vmem_shared>>)
      tpu.yield
    }) : () -> ()
    %add3A_19 = arith.constant 48 : i32
    %add3A_20 = arith.addi %arg1, %add3A_19 : i32
    %mul3A_21 = arith.constant 128 : i32
    %mul3A_22 = arith.muli %add3A_20, %mul3A_21 : i32
    "tpu.region"() ({
      %run_scoped3A_217 = tpu.sem_alloc : memref<!tpu.dma_semaphore, #tpu.memory_space<semaphore_mem>>
      %dma_start3A_218 = arith.constant 0 : i32
      %dma_start3A_219 = tpu.memref_slice %arg14[%mul3A_22, %dma_start3A_218] : memref<10240x64xf32, #tpu.memory_space<vmem_shared>> -> memref<128x64xf32, #tpu.memory_space<vmem_shared>>
      %dma_start3A_220 = arith.constant 0 : i32
      %dma_start3A_221 = tpu.memref_slice %arg14[%mul3A_22, %dma_start3A_220] : memref<10240x64xf32, #tpu.memory_space<vmem_shared>> -> memref<128x64xf32, #tpu.memory_space<vmem_shared>>
      tpu.enqueue_dma source(%arg13 : memref<128x64xf32, #tpu.memory_space<vmem>>) target(%dma_start3A_221 : memref<128x64xf32, #tpu.memory_space<vmem_shared>>) target_semaphore(%run_scoped3A_217 : memref<!tpu.dma_semaphore, #tpu.memory_space<semaphore_mem>>)
      %dma_wait3A_222 = arith.constant 0 : i32
      %dma_wait3A_223 = tpu.memref_slice %arg14[%mul3A_22, %dma_wait3A_222] : memref<10240x64xf32, #tpu.memory_space<vmem_shared>> -> memref<128x64xf32, #tpu.memory_space<vmem_shared>>
      %dma_wait3A_224 = arith.constant 0 : i32
      %dma_wait3A_225 = tpu.memref_slice %arg14[%mul3A_22, %dma_wait3A_224] : memref<10240x64xf32, #tpu.memory_space<vmem_shared>> -> memref<128x64xf32, #tpu.memory_space<vmem_shared>>
      tpu.wait_dma2 semaphore(%run_scoped3A_217 : memref<!tpu.dma_semaphore, #tpu.memory_space<semaphore_mem>>) src(%arg13 : memref<128x64xf32, #tpu.memory_space<vmem>>) dst(%dma_wait3A_225 : memref<128x64xf32, #tpu.memory_space<vmem_shared>>)
      tpu.yield
    }) : () -> ()
    %add3A_23 = arith.constant 64 : i32
    %add3A_24 = arith.addi %arg1, %add3A_23 : i32
    %mul3A_25 = arith.constant 128 : i32
    %mul3A_26 = arith.muli %add3A_24, %mul3A_25 : i32
    "tpu.region"() ({
      %run_scoped3A_217 = tpu.sem_alloc : memref<!tpu.dma_semaphore, #tpu.memory_space<semaphore_mem>>
      %dma_start3A_218 = arith.constant 0 : i32
      %dma_start3A_219 = tpu.memref_slice %arg14[%mul3A_26, %dma_start3A_218] : memref<10240x64xf32, #tpu.memory_space<vmem_shared>> -> memref<128x64xf32, #tpu.memory_space<vmem_shared>>
      %dma_start3A_220 = arith.constant 0 : i32
      %dma_start3A_221 = tpu.memref_slice %arg14[%mul3A_26, %dma_start3A_220] : memref<10240x64xf32, #tpu.memory_space<vmem_shared>> -> memref<128x64xf32, #tpu.memory_space<vmem_shared>>
      tpu.enqueue_dma source(%arg13 : memref<128x64xf32, #tpu.memory_space<vmem>>) target(%dma_start3A_221 : memref<128x64xf32, #tpu.memory_space<vmem_shared>>) target_semaphore(%run_scoped3A_217 : memref<!tpu.dma_semaphore, #tpu.memory_space<semaphore_mem>>)
      %dma_wait3A_222 = arith.constant 0 : i32
      %dma_wait3A_223 = tpu.memref_slice %arg14[%mul3A_26, %dma_wait3A_222] : memref<10240x64xf32, #tpu.memory_space<vmem_shared>> -> memref<128x64xf32, #tpu.memory_space<vmem_shared>>
      %dma_wait3A_224 = arith.constant 0 : i32
      %dma_wait3A_225 = tpu.memref_slice %arg14[%mul3A_26, %dma_wait3A_224] : memref<10240x64xf32, #tpu.memory_space<vmem_shared>> -> memref<128x64xf32, #tpu.memory_space<vmem_shared>>
      tpu.wait_dma2 semaphore(%run_scoped3A_217 : memref<!tpu.dma_semaphore, #tpu.memory_space<semaphore_mem>>) src(%arg13 : memref<128x64xf32, #tpu.memory_space<vmem>>) dst(%dma_wait3A_225 : memref<128x64xf32, #tpu.memory_space<vmem_shared>>)
      tpu.yield
    }) : () -> ()
    %barrier3A = arith.constant 0 : index
    tpu.barrier barrier_id(%barrier3A)
    %dma_start3A = arith.constant 0 : i32
    %dma_start3A_27 = arith.constant 0 : i32
    %dma_start3A_28 = tpu.memref_slice %arg8[%dma_start3A, %dma_start3A_27] : memref<79x128xi32, #tpu.memory_space<vmem>> -> memref<1x128xi32, #tpu.memory_space<vmem>>
    %dma_start3A_29 = tpu.memref_squeeze %dma_start3A_28 : memref<1x128xi32, #tpu.memory_space<vmem>> -> memref<128xi32, #tpu.memory_space<vmem>>
    %dma_start3A_30 = arith.constant 0 : i32
    %dma_start3A_31 = arith.constant 0 : i32
    %dma_start3A_32 = tpu.memref_slice %arg2[%dma_start3A_30, %dma_start3A_31] : memref<10000x64xf32, #tpu.memory_space<hbm>> -> memref<10000x64xf32, #tpu.memory_space<hbm>>
    tpu.enqueue_indirect_dma source(%dma_start3A_32 : memref<10000x64xf32, #tpu.memory_space<hbm>>) target(%arg10 : memref<128x64xf32, #tpu.memory_space<vmem>>) offsets(%dma_start3A_29 : memref<128xi32, #tpu.memory_space<vmem>>) semaphore(%arg15 : memref<!tpu.dma_semaphore, #tpu.memory_space<semaphore_mem>>)
    %dma_start3A_33 = arith.constant 1 : i32
    %dma_start3A_34 = arith.constant 0 : i32
    %dma_start3A_35 = tpu.memref_slice %arg8[%dma_start3A_33, %dma_start3A_34] : memref<79x128xi32, #tpu.memory_space<vmem>> -> memref<1x128xi32, #tpu.memory_space<vmem>>
    %dma_start3A_36 = tpu.memref_squeeze %dma_start3A_35 : memref<1x128xi32, #tpu.memory_space<vmem>> -> memref<128xi32, #tpu.memory_space<vmem>>
    %dma_start3A_37 = arith.constant 0 : i32
    %dma_start3A_38 = arith.constant 0 : i32
    %dma_start3A_39 = tpu.memref_slice %arg2[%dma_start3A_37, %dma_start3A_38] : memref<10000x64xf32, #tpu.memory_space<hbm>> -> memref<10000x64xf32, #tpu.memory_space<hbm>>
    tpu.enqueue_indirect_dma source(%dma_start3A_39 : memref<10000x64xf32, #tpu.memory_space<hbm>>) target(%arg11 : memref<128x64xf32, #tpu.memory_space<vmem>>) offsets(%dma_start3A_36 : memref<128xi32, #tpu.memory_space<vmem>>) semaphore(%arg16 : memref<!tpu.dma_semaphore, #tpu.memory_space<semaphore_mem>>)
    %dma_start3A_40 = arith.constant 2 : i32
    %dma_start3A_41 = arith.constant 0 : i32
    %dma_start3A_42 = tpu.memref_slice %arg8[%dma_start3A_40, %dma_start3A_41] : memref<79x128xi32, #tpu.memory_space<vmem>> -> memref<1x128xi32, #tpu.memory_space<vmem>>
    %dma_start3A_43 = tpu.memref_squeeze %dma_start3A_42 : memref<1x128xi32, #tpu.memory_space<vmem>> -> memref<128xi32, #tpu.memory_space<vmem>>
    %dma_start3A_44 = arith.constant 0 : i32
    %dma_start3A_45 = arith.constant 0 : i32
    %dma_start3A_46 = tpu.memref_slice %arg2[%dma_start3A_44, %dma_start3A_45] : memref<10000x64xf32, #tpu.memory_space<hbm>> -> memref<10000x64xf32, #tpu.memory_space<hbm>>
    tpu.enqueue_indirect_dma source(%dma_start3A_46 : memref<10000x64xf32, #tpu.memory_space<hbm>>) target(%arg12 : memref<128x64xf32, #tpu.memory_space<vmem>>) offsets(%dma_start3A_43 : memref<128xi32, #tpu.memory_space<vmem>>) semaphore(%arg17 : memref<!tpu.dma_semaphore, #tpu.memory_space<semaphore_mem>>)
    %scan3A_47 = arith.constant 0 : i32
    %scan3A_48 = arith.constant 25 : i32
    %scan3A_49 = arith.addi %scan3A_47, %scan3A_48 : i32
    %scan3A_50 = arith.constant 1 : i32
    scf.for %scan3A_217 = %scan3A_47 to %scan3A_49 step %scan3A_50  : i32 {
      %mul3A_218 = arith.constant 3 : i32
      %mul3A_219 = arith.muli %scan3A_217, %mul3A_218 : i32
      %add3A_220 = arith.constant 0 : i32
      %add3A_221 = arith.addi %add3A_220, %mul3A_219 : i32
      %dma_wait3A_222 = arith.constant 0 : i32
      %dma_wait3A_223 = tpu.memref_slice %arg8[%add3A_221, %dma_wait3A_222] : memref<79x128xi32, #tpu.memory_space<vmem>> -> memref<1x128xi32, #tpu.memory_space<vmem>>
      %dma_wait3A_224 = tpu.memref_squeeze %dma_wait3A_223 : memref<1x128xi32, #tpu.memory_space<vmem>> -> memref<128xi32, #tpu.memory_space<vmem>>
      %dma_wait3A_225 = arith.constant 0 : i32
      %dma_wait3A_226 = arith.constant 0 : i32
      %dma_wait3A_227 = tpu.memref_slice %arg2[%dma_wait3A_225, %dma_wait3A_226] : memref<10000x64xf32, #tpu.memory_space<hbm>> -> memref<10000x64xf32, #tpu.memory_space<hbm>>
      tpu.wait_indirect_dma semaphore(%arg15 : memref<!tpu.dma_semaphore, #tpu.memory_space<semaphore_mem>>) src(%dma_wait3A_227 : memref<10000x64xf32, #tpu.memory_space<hbm>>) dst(%arg10 : memref<128x64xf32, #tpu.memory_space<vmem>>)
      "tpu.region"() ({
        %run_scoped3A_272 = tpu.sem_alloc : memref<!tpu.dma_semaphore, #tpu.memory_space<semaphore_mem>>
        %dma_start3A_273 = arith.constant 0 : i32
        %dma_start3A_274 = tpu.memref_slice %arg9[%add3A_221, %dma_start3A_273] : memref<79x128xi32, #tpu.memory_space<vmem>> -> memref<1x128xi32, #tpu.memory_space<vmem>>
        %dma_start3A_275 = tpu.memref_squeeze %dma_start3A_274 : memref<1x128xi32, #tpu.memory_space<vmem>> -> memref<128xi32, #tpu.memory_space<vmem>>
        %dma_start3A_276 = arith.constant 0 : i32
        %dma_start3A_277 = arith.constant 0 : i32
        %dma_start3A_278 = tpu.memref_slice %arg14[%dma_start3A_276, %dma_start3A_277] : memref<10240x64xf32, #tpu.memory_space<vmem_shared>> -> memref<10240x64xf32, #tpu.memory_space<vmem_shared>>
        tpu.enqueue_indirect_dma source(%arg10 : memref<128x64xf32, #tpu.memory_space<vmem>>) target(%dma_start3A_278 : memref<10240x64xf32, #tpu.memory_space<vmem_shared>>) offsets(%dma_start3A_275 : memref<128xi32, #tpu.memory_space<vmem>>) semaphore(%run_scoped3A_272 : memref<!tpu.dma_semaphore, #tpu.memory_space<semaphore_mem>>) {add = true}
        %dma_wait3A_279 = arith.constant 0 : i32
        %dma_wait3A_280 = tpu.memref_slice %arg9[%add3A_221, %dma_wait3A_279] : memref<79x128xi32, #tpu.memory_space<vmem>> -> memref<1x128xi32, #tpu.memory_space<vmem>>
        %dma_wait3A_281 = tpu.memref_squeeze %dma_wait3A_280 : memref<1x128xi32, #tpu.memory_space<vmem>> -> memref<128xi32, #tpu.memory_space<vmem>>
        %dma_wait3A_282 = arith.constant 0 : i32
        %dma_wait3A_283 = arith.constant 0 : i32
        %dma_wait3A_284 = tpu.memref_slice %arg14[%dma_wait3A_282, %dma_wait3A_283] : memref<10240x64xf32, #tpu.memory_space<vmem_shared>> -> memref<10240x64xf32, #tpu.memory_space<vmem_shared>>
        tpu.wait_indirect_dma semaphore(%run_scoped3A_272 : memref<!tpu.dma_semaphore, #tpu.memory_space<semaphore_mem>>) src(%arg10 : memref<128x64xf32, #tpu.memory_space<vmem>>) dst(%dma_wait3A_284 : memref<10240x64xf32, #tpu.memory_space<vmem_shared>>)
        tpu.yield
      }) : () -> ()
      %add3A_228 = arith.constant 3 : i32
      %add3A_229 = arith.addi %add3A_221, %add3A_228 : i32
      %dma_start3A_230 = arith.constant 0 : i32
      %dma_start3A_231 = tpu.memref_slice %arg8[%add3A_229, %dma_start3A_230] : memref<79x128xi32, #tpu.memory_space<vmem>> -> memref<1x128xi32, #tpu.memory_space<vmem>>
      %dma_start3A_232 = tpu.memref_squeeze %dma_start3A_231 : memref<1x128xi32, #tpu.memory_space<vmem>> -> memref<128xi32, #tpu.memory_space<vmem>>
      %dma_start3A_233 = arith.constant 0 : i32
      %dma_start3A_234 = arith.constant 0 : i32
      %dma_start3A_235 = tpu.memref_slice %arg2[%dma_start3A_233, %dma_start3A_234] : memref<10000x64xf32, #tpu.memory_space<hbm>> -> memref<10000x64xf32, #tpu.memory_space<hbm>>
      tpu.enqueue_indirect_dma source(%dma_start3A_235 : memref<10000x64xf32, #tpu.memory_space<hbm>>) target(%arg10 : memref<128x64xf32, #tpu.memory_space<vmem>>) offsets(%dma_start3A_232 : memref<128xi32, #tpu.memory_space<vmem>>) semaphore(%arg15 : memref<!tpu.dma_semaphore, #tpu.memory_space<semaphore_mem>>)
      %add3A_236 = arith.constant 1 : i32
      %add3A_237 = arith.addi %add3A_221, %add3A_236 : i32
      %dma_wait3A_238 = arith.constant 0 : i32
      %dma_wait3A_239 = tpu.memref_slice %arg8[%add3A_237, %dma_wait3A_238] : memref<79x128xi32, #tpu.memory_space<vmem>> -> memref<1x128xi32, #tpu.memory_space<vmem>>
      %dma_wait3A_240 = tpu.memref_squeeze %dma_wait3A_239 : memref<1x128xi32, #tpu.memory_space<vmem>> -> memref<128xi32, #tpu.memory_space<vmem>>
      %dma_wait3A_241 = arith.constant 0 : i32
      %dma_wait3A_242 = arith.constant 0 : i32
      %dma_wait3A_243 = tpu.memref_slice %arg2[%dma_wait3A_241, %dma_wait3A_242] : memref<10000x64xf32, #tpu.memory_space<hbm>> -> memref<10000x64xf32, #tpu.memory_space<hbm>>
      tpu.wait_indirect_dma semaphore(%arg16 : memref<!tpu.dma_semaphore, #tpu.memory_space<semaphore_mem>>) src(%dma_wait3A_243 : memref<10000x64xf32, #tpu.memory_space<hbm>>) dst(%arg11 : memref<128x64xf32, #tpu.memory_space<vmem>>)
      %add3A_244 = arith.constant 1 : i32
      %add3A_245 = arith.addi %add3A_221, %add3A_244 : i32
      "tpu.region"() ({
        %run_scoped3A_272 = tpu.sem_alloc : memref<!tpu.dma_semaphore, #tpu.memory_space<semaphore_mem>>
        %dma_start3A_273 = arith.constant 0 : i32
        %dma_start3A_274 = tpu.memref_slice %arg9[%add3A_245, %dma_start3A_273] : memref<79x128xi32, #tpu.memory_space<vmem>> -> memref<1x128xi32, #tpu.memory_space<vmem>>
        %dma_start3A_275 = tpu.memref_squeeze %dma_start3A_274 : memref<1x128xi32, #tpu.memory_space<vmem>> -> memref<128xi32, #tpu.memory_space<vmem>>
        %dma_start3A_276 = arith.constant 0 : i32
        %dma_start3A_277 = arith.constant 0 : i32
        %dma_start3A_278 = tpu.memref_slice %arg14[%dma_start3A_276, %dma_start3A_277] : memref<10240x64xf32, #tpu.memory_space<vmem_shared>> -> memref<10240x64xf32, #tpu.memory_space<vmem_shared>>
        tpu.enqueue_indirect_dma source(%arg11 : memref<128x64xf32, #tpu.memory_space<vmem>>) target(%dma_start3A_278 : memref<10240x64xf32, #tpu.memory_space<vmem_shared>>) offsets(%dma_start3A_275 : memref<128xi32, #tpu.memory_space<vmem>>) semaphore(%run_scoped3A_272 : memref<!tpu.dma_semaphore, #tpu.memory_space<semaphore_mem>>) {add = true}
        %dma_wait3A_279 = arith.constant 0 : i32
        %dma_wait3A_280 = tpu.memref_slice %arg9[%add3A_245, %dma_wait3A_279] : memref<79x128xi32, #tpu.memory_space<vmem>> -> memref<1x128xi32, #tpu.memory_space<vmem>>
        %dma_wait3A_281 = tpu.memref_squeeze %dma_wait3A_280 : memref<1x128xi32, #tpu.memory_space<vmem>> -> memref<128xi32, #tpu.memory_space<vmem>>
        %dma_wait3A_282 = arith.constant 0 : i32
        %dma_wait3A_283 = arith.constant 0 : i32
        %dma_wait3A_284 = tpu.memref_slice %arg14[%dma_wait3A_282, %dma_wait3A_283] : memref<10240x64xf32, #tpu.memory_space<vmem_shared>> -> memref<10240x64xf32, #tpu.memory_space<vmem_shared>>
        tpu.wait_indirect_dma semaphore(%run_scoped3A_272 : memref<!tpu.dma_semaphore, #tpu.memory_space<semaphore_mem>>) src(%arg11 : memref<128x64xf32, #tpu.memory_space<vmem>>) dst(%dma_wait3A_284 : memref<10240x64xf32, #tpu.memory_space<vmem_shared>>)
        tpu.yield
      }) : () -> ()
      %add3A_246 = arith.constant 4 : i32
      %add3A_247 = arith.addi %add3A_221, %add3A_246 : i32
      %dma_start3A_248 = arith.constant 0 : i32
      %dma_start3A_249 = tpu.memref_slice %arg8[%add3A_247, %dma_start3A_248] : memref<79x128xi32, #tpu.memory_space<vmem>> -> memref<1x128xi32, #tpu.memory_space<vmem>>
      %dma_start3A_250 = tpu.memref_squeeze %dma_start3A_249 : memref<1x128xi32, #tpu.memory_space<vmem>> -> memref<128xi32, #tpu.memory_space<vmem>>
      %dma_start3A_251 = arith.constant 0 : i32
      %dma_start3A_252 = arith.constant 0 : i32
      %dma_start3A_253 = tpu.memref_slice %arg2[%dma_start3A_251, %dma_start3A_252] : memref<10000x64xf32, #tpu.memory_space<hbm>> -> memref<10000x64xf32, #tpu.memory_space<hbm>>
      tpu.enqueue_indirect_dma source(%dma_start3A_253 : memref<10000x64xf32, #tpu.memory_space<hbm>>) target(%arg11 : memref<128x64xf32, #tpu.memory_space<vmem>>) offsets(%dma_start3A_250 : memref<128xi32, #tpu.memory_space<vmem>>) semaphore(%arg16 : memref<!tpu.dma_semaphore, #tpu.memory_space<semaphore_mem>>)
      %add3A_254 = arith.constant 2 : i32
      %add3A_255 = arith.addi %add3A_221, %add3A_254 : i32
      %dma_wait3A_256 = arith.constant 0 : i32
      %dma_wait3A_257 = tpu.memref_slice %arg8[%add3A_255, %dma_wait3A_256] : memref<79x128xi32, #tpu.memory_space<vmem>> -> memref<1x128xi32, #tpu.memory_space<vmem>>
      %dma_wait3A_258 = tpu.memref_squeeze %dma_wait3A_257 : memref<1x128xi32, #tpu.memory_space<vmem>> -> memref<128xi32, #tpu.memory_space<vmem>>
      %dma_wait3A_259 = arith.constant 0 : i32
      %dma_wait3A_260 = arith.constant 0 : i32
      %dma_wait3A_261 = tpu.memref_slice %arg2[%dma_wait3A_259, %dma_wait3A_260] : memref<10000x64xf32, #tpu.memory_space<hbm>> -> memref<10000x64xf32, #tpu.memory_space<hbm>>
      tpu.wait_indirect_dma semaphore(%arg17 : memref<!tpu.dma_semaphore, #tpu.memory_space<semaphore_mem>>) src(%dma_wait3A_261 : memref<10000x64xf32, #tpu.memory_space<hbm>>) dst(%arg12 : memref<128x64xf32, #tpu.memory_space<vmem>>)
      %add3A_262 = arith.constant 2 : i32
      %add3A_263 = arith.addi %add3A_221, %add3A_262 : i32
      "tpu.region"() ({
        %run_scoped3A_272 = tpu.sem_alloc : memref<!tpu.dma_semaphore, #tpu.memory_space<semaphore_mem>>
        %dma_start3A_273 = arith.constant 0 : i32
        %dma_start3A_274 = tpu.memref_slice %arg9[%add3A_263, %dma_start3A_273] : memref<79x128xi32, #tpu.memory_space<vmem>> -> memref<1x128xi32, #tpu.memory_space<vmem>>
        %dma_start3A_275 = tpu.memref_squeeze %dma_start3A_274 : memref<1x128xi32, #tpu.memory_space<vmem>> -> memref<128xi32, #tpu.memory_space<vmem>>
        %dma_start3A_276 = arith.constant 0 : i32
        %dma_start3A_277 = arith.constant 0 : i32
        %dma_start3A_278 = tpu.memref_slice %arg14[%dma_start3A_276, %dma_start3A_277] : memref<10240x64xf32, #tpu.memory_space<vmem_shared>> -> memref<10240x64xf32, #tpu.memory_space<vmem_shared>>
        tpu.enqueue_indirect_dma source(%arg12 : memref<128x64xf32, #tpu.memory_space<vmem>>) target(%dma_start3A_278 : memref<10240x64xf32, #tpu.memory_space<vmem_shared>>) offsets(%dma_start3A_275 : memref<128xi32, #tpu.memory_space<vmem>>) semaphore(%run_scoped3A_272 : memref<!tpu.dma_semaphore, #tpu.memory_space<semaphore_mem>>) {add = true}
        %dma_wait3A_279 = arith.constant 0 : i32
        %dma_wait3A_280 = tpu.memref_slice %arg9[%add3A_263, %dma_wait3A_279] : memref<79x128xi32, #tpu.memory_space<vmem>> -> memref<1x128xi32, #tpu.memory_space<vmem>>
        %dma_wait3A_281 = tpu.memref_squeeze %dma_wait3A_280 : memref<1x128xi32, #tpu.memory_space<vmem>> -> memref<128xi32, #tpu.memory_space<vmem>>
        %dma_wait3A_282 = arith.constant 0 : i32
        %dma_wait3A_283 = arith.constant 0 : i32
        %dma_wait3A_284 = tpu.memref_slice %arg14[%dma_wait3A_282, %dma_wait3A_283] : memref<10240x64xf32, #tpu.memory_space<vmem_shared>> -> memref<10240x64xf32, #tpu.memory_space<vmem_shared>>
        tpu.wait_indirect_dma semaphore(%run_scoped3A_272 : memref<!tpu.dma_semaphore, #tpu.memory_space<semaphore_mem>>) src(%arg12 : memref<128x64xf32, #tpu.memory_space<vmem>>) dst(%dma_wait3A_284 : memref<10240x64xf32, #tpu.memory_space<vmem_shared>>)
        tpu.yield
      }) : () -> ()
      %add3A_264 = arith.constant 5 : i32
      %add3A_265 = arith.addi %add3A_221, %add3A_264 : i32
      %dma_start3A_266 = arith.constant 0 : i32
      %dma_start3A_267 = tpu.memref_slice %arg8[%add3A_265, %dma_start3A_266] : memref<79x128xi32, #tpu.memory_space<vmem>> -> memref<1x128xi32, #tpu.memory_space<vmem>>
      %dma_start3A_268 = tpu.memref_squeeze %dma_start3A_267 : memref<1x128xi32, #tpu.memory_space<vmem>> -> memref<128xi32, #tpu.memory_space<vmem>>
      %dma_start3A_269 = arith.constant 0 : i32
      %dma_start3A_270 = arith.constant 0 : i32
      %dma_start3A_271 = tpu.memref_slice %arg2[%dma_start3A_269, %dma_start3A_270] : memref<10000x64xf32, #tpu.memory_space<hbm>> -> memref<10000x64xf32, #tpu.memory_space<hbm>>
      tpu.enqueue_indirect_dma source(%dma_start3A_271 : memref<10000x64xf32, #tpu.memory_space<hbm>>) target(%arg12 : memref<128x64xf32, #tpu.memory_space<vmem>>) offsets(%dma_start3A_268 : memref<128xi32, #tpu.memory_space<vmem>>) semaphore(%arg17 : memref<!tpu.dma_semaphore, #tpu.memory_space<semaphore_mem>>)
    }
    %scan3A_51 = arith.constant 25 : i32
    %dma_wait3A = arith.constant 75 : i32
    %dma_wait3A_52 = arith.constant 0 : i32
    %dma_wait3A_53 = tpu.memref_slice %arg8[%dma_wait3A, %dma_wait3A_52] : memref<79x128xi32, #tpu.memory_space<vmem>> -> memref<1x128xi32, #tpu.memory_space<vmem>>
    %dma_wait3A_54 = tpu.memref_squeeze %dma_wait3A_53 : memref<1x128xi32, #tpu.memory_space<vmem>> -> memref<128xi32, #tpu.memory_space<vmem>>
    %dma_wait3A_55 = arith.constant 0 : i32
    %dma_wait3A_56 = arith.constant 0 : i32
    %dma_wait3A_57 = tpu.memref_slice %arg2[%dma_wait3A_55, %dma_wait3A_56] : memref<10000x64xf32, #tpu.memory_space<hbm>> -> memref<10000x64xf32, #tpu.memory_space<hbm>>
    tpu.wait_indirect_dma semaphore(%arg15 : memref<!tpu.dma_semaphore, #tpu.memory_space<semaphore_mem>>) src(%dma_wait3A_57 : memref<10000x64xf32, #tpu.memory_space<hbm>>) dst(%arg10 : memref<128x64xf32, #tpu.memory_space<vmem>>)
    %run_scoped3A = arith.constant 75 : i32
    "tpu.region"() ({
      %run_scoped3A_217 = tpu.sem_alloc : memref<!tpu.dma_semaphore, #tpu.memory_space<semaphore_mem>>
      %dma_start3A_218 = arith.constant 0 : i32
      %dma_start3A_219 = tpu.memref_slice %arg9[%run_scoped3A, %dma_start3A_218] : memref<79x128xi32, #tpu.memory_space<vmem>> -> memref<1x128xi32, #tpu.memory_space<vmem>>
      %dma_start3A_220 = tpu.memref_squeeze %dma_start3A_219 : memref<1x128xi32, #tpu.memory_space<vmem>> -> memref<128xi32, #tpu.memory_space<vmem>>
      %dma_start3A_221 = arith.constant 0 : i32
      %dma_start3A_222 = arith.constant 0 : i32
      %dma_start3A_223 = tpu.memref_slice %arg14[%dma_start3A_221, %dma_start3A_222] : memref<10240x64xf32, #tpu.memory_space<vmem_shared>> -> memref<10240x64xf32, #tpu.memory_space<vmem_shared>>
      tpu.enqueue_indirect_dma source(%arg10 : memref<128x64xf32, #tpu.memory_space<vmem>>) target(%dma_start3A_223 : memref<10240x64xf32, #tpu.memory_space<vmem_shared>>) offsets(%dma_start3A_220 : memref<128xi32, #tpu.memory_space<vmem>>) semaphore(%run_scoped3A_217 : memref<!tpu.dma_semaphore, #tpu.memory_space<semaphore_mem>>) {add = true}
      %dma_wait3A_224 = arith.constant 0 : i32
      %dma_wait3A_225 = tpu.memref_slice %arg9[%run_scoped3A, %dma_wait3A_224] : memref<79x128xi32, #tpu.memory_space<vmem>> -> memref<1x128xi32, #tpu.memory_space<vmem>>
      %dma_wait3A_226 = tpu.memref_squeeze %dma_wait3A_225 : memref<1x128xi32, #tpu.memory_space<vmem>> -> memref<128xi32, #tpu.memory_space<vmem>>
      %dma_wait3A_227 = arith.constant 0 : i32
      %dma_wait3A_228 = arith.constant 0 : i32
      %dma_wait3A_229 = tpu.memref_slice %arg14[%dma_wait3A_227, %dma_wait3A_228] : memref<10240x64xf32, #tpu.memory_space<vmem_shared>> -> memref<10240x64xf32, #tpu.memory_space<vmem_shared>>
      tpu.wait_indirect_dma semaphore(%run_scoped3A_217 : memref<!tpu.dma_semaphore, #tpu.memory_space<semaphore_mem>>) src(%arg10 : memref<128x64xf32, #tpu.memory_space<vmem>>) dst(%dma_wait3A_229 : memref<10240x64xf32, #tpu.memory_space<vmem_shared>>)
      tpu.yield
    }) : () -> ()
    %dma_start3A_58 = arith.constant 78 : i32
    %dma_start3A_59 = arith.constant 0 : i32
    %dma_start3A_60 = tpu.memref_slice %arg8[%dma_start3A_58, %dma_start3A_59] : memref<79x128xi32, #tpu.memory_space<vmem>> -> memref<1x128xi32, #tpu.memory_space<vmem>>
    %dma_start3A_61 = tpu.memref_squeeze %dma_start3A_60 : memref<1x128xi32, #tpu.memory_space<vmem>> -> memref<128xi32, #tpu.memory_space<vmem>>
    %dma_start3A_62 = arith.constant 0 : i32
    %dma_start3A_63 = arith.constant 0 : i32
    %dma_start3A_64 = tpu.memref_slice %arg2[%dma_start3A_62, %dma_start3A_63] : memref<10000x64xf32, #tpu.memory_space<hbm>> -> memref<10000x64xf32, #tpu.memory_space<hbm>>
    tpu.enqueue_indirect_dma source(%dma_start3A_64 : memref<10000x64xf32, #tpu.memory_space<hbm>>) target(%arg10 : memref<128x64xf32, #tpu.memory_space<vmem>>) offsets(%dma_start3A_61 : memref<128xi32, #tpu.memory_space<vmem>>) semaphore(%arg15 : memref<!tpu.dma_semaphore, #tpu.memory_space<semaphore_mem>>)
    %dma_wait3A_65 = arith.constant 76 : i32
    %dma_wait3A_66 = arith.constant 0 : i32
    %dma_wait3A_67 = tpu.memref_slice %arg8[%dma_wait3A_65, %dma_wait3A_66] : memref<79x128xi32, #tpu.memory_space<vmem>> -> memref<1x128xi32, #tpu.memory_space<vmem>>
    %dma_wait3A_68 = tpu.memref_squeeze %dma_wait3A_67 : memref<1x128xi32, #tpu.memory_space<vmem>> -> memref<128xi32, #tpu.memory_space<vmem>>
    %dma_wait3A_69 = arith.constant 0 : i32
    %dma_wait3A_70 = arith.constant 0 : i32
    %dma_wait3A_71 = tpu.memref_slice %arg2[%dma_wait3A_69, %dma_wait3A_70] : memref<10000x64xf32, #tpu.memory_space<hbm>> -> memref<10000x64xf32, #tpu.memory_space<hbm>>
    tpu.wait_indirect_dma semaphore(%arg16 : memref<!tpu.dma_semaphore, #tpu.memory_space<semaphore_mem>>) src(%dma_wait3A_71 : memref<10000x64xf32, #tpu.memory_space<hbm>>) dst(%arg11 : memref<128x64xf32, #tpu.memory_space<vmem>>)
    %run_scoped3A_72 = arith.constant 76 : i32
    "tpu.region"() ({
      %run_scoped3A_217 = tpu.sem_alloc : memref<!tpu.dma_semaphore, #tpu.memory_space<semaphore_mem>>
      %dma_start3A_218 = arith.constant 0 : i32
      %dma_start3A_219 = tpu.memref_slice %arg9[%run_scoped3A_72, %dma_start3A_218] : memref<79x128xi32, #tpu.memory_space<vmem>> -> memref<1x128xi32, #tpu.memory_space<vmem>>
      %dma_start3A_220 = tpu.memref_squeeze %dma_start3A_219 : memref<1x128xi32, #tpu.memory_space<vmem>> -> memref<128xi32, #tpu.memory_space<vmem>>
      %dma_start3A_221 = arith.constant 0 : i32
      %dma_start3A_222 = arith.constant 0 : i32
      %dma_start3A_223 = tpu.memref_slice %arg14[%dma_start3A_221, %dma_start3A_222] : memref<10240x64xf32, #tpu.memory_space<vmem_shared>> -> memref<10240x64xf32, #tpu.memory_space<vmem_shared>>
      tpu.enqueue_indirect_dma source(%arg11 : memref<128x64xf32, #tpu.memory_space<vmem>>) target(%dma_start3A_223 : memref<10240x64xf32, #tpu.memory_space<vmem_shared>>) offsets(%dma_start3A_220 : memref<128xi32, #tpu.memory_space<vmem>>) semaphore(%run_scoped3A_217 : memref<!tpu.dma_semaphore, #tpu.memory_space<semaphore_mem>>) {add = true}
      %dma_wait3A_224 = arith.constant 0 : i32
      %dma_wait3A_225 = tpu.memref_slice %arg9[%run_scoped3A_72, %dma_wait3A_224] : memref<79x128xi32, #tpu.memory_space<vmem>> -> memref<1x128xi32, #tpu.memory_space<vmem>>
      %dma_wait3A_226 = tpu.memref_squeeze %dma_wait3A_225 : memref<1x128xi32, #tpu.memory_space<vmem>> -> memref<128xi32, #tpu.memory_space<vmem>>
      %dma_wait3A_227 = arith.constant 0 : i32
      %dma_wait3A_228 = arith.constant 0 : i32
      %dma_wait3A_229 = tpu.memref_slice %arg14[%dma_wait3A_227, %dma_wait3A_228] : memref<10240x64xf32, #tpu.memory_space<vmem_shared>> -> memref<10240x64xf32, #tpu.memory_space<vmem_shared>>
      tpu.wait_indirect_dma semaphore(%run_scoped3A_217 : memref<!tpu.dma_semaphore, #tpu.memory_space<semaphore_mem>>) src(%arg11 : memref<128x64xf32, #tpu.memory_space<vmem>>) dst(%dma_wait3A_229 : memref<10240x64xf32, #tpu.memory_space<vmem_shared>>)
      tpu.yield
    }) : () -> ()
    %dma_wait3A_73 = arith.constant 77 : i32
    %dma_wait3A_74 = arith.constant 0 : i32
    %dma_wait3A_75 = tpu.memref_slice %arg8[%dma_wait3A_73, %dma_wait3A_74] : memref<79x128xi32, #tpu.memory_space<vmem>> -> memref<1x128xi32, #tpu.memory_space<vmem>>
    %dma_wait3A_76 = tpu.memref_squeeze %dma_wait3A_75 : memref<1x128xi32, #tpu.memory_space<vmem>> -> memref<128xi32, #tpu.memory_space<vmem>>
    %dma_wait3A_77 = arith.constant 0 : i32
    %dma_wait3A_78 = arith.constant 0 : i32
    %dma_wait3A_79 = tpu.memref_slice %arg2[%dma_wait3A_77, %dma_wait3A_78] : memref<10000x64xf32, #tpu.memory_space<hbm>> -> memref<10000x64xf32, #tpu.memory_space<hbm>>
    tpu.wait_indirect_dma semaphore(%arg17 : memref<!tpu.dma_semaphore, #tpu.memory_space<semaphore_mem>>) src(%dma_wait3A_79 : memref<10000x64xf32, #tpu.memory_space<hbm>>) dst(%arg12 : memref<128x64xf32, #tpu.memory_space<vmem>>)
    %run_scoped3A_80 = arith.constant 77 : i32
    "tpu.region"() ({
      %run_scoped3A_217 = tpu.sem_alloc : memref<!tpu.dma_semaphore, #tpu.memory_space<semaphore_mem>>
      %dma_start3A_218 = arith.constant 0 : i32
      %dma_start3A_219 = tpu.memref_slice %arg9[%run_scoped3A_80, %dma_start3A_218] : memref<79x128xi32, #tpu.memory_space<vmem>> -> memref<1x128xi32, #tpu.memory_space<vmem>>
      %dma_start3A_220 = tpu.memref_squeeze %dma_start3A_219 : memref<1x128xi32, #tpu.memory_space<vmem>> -> memref<128xi32, #tpu.memory_space<vmem>>
      %dma_start3A_221 = arith.constant 0 : i32
      %dma_start3A_222 = arith.constant 0 : i32
      %dma_start3A_223 = tpu.memref_slice %arg14[%dma_start3A_221, %dma_start3A_222] : memref<10240x64xf32, #tpu.memory_space<vmem_shared>> -> memref<10240x64xf32, #tpu.memory_space<vmem_shared>>
      tpu.enqueue_indirect_dma source(%arg12 : memref<128x64xf32, #tpu.memory_space<vmem>>) target(%dma_start3A_223 : memref<10240x64xf32, #tpu.memory_space<vmem_shared>>) offsets(%dma_start3A_220 : memref<128xi32, #tpu.memory_space<vmem>>) semaphore(%run_scoped3A_217 : memref<!tpu.dma_semaphore, #tpu.memory_space<semaphore_mem>>) {add = true}
      %dma_wait3A_224 = arith.constant 0 : i32
      %dma_wait3A_225 = tpu.memref_slice %arg9[%run_scoped3A_80, %dma_wait3A_224] : memref<79x128xi32, #tpu.memory_space<vmem>> -> memref<1x128xi32, #tpu.memory_space<vmem>>
      %dma_wait3A_226 = tpu.memref_squeeze %dma_wait3A_225 : memref<1x128xi32, #tpu.memory_space<vmem>> -> memref<128xi32, #tpu.memory_space<vmem>>
      %dma_wait3A_227 = arith.constant 0 : i32
      %dma_wait3A_228 = arith.constant 0 : i32
      %dma_wait3A_229 = tpu.memref_slice %arg14[%dma_wait3A_227, %dma_wait3A_228] : memref<10240x64xf32, #tpu.memory_space<vmem_shared>> -> memref<10240x64xf32, #tpu.memory_space<vmem_shared>>
      tpu.wait_indirect_dma semaphore(%run_scoped3A_217 : memref<!tpu.dma_semaphore, #tpu.memory_space<semaphore_mem>>) src(%arg12 : memref<128x64xf32, #tpu.memory_space<vmem>>) dst(%dma_wait3A_229 : memref<10240x64xf32, #tpu.memory_space<vmem_shared>>)
      tpu.yield
    }) : () -> ()
    %dma_wait3A_81 = arith.constant 78 : i32
    %dma_wait3A_82 = arith.constant 0 : i32
    %dma_wait3A_83 = tpu.memref_slice %arg8[%dma_wait3A_81, %dma_wait3A_82] : memref<79x128xi32, #tpu.memory_space<vmem>> -> memref<1x128xi32, #tpu.memory_space<vmem>>
    %dma_wait3A_84 = tpu.memref_squeeze %dma_wait3A_83 : memref<1x128xi32, #tpu.memory_space<vmem>> -> memref<128xi32, #tpu.memory_space<vmem>>
    %dma_wait3A_85 = arith.constant 0 : i32
    %dma_wait3A_86 = arith.constant 0 : i32
    %dma_wait3A_87 = tpu.memref_slice %arg2[%dma_wait3A_85, %dma_wait3A_86] : memref<10000x64xf32, #tpu.memory_space<hbm>> -> memref<10000x64xf32, #tpu.memory_space<hbm>>
    tpu.wait_indirect_dma semaphore(%arg15 : memref<!tpu.dma_semaphore, #tpu.memory_space<semaphore_mem>>) src(%dma_wait3A_87 : memref<10000x64xf32, #tpu.memory_space<hbm>>) dst(%arg10 : memref<128x64xf32, #tpu.memory_space<vmem>>)
    %run_scoped3A_88 = arith.constant 78 : i32
    "tpu.region"() ({
      %run_scoped3A_217 = tpu.sem_alloc : memref<!tpu.dma_semaphore, #tpu.memory_space<semaphore_mem>>
      %dma_start3A_218 = arith.constant 0 : i32
      %dma_start3A_219 = tpu.memref_slice %arg9[%run_scoped3A_88, %dma_start3A_218] : memref<79x128xi32, #tpu.memory_space<vmem>> -> memref<1x128xi32, #tpu.memory_space<vmem>>
      %dma_start3A_220 = tpu.memref_squeeze %dma_start3A_219 : memref<1x128xi32, #tpu.memory_space<vmem>> -> memref<128xi32, #tpu.memory_space<vmem>>
      %dma_start3A_221 = arith.constant 0 : i32
      %dma_start3A_222 = arith.constant 0 : i32
      %dma_start3A_223 = tpu.memref_slice %arg14[%dma_start3A_221, %dma_start3A_222] : memref<10240x64xf32, #tpu.memory_space<vmem_shared>> -> memref<10240x64xf32, #tpu.memory_space<vmem_shared>>
      tpu.enqueue_indirect_dma source(%arg10 : memref<128x64xf32, #tpu.memory_space<vmem>>) target(%dma_start3A_223 : memref<10240x64xf32, #tpu.memory_space<vmem_shared>>) offsets(%dma_start3A_220 : memref<128xi32, #tpu.memory_space<vmem>>) semaphore(%run_scoped3A_217 : memref<!tpu.dma_semaphore, #tpu.memory_space<semaphore_mem>>) {add = true}
      %dma_wait3A_224 = arith.constant 0 : i32
      %dma_wait3A_225 = tpu.memref_slice %arg9[%run_scoped3A_88, %dma_wait3A_224] : memref<79x128xi32, #tpu.memory_space<vmem>> -> memref<1x128xi32, #tpu.memory_space<vmem>>
      %dma_wait3A_226 = tpu.memref_squeeze %dma_wait3A_225 : memref<1x128xi32, #tpu.memory_space<vmem>> -> memref<128xi32, #tpu.memory_space<vmem>>
      %dma_wait3A_227 = arith.constant 0 : i32
      %dma_wait3A_228 = arith.constant 0 : i32
      %dma_wait3A_229 = tpu.memref_slice %arg14[%dma_wait3A_227, %dma_wait3A_228] : memref<10240x64xf32, #tpu.memory_space<vmem_shared>> -> memref<10240x64xf32, #tpu.memory_space<vmem_shared>>
      tpu.wait_indirect_dma semaphore(%run_scoped3A_217 : memref<!tpu.dma_semaphore, #tpu.memory_space<semaphore_mem>>) src(%arg10 : memref<128x64xf32, #tpu.memory_space<vmem>>) dst(%dma_wait3A_229 : memref<10240x64xf32, #tpu.memory_space<vmem_shared>>)
      tpu.yield
    }) : () -> ()
    %barrier3A_89 = arith.constant 0 : index
    tpu.barrier barrier_id(%barrier3A_89)
    %add3A_90 = arith.constant 0 : i32
    %add3A_91 = arith.addi %arg1, %add3A_90 : i32
    %mul3A_92 = arith.constant 128 : i32
    %mul3A_93 = arith.muli %add3A_91, %mul3A_92 : i32
    "tpu.region"() ({
      %run_scoped3A_217 = tpu.sem_alloc : memref<!tpu.dma_semaphore, #tpu.memory_space<semaphore_mem>>
      %dma_start3A_218 = arith.constant 0 : i32
      %dma_start3A_219 = tpu.memref_slice %arg6[%arg0, %mul3A_93, %dma_start3A_218] : memref<2x10240x64xf32, #tpu.memory_space<hbm>> -> memref<1x128x64xf32, #tpu.memory_space<hbm>>
      %dma_start3A_220 = tpu.memref_squeeze %dma_start3A_219 : memref<1x128x64xf32, #tpu.memory_space<hbm>> -> memref<128x64xf32, #tpu.memory_space<hbm>>
      %dma_start3A_221 = arith.constant 0 : i32
      %dma_start3A_222 = tpu.memref_slice %arg14[%mul3A_93, %dma_start3A_221] : memref<10240x64xf32, #tpu.memory_space<vmem_shared>> -> memref<128x64xf32, #tpu.memory_space<vmem_shared>>
      tpu.enqueue_dma source(%dma_start3A_222 : memref<128x64xf32, #tpu.memory_space<vmem_shared>>) target(%dma_start3A_220 : memref<128x64xf32, #tpu.memory_space<hbm>>) target_semaphore(%run_scoped3A_217 : memref<!tpu.dma_semaphore, #tpu.memory_space<semaphore_mem>>)
      %dma_wait3A_223 = arith.constant 0 : i32
      %dma_wait3A_224 = tpu.memref_slice %arg6[%arg0, %mul3A_93, %dma_wait3A_223] : memref<2x10240x64xf32, #tpu.memory_space<hbm>> -> memref<1x128x64xf32, #tpu.memory_space<hbm>>
      %dma_wait3A_225 = tpu.memref_squeeze %dma_wait3A_224 : memref<1x128x64xf32, #tpu.memory_space<hbm>> -> memref<128x64xf32, #tpu.memory_space<hbm>>
      %dma_wait3A_226 = arith.constant 0 : i32
      %dma_wait3A_227 = tpu.memref_slice %arg14[%mul3A_93, %dma_wait3A_226] : memref<10240x64xf32, #tpu.memory_space<vmem_shared>> -> memref<128x64xf32, #tpu.memory_space<vmem_shared>>
      tpu.wait_dma2 semaphore(%run_scoped3A_217 : memref<!tpu.dma_semaphore, #tpu.memory_space<semaphore_mem>>) src(%dma_wait3A_227 : memref<128x64xf32, #tpu.memory_space<vmem_shared>>) dst(%dma_wait3A_225 : memref<128x64xf32, #tpu.memory_space<hbm>>)
      tpu.yield
    }) : () -> ()
    %add3A_94 = arith.constant 16 : i32
    %add3A_95 = arith.addi %arg1, %add3A_94 : i32
    %mul3A_96 = arith.constant 128 : i32
    %mul3A_97 = arith.muli %add3A_95, %mul3A_96 : i32
    "tpu.region"() ({
      %run_scoped3A_217 = tpu.sem_alloc : memref<!tpu.dma_semaphore, #tpu.memory_space<semaphore_mem>>
      %dma_start3A_218 = arith.constant 0 : i32
      %dma_start3A_219 = tpu.memref_slice %arg6[%arg0, %mul3A_97, %dma_start3A_218] : memref<2x10240x64xf32, #tpu.memory_space<hbm>> -> memref<1x128x64xf32, #tpu.memory_space<hbm>>
      %dma_start3A_220 = tpu.memref_squeeze %dma_start3A_219 : memref<1x128x64xf32, #tpu.memory_space<hbm>> -> memref<128x64xf32, #tpu.memory_space<hbm>>
      %dma_start3A_221 = arith.constant 0 : i32
      %dma_start3A_222 = tpu.memref_slice %arg14[%mul3A_97, %dma_start3A_221] : memref<10240x64xf32, #tpu.memory_space<vmem_shared>> -> memref<128x64xf32, #tpu.memory_space<vmem_shared>>
      tpu.enqueue_dma source(%dma_start3A_222 : memref<128x64xf32, #tpu.memory_space<vmem_shared>>) target(%dma_start3A_220 : memref<128x64xf32, #tpu.memory_space<hbm>>) target_semaphore(%run_scoped3A_217 : memref<!tpu.dma_semaphore, #tpu.memory_space<semaphore_mem>>)
      %dma_wait3A_223 = arith.constant 0 : i32
      %dma_wait3A_224 = tpu.memref_slice %arg6[%arg0, %mul3A_97, %dma_wait3A_223] : memref<2x10240x64xf32, #tpu.memory_space<hbm>> -> memref<1x128x64xf32, #tpu.memory_space<hbm>>
      %dma_wait3A_225 = tpu.memref_squeeze %dma_wait3A_224 : memref<1x128x64xf32, #tpu.memory_space<hbm>> -> memref<128x64xf32, #tpu.memory_space<hbm>>
      %dma_wait3A_226 = arith.constant 0 : i32
      %dma_wait3A_227 = tpu.memref_slice %arg14[%mul3A_97, %dma_wait3A_226] : memref<10240x64xf32, #tpu.memory_space<vmem_shared>> -> memref<128x64xf32, #tpu.memory_space<vmem_shared>>
      tpu.wait_dma2 semaphore(%run_scoped3A_217 : memref<!tpu.dma_semaphore, #tpu.memory_space<semaphore_mem>>) src(%dma_wait3A_227 : memref<128x64xf32, #tpu.memory_space<vmem_shared>>) dst(%dma_wait3A_225 : memref<128x64xf32, #tpu.memory_space<hbm>>)
      tpu.yield
    }) : () -> ()
    %add3A_98 = arith.constant 32 : i32
    %add3A_99 = arith.addi %arg1, %add3A_98 : i32
    %mul3A_100 = arith.constant 128 : i32
    %mul3A_101 = arith.muli %add3A_99, %mul3A_100 : i32
    "tpu.region"() ({
      %run_scoped3A_217 = tpu.sem_alloc : memref<!tpu.dma_semaphore, #tpu.memory_space<semaphore_mem>>
      %dma_start3A_218 = arith.constant 0 : i32
      %dma_start3A_219 = tpu.memref_slice %arg6[%arg0, %mul3A_101, %dma_start3A_218] : memref<2x10240x64xf32, #tpu.memory_space<hbm>> -> memref<1x128x64xf32, #tpu.memory_space<hbm>>
      %dma_start3A_220 = tpu.memref_squeeze %dma_start3A_219 : memref<1x128x64xf32, #tpu.memory_space<hbm>> -> memref<128x64xf32, #tpu.memory_space<hbm>>
      %dma_start3A_221 = arith.constant 0 : i32
      %dma_start3A_222 = tpu.memref_slice %arg14[%mul3A_101, %dma_start3A_221] : memref<10240x64xf32, #tpu.memory_space<vmem_shared>> -> memref<128x64xf32, #tpu.memory_space<vmem_shared>>
      tpu.enqueue_dma source(%dma_start3A_222 : memref<128x64xf32, #tpu.memory_space<vmem_shared>>) target(%dma_start3A_220 : memref<128x64xf32, #tpu.memory_space<hbm>>) target_semaphore(%run_scoped3A_217 : memref<!tpu.dma_semaphore, #tpu.memory_space<semaphore_mem>>)
      %dma_wait3A_223 = arith.constant 0 : i32
      %dma_wait3A_224 = tpu.memref_slice %arg6[%arg0, %mul3A_101, %dma_wait3A_223] : memref<2x10240x64xf32, #tpu.memory_space<hbm>> -> memref<1x128x64xf32, #tpu.memory_space<hbm>>
      %dma_wait3A_225 = tpu.memref_squeeze %dma_wait3A_224 : memref<1x128x64xf32, #tpu.memory_space<hbm>> -> memref<128x64xf32, #tpu.memory_space<hbm>>
      %dma_wait3A_226 = arith.constant 0 : i32
      %dma_wait3A_227 = tpu.memref_slice %arg14[%mul3A_101, %dma_wait3A_226] : memref<10240x64xf32, #tpu.memory_space<vmem_shared>> -> memref<128x64xf32, #tpu.memory_space<vmem_shared>>
      tpu.wait_dma2 semaphore(%run_scoped3A_217 : memref<!tpu.dma_semaphore, #tpu.memory_space<semaphore_mem>>) src(%dma_wait3A_227 : memref<128x64xf32, #tpu.memory_space<vmem_shared>>) dst(%dma_wait3A_225 : memref<128x64xf32, #tpu.memory_space<hbm>>)
      tpu.yield
    }) : () -> ()
    %add3A_102 = arith.constant 48 : i32
    %add3A_103 = arith.addi %arg1, %add3A_102 : i32
    %mul3A_104 = arith.constant 128 : i32
    %mul3A_105 = arith.muli %add3A_103, %mul3A_104 : i32
    "tpu.region"() ({
      %run_scoped3A_217 = tpu.sem_alloc : memref<!tpu.dma_semaphore, #tpu.memory_space<semaphore_mem>>
      %dma_start3A_218 = arith.constant 0 : i32
      %dma_start3A_219 = tpu.memref_slice %arg6[%arg0, %mul3A_105, %dma_start3A_218] : memref<2x10240x64xf32, #tpu.memory_space<hbm>> -> memref<1x128x64xf32, #tpu.memory_space<hbm>>
      %dma_start3A_220 = tpu.memref_squeeze %dma_start3A_219 : memref<1x128x64xf32, #tpu.memory_space<hbm>> -> memref<128x64xf32, #tpu.memory_space<hbm>>
      %dma_start3A_221 = arith.constant 0 : i32
      %dma_start3A_222 = tpu.memref_slice %arg14[%mul3A_105, %dma_start3A_221] : memref<10240x64xf32, #tpu.memory_space<vmem_shared>> -> memref<128x64xf32, #tpu.memory_space<vmem_shared>>
      tpu.enqueue_dma source(%dma_start3A_222 : memref<128x64xf32, #tpu.memory_space<vmem_shared>>) target(%dma_start3A_220 : memref<128x64xf32, #tpu.memory_space<hbm>>) target_semaphore(%run_scoped3A_217 : memref<!tpu.dma_semaphore, #tpu.memory_space<semaphore_mem>>)
      %dma_wait3A_223 = arith.constant 0 : i32
      %dma_wait3A_224 = tpu.memref_slice %arg6[%arg0, %mul3A_105, %dma_wait3A_223] : memref<2x10240x64xf32, #tpu.memory_space<hbm>> -> memref<1x128x64xf32, #tpu.memory_space<hbm>>
      %dma_wait3A_225 = tpu.memref_squeeze %dma_wait3A_224 : memref<1x128x64xf32, #tpu.memory_space<hbm>> -> memref<128x64xf32, #tpu.memory_space<hbm>>
      %dma_wait3A_226 = arith.constant 0 : i32
      %dma_wait3A_227 = tpu.memref_slice %arg14[%mul3A_105, %dma_wait3A_226] : memref<10240x64xf32, #tpu.memory_space<vmem_shared>> -> memref<128x64xf32, #tpu.memory_space<vmem_shared>>
      tpu.wait_dma2 semaphore(%run_scoped3A_217 : memref<!tpu.dma_semaphore, #tpu.memory_space<semaphore_mem>>) src(%dma_wait3A_227 : memref<128x64xf32, #tpu.memory_space<vmem_shared>>) dst(%dma_wait3A_225 : memref<128x64xf32, #tpu.memory_space<hbm>>)
      tpu.yield
    }) : () -> ()
    %add3A_106 = arith.constant 64 : i32
    %add3A_107 = arith.addi %arg1, %add3A_106 : i32
    %mul3A_108 = arith.constant 128 : i32
    %mul3A_109 = arith.muli %add3A_107, %mul3A_108 : i32
    "tpu.region"() ({
      %run_scoped3A_217 = tpu.sem_alloc : memref<!tpu.dma_semaphore, #tpu.memory_space<semaphore_mem>>
      %dma_start3A_218 = arith.constant 0 : i32
      %dma_start3A_219 = tpu.memref_slice %arg6[%arg0, %mul3A_109, %dma_start3A_218] : memref<2x10240x64xf32, #tpu.memory_space<hbm>> -> memref<1x128x64xf32, #tpu.memory_space<hbm>>
      %dma_start3A_220 = tpu.memref_squeeze %dma_start3A_219 : memref<1x128x64xf32, #tpu.memory_space<hbm>> -> memref<128x64xf32, #tpu.memory_space<hbm>>
      %dma_start3A_221 = arith.constant 0 : i32
      %dma_start3A_222 = tpu.memref_slice %arg14[%mul3A_109, %dma_start3A_221] : memref<10240x64xf32, #tpu.memory_space<vmem_shared>> -> memref<128x64xf32, #tpu.memory_space<vmem_shared>>
      tpu.enqueue_dma source(%dma_start3A_222 : memref<128x64xf32, #tpu.memory_space<vmem_shared>>) target(%dma_start3A_220 : memref<128x64xf32, #tpu.memory_space<hbm>>) target_semaphore(%run_scoped3A_217 : memref<!tpu.dma_semaphore, #tpu.memory_space<semaphore_mem>>)
      %dma_wait3A_223 = arith.constant 0 : i32
      %dma_wait3A_224 = tpu.memref_slice %arg6[%arg0, %mul3A_109, %dma_wait3A_223] : memref<2x10240x64xf32, #tpu.memory_space<hbm>> -> memref<1x128x64xf32, #tpu.memory_space<hbm>>
      %dma_wait3A_225 = tpu.memref_squeeze %dma_wait3A_224 : memref<1x128x64xf32, #tpu.memory_space<hbm>> -> memref<128x64xf32, #tpu.memory_space<hbm>>
      %dma_wait3A_226 = arith.constant 0 : i32
      %dma_wait3A_227 = tpu.memref_slice %arg14[%mul3A_109, %dma_wait3A_226] : memref<10240x64xf32, #tpu.memory_space<vmem_shared>> -> memref<128x64xf32, #tpu.memory_space<vmem_shared>>
      tpu.wait_dma2 semaphore(%run_scoped3A_217 : memref<!tpu.dma_semaphore, #tpu.memory_space<semaphore_mem>>) src(%dma_wait3A_227 : memref<128x64xf32, #tpu.memory_space<vmem_shared>>) dst(%dma_wait3A_225 : memref<128x64xf32, #tpu.memory_space<hbm>>)
      tpu.yield
    }) : () -> ()
    %add3A_110 = arith.constant 0 : i32
    %add3A_111 = arith.addi %arg1, %add3A_110 : i32
    %mul3A_112 = arith.constant 128 : i32
    %mul3A_113 = arith.muli %add3A_111, %mul3A_112 : i32
    "tpu.region"() ({
      %run_scoped3A_217 = tpu.sem_alloc : memref<!tpu.dma_semaphore, #tpu.memory_space<semaphore_mem>>
      %dma_start3A_218 = arith.constant 0 : i32
      %dma_start3A_219 = tpu.memref_slice %arg14[%mul3A_113, %dma_start3A_218] : memref<10240x64xf32, #tpu.memory_space<vmem_shared>> -> memref<128x64xf32, #tpu.memory_space<vmem_shared>>
      %dma_start3A_220 = arith.constant 0 : i32
      %dma_start3A_221 = tpu.memref_slice %arg14[%mul3A_113, %dma_start3A_220] : memref<10240x64xf32, #tpu.memory_space<vmem_shared>> -> memref<128x64xf32, #tpu.memory_space<vmem_shared>>
      tpu.enqueue_dma source(%arg13 : memref<128x64xf32, #tpu.memory_space<vmem>>) target(%dma_start3A_221 : memref<128x64xf32, #tpu.memory_space<vmem_shared>>) target_semaphore(%run_scoped3A_217 : memref<!tpu.dma_semaphore, #tpu.memory_space<semaphore_mem>>)
      %dma_wait3A_222 = arith.constant 0 : i32
      %dma_wait3A_223 = tpu.memref_slice %arg14[%mul3A_113, %dma_wait3A_222] : memref<10240x64xf32, #tpu.memory_space<vmem_shared>> -> memref<128x64xf32, #tpu.memory_space<vmem_shared>>
      %dma_wait3A_224 = arith.constant 0 : i32
      %dma_wait3A_225 = tpu.memref_slice %arg14[%mul3A_113, %dma_wait3A_224] : memref<10240x64xf32, #tpu.memory_space<vmem_shared>> -> memref<128x64xf32, #tpu.memory_space<vmem_shared>>
      tpu.wait_dma2 semaphore(%run_scoped3A_217 : memref<!tpu.dma_semaphore, #tpu.memory_space<semaphore_mem>>) src(%arg13 : memref<128x64xf32, #tpu.memory_space<vmem>>) dst(%dma_wait3A_225 : memref<128x64xf32, #tpu.memory_space<vmem_shared>>)
      tpu.yield
    }) : () -> ()
    %add3A_114 = arith.constant 16 : i32
    %add3A_115 = arith.addi %arg1, %add3A_114 : i32
    %mul3A_116 = arith.constant 128 : i32
    %mul3A_117 = arith.muli %add3A_115, %mul3A_116 : i32
    "tpu.region"() ({
      %run_scoped3A_217 = tpu.sem_alloc : memref<!tpu.dma_semaphore, #tpu.memory_space<semaphore_mem>>
      %dma_start3A_218 = arith.constant 0 : i32
      %dma_start3A_219 = tpu.memref_slice %arg14[%mul3A_117, %dma_start3A_218] : memref<10240x64xf32, #tpu.memory_space<vmem_shared>> -> memref<128x64xf32, #tpu.memory_space<vmem_shared>>
      %dma_start3A_220 = arith.constant 0 : i32
      %dma_start3A_221 = tpu.memref_slice %arg14[%mul3A_117, %dma_start3A_220] : memref<10240x64xf32, #tpu.memory_space<vmem_shared>> -> memref<128x64xf32, #tpu.memory_space<vmem_shared>>
      tpu.enqueue_dma source(%arg13 : memref<128x64xf32, #tpu.memory_space<vmem>>) target(%dma_start3A_221 : memref<128x64xf32, #tpu.memory_space<vmem_shared>>) target_semaphore(%run_scoped3A_217 : memref<!tpu.dma_semaphore, #tpu.memory_space<semaphore_mem>>)
      %dma_wait3A_222 = arith.constant 0 : i32
      %dma_wait3A_223 = tpu.memref_slice %arg14[%mul3A_117, %dma_wait3A_222] : memref<10240x64xf32, #tpu.memory_space<vmem_shared>> -> memref<128x64xf32, #tpu.memory_space<vmem_shared>>
      %dma_wait3A_224 = arith.constant 0 : i32
      %dma_wait3A_225 = tpu.memref_slice %arg14[%mul3A_117, %dma_wait3A_224] : memref<10240x64xf32, #tpu.memory_space<vmem_shared>> -> memref<128x64xf32, #tpu.memory_space<vmem_shared>>
      tpu.wait_dma2 semaphore(%run_scoped3A_217 : memref<!tpu.dma_semaphore, #tpu.memory_space<semaphore_mem>>) src(%arg13 : memref<128x64xf32, #tpu.memory_space<vmem>>) dst(%dma_wait3A_225 : memref<128x64xf32, #tpu.memory_space<vmem_shared>>)
      tpu.yield
    }) : () -> ()
    %add3A_118 = arith.constant 32 : i32
    %add3A_119 = arith.addi %arg1, %add3A_118 : i32
    %mul3A_120 = arith.constant 128 : i32
    %mul3A_121 = arith.muli %add3A_119, %mul3A_120 : i32
    "tpu.region"() ({
      %run_scoped3A_217 = tpu.sem_alloc : memref<!tpu.dma_semaphore, #tpu.memory_space<semaphore_mem>>
      %dma_start3A_218 = arith.constant 0 : i32
      %dma_start3A_219 = tpu.memref_slice %arg14[%mul3A_121, %dma_start3A_218] : memref<10240x64xf32, #tpu.memory_space<vmem_shared>> -> memref<128x64xf32, #tpu.memory_space<vmem_shared>>
      %dma_start3A_220 = arith.constant 0 : i32
      %dma_start3A_221 = tpu.memref_slice %arg14[%mul3A_121, %dma_start3A_220] : memref<10240x64xf32, #tpu.memory_space<vmem_shared>> -> memref<128x64xf32, #tpu.memory_space<vmem_shared>>
      tpu.enqueue_dma source(%arg13 : memref<128x64xf32, #tpu.memory_space<vmem>>) target(%dma_start3A_221 : memref<128x64xf32, #tpu.memory_space<vmem_shared>>) target_semaphore(%run_scoped3A_217 : memref<!tpu.dma_semaphore, #tpu.memory_space<semaphore_mem>>)
      %dma_wait3A_222 = arith.constant 0 : i32
      %dma_wait3A_223 = tpu.memref_slice %arg14[%mul3A_121, %dma_wait3A_222] : memref<10240x64xf32, #tpu.memory_space<vmem_shared>> -> memref<128x64xf32, #tpu.memory_space<vmem_shared>>
      %dma_wait3A_224 = arith.constant 0 : i32
      %dma_wait3A_225 = tpu.memref_slice %arg14[%mul3A_121, %dma_wait3A_224] : memref<10240x64xf32, #tpu.memory_space<vmem_shared>> -> memref<128x64xf32, #tpu.memory_space<vmem_shared>>
      tpu.wait_dma2 semaphore(%run_scoped3A_217 : memref<!tpu.dma_semaphore, #tpu.memory_space<semaphore_mem>>) src(%arg13 : memref<128x64xf32, #tpu.memory_space<vmem>>) dst(%dma_wait3A_225 : memref<128x64xf32, #tpu.memory_space<vmem_shared>>)
      tpu.yield
    }) : () -> ()
    %add3A_122 = arith.constant 48 : i32
    %add3A_123 = arith.addi %arg1, %add3A_122 : i32
    %mul3A_124 = arith.constant 128 : i32
    %mul3A_125 = arith.muli %add3A_123, %mul3A_124 : i32
    "tpu.region"() ({
      %run_scoped3A_217 = tpu.sem_alloc : memref<!tpu.dma_semaphore, #tpu.memory_space<semaphore_mem>>
      %dma_start3A_218 = arith.constant 0 : i32
      %dma_start3A_219 = tpu.memref_slice %arg14[%mul3A_125, %dma_start3A_218] : memref<10240x64xf32, #tpu.memory_space<vmem_shared>> -> memref<128x64xf32, #tpu.memory_space<vmem_shared>>
      %dma_start3A_220 = arith.constant 0 : i32
      %dma_start3A_221 = tpu.memref_slice %arg14[%mul3A_125, %dma_start3A_220] : memref<10240x64xf32, #tpu.memory_space<vmem_shared>> -> memref<128x64xf32, #tpu.memory_space<vmem_shared>>
      tpu.enqueue_dma source(%arg13 : memref<128x64xf32, #tpu.memory_space<vmem>>) target(%dma_start3A_221 : memref<128x64xf32, #tpu.memory_space<vmem_shared>>) target_semaphore(%run_scoped3A_217 : memref<!tpu.dma_semaphore, #tpu.memory_space<semaphore_mem>>)
      %dma_wait3A_222 = arith.constant 0 : i32
      %dma_wait3A_223 = tpu.memref_slice %arg14[%mul3A_125, %dma_wait3A_222] : memref<10240x64xf32, #tpu.memory_space<vmem_shared>> -> memref<128x64xf32, #tpu.memory_space<vmem_shared>>
      %dma_wait3A_224 = arith.constant 0 : i32
      %dma_wait3A_225 = tpu.memref_slice %arg14[%mul3A_125, %dma_wait3A_224] : memref<10240x64xf32, #tpu.memory_space<vmem_shared>> -> memref<128x64xf32, #tpu.memory_space<vmem_shared>>
      tpu.wait_dma2 semaphore(%run_scoped3A_217 : memref<!tpu.dma_semaphore, #tpu.memory_space<semaphore_mem>>) src(%arg13 : memref<128x64xf32, #tpu.memory_space<vmem>>) dst(%dma_wait3A_225 : memref<128x64xf32, #tpu.memory_space<vmem_shared>>)
      tpu.yield
    }) : () -> ()
    %add3A_126 = arith.constant 64 : i32
    %add3A_127 = arith.addi %arg1, %add3A_126 : i32
    %mul3A_128 = arith.constant 128 : i32
    %mul3A_129 = arith.muli %add3A_127, %mul3A_128 : i32
    "tpu.region"() ({
      %run_scoped3A_217 = tpu.sem_alloc : memref<!tpu.dma_semaphore, #tpu.memory_space<semaphore_mem>>
      %dma_start3A_218 = arith.constant 0 : i32
      %dma_start3A_219 = tpu.memref_slice %arg14[%mul3A_129, %dma_start3A_218] : memref<10240x64xf32, #tpu.memory_space<vmem_shared>> -> memref<128x64xf32, #tpu.memory_space<vmem_shared>>
      %dma_start3A_220 = arith.constant 0 : i32
      %dma_start3A_221 = tpu.memref_slice %arg14[%mul3A_129, %dma_start3A_220] : memref<10240x64xf32, #tpu.memory_space<vmem_shared>> -> memref<128x64xf32, #tpu.memory_space<vmem_shared>>
      tpu.enqueue_dma source(%arg13 : memref<128x64xf32, #tpu.memory_space<vmem>>) target(%dma_start3A_221 : memref<128x64xf32, #tpu.memory_space<vmem_shared>>) target_semaphore(%run_scoped3A_217 : memref<!tpu.dma_semaphore, #tpu.memory_space<semaphore_mem>>)
      %dma_wait3A_222 = arith.constant 0 : i32
      %dma_wait3A_223 = tpu.memref_slice %arg14[%mul3A_129, %dma_wait3A_222] : memref<10240x64xf32, #tpu.memory_space<vmem_shared>> -> memref<128x64xf32, #tpu.memory_space<vmem_shared>>
      %dma_wait3A_224 = arith.constant 0 : i32
      %dma_wait3A_225 = tpu.memref_slice %arg14[%mul3A_129, %dma_wait3A_224] : memref<10240x64xf32, #tpu.memory_space<vmem_shared>> -> memref<128x64xf32, #tpu.memory_space<vmem_shared>>
      tpu.wait_dma2 semaphore(%run_scoped3A_217 : memref<!tpu.dma_semaphore, #tpu.memory_space<semaphore_mem>>) src(%arg13 : memref<128x64xf32, #tpu.memory_space<vmem>>) dst(%dma_wait3A_225 : memref<128x64xf32, #tpu.memory_space<vmem_shared>>)
      tpu.yield
    }) : () -> ()
    %barrier3A_130 = arith.constant 0 : index
    tpu.barrier barrier_id(%barrier3A_130)
    %dma_start3A_131 = arith.constant 0 : i32
    %dma_start3A_132 = arith.constant 0 : i32
    %dma_start3A_133 = tpu.memref_slice %arg8[%dma_start3A_131, %dma_start3A_132] : memref<79x128xi32, #tpu.memory_space<vmem>> -> memref<1x128xi32, #tpu.memory_space<vmem>>
    %dma_start3A_134 = tpu.memref_squeeze %dma_start3A_133 : memref<1x128xi32, #tpu.memory_space<vmem>> -> memref<128xi32, #tpu.memory_space<vmem>>
    %dma_start3A_135 = arith.constant 0 : i32
    %dma_start3A_136 = arith.constant 0 : i32
    %dma_start3A_137 = tpu.memref_slice %arg3[%dma_start3A_135, %dma_start3A_136] : memref<10000x64xf32, #tpu.memory_space<hbm>> -> memref<10000x64xf32, #tpu.memory_space<hbm>>
    tpu.enqueue_indirect_dma source(%dma_start3A_137 : memref<10000x64xf32, #tpu.memory_space<hbm>>) target(%arg10 : memref<128x64xf32, #tpu.memory_space<vmem>>) offsets(%dma_start3A_134 : memref<128xi32, #tpu.memory_space<vmem>>) semaphore(%arg15 : memref<!tpu.dma_semaphore, #tpu.memory_space<semaphore_mem>>)
    %dma_start3A_138 = arith.constant 1 : i32
    %dma_start3A_139 = arith.constant 0 : i32
    %dma_start3A_140 = tpu.memref_slice %arg8[%dma_start3A_138, %dma_start3A_139] : memref<79x128xi32, #tpu.memory_space<vmem>> -> memref<1x128xi32, #tpu.memory_space<vmem>>
    %dma_start3A_141 = tpu.memref_squeeze %dma_start3A_140 : memref<1x128xi32, #tpu.memory_space<vmem>> -> memref<128xi32, #tpu.memory_space<vmem>>
    %dma_start3A_142 = arith.constant 0 : i32
    %dma_start3A_143 = arith.constant 0 : i32
    %dma_start3A_144 = tpu.memref_slice %arg3[%dma_start3A_142, %dma_start3A_143] : memref<10000x64xf32, #tpu.memory_space<hbm>> -> memref<10000x64xf32, #tpu.memory_space<hbm>>
    tpu.enqueue_indirect_dma source(%dma_start3A_144 : memref<10000x64xf32, #tpu.memory_space<hbm>>) target(%arg11 : memref<128x64xf32, #tpu.memory_space<vmem>>) offsets(%dma_start3A_141 : memref<128xi32, #tpu.memory_space<vmem>>) semaphore(%arg16 : memref<!tpu.dma_semaphore, #tpu.memory_space<semaphore_mem>>)
    %dma_start3A_145 = arith.constant 2 : i32
    %dma_start3A_146 = arith.constant 0 : i32
    %dma_start3A_147 = tpu.memref_slice %arg8[%dma_start3A_145, %dma_start3A_146] : memref<79x128xi32, #tpu.memory_space<vmem>> -> memref<1x128xi32, #tpu.memory_space<vmem>>
    %dma_start3A_148 = tpu.memref_squeeze %dma_start3A_147 : memref<1x128xi32, #tpu.memory_space<vmem>> -> memref<128xi32, #tpu.memory_space<vmem>>
    %dma_start3A_149 = arith.constant 0 : i32
    %dma_start3A_150 = arith.constant 0 : i32
    %dma_start3A_151 = tpu.memref_slice %arg3[%dma_start3A_149, %dma_start3A_150] : memref<10000x64xf32, #tpu.memory_space<hbm>> -> memref<10000x64xf32, #tpu.memory_space<hbm>>
    tpu.enqueue_indirect_dma source(%dma_start3A_151 : memref<10000x64xf32, #tpu.memory_space<hbm>>) target(%arg12 : memref<128x64xf32, #tpu.memory_space<vmem>>) offsets(%dma_start3A_148 : memref<128xi32, #tpu.memory_space<vmem>>) semaphore(%arg17 : memref<!tpu.dma_semaphore, #tpu.memory_space<semaphore_mem>>)
    %scan3A_152 = arith.constant 0 : i32
    %scan3A_153 = arith.constant 25 : i32
    %scan3A_154 = arith.addi %scan3A_152, %scan3A_153 : i32
    %scan3A_155 = arith.constant 1 : i32
    scf.for %scan3A_217 = %scan3A_152 to %scan3A_154 step %scan3A_155  : i32 {
      %mul3A_218 = arith.constant 3 : i32
      %mul3A_219 = arith.muli %scan3A_217, %mul3A_218 : i32
      %add3A_220 = arith.constant 0 : i32
      %add3A_221 = arith.addi %add3A_220, %mul3A_219 : i32
      %dma_wait3A_222 = arith.constant 0 : i32
      %dma_wait3A_223 = tpu.memref_slice %arg8[%add3A_221, %dma_wait3A_222] : memref<79x128xi32, #tpu.memory_space<vmem>> -> memref<1x128xi32, #tpu.memory_space<vmem>>
      %dma_wait3A_224 = tpu.memref_squeeze %dma_wait3A_223 : memref<1x128xi32, #tpu.memory_space<vmem>> -> memref<128xi32, #tpu.memory_space<vmem>>
      %dma_wait3A_225 = arith.constant 0 : i32
      %dma_wait3A_226 = arith.constant 0 : i32
      %dma_wait3A_227 = tpu.memref_slice %arg3[%dma_wait3A_225, %dma_wait3A_226] : memref<10000x64xf32, #tpu.memory_space<hbm>> -> memref<10000x64xf32, #tpu.memory_space<hbm>>
      tpu.wait_indirect_dma semaphore(%arg15 : memref<!tpu.dma_semaphore, #tpu.memory_space<semaphore_mem>>) src(%dma_wait3A_227 : memref<10000x64xf32, #tpu.memory_space<hbm>>) dst(%arg10 : memref<128x64xf32, #tpu.memory_space<vmem>>)
      "tpu.region"() ({
        %run_scoped3A_272 = tpu.sem_alloc : memref<!tpu.dma_semaphore, #tpu.memory_space<semaphore_mem>>
        %dma_start3A_273 = arith.constant 0 : i32
        %dma_start3A_274 = tpu.memref_slice %arg9[%add3A_221, %dma_start3A_273] : memref<79x128xi32, #tpu.memory_space<vmem>> -> memref<1x128xi32, #tpu.memory_space<vmem>>
        %dma_start3A_275 = tpu.memref_squeeze %dma_start3A_274 : memref<1x128xi32, #tpu.memory_space<vmem>> -> memref<128xi32, #tpu.memory_space<vmem>>
        %dma_start3A_276 = arith.constant 0 : i32
        %dma_start3A_277 = arith.constant 0 : i32
        %dma_start3A_278 = tpu.memref_slice %arg14[%dma_start3A_276, %dma_start3A_277] : memref<10240x64xf32, #tpu.memory_space<vmem_shared>> -> memref<10240x64xf32, #tpu.memory_space<vmem_shared>>
        tpu.enqueue_indirect_dma source(%arg10 : memref<128x64xf32, #tpu.memory_space<vmem>>) target(%dma_start3A_278 : memref<10240x64xf32, #tpu.memory_space<vmem_shared>>) offsets(%dma_start3A_275 : memref<128xi32, #tpu.memory_space<vmem>>) semaphore(%run_scoped3A_272 : memref<!tpu.dma_semaphore, #tpu.memory_space<semaphore_mem>>) {add = true}
        %dma_wait3A_279 = arith.constant 0 : i32
        %dma_wait3A_280 = tpu.memref_slice %arg9[%add3A_221, %dma_wait3A_279] : memref<79x128xi32, #tpu.memory_space<vmem>> -> memref<1x128xi32, #tpu.memory_space<vmem>>
        %dma_wait3A_281 = tpu.memref_squeeze %dma_wait3A_280 : memref<1x128xi32, #tpu.memory_space<vmem>> -> memref<128xi32, #tpu.memory_space<vmem>>
        %dma_wait3A_282 = arith.constant 0 : i32
        %dma_wait3A_283 = arith.constant 0 : i32
        %dma_wait3A_284 = tpu.memref_slice %arg14[%dma_wait3A_282, %dma_wait3A_283] : memref<10240x64xf32, #tpu.memory_space<vmem_shared>> -> memref<10240x64xf32, #tpu.memory_space<vmem_shared>>
        tpu.wait_indirect_dma semaphore(%run_scoped3A_272 : memref<!tpu.dma_semaphore, #tpu.memory_space<semaphore_mem>>) src(%arg10 : memref<128x64xf32, #tpu.memory_space<vmem>>) dst(%dma_wait3A_284 : memref<10240x64xf32, #tpu.memory_space<vmem_shared>>)
        tpu.yield
      }) : () -> ()
      %add3A_228 = arith.constant 3 : i32
      %add3A_229 = arith.addi %add3A_221, %add3A_228 : i32
      %dma_start3A_230 = arith.constant 0 : i32
      %dma_start3A_231 = tpu.memref_slice %arg8[%add3A_229, %dma_start3A_230] : memref<79x128xi32, #tpu.memory_space<vmem>> -> memref<1x128xi32, #tpu.memory_space<vmem>>
      %dma_start3A_232 = tpu.memref_squeeze %dma_start3A_231 : memref<1x128xi32, #tpu.memory_space<vmem>> -> memref<128xi32, #tpu.memory_space<vmem>>
      %dma_start3A_233 = arith.constant 0 : i32
      %dma_start3A_234 = arith.constant 0 : i32
      %dma_start3A_235 = tpu.memref_slice %arg3[%dma_start3A_233, %dma_start3A_234] : memref<10000x64xf32, #tpu.memory_space<hbm>> -> memref<10000x64xf32, #tpu.memory_space<hbm>>
      tpu.enqueue_indirect_dma source(%dma_start3A_235 : memref<10000x64xf32, #tpu.memory_space<hbm>>) target(%arg10 : memref<128x64xf32, #tpu.memory_space<vmem>>) offsets(%dma_start3A_232 : memref<128xi32, #tpu.memory_space<vmem>>) semaphore(%arg15 : memref<!tpu.dma_semaphore, #tpu.memory_space<semaphore_mem>>)
      %add3A_236 = arith.constant 1 : i32
      %add3A_237 = arith.addi %add3A_221, %add3A_236 : i32
      %dma_wait3A_238 = arith.constant 0 : i32
      %dma_wait3A_239 = tpu.memref_slice %arg8[%add3A_237, %dma_wait3A_238] : memref<79x128xi32, #tpu.memory_space<vmem>> -> memref<1x128xi32, #tpu.memory_space<vmem>>
      %dma_wait3A_240 = tpu.memref_squeeze %dma_wait3A_239 : memref<1x128xi32, #tpu.memory_space<vmem>> -> memref<128xi32, #tpu.memory_space<vmem>>
      %dma_wait3A_241 = arith.constant 0 : i32
      %dma_wait3A_242 = arith.constant 0 : i32
      %dma_wait3A_243 = tpu.memref_slice %arg3[%dma_wait3A_241, %dma_wait3A_242] : memref<10000x64xf32, #tpu.memory_space<hbm>> -> memref<10000x64xf32, #tpu.memory_space<hbm>>
      tpu.wait_indirect_dma semaphore(%arg16 : memref<!tpu.dma_semaphore, #tpu.memory_space<semaphore_mem>>) src(%dma_wait3A_243 : memref<10000x64xf32, #tpu.memory_space<hbm>>) dst(%arg11 : memref<128x64xf32, #tpu.memory_space<vmem>>)
      %add3A_244 = arith.constant 1 : i32
      %add3A_245 = arith.addi %add3A_221, %add3A_244 : i32
      "tpu.region"() ({
        %run_scoped3A_272 = tpu.sem_alloc : memref<!tpu.dma_semaphore, #tpu.memory_space<semaphore_mem>>
        %dma_start3A_273 = arith.constant 0 : i32
        %dma_start3A_274 = tpu.memref_slice %arg9[%add3A_245, %dma_start3A_273] : memref<79x128xi32, #tpu.memory_space<vmem>> -> memref<1x128xi32, #tpu.memory_space<vmem>>
        %dma_start3A_275 = tpu.memref_squeeze %dma_start3A_274 : memref<1x128xi32, #tpu.memory_space<vmem>> -> memref<128xi32, #tpu.memory_space<vmem>>
        %dma_start3A_276 = arith.constant 0 : i32
        %dma_start3A_277 = arith.constant 0 : i32
        %dma_start3A_278 = tpu.memref_slice %arg14[%dma_start3A_276, %dma_start3A_277] : memref<10240x64xf32, #tpu.memory_space<vmem_shared>> -> memref<10240x64xf32, #tpu.memory_space<vmem_shared>>
        tpu.enqueue_indirect_dma source(%arg11 : memref<128x64xf32, #tpu.memory_space<vmem>>) target(%dma_start3A_278 : memref<10240x64xf32, #tpu.memory_space<vmem_shared>>) offsets(%dma_start3A_275 : memref<128xi32, #tpu.memory_space<vmem>>) semaphore(%run_scoped3A_272 : memref<!tpu.dma_semaphore, #tpu.memory_space<semaphore_mem>>) {add = true}
        %dma_wait3A_279 = arith.constant 0 : i32
        %dma_wait3A_280 = tpu.memref_slice %arg9[%add3A_245, %dma_wait3A_279] : memref<79x128xi32, #tpu.memory_space<vmem>> -> memref<1x128xi32, #tpu.memory_space<vmem>>
        %dma_wait3A_281 = tpu.memref_squeeze %dma_wait3A_280 : memref<1x128xi32, #tpu.memory_space<vmem>> -> memref<128xi32, #tpu.memory_space<vmem>>
        %dma_wait3A_282 = arith.constant 0 : i32
        %dma_wait3A_283 = arith.constant 0 : i32
        %dma_wait3A_284 = tpu.memref_slice %arg14[%dma_wait3A_282, %dma_wait3A_283] : memref<10240x64xf32, #tpu.memory_space<vmem_shared>> -> memref<10240x64xf32, #tpu.memory_space<vmem_shared>>
        tpu.wait_indirect_dma semaphore(%run_scoped3A_272 : memref<!tpu.dma_semaphore, #tpu.memory_space<semaphore_mem>>) src(%arg11 : memref<128x64xf32, #tpu.memory_space<vmem>>) dst(%dma_wait3A_284 : memref<10240x64xf32, #tpu.memory_space<vmem_shared>>)
        tpu.yield
      }) : () -> ()
      %add3A_246 = arith.constant 4 : i32
      %add3A_247 = arith.addi %add3A_221, %add3A_246 : i32
      %dma_start3A_248 = arith.constant 0 : i32
      %dma_start3A_249 = tpu.memref_slice %arg8[%add3A_247, %dma_start3A_248] : memref<79x128xi32, #tpu.memory_space<vmem>> -> memref<1x128xi32, #tpu.memory_space<vmem>>
      %dma_start3A_250 = tpu.memref_squeeze %dma_start3A_249 : memref<1x128xi32, #tpu.memory_space<vmem>> -> memref<128xi32, #tpu.memory_space<vmem>>
      %dma_start3A_251 = arith.constant 0 : i32
      %dma_start3A_252 = arith.constant 0 : i32
      %dma_start3A_253 = tpu.memref_slice %arg3[%dma_start3A_251, %dma_start3A_252] : memref<10000x64xf32, #tpu.memory_space<hbm>> -> memref<10000x64xf32, #tpu.memory_space<hbm>>
      tpu.enqueue_indirect_dma source(%dma_start3A_253 : memref<10000x64xf32, #tpu.memory_space<hbm>>) target(%arg11 : memref<128x64xf32, #tpu.memory_space<vmem>>) offsets(%dma_start3A_250 : memref<128xi32, #tpu.memory_space<vmem>>) semaphore(%arg16 : memref<!tpu.dma_semaphore, #tpu.memory_space<semaphore_mem>>)
      %add3A_254 = arith.constant 2 : i32
      %add3A_255 = arith.addi %add3A_221, %add3A_254 : i32
      %dma_wait3A_256 = arith.constant 0 : i32
      %dma_wait3A_257 = tpu.memref_slice %arg8[%add3A_255, %dma_wait3A_256] : memref<79x128xi32, #tpu.memory_space<vmem>> -> memref<1x128xi32, #tpu.memory_space<vmem>>
      %dma_wait3A_258 = tpu.memref_squeeze %dma_wait3A_257 : memref<1x128xi32, #tpu.memory_space<vmem>> -> memref<128xi32, #tpu.memory_space<vmem>>
      %dma_wait3A_259 = arith.constant 0 : i32
      %dma_wait3A_260 = arith.constant 0 : i32
      %dma_wait3A_261 = tpu.memref_slice %arg3[%dma_wait3A_259, %dma_wait3A_260] : memref<10000x64xf32, #tpu.memory_space<hbm>> -> memref<10000x64xf32, #tpu.memory_space<hbm>>
      tpu.wait_indirect_dma semaphore(%arg17 : memref<!tpu.dma_semaphore, #tpu.memory_space<semaphore_mem>>) src(%dma_wait3A_261 : memref<10000x64xf32, #tpu.memory_space<hbm>>) dst(%arg12 : memref<128x64xf32, #tpu.memory_space<vmem>>)
      %add3A_262 = arith.constant 2 : i32
      %add3A_263 = arith.addi %add3A_221, %add3A_262 : i32
      "tpu.region"() ({
        %run_scoped3A_272 = tpu.sem_alloc : memref<!tpu.dma_semaphore, #tpu.memory_space<semaphore_mem>>
        %dma_start3A_273 = arith.constant 0 : i32
        %dma_start3A_274 = tpu.memref_slice %arg9[%add3A_263, %dma_start3A_273] : memref<79x128xi32, #tpu.memory_space<vmem>> -> memref<1x128xi32, #tpu.memory_space<vmem>>
        %dma_start3A_275 = tpu.memref_squeeze %dma_start3A_274 : memref<1x128xi32, #tpu.memory_space<vmem>> -> memref<128xi32, #tpu.memory_space<vmem>>
        %dma_start3A_276 = arith.constant 0 : i32
        %dma_start3A_277 = arith.constant 0 : i32
        %dma_start3A_278 = tpu.memref_slice %arg14[%dma_start3A_276, %dma_start3A_277] : memref<10240x64xf32, #tpu.memory_space<vmem_shared>> -> memref<10240x64xf32, #tpu.memory_space<vmem_shared>>
        tpu.enqueue_indirect_dma source(%arg12 : memref<128x64xf32, #tpu.memory_space<vmem>>) target(%dma_start3A_278 : memref<10240x64xf32, #tpu.memory_space<vmem_shared>>) offsets(%dma_start3A_275 : memref<128xi32, #tpu.memory_space<vmem>>) semaphore(%run_scoped3A_272 : memref<!tpu.dma_semaphore, #tpu.memory_space<semaphore_mem>>) {add = true}
        %dma_wait3A_279 = arith.constant 0 : i32
        %dma_wait3A_280 = tpu.memref_slice %arg9[%add3A_263, %dma_wait3A_279] : memref<79x128xi32, #tpu.memory_space<vmem>> -> memref<1x128xi32, #tpu.memory_space<vmem>>
        %dma_wait3A_281 = tpu.memref_squeeze %dma_wait3A_280 : memref<1x128xi32, #tpu.memory_space<vmem>> -> memref<128xi32, #tpu.memory_space<vmem>>
        %dma_wait3A_282 = arith.constant 0 : i32
        %dma_wait3A_283 = arith.constant 0 : i32
        %dma_wait3A_284 = tpu.memref_slice %arg14[%dma_wait3A_282, %dma_wait3A_283] : memref<10240x64xf32, #tpu.memory_space<vmem_shared>> -> memref<10240x64xf32, #tpu.memory_space<vmem_shared>>
        tpu.wait_indirect_dma semaphore(%run_scoped3A_272 : memref<!tpu.dma_semaphore, #tpu.memory_space<semaphore_mem>>) src(%arg12 : memref<128x64xf32, #tpu.memory_space<vmem>>) dst(%dma_wait3A_284 : memref<10240x64xf32, #tpu.memory_space<vmem_shared>>)
        tpu.yield
      }) : () -> ()
      %add3A_264 = arith.constant 5 : i32
      %add3A_265 = arith.addi %add3A_221, %add3A_264 : i32
      %dma_start3A_266 = arith.constant 0 : i32
      %dma_start3A_267 = tpu.memref_slice %arg8[%add3A_265, %dma_start3A_266] : memref<79x128xi32, #tpu.memory_space<vmem>> -> memref<1x128xi32, #tpu.memory_space<vmem>>
      %dma_start3A_268 = tpu.memref_squeeze %dma_start3A_267 : memref<1x128xi32, #tpu.memory_space<vmem>> -> memref<128xi32, #tpu.memory_space<vmem>>
      %dma_start3A_269 = arith.constant 0 : i32
      %dma_start3A_270 = arith.constant 0 : i32
      %dma_start3A_271 = tpu.memref_slice %arg3[%dma_start3A_269, %dma_start3A_270] : memref<10000x64xf32, #tpu.memory_space<hbm>> -> memref<10000x64xf32, #tpu.memory_space<hbm>>
      tpu.enqueue_indirect_dma source(%dma_start3A_271 : memref<10000x64xf32, #tpu.memory_space<hbm>>) target(%arg12 : memref<128x64xf32, #tpu.memory_space<vmem>>) offsets(%dma_start3A_268 : memref<128xi32, #tpu.memory_space<vmem>>) semaphore(%arg17 : memref<!tpu.dma_semaphore, #tpu.memory_space<semaphore_mem>>)
    }
    %scan3A_156 = arith.constant 25 : i32
    %dma_wait3A_157 = arith.constant 75 : i32
    %dma_wait3A_158 = arith.constant 0 : i32
    %dma_wait3A_159 = tpu.memref_slice %arg8[%dma_wait3A_157, %dma_wait3A_158] : memref<79x128xi32, #tpu.memory_space<vmem>> -> memref<1x128xi32, #tpu.memory_space<vmem>>
    %dma_wait3A_160 = tpu.memref_squeeze %dma_wait3A_159 : memref<1x128xi32, #tpu.memory_space<vmem>> -> memref<128xi32, #tpu.memory_space<vmem>>
    %dma_wait3A_161 = arith.constant 0 : i32
    %dma_wait3A_162 = arith.constant 0 : i32
    %dma_wait3A_163 = tpu.memref_slice %arg3[%dma_wait3A_161, %dma_wait3A_162] : memref<10000x64xf32, #tpu.memory_space<hbm>> -> memref<10000x64xf32, #tpu.memory_space<hbm>>
    tpu.wait_indirect_dma semaphore(%arg15 : memref<!tpu.dma_semaphore, #tpu.memory_space<semaphore_mem>>) src(%dma_wait3A_163 : memref<10000x64xf32, #tpu.memory_space<hbm>>) dst(%arg10 : memref<128x64xf32, #tpu.memory_space<vmem>>)
    %run_scoped3A_164 = arith.constant 75 : i32
    "tpu.region"() ({
      %run_scoped3A_217 = tpu.sem_alloc : memref<!tpu.dma_semaphore, #tpu.memory_space<semaphore_mem>>
      %dma_start3A_218 = arith.constant 0 : i32
      %dma_start3A_219 = tpu.memref_slice %arg9[%run_scoped3A_164, %dma_start3A_218] : memref<79x128xi32, #tpu.memory_space<vmem>> -> memref<1x128xi32, #tpu.memory_space<vmem>>
      %dma_start3A_220 = tpu.memref_squeeze %dma_start3A_219 : memref<1x128xi32, #tpu.memory_space<vmem>> -> memref<128xi32, #tpu.memory_space<vmem>>
      %dma_start3A_221 = arith.constant 0 : i32
      %dma_start3A_222 = arith.constant 0 : i32
      %dma_start3A_223 = tpu.memref_slice %arg14[%dma_start3A_221, %dma_start3A_222] : memref<10240x64xf32, #tpu.memory_space<vmem_shared>> -> memref<10240x64xf32, #tpu.memory_space<vmem_shared>>
      tpu.enqueue_indirect_dma source(%arg10 : memref<128x64xf32, #tpu.memory_space<vmem>>) target(%dma_start3A_223 : memref<10240x64xf32, #tpu.memory_space<vmem_shared>>) offsets(%dma_start3A_220 : memref<128xi32, #tpu.memory_space<vmem>>) semaphore(%run_scoped3A_217 : memref<!tpu.dma_semaphore, #tpu.memory_space<semaphore_mem>>) {add = true}
      %dma_wait3A_224 = arith.constant 0 : i32
      %dma_wait3A_225 = tpu.memref_slice %arg9[%run_scoped3A_164, %dma_wait3A_224] : memref<79x128xi32, #tpu.memory_space<vmem>> -> memref<1x128xi32, #tpu.memory_space<vmem>>
      %dma_wait3A_226 = tpu.memref_squeeze %dma_wait3A_225 : memref<1x128xi32, #tpu.memory_space<vmem>> -> memref<128xi32, #tpu.memory_space<vmem>>
      %dma_wait3A_227 = arith.constant 0 : i32
      %dma_wait3A_228 = arith.constant 0 : i32
      %dma_wait3A_229 = tpu.memref_slice %arg14[%dma_wait3A_227, %dma_wait3A_228] : memref<10240x64xf32, #tpu.memory_space<vmem_shared>> -> memref<10240x64xf32, #tpu.memory_space<vmem_shared>>
      tpu.wait_indirect_dma semaphore(%run_scoped3A_217 : memref<!tpu.dma_semaphore, #tpu.memory_space<semaphore_mem>>) src(%arg10 : memref<128x64xf32, #tpu.memory_space<vmem>>) dst(%dma_wait3A_229 : memref<10240x64xf32, #tpu.memory_space<vmem_shared>>)
      tpu.yield
    }) : () -> ()
    %dma_start3A_165 = arith.constant 78 : i32
    %dma_start3A_166 = arith.constant 0 : i32
    %dma_start3A_167 = tpu.memref_slice %arg8[%dma_start3A_165, %dma_start3A_166] : memref<79x128xi32, #tpu.memory_space<vmem>> -> memref<1x128xi32, #tpu.memory_space<vmem>>
    %dma_start3A_168 = tpu.memref_squeeze %dma_start3A_167 : memref<1x128xi32, #tpu.memory_space<vmem>> -> memref<128xi32, #tpu.memory_space<vmem>>
    %dma_start3A_169 = arith.constant 0 : i32
    %dma_start3A_170 = arith.constant 0 : i32
    %dma_start3A_171 = tpu.memref_slice %arg3[%dma_start3A_169, %dma_start3A_170] : memref<10000x64xf32, #tpu.memory_space<hbm>> -> memref<10000x64xf32, #tpu.memory_space<hbm>>
    tpu.enqueue_indirect_dma source(%dma_start3A_171 : memref<10000x64xf32, #tpu.memory_space<hbm>>) target(%arg10 : memref<128x64xf32, #tpu.memory_space<vmem>>) offsets(%dma_start3A_168 : memref<128xi32, #tpu.memory_space<vmem>>) semaphore(%arg15 : memref<!tpu.dma_semaphore, #tpu.memory_space<semaphore_mem>>)
    %dma_wait3A_172 = arith.constant 76 : i32
    %dma_wait3A_173 = arith.constant 0 : i32
    %dma_wait3A_174 = tpu.memref_slice %arg8[%dma_wait3A_172, %dma_wait3A_173] : memref<79x128xi32, #tpu.memory_space<vmem>> -> memref<1x128xi32, #tpu.memory_space<vmem>>
    %dma_wait3A_175 = tpu.memref_squeeze %dma_wait3A_174 : memref<1x128xi32, #tpu.memory_space<vmem>> -> memref<128xi32, #tpu.memory_space<vmem>>
    %dma_wait3A_176 = arith.constant 0 : i32
    %dma_wait3A_177 = arith.constant 0 : i32
    %dma_wait3A_178 = tpu.memref_slice %arg3[%dma_wait3A_176, %dma_wait3A_177] : memref<10000x64xf32, #tpu.memory_space<hbm>> -> memref<10000x64xf32, #tpu.memory_space<hbm>>
    tpu.wait_indirect_dma semaphore(%arg16 : memref<!tpu.dma_semaphore, #tpu.memory_space<semaphore_mem>>) src(%dma_wait3A_178 : memref<10000x64xf32, #tpu.memory_space<hbm>>) dst(%arg11 : memref<128x64xf32, #tpu.memory_space<vmem>>)
    %run_scoped3A_179 = arith.constant 76 : i32
    "tpu.region"() ({
      %run_scoped3A_217 = tpu.sem_alloc : memref<!tpu.dma_semaphore, #tpu.memory_space<semaphore_mem>>
      %dma_start3A_218 = arith.constant 0 : i32
      %dma_start3A_219 = tpu.memref_slice %arg9[%run_scoped3A_179, %dma_start3A_218] : memref<79x128xi32, #tpu.memory_space<vmem>> -> memref<1x128xi32, #tpu.memory_space<vmem>>
      %dma_start3A_220 = tpu.memref_squeeze %dma_start3A_219 : memref<1x128xi32, #tpu.memory_space<vmem>> -> memref<128xi32, #tpu.memory_space<vmem>>
      %dma_start3A_221 = arith.constant 0 : i32
      %dma_start3A_222 = arith.constant 0 : i32
      %dma_start3A_223 = tpu.memref_slice %arg14[%dma_start3A_221, %dma_start3A_222] : memref<10240x64xf32, #tpu.memory_space<vmem_shared>> -> memref<10240x64xf32, #tpu.memory_space<vmem_shared>>
      tpu.enqueue_indirect_dma source(%arg11 : memref<128x64xf32, #tpu.memory_space<vmem>>) target(%dma_start3A_223 : memref<10240x64xf32, #tpu.memory_space<vmem_shared>>) offsets(%dma_start3A_220 : memref<128xi32, #tpu.memory_space<vmem>>) semaphore(%run_scoped3A_217 : memref<!tpu.dma_semaphore, #tpu.memory_space<semaphore_mem>>) {add = true}
      %dma_wait3A_224 = arith.constant 0 : i32
      %dma_wait3A_225 = tpu.memref_slice %arg9[%run_scoped3A_179, %dma_wait3A_224] : memref<79x128xi32, #tpu.memory_space<vmem>> -> memref<1x128xi32, #tpu.memory_space<vmem>>
      %dma_wait3A_226 = tpu.memref_squeeze %dma_wait3A_225 : memref<1x128xi32, #tpu.memory_space<vmem>> -> memref<128xi32, #tpu.memory_space<vmem>>
      %dma_wait3A_227 = arith.constant 0 : i32
      %dma_wait3A_228 = arith.constant 0 : i32
      %dma_wait3A_229 = tpu.memref_slice %arg14[%dma_wait3A_227, %dma_wait3A_228] : memref<10240x64xf32, #tpu.memory_space<vmem_shared>> -> memref<10240x64xf32, #tpu.memory_space<vmem_shared>>
      tpu.wait_indirect_dma semaphore(%run_scoped3A_217 : memref<!tpu.dma_semaphore, #tpu.memory_space<semaphore_mem>>) src(%arg11 : memref<128x64xf32, #tpu.memory_space<vmem>>) dst(%dma_wait3A_229 : memref<10240x64xf32, #tpu.memory_space<vmem_shared>>)
      tpu.yield
    }) : () -> ()
    %dma_wait3A_180 = arith.constant 77 : i32
    %dma_wait3A_181 = arith.constant 0 : i32
    %dma_wait3A_182 = tpu.memref_slice %arg8[%dma_wait3A_180, %dma_wait3A_181] : memref<79x128xi32, #tpu.memory_space<vmem>> -> memref<1x128xi32, #tpu.memory_space<vmem>>
    %dma_wait3A_183 = tpu.memref_squeeze %dma_wait3A_182 : memref<1x128xi32, #tpu.memory_space<vmem>> -> memref<128xi32, #tpu.memory_space<vmem>>
    %dma_wait3A_184 = arith.constant 0 : i32
    %dma_wait3A_185 = arith.constant 0 : i32
    %dma_wait3A_186 = tpu.memref_slice %arg3[%dma_wait3A_184, %dma_wait3A_185] : memref<10000x64xf32, #tpu.memory_space<hbm>> -> memref<10000x64xf32, #tpu.memory_space<hbm>>
    tpu.wait_indirect_dma semaphore(%arg17 : memref<!tpu.dma_semaphore, #tpu.memory_space<semaphore_mem>>) src(%dma_wait3A_186 : memref<10000x64xf32, #tpu.memory_space<hbm>>) dst(%arg12 : memref<128x64xf32, #tpu.memory_space<vmem>>)
    %run_scoped3A_187 = arith.constant 77 : i32
    "tpu.region"() ({
      %run_scoped3A_217 = tpu.sem_alloc : memref<!tpu.dma_semaphore, #tpu.memory_space<semaphore_mem>>
      %dma_start3A_218 = arith.constant 0 : i32
      %dma_start3A_219 = tpu.memref_slice %arg9[%run_scoped3A_187, %dma_start3A_218] : memref<79x128xi32, #tpu.memory_space<vmem>> -> memref<1x128xi32, #tpu.memory_space<vmem>>
      %dma_start3A_220 = tpu.memref_squeeze %dma_start3A_219 : memref<1x128xi32, #tpu.memory_space<vmem>> -> memref<128xi32, #tpu.memory_space<vmem>>
      %dma_start3A_221 = arith.constant 0 : i32
      %dma_start3A_222 = arith.constant 0 : i32
      %dma_start3A_223 = tpu.memref_slice %arg14[%dma_start3A_221, %dma_start3A_222] : memref<10240x64xf32, #tpu.memory_space<vmem_shared>> -> memref<10240x64xf32, #tpu.memory_space<vmem_shared>>
      tpu.enqueue_indirect_dma source(%arg12 : memref<128x64xf32, #tpu.memory_space<vmem>>) target(%dma_start3A_223 : memref<10240x64xf32, #tpu.memory_space<vmem_shared>>) offsets(%dma_start3A_220 : memref<128xi32, #tpu.memory_space<vmem>>) semaphore(%run_scoped3A_217 : memref<!tpu.dma_semaphore, #tpu.memory_space<semaphore_mem>>) {add = true}
      %dma_wait3A_224 = arith.constant 0 : i32
      %dma_wait3A_225 = tpu.memref_slice %arg9[%run_scoped3A_187, %dma_wait3A_224] : memref<79x128xi32, #tpu.memory_space<vmem>> -> memref<1x128xi32, #tpu.memory_space<vmem>>
      %dma_wait3A_226 = tpu.memref_squeeze %dma_wait3A_225 : memref<1x128xi32, #tpu.memory_space<vmem>> -> memref<128xi32, #tpu.memory_space<vmem>>
      %dma_wait3A_227 = arith.constant 0 : i32
      %dma_wait3A_228 = arith.constant 0 : i32
      %dma_wait3A_229 = tpu.memref_slice %arg14[%dma_wait3A_227, %dma_wait3A_228] : memref<10240x64xf32, #tpu.memory_space<vmem_shared>> -> memref<10240x64xf32, #tpu.memory_space<vmem_shared>>
      tpu.wait_indirect_dma semaphore(%run_scoped3A_217 : memref<!tpu.dma_semaphore, #tpu.memory_space<semaphore_mem>>) src(%arg12 : memref<128x64xf32, #tpu.memory_space<vmem>>) dst(%dma_wait3A_229 : memref<10240x64xf32, #tpu.memory_space<vmem_shared>>)
      tpu.yield
    }) : () -> ()
    %dma_wait3A_188 = arith.constant 78 : i32
    %dma_wait3A_189 = arith.constant 0 : i32
    %dma_wait3A_190 = tpu.memref_slice %arg8[%dma_wait3A_188, %dma_wait3A_189] : memref<79x128xi32, #tpu.memory_space<vmem>> -> memref<1x128xi32, #tpu.memory_space<vmem>>
    %dma_wait3A_191 = tpu.memref_squeeze %dma_wait3A_190 : memref<1x128xi32, #tpu.memory_space<vmem>> -> memref<128xi32, #tpu.memory_space<vmem>>
    %dma_wait3A_192 = arith.constant 0 : i32
    %dma_wait3A_193 = arith.constant 0 : i32
    %dma_wait3A_194 = tpu.memref_slice %arg3[%dma_wait3A_192, %dma_wait3A_193] : memref<10000x64xf32, #tpu.memory_space<hbm>> -> memref<10000x64xf32, #tpu.memory_space<hbm>>
    tpu.wait_indirect_dma semaphore(%arg15 : memref<!tpu.dma_semaphore, #tpu.memory_space<semaphore_mem>>) src(%dma_wait3A_194 : memref<10000x64xf32, #tpu.memory_space<hbm>>) dst(%arg10 : memref<128x64xf32, #tpu.memory_space<vmem>>)
    %run_scoped3A_195 = arith.constant 78 : i32
    "tpu.region"() ({
      %run_scoped3A_217 = tpu.sem_alloc : memref<!tpu.dma_semaphore, #tpu.memory_space<semaphore_mem>>
      %dma_start3A_218 = arith.constant 0 : i32
      %dma_start3A_219 = tpu.memref_slice %arg9[%run_scoped3A_195, %dma_start3A_218] : memref<79x128xi32, #tpu.memory_space<vmem>> -> memref<1x128xi32, #tpu.memory_space<vmem>>
      %dma_start3A_220 = tpu.memref_squeeze %dma_start3A_219 : memref<1x128xi32, #tpu.memory_space<vmem>> -> memref<128xi32, #tpu.memory_space<vmem>>
      %dma_start3A_221 = arith.constant 0 : i32
      %dma_start3A_222 = arith.constant 0 : i32
      %dma_start3A_223 = tpu.memref_slice %arg14[%dma_start3A_221, %dma_start3A_222] : memref<10240x64xf32, #tpu.memory_space<vmem_shared>> -> memref<10240x64xf32, #tpu.memory_space<vmem_shared>>
      tpu.enqueue_indirect_dma source(%arg10 : memref<128x64xf32, #tpu.memory_space<vmem>>) target(%dma_start3A_223 : memref<10240x64xf32, #tpu.memory_space<vmem_shared>>) offsets(%dma_start3A_220 : memref<128xi32, #tpu.memory_space<vmem>>) semaphore(%run_scoped3A_217 : memref<!tpu.dma_semaphore, #tpu.memory_space<semaphore_mem>>) {add = true}
      %dma_wait3A_224 = arith.constant 0 : i32
      %dma_wait3A_225 = tpu.memref_slice %arg9[%run_scoped3A_195, %dma_wait3A_224] : memref<79x128xi32, #tpu.memory_space<vmem>> -> memref<1x128xi32, #tpu.memory_space<vmem>>
      %dma_wait3A_226 = tpu.memref_squeeze %dma_wait3A_225 : memref<1x128xi32, #tpu.memory_space<vmem>> -> memref<128xi32, #tpu.memory_space<vmem>>
      %dma_wait3A_227 = arith.constant 0 : i32
      %dma_wait3A_228 = arith.constant 0 : i32
      %dma_wait3A_229 = tpu.memref_slice %arg14[%dma_wait3A_227, %dma_wait3A_228] : memref<10240x64xf32, #tpu.memory_space<vmem_shared>> -> memref<10240x64xf32, #tpu.memory_space<vmem_shared>>
      tpu.wait_indirect_dma semaphore(%run_scoped3A_217 : memref<!tpu.dma_semaphore, #tpu.memory_space<semaphore_mem>>) src(%arg10 : memref<128x64xf32, #tpu.memory_space<vmem>>) dst(%dma_wait3A_229 : memref<10240x64xf32, #tpu.memory_space<vmem_shared>>)
      tpu.yield
    }) : () -> ()
    %barrier3A_196 = arith.constant 0 : index
    tpu.barrier barrier_id(%barrier3A_196)
    %add3A_197 = arith.constant 0 : i32
    %add3A_198 = arith.addi %arg1, %add3A_197 : i32
    %mul3A_199 = arith.constant 128 : i32
    %mul3A_200 = arith.muli %add3A_198, %mul3A_199 : i32
    "tpu.region"() ({
      %run_scoped3A_217 = tpu.sem_alloc : memref<!tpu.dma_semaphore, #tpu.memory_space<semaphore_mem>>
      %dma_start3A_218 = arith.constant 0 : i32
      %dma_start3A_219 = tpu.memref_slice %arg7[%arg0, %mul3A_200, %dma_start3A_218] : memref<2x10240x64xf32, #tpu.memory_space<hbm>> -> memref<1x128x64xf32, #tpu.memory_space<hbm>>
      %dma_start3A_220 = tpu.memref_squeeze %dma_start3A_219 : memref<1x128x64xf32, #tpu.memory_space<hbm>> -> memref<128x64xf32, #tpu.memory_space<hbm>>
      %dma_start3A_221 = arith.constant 0 : i32
      %dma_start3A_222 = tpu.memref_slice %arg14[%mul3A_200, %dma_start3A_221] : memref<10240x64xf32, #tpu.memory_space<vmem_shared>> -> memref<128x64xf32, #tpu.memory_space<vmem_shared>>
      tpu.enqueue_dma source(%dma_start3A_222 : memref<128x64xf32, #tpu.memory_space<vmem_shared>>) target(%dma_start3A_220 : memref<128x64xf32, #tpu.memory_space<hbm>>) target_semaphore(%run_scoped3A_217 : memref<!tpu.dma_semaphore, #tpu.memory_space<semaphore_mem>>)
      %dma_wait3A_223 = arith.constant 0 : i32
      %dma_wait3A_224 = tpu.memref_slice %arg7[%arg0, %mul3A_200, %dma_wait3A_223] : memref<2x10240x64xf32, #tpu.memory_space<hbm>> -> memref<1x128x64xf32, #tpu.memory_space<hbm>>
      %dma_wait3A_225 = tpu.memref_squeeze %dma_wait3A_224 : memref<1x128x64xf32, #tpu.memory_space<hbm>> -> memref<128x64xf32, #tpu.memory_space<hbm>>
      %dma_wait3A_226 = arith.constant 0 : i32
      %dma_wait3A_227 = tpu.memref_slice %arg14[%mul3A_200, %dma_wait3A_226] : memref<10240x64xf32, #tpu.memory_space<vmem_shared>> -> memref<128x64xf32, #tpu.memory_space<vmem_shared>>
      tpu.wait_dma2 semaphore(%run_scoped3A_217 : memref<!tpu.dma_semaphore, #tpu.memory_space<semaphore_mem>>) src(%dma_wait3A_227 : memref<128x64xf32, #tpu.memory_space<vmem_shared>>) dst(%dma_wait3A_225 : memref<128x64xf32, #tpu.memory_space<hbm>>)
      tpu.yield
    }) : () -> ()
    %add3A_201 = arith.constant 16 : i32
    %add3A_202 = arith.addi %arg1, %add3A_201 : i32
    %mul3A_203 = arith.constant 128 : i32
    %mul3A_204 = arith.muli %add3A_202, %mul3A_203 : i32
    "tpu.region"() ({
      %run_scoped3A_217 = tpu.sem_alloc : memref<!tpu.dma_semaphore, #tpu.memory_space<semaphore_mem>>
      %dma_start3A_218 = arith.constant 0 : i32
      %dma_start3A_219 = tpu.memref_slice %arg7[%arg0, %mul3A_204, %dma_start3A_218] : memref<2x10240x64xf32, #tpu.memory_space<hbm>> -> memref<1x128x64xf32, #tpu.memory_space<hbm>>
      %dma_start3A_220 = tpu.memref_squeeze %dma_start3A_219 : memref<1x128x64xf32, #tpu.memory_space<hbm>> -> memref<128x64xf32, #tpu.memory_space<hbm>>
      %dma_start3A_221 = arith.constant 0 : i32
      %dma_start3A_222 = tpu.memref_slice %arg14[%mul3A_204, %dma_start3A_221] : memref<10240x64xf32, #tpu.memory_space<vmem_shared>> -> memref<128x64xf32, #tpu.memory_space<vmem_shared>>
      tpu.enqueue_dma source(%dma_start3A_222 : memref<128x64xf32, #tpu.memory_space<vmem_shared>>) target(%dma_start3A_220 : memref<128x64xf32, #tpu.memory_space<hbm>>) target_semaphore(%run_scoped3A_217 : memref<!tpu.dma_semaphore, #tpu.memory_space<semaphore_mem>>)
      %dma_wait3A_223 = arith.constant 0 : i32
      %dma_wait3A_224 = tpu.memref_slice %arg7[%arg0, %mul3A_204, %dma_wait3A_223] : memref<2x10240x64xf32, #tpu.memory_space<hbm>> -> memref<1x128x64xf32, #tpu.memory_space<hbm>>
      %dma_wait3A_225 = tpu.memref_squeeze %dma_wait3A_224 : memref<1x128x64xf32, #tpu.memory_space<hbm>> -> memref<128x64xf32, #tpu.memory_space<hbm>>
      %dma_wait3A_226 = arith.constant 0 : i32
      %dma_wait3A_227 = tpu.memref_slice %arg14[%mul3A_204, %dma_wait3A_226] : memref<10240x64xf32, #tpu.memory_space<vmem_shared>> -> memref<128x64xf32, #tpu.memory_space<vmem_shared>>
      tpu.wait_dma2 semaphore(%run_scoped3A_217 : memref<!tpu.dma_semaphore, #tpu.memory_space<semaphore_mem>>) src(%dma_wait3A_227 : memref<128x64xf32, #tpu.memory_space<vmem_shared>>) dst(%dma_wait3A_225 : memref<128x64xf32, #tpu.memory_space<hbm>>)
      tpu.yield
    }) : () -> ()
    %add3A_205 = arith.constant 32 : i32
    %add3A_206 = arith.addi %arg1, %add3A_205 : i32
    %mul3A_207 = arith.constant 128 : i32
    %mul3A_208 = arith.muli %add3A_206, %mul3A_207 : i32
    "tpu.region"() ({
      %run_scoped3A_217 = tpu.sem_alloc : memref<!tpu.dma_semaphore, #tpu.memory_space<semaphore_mem>>
      %dma_start3A_218 = arith.constant 0 : i32
      %dma_start3A_219 = tpu.memref_slice %arg7[%arg0, %mul3A_208, %dma_start3A_218] : memref<2x10240x64xf32, #tpu.memory_space<hbm>> -> memref<1x128x64xf32, #tpu.memory_space<hbm>>
      %dma_start3A_220 = tpu.memref_squeeze %dma_start3A_219 : memref<1x128x64xf32, #tpu.memory_space<hbm>> -> memref<128x64xf32, #tpu.memory_space<hbm>>
      %dma_start3A_221 = arith.constant 0 : i32
      %dma_start3A_222 = tpu.memref_slice %arg14[%mul3A_208, %dma_start3A_221] : memref<10240x64xf32, #tpu.memory_space<vmem_shared>> -> memref<128x64xf32, #tpu.memory_space<vmem_shared>>
      tpu.enqueue_dma source(%dma_start3A_222 : memref<128x64xf32, #tpu.memory_space<vmem_shared>>) target(%dma_start3A_220 : memref<128x64xf32, #tpu.memory_space<hbm>>) target_semaphore(%run_scoped3A_217 : memref<!tpu.dma_semaphore, #tpu.memory_space<semaphore_mem>>)
      %dma_wait3A_223 = arith.constant 0 : i32
      %dma_wait3A_224 = tpu.memref_slice %arg7[%arg0, %mul3A_208, %dma_wait3A_223] : memref<2x10240x64xf32, #tpu.memory_space<hbm>> -> memref<1x128x64xf32, #tpu.memory_space<hbm>>
      %dma_wait3A_225 = tpu.memref_squeeze %dma_wait3A_224 : memref<1x128x64xf32, #tpu.memory_space<hbm>> -> memref<128x64xf32, #tpu.memory_space<hbm>>
      %dma_wait3A_226 = arith.constant 0 : i32
      %dma_wait3A_227 = tpu.memref_slice %arg14[%mul3A_208, %dma_wait3A_226] : memref<10240x64xf32, #tpu.memory_space<vmem_shared>> -> memref<128x64xf32, #tpu.memory_space<vmem_shared>>
      tpu.wait_dma2 semaphore(%run_scoped3A_217 : memref<!tpu.dma_semaphore, #tpu.memory_space<semaphore_mem>>) src(%dma_wait3A_227 : memref<128x64xf32, #tpu.memory_space<vmem_shared>>) dst(%dma_wait3A_225 : memref<128x64xf32, #tpu.memory_space<hbm>>)
      tpu.yield
    }) : () -> ()
    %add3A_209 = arith.constant 48 : i32
    %add3A_210 = arith.addi %arg1, %add3A_209 : i32
    %mul3A_211 = arith.constant 128 : i32
    %mul3A_212 = arith.muli %add3A_210, %mul3A_211 : i32
    "tpu.region"() ({
      %run_scoped3A_217 = tpu.sem_alloc : memref<!tpu.dma_semaphore, #tpu.memory_space<semaphore_mem>>
      %dma_start3A_218 = arith.constant 0 : i32
      %dma_start3A_219 = tpu.memref_slice %arg7[%arg0, %mul3A_212, %dma_start3A_218] : memref<2x10240x64xf32, #tpu.memory_space<hbm>> -> memref<1x128x64xf32, #tpu.memory_space<hbm>>
      %dma_start3A_220 = tpu.memref_squeeze %dma_start3A_219 : memref<1x128x64xf32, #tpu.memory_space<hbm>> -> memref<128x64xf32, #tpu.memory_space<hbm>>
      %dma_start3A_221 = arith.constant 0 : i32
      %dma_start3A_222 = tpu.memref_slice %arg14[%mul3A_212, %dma_start3A_221] : memref<10240x64xf32, #tpu.memory_space<vmem_shared>> -> memref<128x64xf32, #tpu.memory_space<vmem_shared>>
      tpu.enqueue_dma source(%dma_start3A_222 : memref<128x64xf32, #tpu.memory_space<vmem_shared>>) target(%dma_start3A_220 : memref<128x64xf32, #tpu.memory_space<hbm>>) target_semaphore(%run_scoped3A_217 : memref<!tpu.dma_semaphore, #tpu.memory_space<semaphore_mem>>)
      %dma_wait3A_223 = arith.constant 0 : i32
      %dma_wait3A_224 = tpu.memref_slice %arg7[%arg0, %mul3A_212, %dma_wait3A_223] : memref<2x10240x64xf32, #tpu.memory_space<hbm>> -> memref<1x128x64xf32, #tpu.memory_space<hbm>>
      %dma_wait3A_225 = tpu.memref_squeeze %dma_wait3A_224 : memref<1x128x64xf32, #tpu.memory_space<hbm>> -> memref<128x64xf32, #tpu.memory_space<hbm>>
      %dma_wait3A_226 = arith.constant 0 : i32
      %dma_wait3A_227 = tpu.memref_slice %arg14[%mul3A_212, %dma_wait3A_226] : memref<10240x64xf32, #tpu.memory_space<vmem_shared>> -> memref<128x64xf32, #tpu.memory_space<vmem_shared>>
      tpu.wait_dma2 semaphore(%run_scoped3A_217 : memref<!tpu.dma_semaphore, #tpu.memory_space<semaphore_mem>>) src(%dma_wait3A_227 : memref<128x64xf32, #tpu.memory_space<vmem_shared>>) dst(%dma_wait3A_225 : memref<128x64xf32, #tpu.memory_space<hbm>>)
      tpu.yield
    }) : () -> ()
    %add3A_213 = arith.constant 64 : i32
    %add3A_214 = arith.addi %arg1, %add3A_213 : i32
    %mul3A_215 = arith.constant 128 : i32
    %mul3A_216 = arith.muli %add3A_214, %mul3A_215 : i32
    "tpu.region"() ({
      %run_scoped3A_217 = tpu.sem_alloc : memref<!tpu.dma_semaphore, #tpu.memory_space<semaphore_mem>>
      %dma_start3A_218 = arith.constant 0 : i32
      %dma_start3A_219 = tpu.memref_slice %arg7[%arg0, %mul3A_216, %dma_start3A_218] : memref<2x10240x64xf32, #tpu.memory_space<hbm>> -> memref<1x128x64xf32, #tpu.memory_space<hbm>>
      %dma_start3A_220 = tpu.memref_squeeze %dma_start3A_219 : memref<1x128x64xf32, #tpu.memory_space<hbm>> -> memref<128x64xf32, #tpu.memory_space<hbm>>
      %dma_start3A_221 = arith.constant 0 : i32
      %dma_start3A_222 = tpu.memref_slice %arg14[%mul3A_216, %dma_start3A_221] : memref<10240x64xf32, #tpu.memory_space<vmem_shared>> -> memref<128x64xf32, #tpu.memory_space<vmem_shared>>
      tpu.enqueue_dma source(%dma_start3A_222 : memref<128x64xf32, #tpu.memory_space<vmem_shared>>) target(%dma_start3A_220 : memref<128x64xf32, #tpu.memory_space<hbm>>) target_semaphore(%run_scoped3A_217 : memref<!tpu.dma_semaphore, #tpu.memory_space<semaphore_mem>>)
      %dma_wait3A_223 = arith.constant 0 : i32
      %dma_wait3A_224 = tpu.memref_slice %arg7[%arg0, %mul3A_216, %dma_wait3A_223] : memref<2x10240x64xf32, #tpu.memory_space<hbm>> -> memref<1x128x64xf32, #tpu.memory_space<hbm>>
      %dma_wait3A_225 = tpu.memref_squeeze %dma_wait3A_224 : memref<1x128x64xf32, #tpu.memory_space<hbm>> -> memref<128x64xf32, #tpu.memory_space<hbm>>
      %dma_wait3A_226 = arith.constant 0 : i32
      %dma_wait3A_227 = tpu.memref_slice %arg14[%mul3A_216, %dma_wait3A_226] : memref<10240x64xf32, #tpu.memory_space<vmem_shared>> -> memref<128x64xf32, #tpu.memory_space<vmem_shared>>
      tpu.wait_dma2 semaphore(%run_scoped3A_217 : memref<!tpu.dma_semaphore, #tpu.memory_space<semaphore_mem>>) src(%dma_wait3A_227 : memref<128x64xf32, #tpu.memory_space<vmem_shared>>) dst(%dma_wait3A_225 : memref<128x64xf32, #tpu.memory_space<hbm>>)
      tpu.yield
    }) : () -> ()
    return
  }
}

#map = affine_map<(d0, d1) -> (0, 0)>
#map1 = affine_map<(d0, d1) -> (0, 0, 0)>
module attributes {stable_mosaic.version = 14 : i64} {
  func.func @_sc_body(%arg0: i32, %arg1: i32, %arg2: memref<10000x64xf32, #tpu.memory_space<hbm>>, %arg3: memref<10000x64xf32, #tpu.memory_space<hbm>>, %arg4: memref<32x79x128xi32, #tpu.memory_space<hbm>>, %arg5: memref<32x79x128xi32, #tpu.memory_space<hbm>>, %arg6: memref<2x10240x64xf32, #tpu.memory_space<hbm>>, %arg7: memref<2x10240x64xf32, #tpu.memory_space<hbm>>, %arg8: memref<2x10240x16xf32, #tpu.memory_space<hbm>>, %arg9: memref<79x128xi32, #tpu.memory_space<vmem>>, %arg10: memref<79x128xi32, #tpu.memory_space<vmem>>, %arg11: memref<128x64xf32, #tpu.memory_space<vmem>>, %arg12: memref<128x64xf32, #tpu.memory_space<vmem>>, %arg13: memref<128x64xf32, #tpu.memory_space<vmem>>, %arg14: memref<128x64xf32, #tpu.memory_space<vmem>>, %arg15: memref<128x16xf32, #tpu.memory_space<vmem>>, %arg16: memref<10240x64xf32, #tpu.memory_space<vmem_shared>>, %arg17: memref<10240x16xf32, #tpu.memory_space<vmem_shared>>, %arg18: memref<!tpu.dma_semaphore, #tpu.memory_space<semaphore_mem>>, %arg19: memref<!tpu.dma_semaphore, #tpu.memory_space<semaphore_mem>>, %arg20: memref<!tpu.dma_semaphore, #tpu.memory_space<semaphore_mem>>) attributes {dimension_semantics = [#tpu.dimension_semantics<core_parallel>, #tpu.dimension_semantics<subcore_parallel>], iteration_bounds = array<i64: 2, 16>, scalar_prefetch = 0 : i64, scratch_operands = 12 : i64, tpu.core_type = #tpu.core_type<sc_vector_subcore>, window_params = [{transform_indices = #map}, {transform_indices = #map}, {transform_indices = #map1}, {transform_indices = #map1}, {transform_indices = #map1}, {transform_indices = #map1}, {transform_indices = #map1}]} {
    %mul3A = arith.constant 2 : i32
    %mul3A_0 = arith.muli %arg1, %mul3A : i32
    %add3A = arith.addi %mul3A_0, %arg0 : i32
    %scan3A = arith.constant 0 : i32
    %scan3A_1 = arith.constant 0 : i32
    %scan3A_2 = arith.constant 128 : i32
    %scan3A_3 = arith.addi %scan3A_1, %scan3A_2 : i32
    %scan3A_4 = arith.constant 1 : i32
    %scan3A_5 = scf.for %scan3A_275 = %scan3A_1 to %scan3A_3 step %scan3A_4 iter_args(%scan3A_276 = %scan3A) -> (i32)  : i32 {
      %scan3A_277 = arith.constant 0 : i32
      %scan3A_278 = arith.constant 0 : i32
      %scan3A_279 = arith.constant 4 : i32
      %scan3A_280 = arith.addi %scan3A_278, %scan3A_279 : i32
      %scan3A_281 = arith.constant 1 : i32
      %scan3A_282 = scf.for %scan3A_284 = %scan3A_278 to %scan3A_280 step %scan3A_281 iter_args(%scan3A_285 = %scan3A_277) -> (i32)  : i32 {
        %broadcast_in_dim3A = arith.constant 0.000000e+00 : f32
        %broadcast_in_dim3A_286 = vector.broadcast %broadcast_in_dim3A : f32 to vector<16xf32>
        %mul3A_287 = arith.constant 16 : i32
        %mul3A_288 = arith.muli %scan3A_284, %mul3A_287 : i32
        %swap3A = arith.index_cast %scan3A_275 : i32 to index
        %swap3A_289 = arith.index_cast %mul3A_288 : i32 to index
        %swap3A_290 = tpu.vector_load %arg14[%swap3A, %swap3A_289] {strides = array<i32>} : memref<128x64xf32, #tpu.memory_space<vmem>>, vector<1x16xf32>,
        %swap3A_291 = vector.shape_cast %swap3A_290 : vector<1x16xf32> to vector<16xf32>
        %swap3A_292 = vector.shape_cast %broadcast_in_dim3A_286 : vector<16xf32> to vector<1x16xf32>
        tpu.vector_store %arg14[%swap3A, %swap3A_289], %swap3A_292 {strides = array<i32>} : memref<128x64xf32, #tpu.memory_space<vmem>>, vector<1x16xf32>,
        %scan3A_293 = arith.constant 0 : i32
        scf.yield %scan3A_293 : i32
      }
      %scan3A_283 = arith.constant 4 : i32
      scf.yield %scan3A_282 : i32
    }
    %scan3A_6 = arith.constant 128 : i32
    %scan3A_7 = arith.constant 0 : i32
    %scan3A_8 = arith.constant 0 : i32
    %scan3A_9 = arith.constant 128 : i32
    %scan3A_10 = arith.addi %scan3A_8, %scan3A_9 : i32
    %scan3A_11 = arith.constant 1 : i32
    %scan3A_12 = scf.for %scan3A_275 = %scan3A_8 to %scan3A_10 step %scan3A_11 iter_args(%scan3A_276 = %scan3A_7) -> (i32)  : i32 {
      %broadcast_in_dim3A = arith.constant 0.000000e+00 : f32
      %broadcast_in_dim3A_277 = vector.broadcast %broadcast_in_dim3A : f32 to vector<16xf32>
      %swap3A = arith.index_cast %scan3A_275 : i32 to index
      %swap3A_278 = arith.constant 0 : index
      %swap3A_279 = tpu.vector_load %arg15[%swap3A, %swap3A_278] {strides = array<i32>} : memref<128x16xf32, #tpu.memory_space<vmem>>, vector<1x16xf32>,
      %swap3A_280 = vector.shape_cast %swap3A_279 : vector<1x16xf32> to vector<16xf32>
      %swap3A_281 = vector.shape_cast %broadcast_in_dim3A_277 : vector<16xf32> to vector<1x16xf32>
      tpu.vector_store %arg15[%swap3A, %swap3A_278], %swap3A_281 {strides = array<i32>} : memref<128x16xf32, #tpu.memory_space<vmem>>, vector<1x16xf32>,
      %scan3A_282 = arith.constant 0 : i32
      scf.yield %scan3A_282 : i32
    }
    %scan3A_13 = arith.constant 128 : i32
    "tpu.region"() ({
      %run_scoped3A_275 = tpu.sem_alloc : memref<!tpu.dma_semaphore, #tpu.memory_space<semaphore_mem>>
      %dma_start3A_276 = arith.constant 0 : i32
      %dma_start3A_277 = arith.constant 0 : i32
      %dma_start3A_278 = tpu.memref_slice %arg4[%add3A, %dma_start3A_276, %dma_start3A_277] : memref<32x79x128xi32, #tpu.memory_space<hbm>> -> memref<1x79x128xi32, #tpu.memory_space<hbm>>
      %dma_start3A_279 = tpu.memref_squeeze %dma_start3A_278 : memref<1x79x128xi32, #tpu.memory_space<hbm>> -> memref<79x128xi32, #tpu.memory_space<hbm>>
      %dma_start3A_280 = arith.constant 0 : i32
      %dma_start3A_281 = arith.constant 0 : i32
      %dma_start3A_282 = tpu.memref_slice %arg4[%add3A, %dma_start3A_280, %dma_start3A_281] : memref<32x79x128xi32, #tpu.memory_space<hbm>> -> memref<1x79x128xi32, #tpu.memory_space<hbm>>
      %dma_start3A_283 = tpu.memref_squeeze %dma_start3A_282 : memref<1x79x128xi32, #tpu.memory_space<hbm>> -> memref<79x128xi32, #tpu.memory_space<hbm>>
      tpu.enqueue_dma source(%dma_start3A_283 : memref<79x128xi32, #tpu.memory_space<hbm>>) target(%arg9 : memref<79x128xi32, #tpu.memory_space<vmem>>) target_semaphore(%run_scoped3A_275 : memref<!tpu.dma_semaphore, #tpu.memory_space<semaphore_mem>>)
      %dma_wait3A_284 = arith.constant 0 : i32
      %dma_wait3A_285 = arith.constant 0 : i32
      %dma_wait3A_286 = tpu.memref_slice %arg4[%add3A, %dma_wait3A_284, %dma_wait3A_285] : memref<32x79x128xi32, #tpu.memory_space<hbm>> -> memref<1x79x128xi32, #tpu.memory_space<hbm>>
      %dma_wait3A_287 = tpu.memref_squeeze %dma_wait3A_286 : memref<1x79x128xi32, #tpu.memory_space<hbm>> -> memref<79x128xi32, #tpu.memory_space<hbm>>
      %dma_wait3A_288 = arith.constant 0 : i32
      %dma_wait3A_289 = arith.constant 0 : i32
      %dma_wait3A_290 = tpu.memref_slice %arg4[%add3A, %dma_wait3A_288, %dma_wait3A_289] : memref<32x79x128xi32, #tpu.memory_space<hbm>> -> memref<1x79x128xi32, #tpu.memory_space<hbm>>
      %dma_wait3A_291 = tpu.memref_squeeze %dma_wait3A_290 : memref<1x79x128xi32, #tpu.memory_space<hbm>> -> memref<79x128xi32, #tpu.memory_space<hbm>>
      tpu.wait_dma2 semaphore(%run_scoped3A_275 : memref<!tpu.dma_semaphore, #tpu.memory_space<semaphore_mem>>) src(%dma_wait3A_291 : memref<79x128xi32, #tpu.memory_space<hbm>>) dst(%arg9 : memref<79x128xi32, #tpu.memory_space<vmem>>)
      tpu.yield
    }) : () -> ()
    "tpu.region"() ({
      %run_scoped3A_275 = tpu.sem_alloc : memref<!tpu.dma_semaphore, #tpu.memory_space<semaphore_mem>>
      %dma_start3A_276 = arith.constant 0 : i32
      %dma_start3A_277 = arith.constant 0 : i32
      %dma_start3A_278 = tpu.memref_slice %arg5[%add3A, %dma_start3A_276, %dma_start3A_277] : memref<32x79x128xi32, #tpu.memory_space<hbm>> -> memref<1x79x128xi32, #tpu.memory_space<hbm>>
      %dma_start3A_279 = tpu.memref_squeeze %dma_start3A_278 : memref<1x79x128xi32, #tpu.memory_space<hbm>> -> memref<79x128xi32, #tpu.memory_space<hbm>>
      %dma_start3A_280 = arith.constant 0 : i32
      %dma_start3A_281 = arith.constant 0 : i32
      %dma_start3A_282 = tpu.memref_slice %arg5[%add3A, %dma_start3A_280, %dma_start3A_281] : memref<32x79x128xi32, #tpu.memory_space<hbm>> -> memref<1x79x128xi32, #tpu.memory_space<hbm>>
      %dma_start3A_283 = tpu.memref_squeeze %dma_start3A_282 : memref<1x79x128xi32, #tpu.memory_space<hbm>> -> memref<79x128xi32, #tpu.memory_space<hbm>>
      tpu.enqueue_dma source(%dma_start3A_283 : memref<79x128xi32, #tpu.memory_space<hbm>>) target(%arg10 : memref<79x128xi32, #tpu.memory_space<vmem>>) target_semaphore(%run_scoped3A_275 : memref<!tpu.dma_semaphore, #tpu.memory_space<semaphore_mem>>)
      %dma_wait3A_284 = arith.constant 0 : i32
      %dma_wait3A_285 = arith.constant 0 : i32
      %dma_wait3A_286 = tpu.memref_slice %arg5[%add3A, %dma_wait3A_284, %dma_wait3A_285] : memref<32x79x128xi32, #tpu.memory_space<hbm>> -> memref<1x79x128xi32, #tpu.memory_space<hbm>>
      %dma_wait3A_287 = tpu.memref_squeeze %dma_wait3A_286 : memref<1x79x128xi32, #tpu.memory_space<hbm>> -> memref<79x128xi32, #tpu.memory_space<hbm>>
      %dma_wait3A_288 = arith.constant 0 : i32
      %dma_wait3A_289 = arith.constant 0 : i32
      %dma_wait3A_290 = tpu.memref_slice %arg5[%add3A, %dma_wait3A_288, %dma_wait3A_289] : memref<32x79x128xi32, #tpu.memory_space<hbm>> -> memref<1x79x128xi32, #tpu.memory_space<hbm>>
      %dma_wait3A_291 = tpu.memref_squeeze %dma_wait3A_290 : memref<1x79x128xi32, #tpu.memory_space<hbm>> -> memref<79x128xi32, #tpu.memory_space<hbm>>
      tpu.wait_dma2 semaphore(%run_scoped3A_275 : memref<!tpu.dma_semaphore, #tpu.memory_space<semaphore_mem>>) src(%dma_wait3A_291 : memref<79x128xi32, #tpu.memory_space<hbm>>) dst(%arg10 : memref<79x128xi32, #tpu.memory_space<vmem>>)
      tpu.yield
    }) : () -> ()
    %add3A_14 = arith.constant 0 : i32
    %add3A_15 = arith.addi %arg1, %add3A_14 : i32
    %mul3A_16 = arith.constant 128 : i32
    %mul3A_17 = arith.muli %add3A_15, %mul3A_16 : i32
    "tpu.region"() ({
      %run_scoped3A_275 = tpu.sem_alloc : memref<!tpu.dma_semaphore, #tpu.memory_space<semaphore_mem>>
      %dma_start3A_276 = arith.constant 0 : i32
      %dma_start3A_277 = tpu.memref_slice %arg16[%mul3A_17, %dma_start3A_276] : memref<10240x64xf32, #tpu.memory_space<vmem_shared>> -> memref<128x64xf32, #tpu.memory_space<vmem_shared>>
      %dma_start3A_278 = arith.constant 0 : i32
      %dma_start3A_279 = tpu.memref_slice %arg16[%mul3A_17, %dma_start3A_278] : memref<10240x64xf32, #tpu.memory_space<vmem_shared>> -> memref<128x64xf32, #tpu.memory_space<vmem_shared>>
      tpu.enqueue_dma source(%arg14 : memref<128x64xf32, #tpu.memory_space<vmem>>) target(%dma_start3A_279 : memref<128x64xf32, #tpu.memory_space<vmem_shared>>) target_semaphore(%run_scoped3A_275 : memref<!tpu.dma_semaphore, #tpu.memory_space<semaphore_mem>>)
      %dma_wait3A_280 = arith.constant 0 : i32
      %dma_wait3A_281 = tpu.memref_slice %arg16[%mul3A_17, %dma_wait3A_280] : memref<10240x64xf32, #tpu.memory_space<vmem_shared>> -> memref<128x64xf32, #tpu.memory_space<vmem_shared>>
      %dma_wait3A_282 = arith.constant 0 : i32
      %dma_wait3A_283 = tpu.memref_slice %arg16[%mul3A_17, %dma_wait3A_282] : memref<10240x64xf32, #tpu.memory_space<vmem_shared>> -> memref<128x64xf32, #tpu.memory_space<vmem_shared>>
      tpu.wait_dma2 semaphore(%run_scoped3A_275 : memref<!tpu.dma_semaphore, #tpu.memory_space<semaphore_mem>>) src(%arg14 : memref<128x64xf32, #tpu.memory_space<vmem>>) dst(%dma_wait3A_283 : memref<128x64xf32, #tpu.memory_space<vmem_shared>>)
      tpu.yield
    }) : () -> ()
    %add3A_18 = arith.constant 16 : i32
    %add3A_19 = arith.addi %arg1, %add3A_18 : i32
    %mul3A_20 = arith.constant 128 : i32
    %mul3A_21 = arith.muli %add3A_19, %mul3A_20 : i32
    "tpu.region"() ({
      %run_scoped3A_275 = tpu.sem_alloc : memref<!tpu.dma_semaphore, #tpu.memory_space<semaphore_mem>>
      %dma_start3A_276 = arith.constant 0 : i32
      %dma_start3A_277 = tpu.memref_slice %arg16[%mul3A_21, %dma_start3A_276] : memref<10240x64xf32, #tpu.memory_space<vmem_shared>> -> memref<128x64xf32, #tpu.memory_space<vmem_shared>>
      %dma_start3A_278 = arith.constant 0 : i32
      %dma_start3A_279 = tpu.memref_slice %arg16[%mul3A_21, %dma_start3A_278] : memref<10240x64xf32, #tpu.memory_space<vmem_shared>> -> memref<128x64xf32, #tpu.memory_space<vmem_shared>>
      tpu.enqueue_dma source(%arg14 : memref<128x64xf32, #tpu.memory_space<vmem>>) target(%dma_start3A_279 : memref<128x64xf32, #tpu.memory_space<vmem_shared>>) target_semaphore(%run_scoped3A_275 : memref<!tpu.dma_semaphore, #tpu.memory_space<semaphore_mem>>)
      %dma_wait3A_280 = arith.constant 0 : i32
      %dma_wait3A_281 = tpu.memref_slice %arg16[%mul3A_21, %dma_wait3A_280] : memref<10240x64xf32, #tpu.memory_space<vmem_shared>> -> memref<128x64xf32, #tpu.memory_space<vmem_shared>>
      %dma_wait3A_282 = arith.constant 0 : i32
      %dma_wait3A_283 = tpu.memref_slice %arg16[%mul3A_21, %dma_wait3A_282] : memref<10240x64xf32, #tpu.memory_space<vmem_shared>> -> memref<128x64xf32, #tpu.memory_space<vmem_shared>>
      tpu.wait_dma2 semaphore(%run_scoped3A_275 : memref<!tpu.dma_semaphore, #tpu.memory_space<semaphore_mem>>) src(%arg14 : memref<128x64xf32, #tpu.memory_space<vmem>>) dst(%dma_wait3A_283 : memref<128x64xf32, #tpu.memory_space<vmem_shared>>)
      tpu.yield
    }) : () -> ()
    %add3A_22 = arith.constant 32 : i32
    %add3A_23 = arith.addi %arg1, %add3A_22 : i32
    %mul3A_24 = arith.constant 128 : i32
    %mul3A_25 = arith.muli %add3A_23, %mul3A_24 : i32
    "tpu.region"() ({
      %run_scoped3A_275 = tpu.sem_alloc : memref<!tpu.dma_semaphore, #tpu.memory_space<semaphore_mem>>
      %dma_start3A_276 = arith.constant 0 : i32
      %dma_start3A_277 = tpu.memref_slice %arg16[%mul3A_25, %dma_start3A_276] : memref<10240x64xf32, #tpu.memory_space<vmem_shared>> -> memref<128x64xf32, #tpu.memory_space<vmem_shared>>
      %dma_start3A_278 = arith.constant 0 : i32
      %dma_start3A_279 = tpu.memref_slice %arg16[%mul3A_25, %dma_start3A_278] : memref<10240x64xf32, #tpu.memory_space<vmem_shared>> -> memref<128x64xf32, #tpu.memory_space<vmem_shared>>
      tpu.enqueue_dma source(%arg14 : memref<128x64xf32, #tpu.memory_space<vmem>>) target(%dma_start3A_279 : memref<128x64xf32, #tpu.memory_space<vmem_shared>>) target_semaphore(%run_scoped3A_275 : memref<!tpu.dma_semaphore, #tpu.memory_space<semaphore_mem>>)
      %dma_wait3A_280 = arith.constant 0 : i32
      %dma_wait3A_281 = tpu.memref_slice %arg16[%mul3A_25, %dma_wait3A_280] : memref<10240x64xf32, #tpu.memory_space<vmem_shared>> -> memref<128x64xf32, #tpu.memory_space<vmem_shared>>
      %dma_wait3A_282 = arith.constant 0 : i32
      %dma_wait3A_283 = tpu.memref_slice %arg16[%mul3A_25, %dma_wait3A_282] : memref<10240x64xf32, #tpu.memory_space<vmem_shared>> -> memref<128x64xf32, #tpu.memory_space<vmem_shared>>
      tpu.wait_dma2 semaphore(%run_scoped3A_275 : memref<!tpu.dma_semaphore, #tpu.memory_space<semaphore_mem>>) src(%arg14 : memref<128x64xf32, #tpu.memory_space<vmem>>) dst(%dma_wait3A_283 : memref<128x64xf32, #tpu.memory_space<vmem_shared>>)
      tpu.yield
    }) : () -> ()
    %add3A_26 = arith.constant 48 : i32
    %add3A_27 = arith.addi %arg1, %add3A_26 : i32
    %mul3A_28 = arith.constant 128 : i32
    %mul3A_29 = arith.muli %add3A_27, %mul3A_28 : i32
    "tpu.region"() ({
      %run_scoped3A_275 = tpu.sem_alloc : memref<!tpu.dma_semaphore, #tpu.memory_space<semaphore_mem>>
      %dma_start3A_276 = arith.constant 0 : i32
      %dma_start3A_277 = tpu.memref_slice %arg16[%mul3A_29, %dma_start3A_276] : memref<10240x64xf32, #tpu.memory_space<vmem_shared>> -> memref<128x64xf32, #tpu.memory_space<vmem_shared>>
      %dma_start3A_278 = arith.constant 0 : i32
      %dma_start3A_279 = tpu.memref_slice %arg16[%mul3A_29, %dma_start3A_278] : memref<10240x64xf32, #tpu.memory_space<vmem_shared>> -> memref<128x64xf32, #tpu.memory_space<vmem_shared>>
      tpu.enqueue_dma source(%arg14 : memref<128x64xf32, #tpu.memory_space<vmem>>) target(%dma_start3A_279 : memref<128x64xf32, #tpu.memory_space<vmem_shared>>) target_semaphore(%run_scoped3A_275 : memref<!tpu.dma_semaphore, #tpu.memory_space<semaphore_mem>>)
      %dma_wait3A_280 = arith.constant 0 : i32
      %dma_wait3A_281 = tpu.memref_slice %arg16[%mul3A_29, %dma_wait3A_280] : memref<10240x64xf32, #tpu.memory_space<vmem_shared>> -> memref<128x64xf32, #tpu.memory_space<vmem_shared>>
      %dma_wait3A_282 = arith.constant 0 : i32
      %dma_wait3A_283 = tpu.memref_slice %arg16[%mul3A_29, %dma_wait3A_282] : memref<10240x64xf32, #tpu.memory_space<vmem_shared>> -> memref<128x64xf32, #tpu.memory_space<vmem_shared>>
      tpu.wait_dma2 semaphore(%run_scoped3A_275 : memref<!tpu.dma_semaphore, #tpu.memory_space<semaphore_mem>>) src(%arg14 : memref<128x64xf32, #tpu.memory_space<vmem>>) dst(%dma_wait3A_283 : memref<128x64xf32, #tpu.memory_space<vmem_shared>>)
      tpu.yield
    }) : () -> ()
    %add3A_30 = arith.constant 64 : i32
    %add3A_31 = arith.addi %arg1, %add3A_30 : i32
    %mul3A_32 = arith.constant 128 : i32
    %mul3A_33 = arith.muli %add3A_31, %mul3A_32 : i32
    "tpu.region"() ({
      %run_scoped3A_275 = tpu.sem_alloc : memref<!tpu.dma_semaphore, #tpu.memory_space<semaphore_mem>>
      %dma_start3A_276 = arith.constant 0 : i32
      %dma_start3A_277 = tpu.memref_slice %arg16[%mul3A_33, %dma_start3A_276] : memref<10240x64xf32, #tpu.memory_space<vmem_shared>> -> memref<128x64xf32, #tpu.memory_space<vmem_shared>>
      %dma_start3A_278 = arith.constant 0 : i32
      %dma_start3A_279 = tpu.memref_slice %arg16[%mul3A_33, %dma_start3A_278] : memref<10240x64xf32, #tpu.memory_space<vmem_shared>> -> memref<128x64xf32, #tpu.memory_space<vmem_shared>>
      tpu.enqueue_dma source(%arg14 : memref<128x64xf32, #tpu.memory_space<vmem>>) target(%dma_start3A_279 : memref<128x64xf32, #tpu.memory_space<vmem_shared>>) target_semaphore(%run_scoped3A_275 : memref<!tpu.dma_semaphore, #tpu.memory_space<semaphore_mem>>)
      %dma_wait3A_280 = arith.constant 0 : i32
      %dma_wait3A_281 = tpu.memref_slice %arg16[%mul3A_33, %dma_wait3A_280] : memref<10240x64xf32, #tpu.memory_space<vmem_shared>> -> memref<128x64xf32, #tpu.memory_space<vmem_shared>>
      %dma_wait3A_282 = arith.constant 0 : i32
      %dma_wait3A_283 = tpu.memref_slice %arg16[%mul3A_33, %dma_wait3A_282] : memref<10240x64xf32, #tpu.memory_space<vmem_shared>> -> memref<128x64xf32, #tpu.memory_space<vmem_shared>>
      tpu.wait_dma2 semaphore(%run_scoped3A_275 : memref<!tpu.dma_semaphore, #tpu.memory_space<semaphore_mem>>) src(%arg14 : memref<128x64xf32, #tpu.memory_space<vmem>>) dst(%dma_wait3A_283 : memref<128x64xf32, #tpu.memory_space<vmem_shared>>)
      tpu.yield
    }) : () -> ()
    %add3A_34 = arith.constant 0 : i32
    %add3A_35 = arith.addi %arg1, %add3A_34 : i32
    %mul3A_36 = arith.constant 128 : i32
    %mul3A_37 = arith.muli %add3A_35, %mul3A_36 : i32
    "tpu.region"() ({
      %run_scoped3A_275 = tpu.sem_alloc : memref<!tpu.dma_semaphore, #tpu.memory_space<semaphore_mem>>
      %dma_start3A_276 = arith.constant 0 : i32
      %dma_start3A_277 = tpu.memref_slice %arg17[%mul3A_37, %dma_start3A_276] : memref<10240x16xf32, #tpu.memory_space<vmem_shared>> -> memref<128x16xf32, #tpu.memory_space<vmem_shared>>
      %dma_start3A_278 = arith.constant 0 : i32
      %dma_start3A_279 = tpu.memref_slice %arg17[%mul3A_37, %dma_start3A_278] : memref<10240x16xf32, #tpu.memory_space<vmem_shared>> -> memref<128x16xf32, #tpu.memory_space<vmem_shared>>
      tpu.enqueue_dma source(%arg15 : memref<128x16xf32, #tpu.memory_space<vmem>>) target(%dma_start3A_279 : memref<128x16xf32, #tpu.memory_space<vmem_shared>>) target_semaphore(%run_scoped3A_275 : memref<!tpu.dma_semaphore, #tpu.memory_space<semaphore_mem>>)
      %dma_wait3A_280 = arith.constant 0 : i32
      %dma_wait3A_281 = tpu.memref_slice %arg17[%mul3A_37, %dma_wait3A_280] : memref<10240x16xf32, #tpu.memory_space<vmem_shared>> -> memref<128x16xf32, #tpu.memory_space<vmem_shared>>
      %dma_wait3A_282 = arith.constant 0 : i32
      %dma_wait3A_283 = tpu.memref_slice %arg17[%mul3A_37, %dma_wait3A_282] : memref<10240x16xf32, #tpu.memory_space<vmem_shared>> -> memref<128x16xf32, #tpu.memory_space<vmem_shared>>
      tpu.wait_dma2 semaphore(%run_scoped3A_275 : memref<!tpu.dma_semaphore, #tpu.memory_space<semaphore_mem>>) src(%arg15 : memref<128x16xf32, #tpu.memory_space<vmem>>) dst(%dma_wait3A_283 : memref<128x16xf32, #tpu.memory_space<vmem_shared>>)
      tpu.yield
    }) : () -> ()
    %add3A_38 = arith.constant 16 : i32
    %add3A_39 = arith.addi %arg1, %add3A_38 : i32
    %mul3A_40 = arith.constant 128 : i32
    %mul3A_41 = arith.muli %add3A_39, %mul3A_40 : i32
    "tpu.region"() ({
      %run_scoped3A_275 = tpu.sem_alloc : memref<!tpu.dma_semaphore, #tpu.memory_space<semaphore_mem>>
      %dma_start3A_276 = arith.constant 0 : i32
      %dma_start3A_277 = tpu.memref_slice %arg17[%mul3A_41, %dma_start3A_276] : memref<10240x16xf32, #tpu.memory_space<vmem_shared>> -> memref<128x16xf32, #tpu.memory_space<vmem_shared>>
      %dma_start3A_278 = arith.constant 0 : i32
      %dma_start3A_279 = tpu.memref_slice %arg17[%mul3A_41, %dma_start3A_278] : memref<10240x16xf32, #tpu.memory_space<vmem_shared>> -> memref<128x16xf32, #tpu.memory_space<vmem_shared>>
      tpu.enqueue_dma source(%arg15 : memref<128x16xf32, #tpu.memory_space<vmem>>) target(%dma_start3A_279 : memref<128x16xf32, #tpu.memory_space<vmem_shared>>) target_semaphore(%run_scoped3A_275 : memref<!tpu.dma_semaphore, #tpu.memory_space<semaphore_mem>>)
      %dma_wait3A_280 = arith.constant 0 : i32
      %dma_wait3A_281 = tpu.memref_slice %arg17[%mul3A_41, %dma_wait3A_280] : memref<10240x16xf32, #tpu.memory_space<vmem_shared>> -> memref<128x16xf32, #tpu.memory_space<vmem_shared>>
      %dma_wait3A_282 = arith.constant 0 : i32
      %dma_wait3A_283 = tpu.memref_slice %arg17[%mul3A_41, %dma_wait3A_282] : memref<10240x16xf32, #tpu.memory_space<vmem_shared>> -> memref<128x16xf32, #tpu.memory_space<vmem_shared>>
      tpu.wait_dma2 semaphore(%run_scoped3A_275 : memref<!tpu.dma_semaphore, #tpu.memory_space<semaphore_mem>>) src(%arg15 : memref<128x16xf32, #tpu.memory_space<vmem>>) dst(%dma_wait3A_283 : memref<128x16xf32, #tpu.memory_space<vmem_shared>>)
      tpu.yield
    }) : () -> ()
    %add3A_42 = arith.constant 32 : i32
    %add3A_43 = arith.addi %arg1, %add3A_42 : i32
    %mul3A_44 = arith.constant 128 : i32
    %mul3A_45 = arith.muli %add3A_43, %mul3A_44 : i32
    "tpu.region"() ({
      %run_scoped3A_275 = tpu.sem_alloc : memref<!tpu.dma_semaphore, #tpu.memory_space<semaphore_mem>>
      %dma_start3A_276 = arith.constant 0 : i32
      %dma_start3A_277 = tpu.memref_slice %arg17[%mul3A_45, %dma_start3A_276] : memref<10240x16xf32, #tpu.memory_space<vmem_shared>> -> memref<128x16xf32, #tpu.memory_space<vmem_shared>>
      %dma_start3A_278 = arith.constant 0 : i32
      %dma_start3A_279 = tpu.memref_slice %arg17[%mul3A_45, %dma_start3A_278] : memref<10240x16xf32, #tpu.memory_space<vmem_shared>> -> memref<128x16xf32, #tpu.memory_space<vmem_shared>>
      tpu.enqueue_dma source(%arg15 : memref<128x16xf32, #tpu.memory_space<vmem>>) target(%dma_start3A_279 : memref<128x16xf32, #tpu.memory_space<vmem_shared>>) target_semaphore(%run_scoped3A_275 : memref<!tpu.dma_semaphore, #tpu.memory_space<semaphore_mem>>)
      %dma_wait3A_280 = arith.constant 0 : i32
      %dma_wait3A_281 = tpu.memref_slice %arg17[%mul3A_45, %dma_wait3A_280] : memref<10240x16xf32, #tpu.memory_space<vmem_shared>> -> memref<128x16xf32, #tpu.memory_space<vmem_shared>>
      %dma_wait3A_282 = arith.constant 0 : i32
      %dma_wait3A_283 = tpu.memref_slice %arg17[%mul3A_45, %dma_wait3A_282] : memref<10240x16xf32, #tpu.memory_space<vmem_shared>> -> memref<128x16xf32, #tpu.memory_space<vmem_shared>>
      tpu.wait_dma2 semaphore(%run_scoped3A_275 : memref<!tpu.dma_semaphore, #tpu.memory_space<semaphore_mem>>) src(%arg15 : memref<128x16xf32, #tpu.memory_space<vmem>>) dst(%dma_wait3A_283 : memref<128x16xf32, #tpu.memory_space<vmem_shared>>)
      tpu.yield
    }) : () -> ()
    %add3A_46 = arith.constant 48 : i32
    %add3A_47 = arith.addi %arg1, %add3A_46 : i32
    %mul3A_48 = arith.constant 128 : i32
    %mul3A_49 = arith.muli %add3A_47, %mul3A_48 : i32
    "tpu.region"() ({
      %run_scoped3A_275 = tpu.sem_alloc : memref<!tpu.dma_semaphore, #tpu.memory_space<semaphore_mem>>
      %dma_start3A_276 = arith.constant 0 : i32
      %dma_start3A_277 = tpu.memref_slice %arg17[%mul3A_49, %dma_start3A_276] : memref<10240x16xf32, #tpu.memory_space<vmem_shared>> -> memref<128x16xf32, #tpu.memory_space<vmem_shared>>
      %dma_start3A_278 = arith.constant 0 : i32
      %dma_start3A_279 = tpu.memref_slice %arg17[%mul3A_49, %dma_start3A_278] : memref<10240x16xf32, #tpu.memory_space<vmem_shared>> -> memref<128x16xf32, #tpu.memory_space<vmem_shared>>
      tpu.enqueue_dma source(%arg15 : memref<128x16xf32, #tpu.memory_space<vmem>>) target(%dma_start3A_279 : memref<128x16xf32, #tpu.memory_space<vmem_shared>>) target_semaphore(%run_scoped3A_275 : memref<!tpu.dma_semaphore, #tpu.memory_space<semaphore_mem>>)
      %dma_wait3A_280 = arith.constant 0 : i32
      %dma_wait3A_281 = tpu.memref_slice %arg17[%mul3A_49, %dma_wait3A_280] : memref<10240x16xf32, #tpu.memory_space<vmem_shared>> -> memref<128x16xf32, #tpu.memory_space<vmem_shared>>
      %dma_wait3A_282 = arith.constant 0 : i32
      %dma_wait3A_283 = tpu.memref_slice %arg17[%mul3A_49, %dma_wait3A_282] : memref<10240x16xf32, #tpu.memory_space<vmem_shared>> -> memref<128x16xf32, #tpu.memory_space<vmem_shared>>
      tpu.wait_dma2 semaphore(%run_scoped3A_275 : memref<!tpu.dma_semaphore, #tpu.memory_space<semaphore_mem>>) src(%arg15 : memref<128x16xf32, #tpu.memory_space<vmem>>) dst(%dma_wait3A_283 : memref<128x16xf32, #tpu.memory_space<vmem_shared>>)
      tpu.yield
    }) : () -> ()
    %add3A_50 = arith.constant 64 : i32
    %add3A_51 = arith.addi %arg1, %add3A_50 : i32
    %mul3A_52 = arith.constant 128 : i32
    %mul3A_53 = arith.muli %add3A_51, %mul3A_52 : i32
    "tpu.region"() ({
      %run_scoped3A_275 = tpu.sem_alloc : memref<!tpu.dma_semaphore, #tpu.memory_space<semaphore_mem>>
      %dma_start3A_276 = arith.constant 0 : i32
      %dma_start3A_277 = tpu.memref_slice %arg17[%mul3A_53, %dma_start3A_276] : memref<10240x16xf32, #tpu.memory_space<vmem_shared>> -> memref<128x16xf32, #tpu.memory_space<vmem_shared>>
      %dma_start3A_278 = arith.constant 0 : i32
      %dma_start3A_279 = tpu.memref_slice %arg17[%mul3A_53, %dma_start3A_278] : memref<10240x16xf32, #tpu.memory_space<vmem_shared>> -> memref<128x16xf32, #tpu.memory_space<vmem_shared>>
      tpu.enqueue_dma source(%arg15 : memref<128x16xf32, #tpu.memory_space<vmem>>) target(%dma_start3A_279 : memref<128x16xf32, #tpu.memory_space<vmem_shared>>) target_semaphore(%run_scoped3A_275 : memref<!tpu.dma_semaphore, #tpu.memory_space<semaphore_mem>>)
      %dma_wait3A_280 = arith.constant 0 : i32
      %dma_wait3A_281 = tpu.memref_slice %arg17[%mul3A_53, %dma_wait3A_280] : memref<10240x16xf32, #tpu.memory_space<vmem_shared>> -> memref<128x16xf32, #tpu.memory_space<vmem_shared>>
      %dma_wait3A_282 = arith.constant 0 : i32
      %dma_wait3A_283 = tpu.memref_slice %arg17[%mul3A_53, %dma_wait3A_282] : memref<10240x16xf32, #tpu.memory_space<vmem_shared>> -> memref<128x16xf32, #tpu.memory_space<vmem_shared>>
      tpu.wait_dma2 semaphore(%run_scoped3A_275 : memref<!tpu.dma_semaphore, #tpu.memory_space<semaphore_mem>>) src(%arg15 : memref<128x16xf32, #tpu.memory_space<vmem>>) dst(%dma_wait3A_283 : memref<128x16xf32, #tpu.memory_space<vmem_shared>>)
      tpu.yield
    }) : () -> ()
    %scan3A_54 = arith.constant 0 : i32
    %scan3A_55 = arith.constant 0 : i32
    %scan3A_56 = arith.constant 128 : i32
    %scan3A_57 = arith.addi %scan3A_55, %scan3A_56 : i32
    %scan3A_58 = arith.constant 1 : i32
    %scan3A_59 = scf.for %scan3A_275 = %scan3A_55 to %scan3A_57 step %scan3A_58 iter_args(%scan3A_276 = %scan3A_54) -> (i32)  : i32 {
      %broadcast_in_dim3A = arith.constant 1.000000e+00 : f32
      %broadcast_in_dim3A_277 = vector.broadcast %broadcast_in_dim3A : f32 to vector<16xf32>
      %swap3A = arith.index_cast %scan3A_275 : i32 to index
      %swap3A_278 = arith.constant 0 : index
      %swap3A_279 = tpu.vector_load %arg15[%swap3A, %swap3A_278] {strides = array<i32>} : memref<128x16xf32, #tpu.memory_space<vmem>>, vector<1x16xf32>,
      %swap3A_280 = vector.shape_cast %swap3A_279 : vector<1x16xf32> to vector<16xf32>
      %swap3A_281 = vector.shape_cast %broadcast_in_dim3A_277 : vector<16xf32> to vector<1x16xf32>
      tpu.vector_store %arg15[%swap3A, %swap3A_278], %swap3A_281 {strides = array<i32>} : memref<128x16xf32, #tpu.memory_space<vmem>>, vector<1x16xf32>,
      %scan3A_282 = arith.constant 0 : i32
      scf.yield %scan3A_282 : i32
    }
    %scan3A_60 = arith.constant 128 : i32
    %barrier3A = arith.constant 0 : index
    tpu.barrier barrier_id(%barrier3A)
    %dma_start3A = arith.constant 0 : i32
    %dma_start3A_61 = arith.constant 0 : i32
    %dma_start3A_62 = tpu.memref_slice %arg9[%dma_start3A, %dma_start3A_61] : memref<79x128xi32, #tpu.memory_space<vmem>> -> memref<1x128xi32, #tpu.memory_space<vmem>>
    %dma_start3A_63 = tpu.memref_squeeze %dma_start3A_62 : memref<1x128xi32, #tpu.memory_space<vmem>> -> memref<128xi32, #tpu.memory_space<vmem>>
    %dma_start3A_64 = arith.constant 0 : i32
    %dma_start3A_65 = arith.constant 0 : i32
    %dma_start3A_66 = tpu.memref_slice %arg2[%dma_start3A_64, %dma_start3A_65] : memref<10000x64xf32, #tpu.memory_space<hbm>> -> memref<10000x64xf32, #tpu.memory_space<hbm>>
    tpu.enqueue_indirect_dma source(%dma_start3A_66 : memref<10000x64xf32, #tpu.memory_space<hbm>>) target(%arg11 : memref<128x64xf32, #tpu.memory_space<vmem>>) offsets(%dma_start3A_63 : memref<128xi32, #tpu.memory_space<vmem>>) semaphore(%arg18 : memref<!tpu.dma_semaphore, #tpu.memory_space<semaphore_mem>>)
    %dma_start3A_67 = arith.constant 1 : i32
    %dma_start3A_68 = arith.constant 0 : i32
    %dma_start3A_69 = tpu.memref_slice %arg9[%dma_start3A_67, %dma_start3A_68] : memref<79x128xi32, #tpu.memory_space<vmem>> -> memref<1x128xi32, #tpu.memory_space<vmem>>
    %dma_start3A_70 = tpu.memref_squeeze %dma_start3A_69 : memref<1x128xi32, #tpu.memory_space<vmem>> -> memref<128xi32, #tpu.memory_space<vmem>>
    %dma_start3A_71 = arith.constant 0 : i32
    %dma_start3A_72 = arith.constant 0 : i32
    %dma_start3A_73 = tpu.memref_slice %arg2[%dma_start3A_71, %dma_start3A_72] : memref<10000x64xf32, #tpu.memory_space<hbm>> -> memref<10000x64xf32, #tpu.memory_space<hbm>>
    tpu.enqueue_indirect_dma source(%dma_start3A_73 : memref<10000x64xf32, #tpu.memory_space<hbm>>) target(%arg12 : memref<128x64xf32, #tpu.memory_space<vmem>>) offsets(%dma_start3A_70 : memref<128xi32, #tpu.memory_space<vmem>>) semaphore(%arg19 : memref<!tpu.dma_semaphore, #tpu.memory_space<semaphore_mem>>)
    %dma_start3A_74 = arith.constant 2 : i32
    %dma_start3A_75 = arith.constant 0 : i32
    %dma_start3A_76 = tpu.memref_slice %arg9[%dma_start3A_74, %dma_start3A_75] : memref<79x128xi32, #tpu.memory_space<vmem>> -> memref<1x128xi32, #tpu.memory_space<vmem>>
    %dma_start3A_77 = tpu.memref_squeeze %dma_start3A_76 : memref<1x128xi32, #tpu.memory_space<vmem>> -> memref<128xi32, #tpu.memory_space<vmem>>
    %dma_start3A_78 = arith.constant 0 : i32
    %dma_start3A_79 = arith.constant 0 : i32
    %dma_start3A_80 = tpu.memref_slice %arg2[%dma_start3A_78, %dma_start3A_79] : memref<10000x64xf32, #tpu.memory_space<hbm>> -> memref<10000x64xf32, #tpu.memory_space<hbm>>
    tpu.enqueue_indirect_dma source(%dma_start3A_80 : memref<10000x64xf32, #tpu.memory_space<hbm>>) target(%arg13 : memref<128x64xf32, #tpu.memory_space<vmem>>) offsets(%dma_start3A_77 : memref<128xi32, #tpu.memory_space<vmem>>) semaphore(%arg20 : memref<!tpu.dma_semaphore, #tpu.memory_space<semaphore_mem>>)
    %scan3A_81 = arith.constant 0 : i32
    %scan3A_82 = arith.constant 25 : i32
    %scan3A_83 = arith.addi %scan3A_81, %scan3A_82 : i32
    %scan3A_84 = arith.constant 1 : i32
    scf.for %scan3A_275 = %scan3A_81 to %scan3A_83 step %scan3A_84  : i32 {
      %mul3A_276 = arith.constant 3 : i32
      %mul3A_277 = arith.muli %scan3A_275, %mul3A_276 : i32
      %add3A_278 = arith.constant 0 : i32
      %add3A_279 = arith.addi %add3A_278, %mul3A_277 : i32
      %dma_wait3A_280 = arith.constant 0 : i32
      %dma_wait3A_281 = tpu.memref_slice %arg9[%add3A_279, %dma_wait3A_280] : memref<79x128xi32, #tpu.memory_space<vmem>> -> memref<1x128xi32, #tpu.memory_space<vmem>>
      %dma_wait3A_282 = tpu.memref_squeeze %dma_wait3A_281 : memref<1x128xi32, #tpu.memory_space<vmem>> -> memref<128xi32, #tpu.memory_space<vmem>>
      %dma_wait3A_283 = arith.constant 0 : i32
      %dma_wait3A_284 = arith.constant 0 : i32
      %dma_wait3A_285 = tpu.memref_slice %arg2[%dma_wait3A_283, %dma_wait3A_284] : memref<10000x64xf32, #tpu.memory_space<hbm>> -> memref<10000x64xf32, #tpu.memory_space<hbm>>
      tpu.wait_indirect_dma semaphore(%arg18 : memref<!tpu.dma_semaphore, #tpu.memory_space<semaphore_mem>>) src(%dma_wait3A_285 : memref<10000x64xf32, #tpu.memory_space<hbm>>) dst(%arg11 : memref<128x64xf32, #tpu.memory_space<vmem>>)
      "tpu.region"() ({
        %run_scoped3A_330 = tpu.sem_alloc : memref<!tpu.dma_semaphore, #tpu.memory_space<semaphore_mem>>
        %dma_start3A_331 = arith.constant 0 : i32
        %dma_start3A_332 = tpu.memref_slice %arg10[%add3A_279, %dma_start3A_331] : memref<79x128xi32, #tpu.memory_space<vmem>> -> memref<1x128xi32, #tpu.memory_space<vmem>>
        %dma_start3A_333 = tpu.memref_squeeze %dma_start3A_332 : memref<1x128xi32, #tpu.memory_space<vmem>> -> memref<128xi32, #tpu.memory_space<vmem>>
        %dma_start3A_334 = arith.constant 0 : i32
        %dma_start3A_335 = arith.constant 0 : i32
        %dma_start3A_336 = tpu.memref_slice %arg16[%dma_start3A_334, %dma_start3A_335] : memref<10240x64xf32, #tpu.memory_space<vmem_shared>> -> memref<10240x64xf32, #tpu.memory_space<vmem_shared>>
        tpu.enqueue_indirect_dma source(%arg11 : memref<128x64xf32, #tpu.memory_space<vmem>>) target(%dma_start3A_336 : memref<10240x64xf32, #tpu.memory_space<vmem_shared>>) offsets(%dma_start3A_333 : memref<128xi32, #tpu.memory_space<vmem>>) semaphore(%run_scoped3A_330 : memref<!tpu.dma_semaphore, #tpu.memory_space<semaphore_mem>>) {add = true}
        %dma_wait3A_337 = arith.constant 0 : i32
        %dma_wait3A_338 = tpu.memref_slice %arg10[%add3A_279, %dma_wait3A_337] : memref<79x128xi32, #tpu.memory_space<vmem>> -> memref<1x128xi32, #tpu.memory_space<vmem>>
        %dma_wait3A_339 = tpu.memref_squeeze %dma_wait3A_338 : memref<1x128xi32, #tpu.memory_space<vmem>> -> memref<128xi32, #tpu.memory_space<vmem>>
        %dma_wait3A_340 = arith.constant 0 : i32
        %dma_wait3A_341 = arith.constant 0 : i32
        %dma_wait3A_342 = tpu.memref_slice %arg16[%dma_wait3A_340, %dma_wait3A_341] : memref<10240x64xf32, #tpu.memory_space<vmem_shared>> -> memref<10240x64xf32, #tpu.memory_space<vmem_shared>>
        tpu.wait_indirect_dma semaphore(%run_scoped3A_330 : memref<!tpu.dma_semaphore, #tpu.memory_space<semaphore_mem>>) src(%arg11 : memref<128x64xf32, #tpu.memory_space<vmem>>) dst(%dma_wait3A_342 : memref<10240x64xf32, #tpu.memory_space<vmem_shared>>)
        tpu.yield
      }) : () -> ()
      "tpu.region"() ({
        %run_scoped3A_330 = tpu.sem_alloc : memref<!tpu.dma_semaphore, #tpu.memory_space<semaphore_mem>>
        %dma_start3A_331 = arith.constant 0 : i32
        %dma_start3A_332 = tpu.memref_slice %arg10[%add3A_279, %dma_start3A_331] : memref<79x128xi32, #tpu.memory_space<vmem>> -> memref<1x128xi32, #tpu.memory_space<vmem>>
        %dma_start3A_333 = tpu.memref_squeeze %dma_start3A_332 : memref<1x128xi32, #tpu.memory_space<vmem>> -> memref<128xi32, #tpu.memory_space<vmem>>
        %dma_start3A_334 = arith.constant 0 : i32
        %dma_start3A_335 = arith.constant 0 : i32
        %dma_start3A_336 = tpu.memref_slice %arg17[%dma_start3A_334, %dma_start3A_335] : memref<10240x16xf32, #tpu.memory_space<vmem_shared>> -> memref<10240x16xf32, #tpu.memory_space<vmem_shared>>
        tpu.enqueue_indirect_dma source(%arg15 : memref<128x16xf32, #tpu.memory_space<vmem>>) target(%dma_start3A_336 : memref<10240x16xf32, #tpu.memory_space<vmem_shared>>) offsets(%dma_start3A_333 : memref<128xi32, #tpu.memory_space<vmem>>) semaphore(%run_scoped3A_330 : memref<!tpu.dma_semaphore, #tpu.memory_space<semaphore_mem>>) {add = true}
        %dma_wait3A_337 = arith.constant 0 : i32
        %dma_wait3A_338 = tpu.memref_slice %arg10[%add3A_279, %dma_wait3A_337] : memref<79x128xi32, #tpu.memory_space<vmem>> -> memref<1x128xi32, #tpu.memory_space<vmem>>
        %dma_wait3A_339 = tpu.memref_squeeze %dma_wait3A_338 : memref<1x128xi32, #tpu.memory_space<vmem>> -> memref<128xi32, #tpu.memory_space<vmem>>
        %dma_wait3A_340 = arith.constant 0 : i32
        %dma_wait3A_341 = arith.constant 0 : i32
        %dma_wait3A_342 = tpu.memref_slice %arg17[%dma_wait3A_340, %dma_wait3A_341] : memref<10240x16xf32, #tpu.memory_space<vmem_shared>> -> memref<10240x16xf32, #tpu.memory_space<vmem_shared>>
        tpu.wait_indirect_dma semaphore(%run_scoped3A_330 : memref<!tpu.dma_semaphore, #tpu.memory_space<semaphore_mem>>) src(%arg15 : memref<128x16xf32, #tpu.memory_space<vmem>>) dst(%dma_wait3A_342 : memref<10240x16xf32, #tpu.memory_space<vmem_shared>>)
        tpu.yield
      }) : () -> ()
      %add3A_286 = arith.constant 3 : i32
      %add3A_287 = arith.addi %add3A_279, %add3A_286 : i32
      %dma_start3A_288 = arith.constant 0 : i32
      %dma_start3A_289 = tpu.memref_slice %arg9[%add3A_287, %dma_start3A_288] : memref<79x128xi32, #tpu.memory_space<vmem>> -> memref<1x128xi32, #tpu.memory_space<vmem>>
      %dma_start3A_290 = tpu.memref_squeeze %dma_start3A_289 : memref<1x128xi32, #tpu.memory_space<vmem>> -> memref<128xi32, #tpu.memory_space<vmem>>
      %dma_start3A_291 = arith.constant 0 : i32
      %dma_start3A_292 = arith.constant 0 : i32
      %dma_start3A_293 = tpu.memref_slice %arg2[%dma_start3A_291, %dma_start3A_292] : memref<10000x64xf32, #tpu.memory_space<hbm>> -> memref<10000x64xf32, #tpu.memory_space<hbm>>
      tpu.enqueue_indirect_dma source(%dma_start3A_293 : memref<10000x64xf32, #tpu.memory_space<hbm>>) target(%arg11 : memref<128x64xf32, #tpu.memory_space<vmem>>) offsets(%dma_start3A_290 : memref<128xi32, #tpu.memory_space<vmem>>) semaphore(%arg18 : memref<!tpu.dma_semaphore, #tpu.memory_space<semaphore_mem>>)
      %add3A_294 = arith.constant 1 : i32
      %add3A_295 = arith.addi %add3A_279, %add3A_294 : i32
      %dma_wait3A_296 = arith.constant 0 : i32
      %dma_wait3A_297 = tpu.memref_slice %arg9[%add3A_295, %dma_wait3A_296] : memref<79x128xi32, #tpu.memory_space<vmem>> -> memref<1x128xi32, #tpu.memory_space<vmem>>
      %dma_wait3A_298 = tpu.memref_squeeze %dma_wait3A_297 : memref<1x128xi32, #tpu.memory_space<vmem>> -> memref<128xi32, #tpu.memory_space<vmem>>
      %dma_wait3A_299 = arith.constant 0 : i32
      %dma_wait3A_300 = arith.constant 0 : i32
      %dma_wait3A_301 = tpu.memref_slice %arg2[%dma_wait3A_299, %dma_wait3A_300] : memref<10000x64xf32, #tpu.memory_space<hbm>> -> memref<10000x64xf32, #tpu.memory_space<hbm>>
      tpu.wait_indirect_dma semaphore(%arg19 : memref<!tpu.dma_semaphore, #tpu.memory_space<semaphore_mem>>) src(%dma_wait3A_301 : memref<10000x64xf32, #tpu.memory_space<hbm>>) dst(%arg12 : memref<128x64xf32, #tpu.memory_space<vmem>>)
      %add3A_302 = arith.constant 1 : i32
      %add3A_303 = arith.addi %add3A_279, %add3A_302 : i32
      "tpu.region"() ({
        %run_scoped3A_330 = tpu.sem_alloc : memref<!tpu.dma_semaphore, #tpu.memory_space<semaphore_mem>>
        %dma_start3A_331 = arith.constant 0 : i32
        %dma_start3A_332 = tpu.memref_slice %arg10[%add3A_303, %dma_start3A_331] : memref<79x128xi32, #tpu.memory_space<vmem>> -> memref<1x128xi32, #tpu.memory_space<vmem>>
        %dma_start3A_333 = tpu.memref_squeeze %dma_start3A_332 : memref<1x128xi32, #tpu.memory_space<vmem>> -> memref<128xi32, #tpu.memory_space<vmem>>
        %dma_start3A_334 = arith.constant 0 : i32
        %dma_start3A_335 = arith.constant 0 : i32
        %dma_start3A_336 = tpu.memref_slice %arg16[%dma_start3A_334, %dma_start3A_335] : memref<10240x64xf32, #tpu.memory_space<vmem_shared>> -> memref<10240x64xf32, #tpu.memory_space<vmem_shared>>
        tpu.enqueue_indirect_dma source(%arg12 : memref<128x64xf32, #tpu.memory_space<vmem>>) target(%dma_start3A_336 : memref<10240x64xf32, #tpu.memory_space<vmem_shared>>) offsets(%dma_start3A_333 : memref<128xi32, #tpu.memory_space<vmem>>) semaphore(%run_scoped3A_330 : memref<!tpu.dma_semaphore, #tpu.memory_space<semaphore_mem>>) {add = true}
        %dma_wait3A_337 = arith.constant 0 : i32
        %dma_wait3A_338 = tpu.memref_slice %arg10[%add3A_303, %dma_wait3A_337] : memref<79x128xi32, #tpu.memory_space<vmem>> -> memref<1x128xi32, #tpu.memory_space<vmem>>
        %dma_wait3A_339 = tpu.memref_squeeze %dma_wait3A_338 : memref<1x128xi32, #tpu.memory_space<vmem>> -> memref<128xi32, #tpu.memory_space<vmem>>
        %dma_wait3A_340 = arith.constant 0 : i32
        %dma_wait3A_341 = arith.constant 0 : i32
        %dma_wait3A_342 = tpu.memref_slice %arg16[%dma_wait3A_340, %dma_wait3A_341] : memref<10240x64xf32, #tpu.memory_space<vmem_shared>> -> memref<10240x64xf32, #tpu.memory_space<vmem_shared>>
        tpu.wait_indirect_dma semaphore(%run_scoped3A_330 : memref<!tpu.dma_semaphore, #tpu.memory_space<semaphore_mem>>) src(%arg12 : memref<128x64xf32, #tpu.memory_space<vmem>>) dst(%dma_wait3A_342 : memref<10240x64xf32, #tpu.memory_space<vmem_shared>>)
        tpu.yield
      }) : () -> ()
      "tpu.region"() ({
        %run_scoped3A_330 = tpu.sem_alloc : memref<!tpu.dma_semaphore, #tpu.memory_space<semaphore_mem>>
        %dma_start3A_331 = arith.constant 0 : i32
        %dma_start3A_332 = tpu.memref_slice %arg10[%add3A_303, %dma_start3A_331] : memref<79x128xi32, #tpu.memory_space<vmem>> -> memref<1x128xi32, #tpu.memory_space<vmem>>
        %dma_start3A_333 = tpu.memref_squeeze %dma_start3A_332 : memref<1x128xi32, #tpu.memory_space<vmem>> -> memref<128xi32, #tpu.memory_space<vmem>>
        %dma_start3A_334 = arith.constant 0 : i32
        %dma_start3A_335 = arith.constant 0 : i32
        %dma_start3A_336 = tpu.memref_slice %arg17[%dma_start3A_334, %dma_start3A_335] : memref<10240x16xf32, #tpu.memory_space<vmem_shared>> -> memref<10240x16xf32, #tpu.memory_space<vmem_shared>>
        tpu.enqueue_indirect_dma source(%arg15 : memref<128x16xf32, #tpu.memory_space<vmem>>) target(%dma_start3A_336 : memref<10240x16xf32, #tpu.memory_space<vmem_shared>>) offsets(%dma_start3A_333 : memref<128xi32, #tpu.memory_space<vmem>>) semaphore(%run_scoped3A_330 : memref<!tpu.dma_semaphore, #tpu.memory_space<semaphore_mem>>) {add = true}
        %dma_wait3A_337 = arith.constant 0 : i32
        %dma_wait3A_338 = tpu.memref_slice %arg10[%add3A_303, %dma_wait3A_337] : memref<79x128xi32, #tpu.memory_space<vmem>> -> memref<1x128xi32, #tpu.memory_space<vmem>>
        %dma_wait3A_339 = tpu.memref_squeeze %dma_wait3A_338 : memref<1x128xi32, #tpu.memory_space<vmem>> -> memref<128xi32, #tpu.memory_space<vmem>>
        %dma_wait3A_340 = arith.constant 0 : i32
        %dma_wait3A_341 = arith.constant 0 : i32
        %dma_wait3A_342 = tpu.memref_slice %arg17[%dma_wait3A_340, %dma_wait3A_341] : memref<10240x16xf32, #tpu.memory_space<vmem_shared>> -> memref<10240x16xf32, #tpu.memory_space<vmem_shared>>
        tpu.wait_indirect_dma semaphore(%run_scoped3A_330 : memref<!tpu.dma_semaphore, #tpu.memory_space<semaphore_mem>>) src(%arg15 : memref<128x16xf32, #tpu.memory_space<vmem>>) dst(%dma_wait3A_342 : memref<10240x16xf32, #tpu.memory_space<vmem_shared>>)
        tpu.yield
      }) : () -> ()
      %add3A_304 = arith.constant 4 : i32
      %add3A_305 = arith.addi %add3A_279, %add3A_304 : i32
      %dma_start3A_306 = arith.constant 0 : i32
      %dma_start3A_307 = tpu.memref_slice %arg9[%add3A_305, %dma_start3A_306] : memref<79x128xi32, #tpu.memory_space<vmem>> -> memref<1x128xi32, #tpu.memory_space<vmem>>
      %dma_start3A_308 = tpu.memref_squeeze %dma_start3A_307 : memref<1x128xi32, #tpu.memory_space<vmem>> -> memref<128xi32, #tpu.memory_space<vmem>>
      %dma_start3A_309 = arith.constant 0 : i32
      %dma_start3A_310 = arith.constant 0 : i32
      %dma_start3A_311 = tpu.memref_slice %arg2[%dma_start3A_309, %dma_start3A_310] : memref<10000x64xf32, #tpu.memory_space<hbm>> -> memref<10000x64xf32, #tpu.memory_space<hbm>>
      tpu.enqueue_indirect_dma source(%dma_start3A_311 : memref<10000x64xf32, #tpu.memory_space<hbm>>) target(%arg12 : memref<128x64xf32, #tpu.memory_space<vmem>>) offsets(%dma_start3A_308 : memref<128xi32, #tpu.memory_space<vmem>>) semaphore(%arg19 : memref<!tpu.dma_semaphore, #tpu.memory_space<semaphore_mem>>)
      %add3A_312 = arith.constant 2 : i32
      %add3A_313 = arith.addi %add3A_279, %add3A_312 : i32
      %dma_wait3A_314 = arith.constant 0 : i32
      %dma_wait3A_315 = tpu.memref_slice %arg9[%add3A_313, %dma_wait3A_314] : memref<79x128xi32, #tpu.memory_space<vmem>> -> memref<1x128xi32, #tpu.memory_space<vmem>>
      %dma_wait3A_316 = tpu.memref_squeeze %dma_wait3A_315 : memref<1x128xi32, #tpu.memory_space<vmem>> -> memref<128xi32, #tpu.memory_space<vmem>>
      %dma_wait3A_317 = arith.constant 0 : i32
      %dma_wait3A_318 = arith.constant 0 : i32
      %dma_wait3A_319 = tpu.memref_slice %arg2[%dma_wait3A_317, %dma_wait3A_318] : memref<10000x64xf32, #tpu.memory_space<hbm>> -> memref<10000x64xf32, #tpu.memory_space<hbm>>
      tpu.wait_indirect_dma semaphore(%arg20 : memref<!tpu.dma_semaphore, #tpu.memory_space<semaphore_mem>>) src(%dma_wait3A_319 : memref<10000x64xf32, #tpu.memory_space<hbm>>) dst(%arg13 : memref<128x64xf32, #tpu.memory_space<vmem>>)
      %add3A_320 = arith.constant 2 : i32
      %add3A_321 = arith.addi %add3A_279, %add3A_320 : i32
      "tpu.region"() ({
        %run_scoped3A_330 = tpu.sem_alloc : memref<!tpu.dma_semaphore, #tpu.memory_space<semaphore_mem>>
        %dma_start3A_331 = arith.constant 0 : i32
        %dma_start3A_332 = tpu.memref_slice %arg10[%add3A_321, %dma_start3A_331] : memref<79x128xi32, #tpu.memory_space<vmem>> -> memref<1x128xi32, #tpu.memory_space<vmem>>
        %dma_start3A_333 = tpu.memref_squeeze %dma_start3A_332 : memref<1x128xi32, #tpu.memory_space<vmem>> -> memref<128xi32, #tpu.memory_space<vmem>>
        %dma_start3A_334 = arith.constant 0 : i32
        %dma_start3A_335 = arith.constant 0 : i32
        %dma_start3A_336 = tpu.memref_slice %arg16[%dma_start3A_334, %dma_start3A_335] : memref<10240x64xf32, #tpu.memory_space<vmem_shared>> -> memref<10240x64xf32, #tpu.memory_space<vmem_shared>>
        tpu.enqueue_indirect_dma source(%arg13 : memref<128x64xf32, #tpu.memory_space<vmem>>) target(%dma_start3A_336 : memref<10240x64xf32, #tpu.memory_space<vmem_shared>>) offsets(%dma_start3A_333 : memref<128xi32, #tpu.memory_space<vmem>>) semaphore(%run_scoped3A_330 : memref<!tpu.dma_semaphore, #tpu.memory_space<semaphore_mem>>) {add = true}
        %dma_wait3A_337 = arith.constant 0 : i32
        %dma_wait3A_338 = tpu.memref_slice %arg10[%add3A_321, %dma_wait3A_337] : memref<79x128xi32, #tpu.memory_space<vmem>> -> memref<1x128xi32, #tpu.memory_space<vmem>>
        %dma_wait3A_339 = tpu.memref_squeeze %dma_wait3A_338 : memref<1x128xi32, #tpu.memory_space<vmem>> -> memref<128xi32, #tpu.memory_space<vmem>>
        %dma_wait3A_340 = arith.constant 0 : i32
        %dma_wait3A_341 = arith.constant 0 : i32
        %dma_wait3A_342 = tpu.memref_slice %arg16[%dma_wait3A_340, %dma_wait3A_341] : memref<10240x64xf32, #tpu.memory_space<vmem_shared>> -> memref<10240x64xf32, #tpu.memory_space<vmem_shared>>
        tpu.wait_indirect_dma semaphore(%run_scoped3A_330 : memref<!tpu.dma_semaphore, #tpu.memory_space<semaphore_mem>>) src(%arg13 : memref<128x64xf32, #tpu.memory_space<vmem>>) dst(%dma_wait3A_342 : memref<10240x64xf32, #tpu.memory_space<vmem_shared>>)
        tpu.yield
      }) : () -> ()
      "tpu.region"() ({
        %run_scoped3A_330 = tpu.sem_alloc : memref<!tpu.dma_semaphore, #tpu.memory_space<semaphore_mem>>
        %dma_start3A_331 = arith.constant 0 : i32
        %dma_start3A_332 = tpu.memref_slice %arg10[%add3A_321, %dma_start3A_331] : memref<79x128xi32, #tpu.memory_space<vmem>> -> memref<1x128xi32, #tpu.memory_space<vmem>>
        %dma_start3A_333 = tpu.memref_squeeze %dma_start3A_332 : memref<1x128xi32, #tpu.memory_space<vmem>> -> memref<128xi32, #tpu.memory_space<vmem>>
        %dma_start3A_334 = arith.constant 0 : i32
        %dma_start3A_335 = arith.constant 0 : i32
        %dma_start3A_336 = tpu.memref_slice %arg17[%dma_start3A_334, %dma_start3A_335] : memref<10240x16xf32, #tpu.memory_space<vmem_shared>> -> memref<10240x16xf32, #tpu.memory_space<vmem_shared>>
        tpu.enqueue_indirect_dma source(%arg15 : memref<128x16xf32, #tpu.memory_space<vmem>>) target(%dma_start3A_336 : memref<10240x16xf32, #tpu.memory_space<vmem_shared>>) offsets(%dma_start3A_333 : memref<128xi32, #tpu.memory_space<vmem>>) semaphore(%run_scoped3A_330 : memref<!tpu.dma_semaphore, #tpu.memory_space<semaphore_mem>>) {add = true}
        %dma_wait3A_337 = arith.constant 0 : i32
        %dma_wait3A_338 = tpu.memref_slice %arg10[%add3A_321, %dma_wait3A_337] : memref<79x128xi32, #tpu.memory_space<vmem>> -> memref<1x128xi32, #tpu.memory_space<vmem>>
        %dma_wait3A_339 = tpu.memref_squeeze %dma_wait3A_338 : memref<1x128xi32, #tpu.memory_space<vmem>> -> memref<128xi32, #tpu.memory_space<vmem>>
        %dma_wait3A_340 = arith.constant 0 : i32
        %dma_wait3A_341 = arith.constant 0 : i32
        %dma_wait3A_342 = tpu.memref_slice %arg17[%dma_wait3A_340, %dma_wait3A_341] : memref<10240x16xf32, #tpu.memory_space<vmem_shared>> -> memref<10240x16xf32, #tpu.memory_space<vmem_shared>>
        tpu.wait_indirect_dma semaphore(%run_scoped3A_330 : memref<!tpu.dma_semaphore, #tpu.memory_space<semaphore_mem>>) src(%arg15 : memref<128x16xf32, #tpu.memory_space<vmem>>) dst(%dma_wait3A_342 : memref<10240x16xf32, #tpu.memory_space<vmem_shared>>)
        tpu.yield
      }) : () -> ()
      %add3A_322 = arith.constant 5 : i32
      %add3A_323 = arith.addi %add3A_279, %add3A_322 : i32
      %dma_start3A_324 = arith.constant 0 : i32
      %dma_start3A_325 = tpu.memref_slice %arg9[%add3A_323, %dma_start3A_324] : memref<79x128xi32, #tpu.memory_space<vmem>> -> memref<1x128xi32, #tpu.memory_space<vmem>>
      %dma_start3A_326 = tpu.memref_squeeze %dma_start3A_325 : memref<1x128xi32, #tpu.memory_space<vmem>> -> memref<128xi32, #tpu.memory_space<vmem>>
      %dma_start3A_327 = arith.constant 0 : i32
      %dma_start3A_328 = arith.constant 0 : i32
      %dma_start3A_329 = tpu.memref_slice %arg2[%dma_start3A_327, %dma_start3A_328] : memref<10000x64xf32, #tpu.memory_space<hbm>> -> memref<10000x64xf32, #tpu.memory_space<hbm>>
      tpu.enqueue_indirect_dma source(%dma_start3A_329 : memref<10000x64xf32, #tpu.memory_space<hbm>>) target(%arg13 : memref<128x64xf32, #tpu.memory_space<vmem>>) offsets(%dma_start3A_326 : memref<128xi32, #tpu.memory_space<vmem>>) semaphore(%arg20 : memref<!tpu.dma_semaphore, #tpu.memory_space<semaphore_mem>>)
    }
    %scan3A_85 = arith.constant 25 : i32
    %dma_wait3A = arith.constant 75 : i32
    %dma_wait3A_86 = arith.constant 0 : i32
    %dma_wait3A_87 = tpu.memref_slice %arg9[%dma_wait3A, %dma_wait3A_86] : memref<79x128xi32, #tpu.memory_space<vmem>> -> memref<1x128xi32, #tpu.memory_space<vmem>>
    %dma_wait3A_88 = tpu.memref_squeeze %dma_wait3A_87 : memref<1x128xi32, #tpu.memory_space<vmem>> -> memref<128xi32, #tpu.memory_space<vmem>>
    %dma_wait3A_89 = arith.constant 0 : i32
    %dma_wait3A_90 = arith.constant 0 : i32
    %dma_wait3A_91 = tpu.memref_slice %arg2[%dma_wait3A_89, %dma_wait3A_90] : memref<10000x64xf32, #tpu.memory_space<hbm>> -> memref<10000x64xf32, #tpu.memory_space<hbm>>
    tpu.wait_indirect_dma semaphore(%arg18 : memref<!tpu.dma_semaphore, #tpu.memory_space<semaphore_mem>>) src(%dma_wait3A_91 : memref<10000x64xf32, #tpu.memory_space<hbm>>) dst(%arg11 : memref<128x64xf32, #tpu.memory_space<vmem>>)
    %run_scoped3A = arith.constant 75 : i32
    "tpu.region"() ({
      %run_scoped3A_275 = tpu.sem_alloc : memref<!tpu.dma_semaphore, #tpu.memory_space<semaphore_mem>>
      %dma_start3A_276 = arith.constant 0 : i32
      %dma_start3A_277 = tpu.memref_slice %arg10[%run_scoped3A, %dma_start3A_276] : memref<79x128xi32, #tpu.memory_space<vmem>> -> memref<1x128xi32, #tpu.memory_space<vmem>>
      %dma_start3A_278 = tpu.memref_squeeze %dma_start3A_277 : memref<1x128xi32, #tpu.memory_space<vmem>> -> memref<128xi32, #tpu.memory_space<vmem>>
      %dma_start3A_279 = arith.constant 0 : i32
      %dma_start3A_280 = arith.constant 0 : i32
      %dma_start3A_281 = tpu.memref_slice %arg16[%dma_start3A_279, %dma_start3A_280] : memref<10240x64xf32, #tpu.memory_space<vmem_shared>> -> memref<10240x64xf32, #tpu.memory_space<vmem_shared>>
      tpu.enqueue_indirect_dma source(%arg11 : memref<128x64xf32, #tpu.memory_space<vmem>>) target(%dma_start3A_281 : memref<10240x64xf32, #tpu.memory_space<vmem_shared>>) offsets(%dma_start3A_278 : memref<128xi32, #tpu.memory_space<vmem>>) semaphore(%run_scoped3A_275 : memref<!tpu.dma_semaphore, #tpu.memory_space<semaphore_mem>>) {add = true}
      %dma_wait3A_282 = arith.constant 0 : i32
      %dma_wait3A_283 = tpu.memref_slice %arg10[%run_scoped3A, %dma_wait3A_282] : memref<79x128xi32, #tpu.memory_space<vmem>> -> memref<1x128xi32, #tpu.memory_space<vmem>>
      %dma_wait3A_284 = tpu.memref_squeeze %dma_wait3A_283 : memref<1x128xi32, #tpu.memory_space<vmem>> -> memref<128xi32, #tpu.memory_space<vmem>>
      %dma_wait3A_285 = arith.constant 0 : i32
      %dma_wait3A_286 = arith.constant 0 : i32
      %dma_wait3A_287 = tpu.memref_slice %arg16[%dma_wait3A_285, %dma_wait3A_286] : memref<10240x64xf32, #tpu.memory_space<vmem_shared>> -> memref<10240x64xf32, #tpu.memory_space<vmem_shared>>
      tpu.wait_indirect_dma semaphore(%run_scoped3A_275 : memref<!tpu.dma_semaphore, #tpu.memory_space<semaphore_mem>>) src(%arg11 : memref<128x64xf32, #tpu.memory_space<vmem>>) dst(%dma_wait3A_287 : memref<10240x64xf32, #tpu.memory_space<vmem_shared>>)
      tpu.yield
    }) : () -> ()
    %run_scoped3A_92 = arith.constant 75 : i32
    "tpu.region"() ({
      %run_scoped3A_275 = tpu.sem_alloc : memref<!tpu.dma_semaphore, #tpu.memory_space<semaphore_mem>>
      %dma_start3A_276 = arith.constant 0 : i32
      %dma_start3A_277 = tpu.memref_slice %arg10[%run_scoped3A_92, %dma_start3A_276] : memref<79x128xi32, #tpu.memory_space<vmem>> -> memref<1x128xi32, #tpu.memory_space<vmem>>
      %dma_start3A_278 = tpu.memref_squeeze %dma_start3A_277 : memref<1x128xi32, #tpu.memory_space<vmem>> -> memref<128xi32, #tpu.memory_space<vmem>>
      %dma_start3A_279 = arith.constant 0 : i32
      %dma_start3A_280 = arith.constant 0 : i32
      %dma_start3A_281 = tpu.memref_slice %arg17[%dma_start3A_279, %dma_start3A_280] : memref<10240x16xf32, #tpu.memory_space<vmem_shared>> -> memref<10240x16xf32, #tpu.memory_space<vmem_shared>>
      tpu.enqueue_indirect_dma source(%arg15 : memref<128x16xf32, #tpu.memory_space<vmem>>) target(%dma_start3A_281 : memref<10240x16xf32, #tpu.memory_space<vmem_shared>>) offsets(%dma_start3A_278 : memref<128xi32, #tpu.memory_space<vmem>>) semaphore(%run_scoped3A_275 : memref<!tpu.dma_semaphore, #tpu.memory_space<semaphore_mem>>) {add = true}
      %dma_wait3A_282 = arith.constant 0 : i32
      %dma_wait3A_283 = tpu.memref_slice %arg10[%run_scoped3A_92, %dma_wait3A_282] : memref<79x128xi32, #tpu.memory_space<vmem>> -> memref<1x128xi32, #tpu.memory_space<vmem>>
      %dma_wait3A_284 = tpu.memref_squeeze %dma_wait3A_283 : memref<1x128xi32, #tpu.memory_space<vmem>> -> memref<128xi32, #tpu.memory_space<vmem>>
      %dma_wait3A_285 = arith.constant 0 : i32
      %dma_wait3A_286 = arith.constant 0 : i32
      %dma_wait3A_287 = tpu.memref_slice %arg17[%dma_wait3A_285, %dma_wait3A_286] : memref<10240x16xf32, #tpu.memory_space<vmem_shared>> -> memref<10240x16xf32, #tpu.memory_space<vmem_shared>>
      tpu.wait_indirect_dma semaphore(%run_scoped3A_275 : memref<!tpu.dma_semaphore, #tpu.memory_space<semaphore_mem>>) src(%arg15 : memref<128x16xf32, #tpu.memory_space<vmem>>) dst(%dma_wait3A_287 : memref<10240x16xf32, #tpu.memory_space<vmem_shared>>)
      tpu.yield
    }) : () -> ()
    %dma_start3A_93 = arith.constant 78 : i32
    %dma_start3A_94 = arith.constant 0 : i32
    %dma_start3A_95 = tpu.memref_slice %arg9[%dma_start3A_93, %dma_start3A_94] : memref<79x128xi32, #tpu.memory_space<vmem>> -> memref<1x128xi32, #tpu.memory_space<vmem>>
    %dma_start3A_96 = tpu.memref_squeeze %dma_start3A_95 : memref<1x128xi32, #tpu.memory_space<vmem>> -> memref<128xi32, #tpu.memory_space<vmem>>
    %dma_start3A_97 = arith.constant 0 : i32
    %dma_start3A_98 = arith.constant 0 : i32
    %dma_start3A_99 = tpu.memref_slice %arg2[%dma_start3A_97, %dma_start3A_98] : memref<10000x64xf32, #tpu.memory_space<hbm>> -> memref<10000x64xf32, #tpu.memory_space<hbm>>
    tpu.enqueue_indirect_dma source(%dma_start3A_99 : memref<10000x64xf32, #tpu.memory_space<hbm>>) target(%arg11 : memref<128x64xf32, #tpu.memory_space<vmem>>) offsets(%dma_start3A_96 : memref<128xi32, #tpu.memory_space<vmem>>) semaphore(%arg18 : memref<!tpu.dma_semaphore, #tpu.memory_space<semaphore_mem>>)
    %dma_wait3A_100 = arith.constant 76 : i32
    %dma_wait3A_101 = arith.constant 0 : i32
    %dma_wait3A_102 = tpu.memref_slice %arg9[%dma_wait3A_100, %dma_wait3A_101] : memref<79x128xi32, #tpu.memory_space<vmem>> -> memref<1x128xi32, #tpu.memory_space<vmem>>
    %dma_wait3A_103 = tpu.memref_squeeze %dma_wait3A_102 : memref<1x128xi32, #tpu.memory_space<vmem>> -> memref<128xi32, #tpu.memory_space<vmem>>
    %dma_wait3A_104 = arith.constant 0 : i32
    %dma_wait3A_105 = arith.constant 0 : i32
    %dma_wait3A_106 = tpu.memref_slice %arg2[%dma_wait3A_104, %dma_wait3A_105] : memref<10000x64xf32, #tpu.memory_space<hbm>> -> memref<10000x64xf32, #tpu.memory_space<hbm>>
    tpu.wait_indirect_dma semaphore(%arg19 : memref<!tpu.dma_semaphore, #tpu.memory_space<semaphore_mem>>) src(%dma_wait3A_106 : memref<10000x64xf32, #tpu.memory_space<hbm>>) dst(%arg12 : memref<128x64xf32, #tpu.memory_space<vmem>>)
    %run_scoped3A_107 = arith.constant 76 : i32
    "tpu.region"() ({
      %run_scoped3A_275 = tpu.sem_alloc : memref<!tpu.dma_semaphore, #tpu.memory_space<semaphore_mem>>
      %dma_start3A_276 = arith.constant 0 : i32
      %dma_start3A_277 = tpu.memref_slice %arg10[%run_scoped3A_107, %dma_start3A_276] : memref<79x128xi32, #tpu.memory_space<vmem>> -> memref<1x128xi32, #tpu.memory_space<vmem>>
      %dma_start3A_278 = tpu.memref_squeeze %dma_start3A_277 : memref<1x128xi32, #tpu.memory_space<vmem>> -> memref<128xi32, #tpu.memory_space<vmem>>
      %dma_start3A_279 = arith.constant 0 : i32
      %dma_start3A_280 = arith.constant 0 : i32
      %dma_start3A_281 = tpu.memref_slice %arg16[%dma_start3A_279, %dma_start3A_280] : memref<10240x64xf32, #tpu.memory_space<vmem_shared>> -> memref<10240x64xf32, #tpu.memory_space<vmem_shared>>
      tpu.enqueue_indirect_dma source(%arg12 : memref<128x64xf32, #tpu.memory_space<vmem>>) target(%dma_start3A_281 : memref<10240x64xf32, #tpu.memory_space<vmem_shared>>) offsets(%dma_start3A_278 : memref<128xi32, #tpu.memory_space<vmem>>) semaphore(%run_scoped3A_275 : memref<!tpu.dma_semaphore, #tpu.memory_space<semaphore_mem>>) {add = true}
      %dma_wait3A_282 = arith.constant 0 : i32
      %dma_wait3A_283 = tpu.memref_slice %arg10[%run_scoped3A_107, %dma_wait3A_282] : memref<79x128xi32, #tpu.memory_space<vmem>> -> memref<1x128xi32, #tpu.memory_space<vmem>>
      %dma_wait3A_284 = tpu.memref_squeeze %dma_wait3A_283 : memref<1x128xi32, #tpu.memory_space<vmem>> -> memref<128xi32, #tpu.memory_space<vmem>>
      %dma_wait3A_285 = arith.constant 0 : i32
      %dma_wait3A_286 = arith.constant 0 : i32
      %dma_wait3A_287 = tpu.memref_slice %arg16[%dma_wait3A_285, %dma_wait3A_286] : memref<10240x64xf32, #tpu.memory_space<vmem_shared>> -> memref<10240x64xf32, #tpu.memory_space<vmem_shared>>
      tpu.wait_indirect_dma semaphore(%run_scoped3A_275 : memref<!tpu.dma_semaphore, #tpu.memory_space<semaphore_mem>>) src(%arg12 : memref<128x64xf32, #tpu.memory_space<vmem>>) dst(%dma_wait3A_287 : memref<10240x64xf32, #tpu.memory_space<vmem_shared>>)
      tpu.yield
    }) : () -> ()
    %run_scoped3A_108 = arith.constant 76 : i32
    "tpu.region"() ({
      %run_scoped3A_275 = tpu.sem_alloc : memref<!tpu.dma_semaphore, #tpu.memory_space<semaphore_mem>>
      %dma_start3A_276 = arith.constant 0 : i32
      %dma_start3A_277 = tpu.memref_slice %arg10[%run_scoped3A_108, %dma_start3A_276] : memref<79x128xi32, #tpu.memory_space<vmem>> -> memref<1x128xi32, #tpu.memory_space<vmem>>
      %dma_start3A_278 = tpu.memref_squeeze %dma_start3A_277 : memref<1x128xi32, #tpu.memory_space<vmem>> -> memref<128xi32, #tpu.memory_space<vmem>>
      %dma_start3A_279 = arith.constant 0 : i32
      %dma_start3A_280 = arith.constant 0 : i32
      %dma_start3A_281 = tpu.memref_slice %arg17[%dma_start3A_279, %dma_start3A_280] : memref<10240x16xf32, #tpu.memory_space<vmem_shared>> -> memref<10240x16xf32, #tpu.memory_space<vmem_shared>>
      tpu.enqueue_indirect_dma source(%arg15 : memref<128x16xf32, #tpu.memory_space<vmem>>) target(%dma_start3A_281 : memref<10240x16xf32, #tpu.memory_space<vmem_shared>>) offsets(%dma_start3A_278 : memref<128xi32, #tpu.memory_space<vmem>>) semaphore(%run_scoped3A_275 : memref<!tpu.dma_semaphore, #tpu.memory_space<semaphore_mem>>) {add = true}
      %dma_wait3A_282 = arith.constant 0 : i32
      %dma_wait3A_283 = tpu.memref_slice %arg10[%run_scoped3A_108, %dma_wait3A_282] : memref<79x128xi32, #tpu.memory_space<vmem>> -> memref<1x128xi32, #tpu.memory_space<vmem>>
      %dma_wait3A_284 = tpu.memref_squeeze %dma_wait3A_283 : memref<1x128xi32, #tpu.memory_space<vmem>> -> memref<128xi32, #tpu.memory_space<vmem>>
      %dma_wait3A_285 = arith.constant 0 : i32
      %dma_wait3A_286 = arith.constant 0 : i32
      %dma_wait3A_287 = tpu.memref_slice %arg17[%dma_wait3A_285, %dma_wait3A_286] : memref<10240x16xf32, #tpu.memory_space<vmem_shared>> -> memref<10240x16xf32, #tpu.memory_space<vmem_shared>>
      tpu.wait_indirect_dma semaphore(%run_scoped3A_275 : memref<!tpu.dma_semaphore, #tpu.memory_space<semaphore_mem>>) src(%arg15 : memref<128x16xf32, #tpu.memory_space<vmem>>) dst(%dma_wait3A_287 : memref<10240x16xf32, #tpu.memory_space<vmem_shared>>)
      tpu.yield
    }) : () -> ()
    %dma_wait3A_109 = arith.constant 77 : i32
    %dma_wait3A_110 = arith.constant 0 : i32
    %dma_wait3A_111 = tpu.memref_slice %arg9[%dma_wait3A_109, %dma_wait3A_110] : memref<79x128xi32, #tpu.memory_space<vmem>> -> memref<1x128xi32, #tpu.memory_space<vmem>>
    %dma_wait3A_112 = tpu.memref_squeeze %dma_wait3A_111 : memref<1x128xi32, #tpu.memory_space<vmem>> -> memref<128xi32, #tpu.memory_space<vmem>>
    %dma_wait3A_113 = arith.constant 0 : i32
    %dma_wait3A_114 = arith.constant 0 : i32
    %dma_wait3A_115 = tpu.memref_slice %arg2[%dma_wait3A_113, %dma_wait3A_114] : memref<10000x64xf32, #tpu.memory_space<hbm>> -> memref<10000x64xf32, #tpu.memory_space<hbm>>
    tpu.wait_indirect_dma semaphore(%arg20 : memref<!tpu.dma_semaphore, #tpu.memory_space<semaphore_mem>>) src(%dma_wait3A_115 : memref<10000x64xf32, #tpu.memory_space<hbm>>) dst(%arg13 : memref<128x64xf32, #tpu.memory_space<vmem>>)
    %run_scoped3A_116 = arith.constant 77 : i32
    "tpu.region"() ({
      %run_scoped3A_275 = tpu.sem_alloc : memref<!tpu.dma_semaphore, #tpu.memory_space<semaphore_mem>>
      %dma_start3A_276 = arith.constant 0 : i32
      %dma_start3A_277 = tpu.memref_slice %arg10[%run_scoped3A_116, %dma_start3A_276] : memref<79x128xi32, #tpu.memory_space<vmem>> -> memref<1x128xi32, #tpu.memory_space<vmem>>
      %dma_start3A_278 = tpu.memref_squeeze %dma_start3A_277 : memref<1x128xi32, #tpu.memory_space<vmem>> -> memref<128xi32, #tpu.memory_space<vmem>>
      %dma_start3A_279 = arith.constant 0 : i32
      %dma_start3A_280 = arith.constant 0 : i32
      %dma_start3A_281 = tpu.memref_slice %arg16[%dma_start3A_279, %dma_start3A_280] : memref<10240x64xf32, #tpu.memory_space<vmem_shared>> -> memref<10240x64xf32, #tpu.memory_space<vmem_shared>>
      tpu.enqueue_indirect_dma source(%arg13 : memref<128x64xf32, #tpu.memory_space<vmem>>) target(%dma_start3A_281 : memref<10240x64xf32, #tpu.memory_space<vmem_shared>>) offsets(%dma_start3A_278 : memref<128xi32, #tpu.memory_space<vmem>>) semaphore(%run_scoped3A_275 : memref<!tpu.dma_semaphore, #tpu.memory_space<semaphore_mem>>) {add = true}
      %dma_wait3A_282 = arith.constant 0 : i32
      %dma_wait3A_283 = tpu.memref_slice %arg10[%run_scoped3A_116, %dma_wait3A_282] : memref<79x128xi32, #tpu.memory_space<vmem>> -> memref<1x128xi32, #tpu.memory_space<vmem>>
      %dma_wait3A_284 = tpu.memref_squeeze %dma_wait3A_283 : memref<1x128xi32, #tpu.memory_space<vmem>> -> memref<128xi32, #tpu.memory_space<vmem>>
      %dma_wait3A_285 = arith.constant 0 : i32
      %dma_wait3A_286 = arith.constant 0 : i32
      %dma_wait3A_287 = tpu.memref_slice %arg16[%dma_wait3A_285, %dma_wait3A_286] : memref<10240x64xf32, #tpu.memory_space<vmem_shared>> -> memref<10240x64xf32, #tpu.memory_space<vmem_shared>>
      tpu.wait_indirect_dma semaphore(%run_scoped3A_275 : memref<!tpu.dma_semaphore, #tpu.memory_space<semaphore_mem>>) src(%arg13 : memref<128x64xf32, #tpu.memory_space<vmem>>) dst(%dma_wait3A_287 : memref<10240x64xf32, #tpu.memory_space<vmem_shared>>)
      tpu.yield
    }) : () -> ()
    %run_scoped3A_117 = arith.constant 77 : i32
    "tpu.region"() ({
      %run_scoped3A_275 = tpu.sem_alloc : memref<!tpu.dma_semaphore, #tpu.memory_space<semaphore_mem>>
      %dma_start3A_276 = arith.constant 0 : i32
      %dma_start3A_277 = tpu.memref_slice %arg10[%run_scoped3A_117, %dma_start3A_276] : memref<79x128xi32, #tpu.memory_space<vmem>> -> memref<1x128xi32, #tpu.memory_space<vmem>>
      %dma_start3A_278 = tpu.memref_squeeze %dma_start3A_277 : memref<1x128xi32, #tpu.memory_space<vmem>> -> memref<128xi32, #tpu.memory_space<vmem>>
      %dma_start3A_279 = arith.constant 0 : i32
      %dma_start3A_280 = arith.constant 0 : i32
      %dma_start3A_281 = tpu.memref_slice %arg17[%dma_start3A_279, %dma_start3A_280] : memref<10240x16xf32, #tpu.memory_space<vmem_shared>> -> memref<10240x16xf32, #tpu.memory_space<vmem_shared>>
      tpu.enqueue_indirect_dma source(%arg15 : memref<128x16xf32, #tpu.memory_space<vmem>>) target(%dma_start3A_281 : memref<10240x16xf32, #tpu.memory_space<vmem_shared>>) offsets(%dma_start3A_278 : memref<128xi32, #tpu.memory_space<vmem>>) semaphore(%run_scoped3A_275 : memref<!tpu.dma_semaphore, #tpu.memory_space<semaphore_mem>>) {add = true}
      %dma_wait3A_282 = arith.constant 0 : i32
      %dma_wait3A_283 = tpu.memref_slice %arg10[%run_scoped3A_117, %dma_wait3A_282] : memref<79x128xi32, #tpu.memory_space<vmem>> -> memref<1x128xi32, #tpu.memory_space<vmem>>
      %dma_wait3A_284 = tpu.memref_squeeze %dma_wait3A_283 : memref<1x128xi32, #tpu.memory_space<vmem>> -> memref<128xi32, #tpu.memory_space<vmem>>
      %dma_wait3A_285 = arith.constant 0 : i32
      %dma_wait3A_286 = arith.constant 0 : i32
      %dma_wait3A_287 = tpu.memref_slice %arg17[%dma_wait3A_285, %dma_wait3A_286] : memref<10240x16xf32, #tpu.memory_space<vmem_shared>> -> memref<10240x16xf32, #tpu.memory_space<vmem_shared>>
      tpu.wait_indirect_dma semaphore(%run_scoped3A_275 : memref<!tpu.dma_semaphore, #tpu.memory_space<semaphore_mem>>) src(%arg15 : memref<128x16xf32, #tpu.memory_space<vmem>>) dst(%dma_wait3A_287 : memref<10240x16xf32, #tpu.memory_space<vmem_shared>>)
      tpu.yield
    }) : () -> ()
    %dma_wait3A_118 = arith.constant 78 : i32
    %dma_wait3A_119 = arith.constant 0 : i32
    %dma_wait3A_120 = tpu.memref_slice %arg9[%dma_wait3A_118, %dma_wait3A_119] : memref<79x128xi32, #tpu.memory_space<vmem>> -> memref<1x128xi32, #tpu.memory_space<vmem>>
    %dma_wait3A_121 = tpu.memref_squeeze %dma_wait3A_120 : memref<1x128xi32, #tpu.memory_space<vmem>> -> memref<128xi32, #tpu.memory_space<vmem>>
    %dma_wait3A_122 = arith.constant 0 : i32
    %dma_wait3A_123 = arith.constant 0 : i32
    %dma_wait3A_124 = tpu.memref_slice %arg2[%dma_wait3A_122, %dma_wait3A_123] : memref<10000x64xf32, #tpu.memory_space<hbm>> -> memref<10000x64xf32, #tpu.memory_space<hbm>>
    tpu.wait_indirect_dma semaphore(%arg18 : memref<!tpu.dma_semaphore, #tpu.memory_space<semaphore_mem>>) src(%dma_wait3A_124 : memref<10000x64xf32, #tpu.memory_space<hbm>>) dst(%arg11 : memref<128x64xf32, #tpu.memory_space<vmem>>)
    %run_scoped3A_125 = arith.constant 78 : i32
    "tpu.region"() ({
      %run_scoped3A_275 = tpu.sem_alloc : memref<!tpu.dma_semaphore, #tpu.memory_space<semaphore_mem>>
      %dma_start3A_276 = arith.constant 0 : i32
      %dma_start3A_277 = tpu.memref_slice %arg10[%run_scoped3A_125, %dma_start3A_276] : memref<79x128xi32, #tpu.memory_space<vmem>> -> memref<1x128xi32, #tpu.memory_space<vmem>>
      %dma_start3A_278 = tpu.memref_squeeze %dma_start3A_277 : memref<1x128xi32, #tpu.memory_space<vmem>> -> memref<128xi32, #tpu.memory_space<vmem>>
      %dma_start3A_279 = arith.constant 0 : i32
      %dma_start3A_280 = arith.constant 0 : i32
      %dma_start3A_281 = tpu.memref_slice %arg16[%dma_start3A_279, %dma_start3A_280] : memref<10240x64xf32, #tpu.memory_space<vmem_shared>> -> memref<10240x64xf32, #tpu.memory_space<vmem_shared>>
      tpu.enqueue_indirect_dma source(%arg11 : memref<128x64xf32, #tpu.memory_space<vmem>>) target(%dma_start3A_281 : memref<10240x64xf32, #tpu.memory_space<vmem_shared>>) offsets(%dma_start3A_278 : memref<128xi32, #tpu.memory_space<vmem>>) semaphore(%run_scoped3A_275 : memref<!tpu.dma_semaphore, #tpu.memory_space<semaphore_mem>>) {add = true}
      %dma_wait3A_282 = arith.constant 0 : i32
      %dma_wait3A_283 = tpu.memref_slice %arg10[%run_scoped3A_125, %dma_wait3A_282] : memref<79x128xi32, #tpu.memory_space<vmem>> -> memref<1x128xi32, #tpu.memory_space<vmem>>
      %dma_wait3A_284 = tpu.memref_squeeze %dma_wait3A_283 : memref<1x128xi32, #tpu.memory_space<vmem>> -> memref<128xi32, #tpu.memory_space<vmem>>
      %dma_wait3A_285 = arith.constant 0 : i32
      %dma_wait3A_286 = arith.constant 0 : i32
      %dma_wait3A_287 = tpu.memref_slice %arg16[%dma_wait3A_285, %dma_wait3A_286] : memref<10240x64xf32, #tpu.memory_space<vmem_shared>> -> memref<10240x64xf32, #tpu.memory_space<vmem_shared>>
      tpu.wait_indirect_dma semaphore(%run_scoped3A_275 : memref<!tpu.dma_semaphore, #tpu.memory_space<semaphore_mem>>) src(%arg11 : memref<128x64xf32, #tpu.memory_space<vmem>>) dst(%dma_wait3A_287 : memref<10240x64xf32, #tpu.memory_space<vmem_shared>>)
      tpu.yield
    }) : () -> ()
    %run_scoped3A_126 = arith.constant 78 : i32
    "tpu.region"() ({
      %run_scoped3A_275 = tpu.sem_alloc : memref<!tpu.dma_semaphore, #tpu.memory_space<semaphore_mem>>
      %dma_start3A_276 = arith.constant 0 : i32
      %dma_start3A_277 = tpu.memref_slice %arg10[%run_scoped3A_126, %dma_start3A_276] : memref<79x128xi32, #tpu.memory_space<vmem>> -> memref<1x128xi32, #tpu.memory_space<vmem>>
      %dma_start3A_278 = tpu.memref_squeeze %dma_start3A_277 : memref<1x128xi32, #tpu.memory_space<vmem>> -> memref<128xi32, #tpu.memory_space<vmem>>
      %dma_start3A_279 = arith.constant 0 : i32
      %dma_start3A_280 = arith.constant 0 : i32
      %dma_start3A_281 = tpu.memref_slice %arg17[%dma_start3A_279, %dma_start3A_280] : memref<10240x16xf32, #tpu.memory_space<vmem_shared>> -> memref<10240x16xf32, #tpu.memory_space<vmem_shared>>
      tpu.enqueue_indirect_dma source(%arg15 : memref<128x16xf32, #tpu.memory_space<vmem>>) target(%dma_start3A_281 : memref<10240x16xf32, #tpu.memory_space<vmem_shared>>) offsets(%dma_start3A_278 : memref<128xi32, #tpu.memory_space<vmem>>) semaphore(%run_scoped3A_275 : memref<!tpu.dma_semaphore, #tpu.memory_space<semaphore_mem>>) {add = true}
      %dma_wait3A_282 = arith.constant 0 : i32
      %dma_wait3A_283 = tpu.memref_slice %arg10[%run_scoped3A_126, %dma_wait3A_282] : memref<79x128xi32, #tpu.memory_space<vmem>> -> memref<1x128xi32, #tpu.memory_space<vmem>>
      %dma_wait3A_284 = tpu.memref_squeeze %dma_wait3A_283 : memref<1x128xi32, #tpu.memory_space<vmem>> -> memref<128xi32, #tpu.memory_space<vmem>>
      %dma_wait3A_285 = arith.constant 0 : i32
      %dma_wait3A_286 = arith.constant 0 : i32
      %dma_wait3A_287 = tpu.memref_slice %arg17[%dma_wait3A_285, %dma_wait3A_286] : memref<10240x16xf32, #tpu.memory_space<vmem_shared>> -> memref<10240x16xf32, #tpu.memory_space<vmem_shared>>
      tpu.wait_indirect_dma semaphore(%run_scoped3A_275 : memref<!tpu.dma_semaphore, #tpu.memory_space<semaphore_mem>>) src(%arg15 : memref<128x16xf32, #tpu.memory_space<vmem>>) dst(%dma_wait3A_287 : memref<10240x16xf32, #tpu.memory_space<vmem_shared>>)
      tpu.yield
    }) : () -> ()
    %barrier3A_127 = arith.constant 0 : index
    tpu.barrier barrier_id(%barrier3A_127)
    %add3A_128 = arith.constant 0 : i32
    %add3A_129 = arith.addi %arg1, %add3A_128 : i32
    %mul3A_130 = arith.constant 128 : i32
    %mul3A_131 = arith.muli %add3A_129, %mul3A_130 : i32
    "tpu.region"() ({
      %run_scoped3A_275 = tpu.sem_alloc : memref<!tpu.dma_semaphore, #tpu.memory_space<semaphore_mem>>
      %dma_start3A_276 = arith.constant 0 : i32
      %dma_start3A_277 = tpu.memref_slice %arg6[%arg0, %mul3A_131, %dma_start3A_276] : memref<2x10240x64xf32, #tpu.memory_space<hbm>> -> memref<1x128x64xf32, #tpu.memory_space<hbm>>
      %dma_start3A_278 = tpu.memref_squeeze %dma_start3A_277 : memref<1x128x64xf32, #tpu.memory_space<hbm>> -> memref<128x64xf32, #tpu.memory_space<hbm>>
      %dma_start3A_279 = arith.constant 0 : i32
      %dma_start3A_280 = tpu.memref_slice %arg16[%mul3A_131, %dma_start3A_279] : memref<10240x64xf32, #tpu.memory_space<vmem_shared>> -> memref<128x64xf32, #tpu.memory_space<vmem_shared>>
      tpu.enqueue_dma source(%dma_start3A_280 : memref<128x64xf32, #tpu.memory_space<vmem_shared>>) target(%dma_start3A_278 : memref<128x64xf32, #tpu.memory_space<hbm>>) target_semaphore(%run_scoped3A_275 : memref<!tpu.dma_semaphore, #tpu.memory_space<semaphore_mem>>)
      %dma_wait3A_281 = arith.constant 0 : i32
      %dma_wait3A_282 = tpu.memref_slice %arg6[%arg0, %mul3A_131, %dma_wait3A_281] : memref<2x10240x64xf32, #tpu.memory_space<hbm>> -> memref<1x128x64xf32, #tpu.memory_space<hbm>>
      %dma_wait3A_283 = tpu.memref_squeeze %dma_wait3A_282 : memref<1x128x64xf32, #tpu.memory_space<hbm>> -> memref<128x64xf32, #tpu.memory_space<hbm>>
      %dma_wait3A_284 = arith.constant 0 : i32
      %dma_wait3A_285 = tpu.memref_slice %arg16[%mul3A_131, %dma_wait3A_284] : memref<10240x64xf32, #tpu.memory_space<vmem_shared>> -> memref<128x64xf32, #tpu.memory_space<vmem_shared>>
      tpu.wait_dma2 semaphore(%run_scoped3A_275 : memref<!tpu.dma_semaphore, #tpu.memory_space<semaphore_mem>>) src(%dma_wait3A_285 : memref<128x64xf32, #tpu.memory_space<vmem_shared>>) dst(%dma_wait3A_283 : memref<128x64xf32, #tpu.memory_space<hbm>>)
      tpu.yield
    }) : () -> ()
    %add3A_132 = arith.constant 16 : i32
    %add3A_133 = arith.addi %arg1, %add3A_132 : i32
    %mul3A_134 = arith.constant 128 : i32
    %mul3A_135 = arith.muli %add3A_133, %mul3A_134 : i32
    "tpu.region"() ({
      %run_scoped3A_275 = tpu.sem_alloc : memref<!tpu.dma_semaphore, #tpu.memory_space<semaphore_mem>>
      %dma_start3A_276 = arith.constant 0 : i32
      %dma_start3A_277 = tpu.memref_slice %arg6[%arg0, %mul3A_135, %dma_start3A_276] : memref<2x10240x64xf32, #tpu.memory_space<hbm>> -> memref<1x128x64xf32, #tpu.memory_space<hbm>>
      %dma_start3A_278 = tpu.memref_squeeze %dma_start3A_277 : memref<1x128x64xf32, #tpu.memory_space<hbm>> -> memref<128x64xf32, #tpu.memory_space<hbm>>
      %dma_start3A_279 = arith.constant 0 : i32
      %dma_start3A_280 = tpu.memref_slice %arg16[%mul3A_135, %dma_start3A_279] : memref<10240x64xf32, #tpu.memory_space<vmem_shared>> -> memref<128x64xf32, #tpu.memory_space<vmem_shared>>
      tpu.enqueue_dma source(%dma_start3A_280 : memref<128x64xf32, #tpu.memory_space<vmem_shared>>) target(%dma_start3A_278 : memref<128x64xf32, #tpu.memory_space<hbm>>) target_semaphore(%run_scoped3A_275 : memref<!tpu.dma_semaphore, #tpu.memory_space<semaphore_mem>>)
      %dma_wait3A_281 = arith.constant 0 : i32
      %dma_wait3A_282 = tpu.memref_slice %arg6[%arg0, %mul3A_135, %dma_wait3A_281] : memref<2x10240x64xf32, #tpu.memory_space<hbm>> -> memref<1x128x64xf32, #tpu.memory_space<hbm>>
      %dma_wait3A_283 = tpu.memref_squeeze %dma_wait3A_282 : memref<1x128x64xf32, #tpu.memory_space<hbm>> -> memref<128x64xf32, #tpu.memory_space<hbm>>
      %dma_wait3A_284 = arith.constant 0 : i32
      %dma_wait3A_285 = tpu.memref_slice %arg16[%mul3A_135, %dma_wait3A_284] : memref<10240x64xf32, #tpu.memory_space<vmem_shared>> -> memref<128x64xf32, #tpu.memory_space<vmem_shared>>
      tpu.wait_dma2 semaphore(%run_scoped3A_275 : memref<!tpu.dma_semaphore, #tpu.memory_space<semaphore_mem>>) src(%dma_wait3A_285 : memref<128x64xf32, #tpu.memory_space<vmem_shared>>) dst(%dma_wait3A_283 : memref<128x64xf32, #tpu.memory_space<hbm>>)
      tpu.yield
    }) : () -> ()
    %add3A_136 = arith.constant 32 : i32
    %add3A_137 = arith.addi %arg1, %add3A_136 : i32
    %mul3A_138 = arith.constant 128 : i32
    %mul3A_139 = arith.muli %add3A_137, %mul3A_138 : i32
    "tpu.region"() ({
      %run_scoped3A_275 = tpu.sem_alloc : memref<!tpu.dma_semaphore, #tpu.memory_space<semaphore_mem>>
      %dma_start3A_276 = arith.constant 0 : i32
      %dma_start3A_277 = tpu.memref_slice %arg6[%arg0, %mul3A_139, %dma_start3A_276] : memref<2x10240x64xf32, #tpu.memory_space<hbm>> -> memref<1x128x64xf32, #tpu.memory_space<hbm>>
      %dma_start3A_278 = tpu.memref_squeeze %dma_start3A_277 : memref<1x128x64xf32, #tpu.memory_space<hbm>> -> memref<128x64xf32, #tpu.memory_space<hbm>>
      %dma_start3A_279 = arith.constant 0 : i32
      %dma_start3A_280 = tpu.memref_slice %arg16[%mul3A_139, %dma_start3A_279] : memref<10240x64xf32, #tpu.memory_space<vmem_shared>> -> memref<128x64xf32, #tpu.memory_space<vmem_shared>>
      tpu.enqueue_dma source(%dma_start3A_280 : memref<128x64xf32, #tpu.memory_space<vmem_shared>>) target(%dma_start3A_278 : memref<128x64xf32, #tpu.memory_space<hbm>>) target_semaphore(%run_scoped3A_275 : memref<!tpu.dma_semaphore, #tpu.memory_space<semaphore_mem>>)
      %dma_wait3A_281 = arith.constant 0 : i32
      %dma_wait3A_282 = tpu.memref_slice %arg6[%arg0, %mul3A_139, %dma_wait3A_281] : memref<2x10240x64xf32, #tpu.memory_space<hbm>> -> memref<1x128x64xf32, #tpu.memory_space<hbm>>
      %dma_wait3A_283 = tpu.memref_squeeze %dma_wait3A_282 : memref<1x128x64xf32, #tpu.memory_space<hbm>> -> memref<128x64xf32, #tpu.memory_space<hbm>>
      %dma_wait3A_284 = arith.constant 0 : i32
      %dma_wait3A_285 = tpu.memref_slice %arg16[%mul3A_139, %dma_wait3A_284] : memref<10240x64xf32, #tpu.memory_space<vmem_shared>> -> memref<128x64xf32, #tpu.memory_space<vmem_shared>>
      tpu.wait_dma2 semaphore(%run_scoped3A_275 : memref<!tpu.dma_semaphore, #tpu.memory_space<semaphore_mem>>) src(%dma_wait3A_285 : memref<128x64xf32, #tpu.memory_space<vmem_shared>>) dst(%dma_wait3A_283 : memref<128x64xf32, #tpu.memory_space<hbm>>)
      tpu.yield
    }) : () -> ()
    %add3A_140 = arith.constant 48 : i32
    %add3A_141 = arith.addi %arg1, %add3A_140 : i32
    %mul3A_142 = arith.constant 128 : i32
    %mul3A_143 = arith.muli %add3A_141, %mul3A_142 : i32
    "tpu.region"() ({
      %run_scoped3A_275 = tpu.sem_alloc : memref<!tpu.dma_semaphore, #tpu.memory_space<semaphore_mem>>
      %dma_start3A_276 = arith.constant 0 : i32
      %dma_start3A_277 = tpu.memref_slice %arg6[%arg0, %mul3A_143, %dma_start3A_276] : memref<2x10240x64xf32, #tpu.memory_space<hbm>> -> memref<1x128x64xf32, #tpu.memory_space<hbm>>
      %dma_start3A_278 = tpu.memref_squeeze %dma_start3A_277 : memref<1x128x64xf32, #tpu.memory_space<hbm>> -> memref<128x64xf32, #tpu.memory_space<hbm>>
      %dma_start3A_279 = arith.constant 0 : i32
      %dma_start3A_280 = tpu.memref_slice %arg16[%mul3A_143, %dma_start3A_279] : memref<10240x64xf32, #tpu.memory_space<vmem_shared>> -> memref<128x64xf32, #tpu.memory_space<vmem_shared>>
      tpu.enqueue_dma source(%dma_start3A_280 : memref<128x64xf32, #tpu.memory_space<vmem_shared>>) target(%dma_start3A_278 : memref<128x64xf32, #tpu.memory_space<hbm>>) target_semaphore(%run_scoped3A_275 : memref<!tpu.dma_semaphore, #tpu.memory_space<semaphore_mem>>)
      %dma_wait3A_281 = arith.constant 0 : i32
      %dma_wait3A_282 = tpu.memref_slice %arg6[%arg0, %mul3A_143, %dma_wait3A_281] : memref<2x10240x64xf32, #tpu.memory_space<hbm>> -> memref<1x128x64xf32, #tpu.memory_space<hbm>>
      %dma_wait3A_283 = tpu.memref_squeeze %dma_wait3A_282 : memref<1x128x64xf32, #tpu.memory_space<hbm>> -> memref<128x64xf32, #tpu.memory_space<hbm>>
      %dma_wait3A_284 = arith.constant 0 : i32
      %dma_wait3A_285 = tpu.memref_slice %arg16[%mul3A_143, %dma_wait3A_284] : memref<10240x64xf32, #tpu.memory_space<vmem_shared>> -> memref<128x64xf32, #tpu.memory_space<vmem_shared>>
      tpu.wait_dma2 semaphore(%run_scoped3A_275 : memref<!tpu.dma_semaphore, #tpu.memory_space<semaphore_mem>>) src(%dma_wait3A_285 : memref<128x64xf32, #tpu.memory_space<vmem_shared>>) dst(%dma_wait3A_283 : memref<128x64xf32, #tpu.memory_space<hbm>>)
      tpu.yield
    }) : () -> ()
    %add3A_144 = arith.constant 64 : i32
    %add3A_145 = arith.addi %arg1, %add3A_144 : i32
    %mul3A_146 = arith.constant 128 : i32
    %mul3A_147 = arith.muli %add3A_145, %mul3A_146 : i32
    "tpu.region"() ({
      %run_scoped3A_275 = tpu.sem_alloc : memref<!tpu.dma_semaphore, #tpu.memory_space<semaphore_mem>>
      %dma_start3A_276 = arith.constant 0 : i32
      %dma_start3A_277 = tpu.memref_slice %arg6[%arg0, %mul3A_147, %dma_start3A_276] : memref<2x10240x64xf32, #tpu.memory_space<hbm>> -> memref<1x128x64xf32, #tpu.memory_space<hbm>>
      %dma_start3A_278 = tpu.memref_squeeze %dma_start3A_277 : memref<1x128x64xf32, #tpu.memory_space<hbm>> -> memref<128x64xf32, #tpu.memory_space<hbm>>
      %dma_start3A_279 = arith.constant 0 : i32
      %dma_start3A_280 = tpu.memref_slice %arg16[%mul3A_147, %dma_start3A_279] : memref<10240x64xf32, #tpu.memory_space<vmem_shared>> -> memref<128x64xf32, #tpu.memory_space<vmem_shared>>
      tpu.enqueue_dma source(%dma_start3A_280 : memref<128x64xf32, #tpu.memory_space<vmem_shared>>) target(%dma_start3A_278 : memref<128x64xf32, #tpu.memory_space<hbm>>) target_semaphore(%run_scoped3A_275 : memref<!tpu.dma_semaphore, #tpu.memory_space<semaphore_mem>>)
      %dma_wait3A_281 = arith.constant 0 : i32
      %dma_wait3A_282 = tpu.memref_slice %arg6[%arg0, %mul3A_147, %dma_wait3A_281] : memref<2x10240x64xf32, #tpu.memory_space<hbm>> -> memref<1x128x64xf32, #tpu.memory_space<hbm>>
      %dma_wait3A_283 = tpu.memref_squeeze %dma_wait3A_282 : memref<1x128x64xf32, #tpu.memory_space<hbm>> -> memref<128x64xf32, #tpu.memory_space<hbm>>
      %dma_wait3A_284 = arith.constant 0 : i32
      %dma_wait3A_285 = tpu.memref_slice %arg16[%mul3A_147, %dma_wait3A_284] : memref<10240x64xf32, #tpu.memory_space<vmem_shared>> -> memref<128x64xf32, #tpu.memory_space<vmem_shared>>
      tpu.wait_dma2 semaphore(%run_scoped3A_275 : memref<!tpu.dma_semaphore, #tpu.memory_space<semaphore_mem>>) src(%dma_wait3A_285 : memref<128x64xf32, #tpu.memory_space<vmem_shared>>) dst(%dma_wait3A_283 : memref<128x64xf32, #tpu.memory_space<hbm>>)
      tpu.yield
    }) : () -> ()
    %add3A_148 = arith.constant 0 : i32
    %add3A_149 = arith.addi %arg1, %add3A_148 : i32
    %mul3A_150 = arith.constant 128 : i32
    %mul3A_151 = arith.muli %add3A_149, %mul3A_150 : i32
    "tpu.region"() ({
      %run_scoped3A_275 = tpu.sem_alloc : memref<!tpu.dma_semaphore, #tpu.memory_space<semaphore_mem>>
      %dma_start3A_276 = arith.constant 0 : i32
      %dma_start3A_277 = tpu.memref_slice %arg8[%arg0, %mul3A_151, %dma_start3A_276] : memref<2x10240x16xf32, #tpu.memory_space<hbm>> -> memref<1x128x16xf32, #tpu.memory_space<hbm>>
      %dma_start3A_278 = tpu.memref_squeeze %dma_start3A_277 : memref<1x128x16xf32, #tpu.memory_space<hbm>> -> memref<128x16xf32, #tpu.memory_space<hbm>>
      %dma_start3A_279 = arith.constant 0 : i32
      %dma_start3A_280 = tpu.memref_slice %arg17[%mul3A_151, %dma_start3A_279] : memref<10240x16xf32, #tpu.memory_space<vmem_shared>> -> memref<128x16xf32, #tpu.memory_space<vmem_shared>>
      tpu.enqueue_dma source(%dma_start3A_280 : memref<128x16xf32, #tpu.memory_space<vmem_shared>>) target(%dma_start3A_278 : memref<128x16xf32, #tpu.memory_space<hbm>>) target_semaphore(%run_scoped3A_275 : memref<!tpu.dma_semaphore, #tpu.memory_space<semaphore_mem>>)
      %dma_wait3A_281 = arith.constant 0 : i32
      %dma_wait3A_282 = tpu.memref_slice %arg8[%arg0, %mul3A_151, %dma_wait3A_281] : memref<2x10240x16xf32, #tpu.memory_space<hbm>> -> memref<1x128x16xf32, #tpu.memory_space<hbm>>
      %dma_wait3A_283 = tpu.memref_squeeze %dma_wait3A_282 : memref<1x128x16xf32, #tpu.memory_space<hbm>> -> memref<128x16xf32, #tpu.memory_space<hbm>>
      %dma_wait3A_284 = arith.constant 0 : i32
      %dma_wait3A_285 = tpu.memref_slice %arg17[%mul3A_151, %dma_wait3A_284] : memref<10240x16xf32, #tpu.memory_space<vmem_shared>> -> memref<128x16xf32, #tpu.memory_space<vmem_shared>>
      tpu.wait_dma2 semaphore(%run_scoped3A_275 : memref<!tpu.dma_semaphore, #tpu.memory_space<semaphore_mem>>) src(%dma_wait3A_285 : memref<128x16xf32, #tpu.memory_space<vmem_shared>>) dst(%dma_wait3A_283 : memref<128x16xf32, #tpu.memory_space<hbm>>)
      tpu.yield
    }) : () -> ()
    %add3A_152 = arith.constant 16 : i32
    %add3A_153 = arith.addi %arg1, %add3A_152 : i32
    %mul3A_154 = arith.constant 128 : i32
    %mul3A_155 = arith.muli %add3A_153, %mul3A_154 : i32
    "tpu.region"() ({
      %run_scoped3A_275 = tpu.sem_alloc : memref<!tpu.dma_semaphore, #tpu.memory_space<semaphore_mem>>
      %dma_start3A_276 = arith.constant 0 : i32
      %dma_start3A_277 = tpu.memref_slice %arg8[%arg0, %mul3A_155, %dma_start3A_276] : memref<2x10240x16xf32, #tpu.memory_space<hbm>> -> memref<1x128x16xf32, #tpu.memory_space<hbm>>
      %dma_start3A_278 = tpu.memref_squeeze %dma_start3A_277 : memref<1x128x16xf32, #tpu.memory_space<hbm>> -> memref<128x16xf32, #tpu.memory_space<hbm>>
      %dma_start3A_279 = arith.constant 0 : i32
      %dma_start3A_280 = tpu.memref_slice %arg17[%mul3A_155, %dma_start3A_279] : memref<10240x16xf32, #tpu.memory_space<vmem_shared>> -> memref<128x16xf32, #tpu.memory_space<vmem_shared>>
      tpu.enqueue_dma source(%dma_start3A_280 : memref<128x16xf32, #tpu.memory_space<vmem_shared>>) target(%dma_start3A_278 : memref<128x16xf32, #tpu.memory_space<hbm>>) target_semaphore(%run_scoped3A_275 : memref<!tpu.dma_semaphore, #tpu.memory_space<semaphore_mem>>)
      %dma_wait3A_281 = arith.constant 0 : i32
      %dma_wait3A_282 = tpu.memref_slice %arg8[%arg0, %mul3A_155, %dma_wait3A_281] : memref<2x10240x16xf32, #tpu.memory_space<hbm>> -> memref<1x128x16xf32, #tpu.memory_space<hbm>>
      %dma_wait3A_283 = tpu.memref_squeeze %dma_wait3A_282 : memref<1x128x16xf32, #tpu.memory_space<hbm>> -> memref<128x16xf32, #tpu.memory_space<hbm>>
      %dma_wait3A_284 = arith.constant 0 : i32
      %dma_wait3A_285 = tpu.memref_slice %arg17[%mul3A_155, %dma_wait3A_284] : memref<10240x16xf32, #tpu.memory_space<vmem_shared>> -> memref<128x16xf32, #tpu.memory_space<vmem_shared>>
      tpu.wait_dma2 semaphore(%run_scoped3A_275 : memref<!tpu.dma_semaphore, #tpu.memory_space<semaphore_mem>>) src(%dma_wait3A_285 : memref<128x16xf32, #tpu.memory_space<vmem_shared>>) dst(%dma_wait3A_283 : memref<128x16xf32, #tpu.memory_space<hbm>>)
      tpu.yield
    }) : () -> ()
    %add3A_156 = arith.constant 32 : i32
    %add3A_157 = arith.addi %arg1, %add3A_156 : i32
    %mul3A_158 = arith.constant 128 : i32
    %mul3A_159 = arith.muli %add3A_157, %mul3A_158 : i32
    "tpu.region"() ({
      %run_scoped3A_275 = tpu.sem_alloc : memref<!tpu.dma_semaphore, #tpu.memory_space<semaphore_mem>>
      %dma_start3A_276 = arith.constant 0 : i32
      %dma_start3A_277 = tpu.memref_slice %arg8[%arg0, %mul3A_159, %dma_start3A_276] : memref<2x10240x16xf32, #tpu.memory_space<hbm>> -> memref<1x128x16xf32, #tpu.memory_space<hbm>>
      %dma_start3A_278 = tpu.memref_squeeze %dma_start3A_277 : memref<1x128x16xf32, #tpu.memory_space<hbm>> -> memref<128x16xf32, #tpu.memory_space<hbm>>
      %dma_start3A_279 = arith.constant 0 : i32
      %dma_start3A_280 = tpu.memref_slice %arg17[%mul3A_159, %dma_start3A_279] : memref<10240x16xf32, #tpu.memory_space<vmem_shared>> -> memref<128x16xf32, #tpu.memory_space<vmem_shared>>
      tpu.enqueue_dma source(%dma_start3A_280 : memref<128x16xf32, #tpu.memory_space<vmem_shared>>) target(%dma_start3A_278 : memref<128x16xf32, #tpu.memory_space<hbm>>) target_semaphore(%run_scoped3A_275 : memref<!tpu.dma_semaphore, #tpu.memory_space<semaphore_mem>>)
      %dma_wait3A_281 = arith.constant 0 : i32
      %dma_wait3A_282 = tpu.memref_slice %arg8[%arg0, %mul3A_159, %dma_wait3A_281] : memref<2x10240x16xf32, #tpu.memory_space<hbm>> -> memref<1x128x16xf32, #tpu.memory_space<hbm>>
      %dma_wait3A_283 = tpu.memref_squeeze %dma_wait3A_282 : memref<1x128x16xf32, #tpu.memory_space<hbm>> -> memref<128x16xf32, #tpu.memory_space<hbm>>
      %dma_wait3A_284 = arith.constant 0 : i32
      %dma_wait3A_285 = tpu.memref_slice %arg17[%mul3A_159, %dma_wait3A_284] : memref<10240x16xf32, #tpu.memory_space<vmem_shared>> -> memref<128x16xf32, #tpu.memory_space<vmem_shared>>
      tpu.wait_dma2 semaphore(%run_scoped3A_275 : memref<!tpu.dma_semaphore, #tpu.memory_space<semaphore_mem>>) src(%dma_wait3A_285 : memref<128x16xf32, #tpu.memory_space<vmem_shared>>) dst(%dma_wait3A_283 : memref<128x16xf32, #tpu.memory_space<hbm>>)
      tpu.yield
    }) : () -> ()
    %add3A_160 = arith.constant 48 : i32
    %add3A_161 = arith.addi %arg1, %add3A_160 : i32
    %mul3A_162 = arith.constant 128 : i32
    %mul3A_163 = arith.muli %add3A_161, %mul3A_162 : i32
    "tpu.region"() ({
      %run_scoped3A_275 = tpu.sem_alloc : memref<!tpu.dma_semaphore, #tpu.memory_space<semaphore_mem>>
      %dma_start3A_276 = arith.constant 0 : i32
      %dma_start3A_277 = tpu.memref_slice %arg8[%arg0, %mul3A_163, %dma_start3A_276] : memref<2x10240x16xf32, #tpu.memory_space<hbm>> -> memref<1x128x16xf32, #tpu.memory_space<hbm>>
      %dma_start3A_278 = tpu.memref_squeeze %dma_start3A_277 : memref<1x128x16xf32, #tpu.memory_space<hbm>> -> memref<128x16xf32, #tpu.memory_space<hbm>>
      %dma_start3A_279 = arith.constant 0 : i32
      %dma_start3A_280 = tpu.memref_slice %arg17[%mul3A_163, %dma_start3A_279] : memref<10240x16xf32, #tpu.memory_space<vmem_shared>> -> memref<128x16xf32, #tpu.memory_space<vmem_shared>>
      tpu.enqueue_dma source(%dma_start3A_280 : memref<128x16xf32, #tpu.memory_space<vmem_shared>>) target(%dma_start3A_278 : memref<128x16xf32, #tpu.memory_space<hbm>>) target_semaphore(%run_scoped3A_275 : memref<!tpu.dma_semaphore, #tpu.memory_space<semaphore_mem>>)
      %dma_wait3A_281 = arith.constant 0 : i32
      %dma_wait3A_282 = tpu.memref_slice %arg8[%arg0, %mul3A_163, %dma_wait3A_281] : memref<2x10240x16xf32, #tpu.memory_space<hbm>> -> memref<1x128x16xf32, #tpu.memory_space<hbm>>
      %dma_wait3A_283 = tpu.memref_squeeze %dma_wait3A_282 : memref<1x128x16xf32, #tpu.memory_space<hbm>> -> memref<128x16xf32, #tpu.memory_space<hbm>>
      %dma_wait3A_284 = arith.constant 0 : i32
      %dma_wait3A_285 = tpu.memref_slice %arg17[%mul3A_163, %dma_wait3A_284] : memref<10240x16xf32, #tpu.memory_space<vmem_shared>> -> memref<128x16xf32, #tpu.memory_space<vmem_shared>>
      tpu.wait_dma2 semaphore(%run_scoped3A_275 : memref<!tpu.dma_semaphore, #tpu.memory_space<semaphore_mem>>) src(%dma_wait3A_285 : memref<128x16xf32, #tpu.memory_space<vmem_shared>>) dst(%dma_wait3A_283 : memref<128x16xf32, #tpu.memory_space<hbm>>)
      tpu.yield
    }) : () -> ()
    %add3A_164 = arith.constant 64 : i32
    %add3A_165 = arith.addi %arg1, %add3A_164 : i32
    %mul3A_166 = arith.constant 128 : i32
    %mul3A_167 = arith.muli %add3A_165, %mul3A_166 : i32
    "tpu.region"() ({
      %run_scoped3A_275 = tpu.sem_alloc : memref<!tpu.dma_semaphore, #tpu.memory_space<semaphore_mem>>
      %dma_start3A_276 = arith.constant 0 : i32
      %dma_start3A_277 = tpu.memref_slice %arg8[%arg0, %mul3A_167, %dma_start3A_276] : memref<2x10240x16xf32, #tpu.memory_space<hbm>> -> memref<1x128x16xf32, #tpu.memory_space<hbm>>
      %dma_start3A_278 = tpu.memref_squeeze %dma_start3A_277 : memref<1x128x16xf32, #tpu.memory_space<hbm>> -> memref<128x16xf32, #tpu.memory_space<hbm>>
      %dma_start3A_279 = arith.constant 0 : i32
      %dma_start3A_280 = tpu.memref_slice %arg17[%mul3A_167, %dma_start3A_279] : memref<10240x16xf32, #tpu.memory_space<vmem_shared>> -> memref<128x16xf32, #tpu.memory_space<vmem_shared>>
      tpu.enqueue_dma source(%dma_start3A_280 : memref<128x16xf32, #tpu.memory_space<vmem_shared>>) target(%dma_start3A_278 : memref<128x16xf32, #tpu.memory_space<hbm>>) target_semaphore(%run_scoped3A_275 : memref<!tpu.dma_semaphore, #tpu.memory_space<semaphore_mem>>)
      %dma_wait3A_281 = arith.constant 0 : i32
      %dma_wait3A_282 = tpu.memref_slice %arg8[%arg0, %mul3A_167, %dma_wait3A_281] : memref<2x10240x16xf32, #tpu.memory_space<hbm>> -> memref<1x128x16xf32, #tpu.memory_space<hbm>>
      %dma_wait3A_283 = tpu.memref_squeeze %dma_wait3A_282 : memref<1x128x16xf32, #tpu.memory_space<hbm>> -> memref<128x16xf32, #tpu.memory_space<hbm>>
      %dma_wait3A_284 = arith.constant 0 : i32
      %dma_wait3A_285 = tpu.memref_slice %arg17[%mul3A_167, %dma_wait3A_284] : memref<10240x16xf32, #tpu.memory_space<vmem_shared>> -> memref<128x16xf32, #tpu.memory_space<vmem_shared>>
      tpu.wait_dma2 semaphore(%run_scoped3A_275 : memref<!tpu.dma_semaphore, #tpu.memory_space<semaphore_mem>>) src(%dma_wait3A_285 : memref<128x16xf32, #tpu.memory_space<vmem_shared>>) dst(%dma_wait3A_283 : memref<128x16xf32, #tpu.memory_space<hbm>>)
      tpu.yield
    }) : () -> ()
    %add3A_168 = arith.constant 0 : i32
    %add3A_169 = arith.addi %arg1, %add3A_168 : i32
    %mul3A_170 = arith.constant 128 : i32
    %mul3A_171 = arith.muli %add3A_169, %mul3A_170 : i32
    "tpu.region"() ({
      %run_scoped3A_275 = tpu.sem_alloc : memref<!tpu.dma_semaphore, #tpu.memory_space<semaphore_mem>>
      %dma_start3A_276 = arith.constant 0 : i32
      %dma_start3A_277 = tpu.memref_slice %arg16[%mul3A_171, %dma_start3A_276] : memref<10240x64xf32, #tpu.memory_space<vmem_shared>> -> memref<128x64xf32, #tpu.memory_space<vmem_shared>>
      %dma_start3A_278 = arith.constant 0 : i32
      %dma_start3A_279 = tpu.memref_slice %arg16[%mul3A_171, %dma_start3A_278] : memref<10240x64xf32, #tpu.memory_space<vmem_shared>> -> memref<128x64xf32, #tpu.memory_space<vmem_shared>>
      tpu.enqueue_dma source(%arg14 : memref<128x64xf32, #tpu.memory_space<vmem>>) target(%dma_start3A_279 : memref<128x64xf32, #tpu.memory_space<vmem_shared>>) target_semaphore(%run_scoped3A_275 : memref<!tpu.dma_semaphore, #tpu.memory_space<semaphore_mem>>)
      %dma_wait3A_280 = arith.constant 0 : i32
      %dma_wait3A_281 = tpu.memref_slice %arg16[%mul3A_171, %dma_wait3A_280] : memref<10240x64xf32, #tpu.memory_space<vmem_shared>> -> memref<128x64xf32, #tpu.memory_space<vmem_shared>>
      %dma_wait3A_282 = arith.constant 0 : i32
      %dma_wait3A_283 = tpu.memref_slice %arg16[%mul3A_171, %dma_wait3A_282] : memref<10240x64xf32, #tpu.memory_space<vmem_shared>> -> memref<128x64xf32, #tpu.memory_space<vmem_shared>>
      tpu.wait_dma2 semaphore(%run_scoped3A_275 : memref<!tpu.dma_semaphore, #tpu.memory_space<semaphore_mem>>) src(%arg14 : memref<128x64xf32, #tpu.memory_space<vmem>>) dst(%dma_wait3A_283 : memref<128x64xf32, #tpu.memory_space<vmem_shared>>)
      tpu.yield
    }) : () -> ()
    %add3A_172 = arith.constant 16 : i32
    %add3A_173 = arith.addi %arg1, %add3A_172 : i32
    %mul3A_174 = arith.constant 128 : i32
    %mul3A_175 = arith.muli %add3A_173, %mul3A_174 : i32
    "tpu.region"() ({
      %run_scoped3A_275 = tpu.sem_alloc : memref<!tpu.dma_semaphore, #tpu.memory_space<semaphore_mem>>
      %dma_start3A_276 = arith.constant 0 : i32
      %dma_start3A_277 = tpu.memref_slice %arg16[%mul3A_175, %dma_start3A_276] : memref<10240x64xf32, #tpu.memory_space<vmem_shared>> -> memref<128x64xf32, #tpu.memory_space<vmem_shared>>
      %dma_start3A_278 = arith.constant 0 : i32
      %dma_start3A_279 = tpu.memref_slice %arg16[%mul3A_175, %dma_start3A_278] : memref<10240x64xf32, #tpu.memory_space<vmem_shared>> -> memref<128x64xf32, #tpu.memory_space<vmem_shared>>
      tpu.enqueue_dma source(%arg14 : memref<128x64xf32, #tpu.memory_space<vmem>>) target(%dma_start3A_279 : memref<128x64xf32, #tpu.memory_space<vmem_shared>>) target_semaphore(%run_scoped3A_275 : memref<!tpu.dma_semaphore, #tpu.memory_space<semaphore_mem>>)
      %dma_wait3A_280 = arith.constant 0 : i32
      %dma_wait3A_281 = tpu.memref_slice %arg16[%mul3A_175, %dma_wait3A_280] : memref<10240x64xf32, #tpu.memory_space<vmem_shared>> -> memref<128x64xf32, #tpu.memory_space<vmem_shared>>
      %dma_wait3A_282 = arith.constant 0 : i32
      %dma_wait3A_283 = tpu.memref_slice %arg16[%mul3A_175, %dma_wait3A_282] : memref<10240x64xf32, #tpu.memory_space<vmem_shared>> -> memref<128x64xf32, #tpu.memory_space<vmem_shared>>
      tpu.wait_dma2 semaphore(%run_scoped3A_275 : memref<!tpu.dma_semaphore, #tpu.memory_space<semaphore_mem>>) src(%arg14 : memref<128x64xf32, #tpu.memory_space<vmem>>) dst(%dma_wait3A_283 : memref<128x64xf32, #tpu.memory_space<vmem_shared>>)
      tpu.yield
    }) : () -> ()
    %add3A_176 = arith.constant 32 : i32
    %add3A_177 = arith.addi %arg1, %add3A_176 : i32
    %mul3A_178 = arith.constant 128 : i32
    %mul3A_179 = arith.muli %add3A_177, %mul3A_178 : i32
    "tpu.region"() ({
      %run_scoped3A_275 = tpu.sem_alloc : memref<!tpu.dma_semaphore, #tpu.memory_space<semaphore_mem>>
      %dma_start3A_276 = arith.constant 0 : i32
      %dma_start3A_277 = tpu.memref_slice %arg16[%mul3A_179, %dma_start3A_276] : memref<10240x64xf32, #tpu.memory_space<vmem_shared>> -> memref<128x64xf32, #tpu.memory_space<vmem_shared>>
      %dma_start3A_278 = arith.constant 0 : i32
      %dma_start3A_279 = tpu.memref_slice %arg16[%mul3A_179, %dma_start3A_278] : memref<10240x64xf32, #tpu.memory_space<vmem_shared>> -> memref<128x64xf32, #tpu.memory_space<vmem_shared>>
      tpu.enqueue_dma source(%arg14 : memref<128x64xf32, #tpu.memory_space<vmem>>) target(%dma_start3A_279 : memref<128x64xf32, #tpu.memory_space<vmem_shared>>) target_semaphore(%run_scoped3A_275 : memref<!tpu.dma_semaphore, #tpu.memory_space<semaphore_mem>>)
      %dma_wait3A_280 = arith.constant 0 : i32
      %dma_wait3A_281 = tpu.memref_slice %arg16[%mul3A_179, %dma_wait3A_280] : memref<10240x64xf32, #tpu.memory_space<vmem_shared>> -> memref<128x64xf32, #tpu.memory_space<vmem_shared>>
      %dma_wait3A_282 = arith.constant 0 : i32
      %dma_wait3A_283 = tpu.memref_slice %arg16[%mul3A_179, %dma_wait3A_282] : memref<10240x64xf32, #tpu.memory_space<vmem_shared>> -> memref<128x64xf32, #tpu.memory_space<vmem_shared>>
      tpu.wait_dma2 semaphore(%run_scoped3A_275 : memref<!tpu.dma_semaphore, #tpu.memory_space<semaphore_mem>>) src(%arg14 : memref<128x64xf32, #tpu.memory_space<vmem>>) dst(%dma_wait3A_283 : memref<128x64xf32, #tpu.memory_space<vmem_shared>>)
      tpu.yield
    }) : () -> ()
    %add3A_180 = arith.constant 48 : i32
    %add3A_181 = arith.addi %arg1, %add3A_180 : i32
    %mul3A_182 = arith.constant 128 : i32
    %mul3A_183 = arith.muli %add3A_181, %mul3A_182 : i32
    "tpu.region"() ({
      %run_scoped3A_275 = tpu.sem_alloc : memref<!tpu.dma_semaphore, #tpu.memory_space<semaphore_mem>>
      %dma_start3A_276 = arith.constant 0 : i32
      %dma_start3A_277 = tpu.memref_slice %arg16[%mul3A_183, %dma_start3A_276] : memref<10240x64xf32, #tpu.memory_space<vmem_shared>> -> memref<128x64xf32, #tpu.memory_space<vmem_shared>>
      %dma_start3A_278 = arith.constant 0 : i32
      %dma_start3A_279 = tpu.memref_slice %arg16[%mul3A_183, %dma_start3A_278] : memref<10240x64xf32, #tpu.memory_space<vmem_shared>> -> memref<128x64xf32, #tpu.memory_space<vmem_shared>>
      tpu.enqueue_dma source(%arg14 : memref<128x64xf32, #tpu.memory_space<vmem>>) target(%dma_start3A_279 : memref<128x64xf32, #tpu.memory_space<vmem_shared>>) target_semaphore(%run_scoped3A_275 : memref<!tpu.dma_semaphore, #tpu.memory_space<semaphore_mem>>)
      %dma_wait3A_280 = arith.constant 0 : i32
      %dma_wait3A_281 = tpu.memref_slice %arg16[%mul3A_183, %dma_wait3A_280] : memref<10240x64xf32, #tpu.memory_space<vmem_shared>> -> memref<128x64xf32, #tpu.memory_space<vmem_shared>>
      %dma_wait3A_282 = arith.constant 0 : i32
      %dma_wait3A_283 = tpu.memref_slice %arg16[%mul3A_183, %dma_wait3A_282] : memref<10240x64xf32, #tpu.memory_space<vmem_shared>> -> memref<128x64xf32, #tpu.memory_space<vmem_shared>>
      tpu.wait_dma2 semaphore(%run_scoped3A_275 : memref<!tpu.dma_semaphore, #tpu.memory_space<semaphore_mem>>) src(%arg14 : memref<128x64xf32, #tpu.memory_space<vmem>>) dst(%dma_wait3A_283 : memref<128x64xf32, #tpu.memory_space<vmem_shared>>)
      tpu.yield
    }) : () -> ()
    %add3A_184 = arith.constant 64 : i32
    %add3A_185 = arith.addi %arg1, %add3A_184 : i32
    %mul3A_186 = arith.constant 128 : i32
    %mul3A_187 = arith.muli %add3A_185, %mul3A_186 : i32
    "tpu.region"() ({
      %run_scoped3A_275 = tpu.sem_alloc : memref<!tpu.dma_semaphore, #tpu.memory_space<semaphore_mem>>
      %dma_start3A_276 = arith.constant 0 : i32
      %dma_start3A_277 = tpu.memref_slice %arg16[%mul3A_187, %dma_start3A_276] : memref<10240x64xf32, #tpu.memory_space<vmem_shared>> -> memref<128x64xf32, #tpu.memory_space<vmem_shared>>
      %dma_start3A_278 = arith.constant 0 : i32
      %dma_start3A_279 = tpu.memref_slice %arg16[%mul3A_187, %dma_start3A_278] : memref<10240x64xf32, #tpu.memory_space<vmem_shared>> -> memref<128x64xf32, #tpu.memory_space<vmem_shared>>
      tpu.enqueue_dma source(%arg14 : memref<128x64xf32, #tpu.memory_space<vmem>>) target(%dma_start3A_279 : memref<128x64xf32, #tpu.memory_space<vmem_shared>>) target_semaphore(%run_scoped3A_275 : memref<!tpu.dma_semaphore, #tpu.memory_space<semaphore_mem>>)
      %dma_wait3A_280 = arith.constant 0 : i32
      %dma_wait3A_281 = tpu.memref_slice %arg16[%mul3A_187, %dma_wait3A_280] : memref<10240x64xf32, #tpu.memory_space<vmem_shared>> -> memref<128x64xf32, #tpu.memory_space<vmem_shared>>
      %dma_wait3A_282 = arith.constant 0 : i32
      %dma_wait3A_283 = tpu.memref_slice %arg16[%mul3A_187, %dma_wait3A_282] : memref<10240x64xf32, #tpu.memory_space<vmem_shared>> -> memref<128x64xf32, #tpu.memory_space<vmem_shared>>
      tpu.wait_dma2 semaphore(%run_scoped3A_275 : memref<!tpu.dma_semaphore, #tpu.memory_space<semaphore_mem>>) src(%arg14 : memref<128x64xf32, #tpu.memory_space<vmem>>) dst(%dma_wait3A_283 : memref<128x64xf32, #tpu.memory_space<vmem_shared>>)
      tpu.yield
    }) : () -> ()
    %barrier3A_188 = arith.constant 0 : index
    tpu.barrier barrier_id(%barrier3A_188)
    %dma_start3A_189 = arith.constant 0 : i32
    %dma_start3A_190 = arith.constant 0 : i32
    %dma_start3A_191 = tpu.memref_slice %arg9[%dma_start3A_189, %dma_start3A_190] : memref<79x128xi32, #tpu.memory_space<vmem>> -> memref<1x128xi32, #tpu.memory_space<vmem>>
    %dma_start3A_192 = tpu.memref_squeeze %dma_start3A_191 : memref<1x128xi32, #tpu.memory_space<vmem>> -> memref<128xi32, #tpu.memory_space<vmem>>
    %dma_start3A_193 = arith.constant 0 : i32
    %dma_start3A_194 = arith.constant 0 : i32
    %dma_start3A_195 = tpu.memref_slice %arg3[%dma_start3A_193, %dma_start3A_194] : memref<10000x64xf32, #tpu.memory_space<hbm>> -> memref<10000x64xf32, #tpu.memory_space<hbm>>
    tpu.enqueue_indirect_dma source(%dma_start3A_195 : memref<10000x64xf32, #tpu.memory_space<hbm>>) target(%arg11 : memref<128x64xf32, #tpu.memory_space<vmem>>) offsets(%dma_start3A_192 : memref<128xi32, #tpu.memory_space<vmem>>) semaphore(%arg18 : memref<!tpu.dma_semaphore, #tpu.memory_space<semaphore_mem>>)
    %dma_start3A_196 = arith.constant 1 : i32
    %dma_start3A_197 = arith.constant 0 : i32
    %dma_start3A_198 = tpu.memref_slice %arg9[%dma_start3A_196, %dma_start3A_197] : memref<79x128xi32, #tpu.memory_space<vmem>> -> memref<1x128xi32, #tpu.memory_space<vmem>>
    %dma_start3A_199 = tpu.memref_squeeze %dma_start3A_198 : memref<1x128xi32, #tpu.memory_space<vmem>> -> memref<128xi32, #tpu.memory_space<vmem>>
    %dma_start3A_200 = arith.constant 0 : i32
    %dma_start3A_201 = arith.constant 0 : i32
    %dma_start3A_202 = tpu.memref_slice %arg3[%dma_start3A_200, %dma_start3A_201] : memref<10000x64xf32, #tpu.memory_space<hbm>> -> memref<10000x64xf32, #tpu.memory_space<hbm>>
    tpu.enqueue_indirect_dma source(%dma_start3A_202 : memref<10000x64xf32, #tpu.memory_space<hbm>>) target(%arg12 : memref<128x64xf32, #tpu.memory_space<vmem>>) offsets(%dma_start3A_199 : memref<128xi32, #tpu.memory_space<vmem>>) semaphore(%arg19 : memref<!tpu.dma_semaphore, #tpu.memory_space<semaphore_mem>>)
    %dma_start3A_203 = arith.constant 2 : i32
    %dma_start3A_204 = arith.constant 0 : i32
    %dma_start3A_205 = tpu.memref_slice %arg9[%dma_start3A_203, %dma_start3A_204] : memref<79x128xi32, #tpu.memory_space<vmem>> -> memref<1x128xi32, #tpu.memory_space<vmem>>
    %dma_start3A_206 = tpu.memref_squeeze %dma_start3A_205 : memref<1x128xi32, #tpu.memory_space<vmem>> -> memref<128xi32, #tpu.memory_space<vmem>>
    %dma_start3A_207 = arith.constant 0 : i32
    %dma_start3A_208 = arith.constant 0 : i32
    %dma_start3A_209 = tpu.memref_slice %arg3[%dma_start3A_207, %dma_start3A_208] : memref<10000x64xf32, #tpu.memory_space<hbm>> -> memref<10000x64xf32, #tpu.memory_space<hbm>>
    tpu.enqueue_indirect_dma source(%dma_start3A_209 : memref<10000x64xf32, #tpu.memory_space<hbm>>) target(%arg13 : memref<128x64xf32, #tpu.memory_space<vmem>>) offsets(%dma_start3A_206 : memref<128xi32, #tpu.memory_space<vmem>>) semaphore(%arg20 : memref<!tpu.dma_semaphore, #tpu.memory_space<semaphore_mem>>)
    %scan3A_210 = arith.constant 0 : i32
    %scan3A_211 = arith.constant 25 : i32
    %scan3A_212 = arith.addi %scan3A_210, %scan3A_211 : i32
    %scan3A_213 = arith.constant 1 : i32
    scf.for %scan3A_275 = %scan3A_210 to %scan3A_212 step %scan3A_213  : i32 {
      %mul3A_276 = arith.constant 3 : i32
      %mul3A_277 = arith.muli %scan3A_275, %mul3A_276 : i32
      %add3A_278 = arith.constant 0 : i32
      %add3A_279 = arith.addi %add3A_278, %mul3A_277 : i32
      %dma_wait3A_280 = arith.constant 0 : i32
      %dma_wait3A_281 = tpu.memref_slice %arg9[%add3A_279, %dma_wait3A_280] : memref<79x128xi32, #tpu.memory_space<vmem>> -> memref<1x128xi32, #tpu.memory_space<vmem>>
      %dma_wait3A_282 = tpu.memref_squeeze %dma_wait3A_281 : memref<1x128xi32, #tpu.memory_space<vmem>> -> memref<128xi32, #tpu.memory_space<vmem>>
      %dma_wait3A_283 = arith.constant 0 : i32
      %dma_wait3A_284 = arith.constant 0 : i32
      %dma_wait3A_285 = tpu.memref_slice %arg3[%dma_wait3A_283, %dma_wait3A_284] : memref<10000x64xf32, #tpu.memory_space<hbm>> -> memref<10000x64xf32, #tpu.memory_space<hbm>>
      tpu.wait_indirect_dma semaphore(%arg18 : memref<!tpu.dma_semaphore, #tpu.memory_space<semaphore_mem>>) src(%dma_wait3A_285 : memref<10000x64xf32, #tpu.memory_space<hbm>>) dst(%arg11 : memref<128x64xf32, #tpu.memory_space<vmem>>)
      "tpu.region"() ({
        %run_scoped3A_330 = tpu.sem_alloc : memref<!tpu.dma_semaphore, #tpu.memory_space<semaphore_mem>>
        %dma_start3A_331 = arith.constant 0 : i32
        %dma_start3A_332 = tpu.memref_slice %arg10[%add3A_279, %dma_start3A_331] : memref<79x128xi32, #tpu.memory_space<vmem>> -> memref<1x128xi32, #tpu.memory_space<vmem>>
        %dma_start3A_333 = tpu.memref_squeeze %dma_start3A_332 : memref<1x128xi32, #tpu.memory_space<vmem>> -> memref<128xi32, #tpu.memory_space<vmem>>
        %dma_start3A_334 = arith.constant 0 : i32
        %dma_start3A_335 = arith.constant 0 : i32
        %dma_start3A_336 = tpu.memref_slice %arg16[%dma_start3A_334, %dma_start3A_335] : memref<10240x64xf32, #tpu.memory_space<vmem_shared>> -> memref<10240x64xf32, #tpu.memory_space<vmem_shared>>
        tpu.enqueue_indirect_dma source(%arg11 : memref<128x64xf32, #tpu.memory_space<vmem>>) target(%dma_start3A_336 : memref<10240x64xf32, #tpu.memory_space<vmem_shared>>) offsets(%dma_start3A_333 : memref<128xi32, #tpu.memory_space<vmem>>) semaphore(%run_scoped3A_330 : memref<!tpu.dma_semaphore, #tpu.memory_space<semaphore_mem>>) {add = true}
        %dma_wait3A_337 = arith.constant 0 : i32
        %dma_wait3A_338 = tpu.memref_slice %arg10[%add3A_279, %dma_wait3A_337] : memref<79x128xi32, #tpu.memory_space<vmem>> -> memref<1x128xi32, #tpu.memory_space<vmem>>
        %dma_wait3A_339 = tpu.memref_squeeze %dma_wait3A_338 : memref<1x128xi32, #tpu.memory_space<vmem>> -> memref<128xi32, #tpu.memory_space<vmem>>
        %dma_wait3A_340 = arith.constant 0 : i32
        %dma_wait3A_341 = arith.constant 0 : i32
        %dma_wait3A_342 = tpu.memref_slice %arg16[%dma_wait3A_340, %dma_wait3A_341] : memref<10240x64xf32, #tpu.memory_space<vmem_shared>> -> memref<10240x64xf32, #tpu.memory_space<vmem_shared>>
        tpu.wait_indirect_dma semaphore(%run_scoped3A_330 : memref<!tpu.dma_semaphore, #tpu.memory_space<semaphore_mem>>) src(%arg11 : memref<128x64xf32, #tpu.memory_space<vmem>>) dst(%dma_wait3A_342 : memref<10240x64xf32, #tpu.memory_space<vmem_shared>>)
        tpu.yield
      }) : () -> ()
      %add3A_286 = arith.constant 3 : i32
      %add3A_287 = arith.addi %add3A_279, %add3A_286 : i32
      %dma_start3A_288 = arith.constant 0 : i32
      %dma_start3A_289 = tpu.memref_slice %arg9[%add3A_287, %dma_start3A_288] : memref<79x128xi32, #tpu.memory_space<vmem>> -> memref<1x128xi32, #tpu.memory_space<vmem>>
      %dma_start3A_290 = tpu.memref_squeeze %dma_start3A_289 : memref<1x128xi32, #tpu.memory_space<vmem>> -> memref<128xi32, #tpu.memory_space<vmem>>
      %dma_start3A_291 = arith.constant 0 : i32
      %dma_start3A_292 = arith.constant 0 : i32
      %dma_start3A_293 = tpu.memref_slice %arg3[%dma_start3A_291, %dma_start3A_292] : memref<10000x64xf32, #tpu.memory_space<hbm>> -> memref<10000x64xf32, #tpu.memory_space<hbm>>
      tpu.enqueue_indirect_dma source(%dma_start3A_293 : memref<10000x64xf32, #tpu.memory_space<hbm>>) target(%arg11 : memref<128x64xf32, #tpu.memory_space<vmem>>) offsets(%dma_start3A_290 : memref<128xi32, #tpu.memory_space<vmem>>) semaphore(%arg18 : memref<!tpu.dma_semaphore, #tpu.memory_space<semaphore_mem>>)
      %add3A_294 = arith.constant 1 : i32
      %add3A_295 = arith.addi %add3A_279, %add3A_294 : i32
      %dma_wait3A_296 = arith.constant 0 : i32
      %dma_wait3A_297 = tpu.memref_slice %arg9[%add3A_295, %dma_wait3A_296] : memref<79x128xi32, #tpu.memory_space<vmem>> -> memref<1x128xi32, #tpu.memory_space<vmem>>
      %dma_wait3A_298 = tpu.memref_squeeze %dma_wait3A_297 : memref<1x128xi32, #tpu.memory_space<vmem>> -> memref<128xi32, #tpu.memory_space<vmem>>
      %dma_wait3A_299 = arith.constant 0 : i32
      %dma_wait3A_300 = arith.constant 0 : i32
      %dma_wait3A_301 = tpu.memref_slice %arg3[%dma_wait3A_299, %dma_wait3A_300] : memref<10000x64xf32, #tpu.memory_space<hbm>> -> memref<10000x64xf32, #tpu.memory_space<hbm>>
      tpu.wait_indirect_dma semaphore(%arg19 : memref<!tpu.dma_semaphore, #tpu.memory_space<semaphore_mem>>) src(%dma_wait3A_301 : memref<10000x64xf32, #tpu.memory_space<hbm>>) dst(%arg12 : memref<128x64xf32, #tpu.memory_space<vmem>>)
      %add3A_302 = arith.constant 1 : i32
      %add3A_303 = arith.addi %add3A_279, %add3A_302 : i32
      "tpu.region"() ({
        %run_scoped3A_330 = tpu.sem_alloc : memref<!tpu.dma_semaphore, #tpu.memory_space<semaphore_mem>>
        %dma_start3A_331 = arith.constant 0 : i32
        %dma_start3A_332 = tpu.memref_slice %arg10[%add3A_303, %dma_start3A_331] : memref<79x128xi32, #tpu.memory_space<vmem>> -> memref<1x128xi32, #tpu.memory_space<vmem>>
        %dma_start3A_333 = tpu.memref_squeeze %dma_start3A_332 : memref<1x128xi32, #tpu.memory_space<vmem>> -> memref<128xi32, #tpu.memory_space<vmem>>
        %dma_start3A_334 = arith.constant 0 : i32
        %dma_start3A_335 = arith.constant 0 : i32
        %dma_start3A_336 = tpu.memref_slice %arg16[%dma_start3A_334, %dma_start3A_335] : memref<10240x64xf32, #tpu.memory_space<vmem_shared>> -> memref<10240x64xf32, #tpu.memory_space<vmem_shared>>
        tpu.enqueue_indirect_dma source(%arg12 : memref<128x64xf32, #tpu.memory_space<vmem>>) target(%dma_start3A_336 : memref<10240x64xf32, #tpu.memory_space<vmem_shared>>) offsets(%dma_start3A_333 : memref<128xi32, #tpu.memory_space<vmem>>) semaphore(%run_scoped3A_330 : memref<!tpu.dma_semaphore, #tpu.memory_space<semaphore_mem>>) {add = true}
        %dma_wait3A_337 = arith.constant 0 : i32
        %dma_wait3A_338 = tpu.memref_slice %arg10[%add3A_303, %dma_wait3A_337] : memref<79x128xi32, #tpu.memory_space<vmem>> -> memref<1x128xi32, #tpu.memory_space<vmem>>
        %dma_wait3A_339 = tpu.memref_squeeze %dma_wait3A_338 : memref<1x128xi32, #tpu.memory_space<vmem>> -> memref<128xi32, #tpu.memory_space<vmem>>
        %dma_wait3A_340 = arith.constant 0 : i32
        %dma_wait3A_341 = arith.constant 0 : i32
        %dma_wait3A_342 = tpu.memref_slice %arg16[%dma_wait3A_340, %dma_wait3A_341] : memref<10240x64xf32, #tpu.memory_space<vmem_shared>> -> memref<10240x64xf32, #tpu.memory_space<vmem_shared>>
        tpu.wait_indirect_dma semaphore(%run_scoped3A_330 : memref<!tpu.dma_semaphore, #tpu.memory_space<semaphore_mem>>) src(%arg12 : memref<128x64xf32, #tpu.memory_space<vmem>>) dst(%dma_wait3A_342 : memref<10240x64xf32, #tpu.memory_space<vmem_shared>>)
        tpu.yield
      }) : () -> ()
      %add3A_304 = arith.constant 4 : i32
      %add3A_305 = arith.addi %add3A_279, %add3A_304 : i32
      %dma_start3A_306 = arith.constant 0 : i32
      %dma_start3A_307 = tpu.memref_slice %arg9[%add3A_305, %dma_start3A_306] : memref<79x128xi32, #tpu.memory_space<vmem>> -> memref<1x128xi32, #tpu.memory_space<vmem>>
      %dma_start3A_308 = tpu.memref_squeeze %dma_start3A_307 : memref<1x128xi32, #tpu.memory_space<vmem>> -> memref<128xi32, #tpu.memory_space<vmem>>
      %dma_start3A_309 = arith.constant 0 : i32
      %dma_start3A_310 = arith.constant 0 : i32
      %dma_start3A_311 = tpu.memref_slice %arg3[%dma_start3A_309, %dma_start3A_310] : memref<10000x64xf32, #tpu.memory_space<hbm>> -> memref<10000x64xf32, #tpu.memory_space<hbm>>
      tpu.enqueue_indirect_dma source(%dma_start3A_311 : memref<10000x64xf32, #tpu.memory_space<hbm>>) target(%arg12 : memref<128x64xf32, #tpu.memory_space<vmem>>) offsets(%dma_start3A_308 : memref<128xi32, #tpu.memory_space<vmem>>) semaphore(%arg19 : memref<!tpu.dma_semaphore, #tpu.memory_space<semaphore_mem>>)
      %add3A_312 = arith.constant 2 : i32
      %add3A_313 = arith.addi %add3A_279, %add3A_312 : i32
      %dma_wait3A_314 = arith.constant 0 : i32
      %dma_wait3A_315 = tpu.memref_slice %arg9[%add3A_313, %dma_wait3A_314] : memref<79x128xi32, #tpu.memory_space<vmem>> -> memref<1x128xi32, #tpu.memory_space<vmem>>
      %dma_wait3A_316 = tpu.memref_squeeze %dma_wait3A_315 : memref<1x128xi32, #tpu.memory_space<vmem>> -> memref<128xi32, #tpu.memory_space<vmem>>
      %dma_wait3A_317 = arith.constant 0 : i32
      %dma_wait3A_318 = arith.constant 0 : i32
      %dma_wait3A_319 = tpu.memref_slice %arg3[%dma_wait3A_317, %dma_wait3A_318] : memref<10000x64xf32, #tpu.memory_space<hbm>> -> memref<10000x64xf32, #tpu.memory_space<hbm>>
      tpu.wait_indirect_dma semaphore(%arg20 : memref<!tpu.dma_semaphore, #tpu.memory_space<semaphore_mem>>) src(%dma_wait3A_319 : memref<10000x64xf32, #tpu.memory_space<hbm>>) dst(%arg13 : memref<128x64xf32, #tpu.memory_space<vmem>>)
      %add3A_320 = arith.constant 2 : i32
      %add3A_321 = arith.addi %add3A_279, %add3A_320 : i32
      "tpu.region"() ({
        %run_scoped3A_330 = tpu.sem_alloc : memref<!tpu.dma_semaphore, #tpu.memory_space<semaphore_mem>>
        %dma_start3A_331 = arith.constant 0 : i32
        %dma_start3A_332 = tpu.memref_slice %arg10[%add3A_321, %dma_start3A_331] : memref<79x128xi32, #tpu.memory_space<vmem>> -> memref<1x128xi32, #tpu.memory_space<vmem>>
        %dma_start3A_333 = tpu.memref_squeeze %dma_start3A_332 : memref<1x128xi32, #tpu.memory_space<vmem>> -> memref<128xi32, #tpu.memory_space<vmem>>
        %dma_start3A_334 = arith.constant 0 : i32
        %dma_start3A_335 = arith.constant 0 : i32
        %dma_start3A_336 = tpu.memref_slice %arg16[%dma_start3A_334, %dma_start3A_335] : memref<10240x64xf32, #tpu.memory_space<vmem_shared>> -> memref<10240x64xf32, #tpu.memory_space<vmem_shared>>
        tpu.enqueue_indirect_dma source(%arg13 : memref<128x64xf32, #tpu.memory_space<vmem>>) target(%dma_start3A_336 : memref<10240x64xf32, #tpu.memory_space<vmem_shared>>) offsets(%dma_start3A_333 : memref<128xi32, #tpu.memory_space<vmem>>) semaphore(%run_scoped3A_330 : memref<!tpu.dma_semaphore, #tpu.memory_space<semaphore_mem>>) {add = true}
        %dma_wait3A_337 = arith.constant 0 : i32
        %dma_wait3A_338 = tpu.memref_slice %arg10[%add3A_321, %dma_wait3A_337] : memref<79x128xi32, #tpu.memory_space<vmem>> -> memref<1x128xi32, #tpu.memory_space<vmem>>
        %dma_wait3A_339 = tpu.memref_squeeze %dma_wait3A_338 : memref<1x128xi32, #tpu.memory_space<vmem>> -> memref<128xi32, #tpu.memory_space<vmem>>
        %dma_wait3A_340 = arith.constant 0 : i32
        %dma_wait3A_341 = arith.constant 0 : i32
        %dma_wait3A_342 = tpu.memref_slice %arg16[%dma_wait3A_340, %dma_wait3A_341] : memref<10240x64xf32, #tpu.memory_space<vmem_shared>> -> memref<10240x64xf32, #tpu.memory_space<vmem_shared>>
        tpu.wait_indirect_dma semaphore(%run_scoped3A_330 : memref<!tpu.dma_semaphore, #tpu.memory_space<semaphore_mem>>) src(%arg13 : memref<128x64xf32, #tpu.memory_space<vmem>>) dst(%dma_wait3A_342 : memref<10240x64xf32, #tpu.memory_space<vmem_shared>>)
        tpu.yield
      }) : () -> ()
      %add3A_322 = arith.constant 5 : i32
      %add3A_323 = arith.addi %add3A_279, %add3A_322 : i32
      %dma_start3A_324 = arith.constant 0 : i32
      %dma_start3A_325 = tpu.memref_slice %arg9[%add3A_323, %dma_start3A_324] : memref<79x128xi32, #tpu.memory_space<vmem>> -> memref<1x128xi32, #tpu.memory_space<vmem>>
      %dma_start3A_326 = tpu.memref_squeeze %dma_start3A_325 : memref<1x128xi32, #tpu.memory_space<vmem>> -> memref<128xi32, #tpu.memory_space<vmem>>
      %dma_start3A_327 = arith.constant 0 : i32
      %dma_start3A_328 = arith.constant 0 : i32
      %dma_start3A_329 = tpu.memref_slice %arg3[%dma_start3A_327, %dma_start3A_328] : memref<10000x64xf32, #tpu.memory_space<hbm>> -> memref<10000x64xf32, #tpu.memory_space<hbm>>
      tpu.enqueue_indirect_dma source(%dma_start3A_329 : memref<10000x64xf32, #tpu.memory_space<hbm>>) target(%arg13 : memref<128x64xf32, #tpu.memory_space<vmem>>) offsets(%dma_start3A_326 : memref<128xi32, #tpu.memory_space<vmem>>) semaphore(%arg20 : memref<!tpu.dma_semaphore, #tpu.memory_space<semaphore_mem>>)
    }
    %scan3A_214 = arith.constant 25 : i32
    %dma_wait3A_215 = arith.constant 75 : i32
    %dma_wait3A_216 = arith.constant 0 : i32
    %dma_wait3A_217 = tpu.memref_slice %arg9[%dma_wait3A_215, %dma_wait3A_216] : memref<79x128xi32, #tpu.memory_space<vmem>> -> memref<1x128xi32, #tpu.memory_space<vmem>>
    %dma_wait3A_218 = tpu.memref_squeeze %dma_wait3A_217 : memref<1x128xi32, #tpu.memory_space<vmem>> -> memref<128xi32, #tpu.memory_space<vmem>>
    %dma_wait3A_219 = arith.constant 0 : i32
    %dma_wait3A_220 = arith.constant 0 : i32
    %dma_wait3A_221 = tpu.memref_slice %arg3[%dma_wait3A_219, %dma_wait3A_220] : memref<10000x64xf32, #tpu.memory_space<hbm>> -> memref<10000x64xf32, #tpu.memory_space<hbm>>
    tpu.wait_indirect_dma semaphore(%arg18 : memref<!tpu.dma_semaphore, #tpu.memory_space<semaphore_mem>>) src(%dma_wait3A_221 : memref<10000x64xf32, #tpu.memory_space<hbm>>) dst(%arg11 : memref<128x64xf32, #tpu.memory_space<vmem>>)
    %run_scoped3A_222 = arith.constant 75 : i32
    "tpu.region"() ({
      %run_scoped3A_275 = tpu.sem_alloc : memref<!tpu.dma_semaphore, #tpu.memory_space<semaphore_mem>>
      %dma_start3A_276 = arith.constant 0 : i32
      %dma_start3A_277 = tpu.memref_slice %arg10[%run_scoped3A_222, %dma_start3A_276] : memref<79x128xi32, #tpu.memory_space<vmem>> -> memref<1x128xi32, #tpu.memory_space<vmem>>
      %dma_start3A_278 = tpu.memref_squeeze %dma_start3A_277 : memref<1x128xi32, #tpu.memory_space<vmem>> -> memref<128xi32, #tpu.memory_space<vmem>>
      %dma_start3A_279 = arith.constant 0 : i32
      %dma_start3A_280 = arith.constant 0 : i32
      %dma_start3A_281 = tpu.memref_slice %arg16[%dma_start3A_279, %dma_start3A_280] : memref<10240x64xf32, #tpu.memory_space<vmem_shared>> -> memref<10240x64xf32, #tpu.memory_space<vmem_shared>>
      tpu.enqueue_indirect_dma source(%arg11 : memref<128x64xf32, #tpu.memory_space<vmem>>) target(%dma_start3A_281 : memref<10240x64xf32, #tpu.memory_space<vmem_shared>>) offsets(%dma_start3A_278 : memref<128xi32, #tpu.memory_space<vmem>>) semaphore(%run_scoped3A_275 : memref<!tpu.dma_semaphore, #tpu.memory_space<semaphore_mem>>) {add = true}
      %dma_wait3A_282 = arith.constant 0 : i32
      %dma_wait3A_283 = tpu.memref_slice %arg10[%run_scoped3A_222, %dma_wait3A_282] : memref<79x128xi32, #tpu.memory_space<vmem>> -> memref<1x128xi32, #tpu.memory_space<vmem>>
      %dma_wait3A_284 = tpu.memref_squeeze %dma_wait3A_283 : memref<1x128xi32, #tpu.memory_space<vmem>> -> memref<128xi32, #tpu.memory_space<vmem>>
      %dma_wait3A_285 = arith.constant 0 : i32
      %dma_wait3A_286 = arith.constant 0 : i32
      %dma_wait3A_287 = tpu.memref_slice %arg16[%dma_wait3A_285, %dma_wait3A_286] : memref<10240x64xf32, #tpu.memory_space<vmem_shared>> -> memref<10240x64xf32, #tpu.memory_space<vmem_shared>>
      tpu.wait_indirect_dma semaphore(%run_scoped3A_275 : memref<!tpu.dma_semaphore, #tpu.memory_space<semaphore_mem>>) src(%arg11 : memref<128x64xf32, #tpu.memory_space<vmem>>) dst(%dma_wait3A_287 : memref<10240x64xf32, #tpu.memory_space<vmem_shared>>)
      tpu.yield
    }) : () -> ()
    %dma_start3A_223 = arith.constant 78 : i32
    %dma_start3A_224 = arith.constant 0 : i32
    %dma_start3A_225 = tpu.memref_slice %arg9[%dma_start3A_223, %dma_start3A_224] : memref<79x128xi32, #tpu.memory_space<vmem>> -> memref<1x128xi32, #tpu.memory_space<vmem>>
    %dma_start3A_226 = tpu.memref_squeeze %dma_start3A_225 : memref<1x128xi32, #tpu.memory_space<vmem>> -> memref<128xi32, #tpu.memory_space<vmem>>
    %dma_start3A_227 = arith.constant 0 : i32
    %dma_start3A_228 = arith.constant 0 : i32
    %dma_start3A_229 = tpu.memref_slice %arg3[%dma_start3A_227, %dma_start3A_228] : memref<10000x64xf32, #tpu.memory_space<hbm>> -> memref<10000x64xf32, #tpu.memory_space<hbm>>
    tpu.enqueue_indirect_dma source(%dma_start3A_229 : memref<10000x64xf32, #tpu.memory_space<hbm>>) target(%arg11 : memref<128x64xf32, #tpu.memory_space<vmem>>) offsets(%dma_start3A_226 : memref<128xi32, #tpu.memory_space<vmem>>) semaphore(%arg18 : memref<!tpu.dma_semaphore, #tpu.memory_space<semaphore_mem>>)
    %dma_wait3A_230 = arith.constant 76 : i32
    %dma_wait3A_231 = arith.constant 0 : i32
    %dma_wait3A_232 = tpu.memref_slice %arg9[%dma_wait3A_230, %dma_wait3A_231] : memref<79x128xi32, #tpu.memory_space<vmem>> -> memref<1x128xi32, #tpu.memory_space<vmem>>
    %dma_wait3A_233 = tpu.memref_squeeze %dma_wait3A_232 : memref<1x128xi32, #tpu.memory_space<vmem>> -> memref<128xi32, #tpu.memory_space<vmem>>
    %dma_wait3A_234 = arith.constant 0 : i32
    %dma_wait3A_235 = arith.constant 0 : i32
    %dma_wait3A_236 = tpu.memref_slice %arg3[%dma_wait3A_234, %dma_wait3A_235] : memref<10000x64xf32, #tpu.memory_space<hbm>> -> memref<10000x64xf32, #tpu.memory_space<hbm>>
    tpu.wait_indirect_dma semaphore(%arg19 : memref<!tpu.dma_semaphore, #tpu.memory_space<semaphore_mem>>) src(%dma_wait3A_236 : memref<10000x64xf32, #tpu.memory_space<hbm>>) dst(%arg12 : memref<128x64xf32, #tpu.memory_space<vmem>>)
    %run_scoped3A_237 = arith.constant 76 : i32
    "tpu.region"() ({
      %run_scoped3A_275 = tpu.sem_alloc : memref<!tpu.dma_semaphore, #tpu.memory_space<semaphore_mem>>
      %dma_start3A_276 = arith.constant 0 : i32
      %dma_start3A_277 = tpu.memref_slice %arg10[%run_scoped3A_237, %dma_start3A_276] : memref<79x128xi32, #tpu.memory_space<vmem>> -> memref<1x128xi32, #tpu.memory_space<vmem>>
      %dma_start3A_278 = tpu.memref_squeeze %dma_start3A_277 : memref<1x128xi32, #tpu.memory_space<vmem>> -> memref<128xi32, #tpu.memory_space<vmem>>
      %dma_start3A_279 = arith.constant 0 : i32
      %dma_start3A_280 = arith.constant 0 : i32
      %dma_start3A_281 = tpu.memref_slice %arg16[%dma_start3A_279, %dma_start3A_280] : memref<10240x64xf32, #tpu.memory_space<vmem_shared>> -> memref<10240x64xf32, #tpu.memory_space<vmem_shared>>
      tpu.enqueue_indirect_dma source(%arg12 : memref<128x64xf32, #tpu.memory_space<vmem>>) target(%dma_start3A_281 : memref<10240x64xf32, #tpu.memory_space<vmem_shared>>) offsets(%dma_start3A_278 : memref<128xi32, #tpu.memory_space<vmem>>) semaphore(%run_scoped3A_275 : memref<!tpu.dma_semaphore, #tpu.memory_space<semaphore_mem>>) {add = true}
      %dma_wait3A_282 = arith.constant 0 : i32
      %dma_wait3A_283 = tpu.memref_slice %arg10[%run_scoped3A_237, %dma_wait3A_282] : memref<79x128xi32, #tpu.memory_space<vmem>> -> memref<1x128xi32, #tpu.memory_space<vmem>>
      %dma_wait3A_284 = tpu.memref_squeeze %dma_wait3A_283 : memref<1x128xi32, #tpu.memory_space<vmem>> -> memref<128xi32, #tpu.memory_space<vmem>>
      %dma_wait3A_285 = arith.constant 0 : i32
      %dma_wait3A_286 = arith.constant 0 : i32
      %dma_wait3A_287 = tpu.memref_slice %arg16[%dma_wait3A_285, %dma_wait3A_286] : memref<10240x64xf32, #tpu.memory_space<vmem_shared>> -> memref<10240x64xf32, #tpu.memory_space<vmem_shared>>
      tpu.wait_indirect_dma semaphore(%run_scoped3A_275 : memref<!tpu.dma_semaphore, #tpu.memory_space<semaphore_mem>>) src(%arg12 : memref<128x64xf32, #tpu.memory_space<vmem>>) dst(%dma_wait3A_287 : memref<10240x64xf32, #tpu.memory_space<vmem_shared>>)
      tpu.yield
    }) : () -> ()
    %dma_wait3A_238 = arith.constant 77 : i32
    %dma_wait3A_239 = arith.constant 0 : i32
    %dma_wait3A_240 = tpu.memref_slice %arg9[%dma_wait3A_238, %dma_wait3A_239] : memref<79x128xi32, #tpu.memory_space<vmem>> -> memref<1x128xi32, #tpu.memory_space<vmem>>
    %dma_wait3A_241 = tpu.memref_squeeze %dma_wait3A_240 : memref<1x128xi32, #tpu.memory_space<vmem>> -> memref<128xi32, #tpu.memory_space<vmem>>
    %dma_wait3A_242 = arith.constant 0 : i32
    %dma_wait3A_243 = arith.constant 0 : i32
    %dma_wait3A_244 = tpu.memref_slice %arg3[%dma_wait3A_242, %dma_wait3A_243] : memref<10000x64xf32, #tpu.memory_space<hbm>> -> memref<10000x64xf32, #tpu.memory_space<hbm>>
    tpu.wait_indirect_dma semaphore(%arg20 : memref<!tpu.dma_semaphore, #tpu.memory_space<semaphore_mem>>) src(%dma_wait3A_244 : memref<10000x64xf32, #tpu.memory_space<hbm>>) dst(%arg13 : memref<128x64xf32, #tpu.memory_space<vmem>>)
    %run_scoped3A_245 = arith.constant 77 : i32
    "tpu.region"() ({
      %run_scoped3A_275 = tpu.sem_alloc : memref<!tpu.dma_semaphore, #tpu.memory_space<semaphore_mem>>
      %dma_start3A_276 = arith.constant 0 : i32
      %dma_start3A_277 = tpu.memref_slice %arg10[%run_scoped3A_245, %dma_start3A_276] : memref<79x128xi32, #tpu.memory_space<vmem>> -> memref<1x128xi32, #tpu.memory_space<vmem>>
      %dma_start3A_278 = tpu.memref_squeeze %dma_start3A_277 : memref<1x128xi32, #tpu.memory_space<vmem>> -> memref<128xi32, #tpu.memory_space<vmem>>
      %dma_start3A_279 = arith.constant 0 : i32
      %dma_start3A_280 = arith.constant 0 : i32
      %dma_start3A_281 = tpu.memref_slice %arg16[%dma_start3A_279, %dma_start3A_280] : memref<10240x64xf32, #tpu.memory_space<vmem_shared>> -> memref<10240x64xf32, #tpu.memory_space<vmem_shared>>
      tpu.enqueue_indirect_dma source(%arg13 : memref<128x64xf32, #tpu.memory_space<vmem>>) target(%dma_start3A_281 : memref<10240x64xf32, #tpu.memory_space<vmem_shared>>) offsets(%dma_start3A_278 : memref<128xi32, #tpu.memory_space<vmem>>) semaphore(%run_scoped3A_275 : memref<!tpu.dma_semaphore, #tpu.memory_space<semaphore_mem>>) {add = true}
      %dma_wait3A_282 = arith.constant 0 : i32
      %dma_wait3A_283 = tpu.memref_slice %arg10[%run_scoped3A_245, %dma_wait3A_282] : memref<79x128xi32, #tpu.memory_space<vmem>> -> memref<1x128xi32, #tpu.memory_space<vmem>>
      %dma_wait3A_284 = tpu.memref_squeeze %dma_wait3A_283 : memref<1x128xi32, #tpu.memory_space<vmem>> -> memref<128xi32, #tpu.memory_space<vmem>>
      %dma_wait3A_285 = arith.constant 0 : i32
      %dma_wait3A_286 = arith.constant 0 : i32
      %dma_wait3A_287 = tpu.memref_slice %arg16[%dma_wait3A_285, %dma_wait3A_286] : memref<10240x64xf32, #tpu.memory_space<vmem_shared>> -> memref<10240x64xf32, #tpu.memory_space<vmem_shared>>
      tpu.wait_indirect_dma semaphore(%run_scoped3A_275 : memref<!tpu.dma_semaphore, #tpu.memory_space<semaphore_mem>>) src(%arg13 : memref<128x64xf32, #tpu.memory_space<vmem>>) dst(%dma_wait3A_287 : memref<10240x64xf32, #tpu.memory_space<vmem_shared>>)
      tpu.yield
    }) : () -> ()
    %dma_wait3A_246 = arith.constant 78 : i32
    %dma_wait3A_247 = arith.constant 0 : i32
    %dma_wait3A_248 = tpu.memref_slice %arg9[%dma_wait3A_246, %dma_wait3A_247] : memref<79x128xi32, #tpu.memory_space<vmem>> -> memref<1x128xi32, #tpu.memory_space<vmem>>
    %dma_wait3A_249 = tpu.memref_squeeze %dma_wait3A_248 : memref<1x128xi32, #tpu.memory_space<vmem>> -> memref<128xi32, #tpu.memory_space<vmem>>
    %dma_wait3A_250 = arith.constant 0 : i32
    %dma_wait3A_251 = arith.constant 0 : i32
    %dma_wait3A_252 = tpu.memref_slice %arg3[%dma_wait3A_250, %dma_wait3A_251] : memref<10000x64xf32, #tpu.memory_space<hbm>> -> memref<10000x64xf32, #tpu.memory_space<hbm>>
    tpu.wait_indirect_dma semaphore(%arg18 : memref<!tpu.dma_semaphore, #tpu.memory_space<semaphore_mem>>) src(%dma_wait3A_252 : memref<10000x64xf32, #tpu.memory_space<hbm>>) dst(%arg11 : memref<128x64xf32, #tpu.memory_space<vmem>>)
    %run_scoped3A_253 = arith.constant 78 : i32
    "tpu.region"() ({
      %run_scoped3A_275 = tpu.sem_alloc : memref<!tpu.dma_semaphore, #tpu.memory_space<semaphore_mem>>
      %dma_start3A_276 = arith.constant 0 : i32
      %dma_start3A_277 = tpu.memref_slice %arg10[%run_scoped3A_253, %dma_start3A_276] : memref<79x128xi32, #tpu.memory_space<vmem>> -> memref<1x128xi32, #tpu.memory_space<vmem>>
      %dma_start3A_278 = tpu.memref_squeeze %dma_start3A_277 : memref<1x128xi32, #tpu.memory_space<vmem>> -> memref<128xi32, #tpu.memory_space<vmem>>
      %dma_start3A_279 = arith.constant 0 : i32
      %dma_start3A_280 = arith.constant 0 : i32
      %dma_start3A_281 = tpu.memref_slice %arg16[%dma_start3A_279, %dma_start3A_280] : memref<10240x64xf32, #tpu.memory_space<vmem_shared>> -> memref<10240x64xf32, #tpu.memory_space<vmem_shared>>
      tpu.enqueue_indirect_dma source(%arg11 : memref<128x64xf32, #tpu.memory_space<vmem>>) target(%dma_start3A_281 : memref<10240x64xf32, #tpu.memory_space<vmem_shared>>) offsets(%dma_start3A_278 : memref<128xi32, #tpu.memory_space<vmem>>) semaphore(%run_scoped3A_275 : memref<!tpu.dma_semaphore, #tpu.memory_space<semaphore_mem>>) {add = true}
      %dma_wait3A_282 = arith.constant 0 : i32
      %dma_wait3A_283 = tpu.memref_slice %arg10[%run_scoped3A_253, %dma_wait3A_282] : memref<79x128xi32, #tpu.memory_space<vmem>> -> memref<1x128xi32, #tpu.memory_space<vmem>>
      %dma_wait3A_284 = tpu.memref_squeeze %dma_wait3A_283 : memref<1x128xi32, #tpu.memory_space<vmem>> -> memref<128xi32, #tpu.memory_space<vmem>>
      %dma_wait3A_285 = arith.constant 0 : i32
      %dma_wait3A_286 = arith.constant 0 : i32
      %dma_wait3A_287 = tpu.memref_slice %arg16[%dma_wait3A_285, %dma_wait3A_286] : memref<10240x64xf32, #tpu.memory_space<vmem_shared>> -> memref<10240x64xf32, #tpu.memory_space<vmem_shared>>
      tpu.wait_indirect_dma semaphore(%run_scoped3A_275 : memref<!tpu.dma_semaphore, #tpu.memory_space<semaphore_mem>>) src(%arg11 : memref<128x64xf32, #tpu.memory_space<vmem>>) dst(%dma_wait3A_287 : memref<10240x64xf32, #tpu.memory_space<vmem_shared>>)
      tpu.yield
    }) : () -> ()
    %barrier3A_254 = arith.constant 0 : index
    tpu.barrier barrier_id(%barrier3A_254)
    %add3A_255 = arith.constant 0 : i32
    %add3A_256 = arith.addi %arg1, %add3A_255 : i32
    %mul3A_257 = arith.constant 128 : i32
    %mul3A_258 = arith.muli %add3A_256, %mul3A_257 : i32
    "tpu.region"() ({
      %run_scoped3A_275 = tpu.sem_alloc : memref<!tpu.dma_semaphore, #tpu.memory_space<semaphore_mem>>
      %dma_start3A_276 = arith.constant 0 : i32
      %dma_start3A_277 = tpu.memref_slice %arg7[%arg0, %mul3A_258, %dma_start3A_276] : memref<2x10240x64xf32, #tpu.memory_space<hbm>> -> memref<1x128x64xf32, #tpu.memory_space<hbm>>
      %dma_start3A_278 = tpu.memref_squeeze %dma_start3A_277 : memref<1x128x64xf32, #tpu.memory_space<hbm>> -> memref<128x64xf32, #tpu.memory_space<hbm>>
      %dma_start3A_279 = arith.constant 0 : i32
      %dma_start3A_280 = tpu.memref_slice %arg16[%mul3A_258, %dma_start3A_279] : memref<10240x64xf32, #tpu.memory_space<vmem_shared>> -> memref<128x64xf32, #tpu.memory_space<vmem_shared>>
      tpu.enqueue_dma source(%dma_start3A_280 : memref<128x64xf32, #tpu.memory_space<vmem_shared>>) target(%dma_start3A_278 : memref<128x64xf32, #tpu.memory_space<hbm>>) target_semaphore(%run_scoped3A_275 : memref<!tpu.dma_semaphore, #tpu.memory_space<semaphore_mem>>)
      %dma_wait3A_281 = arith.constant 0 : i32
      %dma_wait3A_282 = tpu.memref_slice %arg7[%arg0, %mul3A_258, %dma_wait3A_281] : memref<2x10240x64xf32, #tpu.memory_space<hbm>> -> memref<1x128x64xf32, #tpu.memory_space<hbm>>
      %dma_wait3A_283 = tpu.memref_squeeze %dma_wait3A_282 : memref<1x128x64xf32, #tpu.memory_space<hbm>> -> memref<128x64xf32, #tpu.memory_space<hbm>>
      %dma_wait3A_284 = arith.constant 0 : i32
      %dma_wait3A_285 = tpu.memref_slice %arg16[%mul3A_258, %dma_wait3A_284] : memref<10240x64xf32, #tpu.memory_space<vmem_shared>> -> memref<128x64xf32, #tpu.memory_space<vmem_shared>>
      tpu.wait_dma2 semaphore(%run_scoped3A_275 : memref<!tpu.dma_semaphore, #tpu.memory_space<semaphore_mem>>) src(%dma_wait3A_285 : memref<128x64xf32, #tpu.memory_space<vmem_shared>>) dst(%dma_wait3A_283 : memref<128x64xf32, #tpu.memory_space<hbm>>)
      tpu.yield
    }) : () -> ()
    %add3A_259 = arith.constant 16 : i32
    %add3A_260 = arith.addi %arg1, %add3A_259 : i32
    %mul3A_261 = arith.constant 128 : i32
    %mul3A_262 = arith.muli %add3A_260, %mul3A_261 : i32
    "tpu.region"() ({
      %run_scoped3A_275 = tpu.sem_alloc : memref<!tpu.dma_semaphore, #tpu.memory_space<semaphore_mem>>
      %dma_start3A_276 = arith.constant 0 : i32
      %dma_start3A_277 = tpu.memref_slice %arg7[%arg0, %mul3A_262, %dma_start3A_276] : memref<2x10240x64xf32, #tpu.memory_space<hbm>> -> memref<1x128x64xf32, #tpu.memory_space<hbm>>
      %dma_start3A_278 = tpu.memref_squeeze %dma_start3A_277 : memref<1x128x64xf32, #tpu.memory_space<hbm>> -> memref<128x64xf32, #tpu.memory_space<hbm>>
      %dma_start3A_279 = arith.constant 0 : i32
      %dma_start3A_280 = tpu.memref_slice %arg16[%mul3A_262, %dma_start3A_279] : memref<10240x64xf32, #tpu.memory_space<vmem_shared>> -> memref<128x64xf32, #tpu.memory_space<vmem_shared>>
      tpu.enqueue_dma source(%dma_start3A_280 : memref<128x64xf32, #tpu.memory_space<vmem_shared>>) target(%dma_start3A_278 : memref<128x64xf32, #tpu.memory_space<hbm>>) target_semaphore(%run_scoped3A_275 : memref<!tpu.dma_semaphore, #tpu.memory_space<semaphore_mem>>)
      %dma_wait3A_281 = arith.constant 0 : i32
      %dma_wait3A_282 = tpu.memref_slice %arg7[%arg0, %mul3A_262, %dma_wait3A_281] : memref<2x10240x64xf32, #tpu.memory_space<hbm>> -> memref<1x128x64xf32, #tpu.memory_space<hbm>>
      %dma_wait3A_283 = tpu.memref_squeeze %dma_wait3A_282 : memref<1x128x64xf32, #tpu.memory_space<hbm>> -> memref<128x64xf32, #tpu.memory_space<hbm>>
      %dma_wait3A_284 = arith.constant 0 : i32
      %dma_wait3A_285 = tpu.memref_slice %arg16[%mul3A_262, %dma_wait3A_284] : memref<10240x64xf32, #tpu.memory_space<vmem_shared>> -> memref<128x64xf32, #tpu.memory_space<vmem_shared>>
      tpu.wait_dma2 semaphore(%run_scoped3A_275 : memref<!tpu.dma_semaphore, #tpu.memory_space<semaphore_mem>>) src(%dma_wait3A_285 : memref<128x64xf32, #tpu.memory_space<vmem_shared>>) dst(%dma_wait3A_283 : memref<128x64xf32, #tpu.memory_space<hbm>>)
      tpu.yield
    }) : () -> ()
    %add3A_263 = arith.constant 32 : i32
    %add3A_264 = arith.addi %arg1, %add3A_263 : i32
    %mul3A_265 = arith.constant 128 : i32
    %mul3A_266 = arith.muli %add3A_264, %mul3A_265 : i32
    "tpu.region"() ({
      %run_scoped3A_275 = tpu.sem_alloc : memref<!tpu.dma_semaphore, #tpu.memory_space<semaphore_mem>>
      %dma_start3A_276 = arith.constant 0 : i32
      %dma_start3A_277 = tpu.memref_slice %arg7[%arg0, %mul3A_266, %dma_start3A_276] : memref<2x10240x64xf32, #tpu.memory_space<hbm>> -> memref<1x128x64xf32, #tpu.memory_space<hbm>>
      %dma_start3A_278 = tpu.memref_squeeze %dma_start3A_277 : memref<1x128x64xf32, #tpu.memory_space<hbm>> -> memref<128x64xf32, #tpu.memory_space<hbm>>
      %dma_start3A_279 = arith.constant 0 : i32
      %dma_start3A_280 = tpu.memref_slice %arg16[%mul3A_266, %dma_start3A_279] : memref<10240x64xf32, #tpu.memory_space<vmem_shared>> -> memref<128x64xf32, #tpu.memory_space<vmem_shared>>
      tpu.enqueue_dma source(%dma_start3A_280 : memref<128x64xf32, #tpu.memory_space<vmem_shared>>) target(%dma_start3A_278 : memref<128x64xf32, #tpu.memory_space<hbm>>) target_semaphore(%run_scoped3A_275 : memref<!tpu.dma_semaphore, #tpu.memory_space<semaphore_mem>>)
      %dma_wait3A_281 = arith.constant 0 : i32
      %dma_wait3A_282 = tpu.memref_slice %arg7[%arg0, %mul3A_266, %dma_wait3A_281] : memref<2x10240x64xf32, #tpu.memory_space<hbm>> -> memref<1x128x64xf32, #tpu.memory_space<hbm>>
      %dma_wait3A_283 = tpu.memref_squeeze %dma_wait3A_282 : memref<1x128x64xf32, #tpu.memory_space<hbm>> -> memref<128x64xf32, #tpu.memory_space<hbm>>
      %dma_wait3A_284 = arith.constant 0 : i32
      %dma_wait3A_285 = tpu.memref_slice %arg16[%mul3A_266, %dma_wait3A_284] : memref<10240x64xf32, #tpu.memory_space<vmem_shared>> -> memref<128x64xf32, #tpu.memory_space<vmem_shared>>
      tpu.wait_dma2 semaphore(%run_scoped3A_275 : memref<!tpu.dma_semaphore, #tpu.memory_space<semaphore_mem>>) src(%dma_wait3A_285 : memref<128x64xf32, #tpu.memory_space<vmem_shared>>) dst(%dma_wait3A_283 : memref<128x64xf32, #tpu.memory_space<hbm>>)
      tpu.yield
    }) : () -> ()
    %add3A_267 = arith.constant 48 : i32
    %add3A_268 = arith.addi %arg1, %add3A_267 : i32
    %mul3A_269 = arith.constant 128 : i32
    %mul3A_270 = arith.muli %add3A_268, %mul3A_269 : i32
    "tpu.region"() ({
      %run_scoped3A_275 = tpu.sem_alloc : memref<!tpu.dma_semaphore, #tpu.memory_space<semaphore_mem>>
      %dma_start3A_276 = arith.constant 0 : i32
      %dma_start3A_277 = tpu.memref_slice %arg7[%arg0, %mul3A_270, %dma_start3A_276] : memref<2x10240x64xf32, #tpu.memory_space<hbm>> -> memref<1x128x64xf32, #tpu.memory_space<hbm>>
      %dma_start3A_278 = tpu.memref_squeeze %dma_start3A_277 : memref<1x128x64xf32, #tpu.memory_space<hbm>> -> memref<128x64xf32, #tpu.memory_space<hbm>>
      %dma_start3A_279 = arith.constant 0 : i32
      %dma_start3A_280 = tpu.memref_slice %arg16[%mul3A_270, %dma_start3A_279] : memref<10240x64xf32, #tpu.memory_space<vmem_shared>> -> memref<128x64xf32, #tpu.memory_space<vmem_shared>>
      tpu.enqueue_dma source(%dma_start3A_280 : memref<128x64xf32, #tpu.memory_space<vmem_shared>>) target(%dma_start3A_278 : memref<128x64xf32, #tpu.memory_space<hbm>>) target_semaphore(%run_scoped3A_275 : memref<!tpu.dma_semaphore, #tpu.memory_space<semaphore_mem>>)
      %dma_wait3A_281 = arith.constant 0 : i32
      %dma_wait3A_282 = tpu.memref_slice %arg7[%arg0, %mul3A_270, %dma_wait3A_281] : memref<2x10240x64xf32, #tpu.memory_space<hbm>> -> memref<1x128x64xf32, #tpu.memory_space<hbm>>
      %dma_wait3A_283 = tpu.memref_squeeze %dma_wait3A_282 : memref<1x128x64xf32, #tpu.memory_space<hbm>> -> memref<128x64xf32, #tpu.memory_space<hbm>>
      %dma_wait3A_284 = arith.constant 0 : i32
      %dma_wait3A_285 = tpu.memref_slice %arg16[%mul3A_270, %dma_wait3A_284] : memref<10240x64xf32, #tpu.memory_space<vmem_shared>> -> memref<128x64xf32, #tpu.memory_space<vmem_shared>>
      tpu.wait_dma2 semaphore(%run_scoped3A_275 : memref<!tpu.dma_semaphore, #tpu.memory_space<semaphore_mem>>) src(%dma_wait3A_285 : memref<128x64xf32, #tpu.memory_space<vmem_shared>>) dst(%dma_wait3A_283 : memref<128x64xf32, #tpu.memory_space<hbm>>)
      tpu.yield
    }) : () -> ()
    %add3A_271 = arith.constant 64 : i32
    %add3A_272 = arith.addi %arg1, %add3A_271 : i32
    %mul3A_273 = arith.constant 128 : i32
    %mul3A_274 = arith.muli %add3A_272, %mul3A_273 : i32
    "tpu.region"() ({
      %run_scoped3A_275 = tpu.sem_alloc : memref<!tpu.dma_semaphore, #tpu.memory_space<semaphore_mem>>
      %dma_start3A_276 = arith.constant 0 : i32
      %dma_start3A_277 = tpu.memref_slice %arg7[%arg0, %mul3A_274, %dma_start3A_276] : memref<2x10240x64xf32, #tpu.memory_space<hbm>> -> memref<1x128x64xf32, #tpu.memory_space<hbm>>
      %dma_start3A_278 = tpu.memref_squeeze %dma_start3A_277 : memref<1x128x64xf32, #tpu.memory_space<hbm>> -> memref<128x64xf32, #tpu.memory_space<hbm>>
      %dma_start3A_279 = arith.constant 0 : i32
      %dma_start3A_280 = tpu.memref_slice %arg16[%mul3A_274, %dma_start3A_279] : memref<10240x64xf32, #tpu.memory_space<vmem_shared>> -> memref<128x64xf32, #tpu.memory_space<vmem_shared>>
      tpu.enqueue_dma source(%dma_start3A_280 : memref<128x64xf32, #tpu.memory_space<vmem_shared>>) target(%dma_start3A_278 : memref<128x64xf32, #tpu.memory_space<hbm>>) target_semaphore(%run_scoped3A_275 : memref<!tpu.dma_semaphore, #tpu.memory_space<semaphore_mem>>)
      %dma_wait3A_281 = arith.constant 0 : i32
      %dma_wait3A_282 = tpu.memref_slice %arg7[%arg0, %mul3A_274, %dma_wait3A_281] : memref<2x10240x64xf32, #tpu.memory_space<hbm>> -> memref<1x128x64xf32, #tpu.memory_space<hbm>>
      %dma_wait3A_283 = tpu.memref_squeeze %dma_wait3A_282 : memref<1x128x64xf32, #tpu.memory_space<hbm>> -> memref<128x64xf32, #tpu.memory_space<hbm>>
      %dma_wait3A_284 = arith.constant 0 : i32
      %dma_wait3A_285 = tpu.memref_slice %arg16[%mul3A_274, %dma_wait3A_284] : memref<10240x64xf32, #tpu.memory_space<vmem_shared>> -> memref<128x64xf32, #tpu.memory_space<vmem_shared>>
      tpu.wait_dma2 semaphore(%run_scoped3A_275 : memref<!tpu.dma_semaphore, #tpu.memory_space<semaphore_mem>>) src(%dma_wait3A_285 : memref<128x64xf32, #tpu.memory_space<vmem_shared>>) dst(%dma_wait3A_283 : memref<128x64xf32, #tpu.memory_space<hbm>>)
      tpu.yield
    }) : () -> ()
    return
  }
}

module attributes {stable_mosaic.version = 14 : i64} {
  func.func @_mm_body(%arg0: i32, %arg1: memref<400x128xf32, #tpu.memory_space<vmem>>, %arg2: memref<128x128xf32, #tpu.memory_space<vmem>>, %arg3: memref<400x64xf32, #tpu.memory_space<vmem>>, %arg4: memref<400x64xf32, #tpu.memory_space<vmem>>) attributes {dimension_semantics = [#tpu.dimension_semantics<arbitrary>], iteration_bounds = array<i64: 25>, scalar_prefetch = 0 : i64, scratch_operands = 0 : i64, tpu.core_type = #tpu.core_type<tc>, window_params = [{transform_indices = @transform_0, window_bounds = array<i64: 400, 128>}, {pipeline_mode = #tpu.pipeline_mode<synchronous>, transform_indices = @transform_1, window_bounds = array<i64: 128, 128>}, {transform_indices = @transform_2, window_bounds = array<i64: 400, 64>}, {transform_indices = @transform_3, window_bounds = array<i64: 400, 64>}]} {
    %get3A = arith.constant 0 : index
    %get3A_0 = arith.constant 0 : index
    %get3A_1 = vector.load %arg1[%get3A, %get3A_0] : memref<400x128xf32, #tpu.memory_space<vmem>>, vector<400x128xf32>
    %get3A_2 = arith.constant 0 : index
    %get3A_3 = arith.constant 0 : index
    %get3A_4 = vector.load %arg2[%get3A_2, %get3A_3] : memref<128x128xf32, #tpu.memory_space<vmem>>, vector<128x128xf32>
    %dot_general3A = arith.constant dense<0.000000e+00> : vector<400x128xf32>
    %dot_general3A_5 = tpu.matmul %get3A_1, %get3A_4, %dot_general3A {dimension_numbers = #tpu.dot_dimension_numbers<[1], [0], [0], [1], [0, 0, 1, 1], [], []>, transpose_lhs_hint = false} : vector<400x128xf32>, vector<128x128xf32>, vector<400x128xf32> -> vector<400x128xf32>
    %slice3A = vector.extract_strided_slice %dot_general3A_5 {offsets = [0, 0], sizes = [400, 64], strides = [1, 1]} : vector<400x128xf32> to vector<400x64xf32>
    %swap3A = arith.constant 0 : index
    %swap3A_6 = arith.constant 0 : index
    %swap3A_7 = vector.load %arg3[%swap3A, %swap3A_6] : memref<400x64xf32, #tpu.memory_space<vmem>>, vector<400x64xf32>
    tpu.vector_store %arg3[%swap3A, %swap3A_6], %slice3A {strides = array<i32>} : memref<400x64xf32, #tpu.memory_space<vmem>>, vector<400x64xf32>,
    %slice3A_8 = vector.extract_strided_slice %dot_general3A_5 {offsets = [0, 64], sizes = [400, 64], strides = [1, 1]} : vector<400x128xf32> to vector<400x64xf32>
    %swap3A_9 = arith.constant 0 : index
    %swap3A_10 = arith.constant 0 : index
    %swap3A_11 = vector.load %arg4[%swap3A_9, %swap3A_10] : memref<400x64xf32, #tpu.memory_space<vmem>>, vector<400x64xf32>
    tpu.vector_store %arg4[%swap3A_9, %swap3A_10], %slice3A_8 {strides = array<i32>} : memref<400x64xf32, #tpu.memory_space<vmem>>, vector<400x64xf32>,
    return
  }
  func.func @transform_0(%arg0: i32) -> (i32, i32) {
    %c0_i32 = arith.constant 0 : i32
    %c0_i32_0 = arith.constant 0 : i32
    return %arg0, %c0_i32 : i32, i32
  }
  func.func @transform_1(%arg0: i32) -> (i32, i32) {
    %c0_i32 = arith.constant 0 : i32
    %c0_i32_0 = arith.constant 0 : i32
    %c0_i32_1 = arith.constant 0 : i32
    return %c0_i32, %c0_i32_0 : i32, i32
  }
  func.func @transform_2(%arg0: i32) -> (i32, i32) {
    %c0_i32 = arith.constant 0 : i32
    %c0_i32_0 = arith.constant 0 : i32
    return %arg0, %c0_i32 : i32, i32
  }
  func.func @transform_3(%arg0: i32) -> (i32, i32) {
    %c0_i32 = arith.constant 0 : i32
    %c0_i32_0 = arith.constant 0 : i32
    return %arg0, %c0_i32 : i32, i32
  }
}

module attributes {stable_mosaic.version = 14 : i64} {
  func.func @_mid_body(%arg0: i32, %arg1: memref<2x400x64xf32, #tpu.memory_space<vmem>>, %arg2: memref<2x400x64xf32, #tpu.memory_space<vmem>>, %arg3: memref<2x400x16xf32, #tpu.memory_space<vmem>>, %arg4: memref<400x128xf32, #tpu.memory_space<vmem>>, %arg5: memref<128x128xf32, #tpu.memory_space<vmem>>, %arg6: memref<1x128xf32, #tpu.memory_space<vmem>>, %arg7: memref<128x128xf32, #tpu.memory_space<vmem>>, %arg8: memref<400x128xf32, #tpu.memory_space<vmem>>, %arg9: memref<400x64xf32, #tpu.memory_space<vmem>>, %arg10: memref<400x64xf32, #tpu.memory_space<vmem>>) attributes {dimension_semantics = [#tpu.dimension_semantics<arbitrary>], iteration_bounds = array<i64: 25>, scalar_prefetch = 0 : i64, scratch_operands = 0 : i64, tpu.core_type = #tpu.core_type<tc>, window_params = [{transform_indices = @transform_0, window_bounds = array<i64: 2, 400, 64>}, {transform_indices = @transform_1, window_bounds = array<i64: 2, 400, 64>}, {transform_indices = @transform_2, window_bounds = array<i64: 2, 400, 16>}, {transform_indices = @transform_3, window_bounds = array<i64: 400, 128>}, {pipeline_mode = #tpu.pipeline_mode<synchronous>, transform_indices = @transform_4, window_bounds = array<i64: 128, 128>}, {pipeline_mode = #tpu.pipeline_mode<synchronous>, transform_indices = @transform_5, window_bounds = array<i64: 1, 128>}, {pipeline_mode = #tpu.pipeline_mode<synchronous>, transform_indices = @transform_6, window_bounds = array<i64: 128, 128>}, {transform_indices = @transform_7, window_bounds = array<i64: 400, 128>}, {transform_indices = @transform_8, window_bounds = array<i64: 400, 64>}, {transform_indices = @transform_9, window_bounds = array<i64: 400, 64>}]} {
    %get3A = arith.constant 0 : index
    %get3A_0 = arith.constant 0 : index
    %get3A_1 = arith.constant 0 : index
    %get3A_2 = vector.load %arg1[%get3A, %get3A_0, %get3A_1] : memref<2x400x64xf32, #tpu.memory_space<vmem>>, vector<1x400x64xf32>
    %get3A_3 = vector.shape_cast %get3A_2 : vector<1x400x64xf32> to vector<400x64xf32>
    %get3A_4 = arith.constant 1 : index
    %get3A_5 = arith.constant 0 : index
    %get3A_6 = arith.constant 0 : index
    %get3A_7 = vector.load %arg1[%get3A_4, %get3A_5, %get3A_6] : memref<2x400x64xf32, #tpu.memory_space<vmem>>, vector<1x400x64xf32>
    %get3A_8 = vector.shape_cast %get3A_7 : vector<1x400x64xf32> to vector<400x64xf32>
    %add3A = arith.addf %get3A_3, %get3A_8 : vector<400x64xf32>
    %get3A_9 = arith.constant 0 : index
    %get3A_10 = arith.constant 0 : index
    %get3A_11 = arith.constant 0 : index
    %get3A_12 = vector.load %arg2[%get3A_9, %get3A_10, %get3A_11] : memref<2x400x64xf32, #tpu.memory_space<vmem>>, vector<1x400x64xf32>
    %get3A_13 = vector.shape_cast %get3A_12 : vector<1x400x64xf32> to vector<400x64xf32>
    %get3A_14 = arith.constant 1 : index
    %get3A_15 = arith.constant 0 : index
    %get3A_16 = arith.constant 0 : index
    %get3A_17 = vector.load %arg2[%get3A_14, %get3A_15, %get3A_16] : memref<2x400x64xf32, #tpu.memory_space<vmem>>, vector<1x400x64xf32>
    %get3A_18 = vector.shape_cast %get3A_17 : vector<1x400x64xf32> to vector<400x64xf32>
    %add3A_19 = arith.addf %get3A_13, %get3A_18 : vector<400x64xf32>
    %concatenate3A = tpu.concatenate %add3A, %add3A_19 in 1 : vector<400x64xf32>, vector<400x64xf32> -> vector<400x128xf32>
    %get3A_20 = arith.constant 0 : index
    %get3A_21 = arith.constant 0 : index
    %get3A_22 = arith.constant 0 : index
    %get3A_23 = vector.load %arg3[%get3A_20, %get3A_21, %get3A_22] : memref<2x400x16xf32, #tpu.memory_space<vmem>>, vector<1x400x1xf32>
    %get3A_24 = vector.shape_cast %get3A_23 : vector<1x400x1xf32> to vector<400x1xf32>
    %get3A_25 = arith.constant 1 : index
    %get3A_26 = arith.constant 0 : index
    %get3A_27 = arith.constant 0 : index
    %get3A_28 = vector.load %arg3[%get3A_25, %get3A_26, %get3A_27] : memref<2x400x16xf32, #tpu.memory_space<vmem>>, vector<1x400x1xf32>
    %get3A_29 = vector.shape_cast %get3A_28 : vector<1x400x1xf32> to vector<400x1xf32>
    %add3A_30 = arith.addf %get3A_24, %get3A_29 : vector<400x1xf32>
    %max3A = arith.constant 1.000000e+00 : f32
    %max3A_31 = vector.broadcast %max3A : f32 to vector<400x1xf32>
    %max3A_32 = arith.maximumf %add3A_30, %max3A_31 : vector<400x1xf32>
    %div3A = vector.broadcast %max3A_32 : vector<400x1xf32> to vector<400x128xf32>
    %div3A_33 = arith.divf %concatenate3A, %div3A : vector<400x128xf32>
    %get3A_34 = arith.constant 0 : index
    %get3A_35 = arith.constant 0 : index
    %get3A_36 = vector.load %arg4[%get3A_34, %get3A_35] : memref<400x128xf32, #tpu.memory_space<vmem>>, vector<400x128xf32>
    %get3A_37 = arith.constant 0 : index
    %get3A_38 = arith.constant 0 : index
    %get3A_39 = vector.load %arg5[%get3A_37, %get3A_38] : memref<128x128xf32, #tpu.memory_space<vmem>>, vector<128x128xf32>
    %dot_general3A = arith.constant dense<0.000000e+00> : vector<400x128xf32>
    %dot_general3A_40 = tpu.matmul %get3A_36, %get3A_39, %dot_general3A {dimension_numbers = #tpu.dot_dimension_numbers<[1], [0], [0], [1], [0, 0, 1, 1], [], []>, transpose_lhs_hint = false} : vector<400x128xf32>, vector<128x128xf32>, vector<400x128xf32> -> vector<400x128xf32>
    %add3A_41 = arith.addf %div3A_33, %dot_general3A_40 : vector<400x128xf32>
    %get3A_42 = arith.constant 0 : index
    %get3A_43 = arith.constant 0 : index
    %get3A_44 = vector.load %arg6[%get3A_42, %get3A_43] : memref<1x128xf32, #tpu.memory_space<vmem>>, vector<1x128xf32>
    %add3A_45 = vector.broadcast %get3A_44 : vector<1x128xf32> to vector<400x128xf32>
    %add3A_46 = arith.addf %add3A_41, %add3A_45 : vector<400x128xf32>
    %max3A_47 = arith.constant 0.000000e+00 : f32
    %max3A_48 = vector.broadcast %max3A_47 : f32 to vector<400x128xf32>
    %max3A_49 = arith.maximumf %add3A_46, %max3A_48 : vector<400x128xf32>
    %swap3A = arith.constant 0 : index
    %swap3A_50 = arith.constant 0 : index
    %swap3A_51 = vector.load %arg8[%swap3A, %swap3A_50] : memref<400x128xf32, #tpu.memory_space<vmem>>, vector<400x128xf32>
    tpu.vector_store %arg8[%swap3A, %swap3A_50], %max3A_49 {strides = array<i32>} : memref<400x128xf32, #tpu.memory_space<vmem>>, vector<400x128xf32>,
    %get3A_52 = arith.constant 0 : index
    %get3A_53 = arith.constant 0 : index
    %get3A_54 = vector.load %arg7[%get3A_52, %get3A_53] : memref<128x128xf32, #tpu.memory_space<vmem>>, vector<128x128xf32>
    %dot_general3A_55 = arith.constant dense<0.000000e+00> : vector<400x128xf32>
    %dot_general3A_56 = tpu.matmul %max3A_49, %get3A_54, %dot_general3A_55 {dimension_numbers = #tpu.dot_dimension_numbers<[1], [0], [0], [1], [0, 0, 1, 1], [], []>, transpose_lhs_hint = false} : vector<400x128xf32>, vector<128x128xf32>, vector<400x128xf32> -> vector<400x128xf32>
    %slice3A = vector.extract_strided_slice %dot_general3A_56 {offsets = [0, 0], sizes = [400, 64], strides = [1, 1]} : vector<400x128xf32> to vector<400x64xf32>
    %swap3A_57 = arith.constant 0 : index
    %swap3A_58 = arith.constant 0 : index
    %swap3A_59 = vector.load %arg9[%swap3A_57, %swap3A_58] : memref<400x64xf32, #tpu.memory_space<vmem>>, vector<400x64xf32>
    tpu.vector_store %arg9[%swap3A_57, %swap3A_58], %slice3A {strides = array<i32>} : memref<400x64xf32, #tpu.memory_space<vmem>>, vector<400x64xf32>,
    %slice3A_60 = vector.extract_strided_slice %dot_general3A_56 {offsets = [0, 64], sizes = [400, 64], strides = [1, 1]} : vector<400x128xf32> to vector<400x64xf32>
    %swap3A_61 = arith.constant 0 : index
    %swap3A_62 = arith.constant 0 : index
    %swap3A_63 = vector.load %arg10[%swap3A_61, %swap3A_62] : memref<400x64xf32, #tpu.memory_space<vmem>>, vector<400x64xf32>
    tpu.vector_store %arg10[%swap3A_61, %swap3A_62], %slice3A_60 {strides = array<i32>} : memref<400x64xf32, #tpu.memory_space<vmem>>, vector<400x64xf32>,
    return
  }
  func.func @transform_0(%arg0: i32) -> (i32, i32, i32) {
    %c0_i32 = arith.constant 0 : i32
    %c0_i32_0 = arith.constant 0 : i32
    %c0_i32_1 = arith.constant 0 : i32
    return %c0_i32, %arg0, %c0_i32_0 : i32, i32, i32
  }
  func.func @transform_1(%arg0: i32) -> (i32, i32, i32) {
    %c0_i32 = arith.constant 0 : i32
    %c0_i32_0 = arith.constant 0 : i32
    %c0_i32_1 = arith.constant 0 : i32
    return %c0_i32, %arg0, %c0_i32_0 : i32, i32, i32
  }
  func.func @transform_2(%arg0: i32) -> (i32, i32, i32) {
    %c0_i32 = arith.constant 0 : i32
    %c0_i32_0 = arith.constant 0 : i32
    %c0_i32_1 = arith.constant 0 : i32
    return %c0_i32, %arg0, %c0_i32_0 : i32, i32, i32
  }
  func.func @transform_3(%arg0: i32) -> (i32, i32) {
    %c0_i32 = arith.constant 0 : i32
    %c0_i32_0 = arith.constant 0 : i32
    return %arg0, %c0_i32 : i32, i32
  }
  func.func @transform_4(%arg0: i32) -> (i32, i32) {
    %c0_i32 = arith.constant 0 : i32
    %c0_i32_0 = arith.constant 0 : i32
    %c0_i32_1 = arith.constant 0 : i32
    return %c0_i32, %c0_i32_0 : i32, i32
  }
  func.func @transform_5(%arg0: i32) -> (i32, i32) {
    %c0_i32 = arith.constant 0 : i32
    %c0_i32_0 = arith.constant 0 : i32
    %c0_i32_1 = arith.constant 0 : i32
    return %c0_i32, %c0_i32_0 : i32, i32
  }
  func.func @transform_6(%arg0: i32) -> (i32, i32) {
    %c0_i32 = arith.constant 0 : i32
    %c0_i32_0 = arith.constant 0 : i32
    %c0_i32_1 = arith.constant 0 : i32
    return %c0_i32, %c0_i32_0 : i32, i32
  }
  func.func @transform_7(%arg0: i32) -> (i32, i32) {
    %c0_i32 = arith.constant 0 : i32
    %c0_i32_0 = arith.constant 0 : i32
    return %arg0, %c0_i32 : i32, i32
  }
  func.func @transform_8(%arg0: i32) -> (i32, i32) {
    %c0_i32 = arith.constant 0 : i32
    %c0_i32_0 = arith.constant 0 : i32
    return %arg0, %c0_i32 : i32, i32
  }
  func.func @transform_9(%arg0: i32) -> (i32, i32) {
    %c0_i32 = arith.constant 0 : i32
    %c0_i32_0 = arith.constant 0 : i32
    return %arg0, %c0_i32 : i32, i32
  }
}

module attributes {stable_mosaic.version = 14 : i64} {
  func.func @_fin_body(%arg0: i32, %arg1: memref<2x400x64xf32, #tpu.memory_space<vmem>>, %arg2: memref<2x400x64xf32, #tpu.memory_space<vmem>>, %arg3: memref<2x400x16xf32, #tpu.memory_space<vmem>>, %arg4: memref<400x128xf32, #tpu.memory_space<vmem>>, %arg5: memref<128x128xf32, #tpu.memory_space<vmem>>, %arg6: memref<1x128xf32, #tpu.memory_space<vmem>>, %arg7: memref<400x128xf32, #tpu.memory_space<vmem>>) attributes {dimension_semantics = [#tpu.dimension_semantics<arbitrary>], iteration_bounds = array<i64: 25>, scalar_prefetch = 0 : i64, scratch_operands = 0 : i64, tpu.core_type = #tpu.core_type<tc>, window_params = [{transform_indices = @transform_0, window_bounds = array<i64: 2, 400, 64>}, {transform_indices = @transform_1, window_bounds = array<i64: 2, 400, 64>}, {transform_indices = @transform_2, window_bounds = array<i64: 2, 400, 16>}, {transform_indices = @transform_3, window_bounds = array<i64: 400, 128>}, {pipeline_mode = #tpu.pipeline_mode<synchronous>, transform_indices = @transform_4, window_bounds = array<i64: 128, 128>}, {pipeline_mode = #tpu.pipeline_mode<synchronous>, transform_indices = @transform_5, window_bounds = array<i64: 1, 128>}, {transform_indices = @transform_6, window_bounds = array<i64: 400, 128>}]} {
    %get3A = arith.constant 0 : index
    %get3A_0 = arith.constant 0 : index
    %get3A_1 = arith.constant 0 : index
    %get3A_2 = vector.load %arg1[%get3A, %get3A_0, %get3A_1] : memref<2x400x64xf32, #tpu.memory_space<vmem>>, vector<1x400x64xf32>
    %get3A_3 = vector.shape_cast %get3A_2 : vector<1x400x64xf32> to vector<400x64xf32>
    %get3A_4 = arith.constant 1 : index
    %get3A_5 = arith.constant 0 : index
    %get3A_6 = arith.constant 0 : index
    %get3A_7 = vector.load %arg1[%get3A_4, %get3A_5, %get3A_6] : memref<2x400x64xf32, #tpu.memory_space<vmem>>, vector<1x400x64xf32>
    %get3A_8 = vector.shape_cast %get3A_7 : vector<1x400x64xf32> to vector<400x64xf32>
    %add3A = arith.addf %get3A_3, %get3A_8 : vector<400x64xf32>
    %get3A_9 = arith.constant 0 : index
    %get3A_10 = arith.constant 0 : index
    %get3A_11 = arith.constant 0 : index
    %get3A_12 = vector.load %arg2[%get3A_9, %get3A_10, %get3A_11] : memref<2x400x64xf32, #tpu.memory_space<vmem>>, vector<1x400x64xf32>
    %get3A_13 = vector.shape_cast %get3A_12 : vector<1x400x64xf32> to vector<400x64xf32>
    %get3A_14 = arith.constant 1 : index
    %get3A_15 = arith.constant 0 : index
    %get3A_16 = arith.constant 0 : index
    %get3A_17 = vector.load %arg2[%get3A_14, %get3A_15, %get3A_16] : memref<2x400x64xf32, #tpu.memory_space<vmem>>, vector<1x400x64xf32>
    %get3A_18 = vector.shape_cast %get3A_17 : vector<1x400x64xf32> to vector<400x64xf32>
    %add3A_19 = arith.addf %get3A_13, %get3A_18 : vector<400x64xf32>
    %concatenate3A = tpu.concatenate %add3A, %add3A_19 in 1 : vector<400x64xf32>, vector<400x64xf32> -> vector<400x128xf32>
    %get3A_20 = arith.constant 0 : index
    %get3A_21 = arith.constant 0 : index
    %get3A_22 = arith.constant 0 : index
    %get3A_23 = vector.load %arg3[%get3A_20, %get3A_21, %get3A_22] : memref<2x400x16xf32, #tpu.memory_space<vmem>>, vector<1x400x1xf32>
    %get3A_24 = vector.shape_cast %get3A_23 : vector<1x400x1xf32> to vector<400x1xf32>
    %get3A_25 = arith.constant 1 : index
    %get3A_26 = arith.constant 0 : index
    %get3A_27 = arith.constant 0 : index
    %get3A_28 = vector.load %arg3[%get3A_25, %get3A_26, %get3A_27] : memref<2x400x16xf32, #tpu.memory_space<vmem>>, vector<1x400x1xf32>
    %get3A_29 = vector.shape_cast %get3A_28 : vector<1x400x1xf32> to vector<400x1xf32>
    %add3A_30 = arith.addf %get3A_24, %get3A_29 : vector<400x1xf32>
    %max3A = arith.constant 1.000000e+00 : f32
    %max3A_31 = vector.broadcast %max3A : f32 to vector<400x1xf32>
    %max3A_32 = arith.maximumf %add3A_30, %max3A_31 : vector<400x1xf32>
    %div3A = vector.broadcast %max3A_32 : vector<400x1xf32> to vector<400x128xf32>
    %div3A_33 = arith.divf %concatenate3A, %div3A : vector<400x128xf32>
    %get3A_34 = arith.constant 0 : index
    %get3A_35 = arith.constant 0 : index
    %get3A_36 = vector.load %arg4[%get3A_34, %get3A_35] : memref<400x128xf32, #tpu.memory_space<vmem>>, vector<400x128xf32>
    %get3A_37 = arith.constant 0 : index
    %get3A_38 = arith.constant 0 : index
    %get3A_39 = vector.load %arg5[%get3A_37, %get3A_38] : memref<128x128xf32, #tpu.memory_space<vmem>>, vector<128x128xf32>
    %dot_general3A = arith.constant dense<0.000000e+00> : vector<400x128xf32>
    %dot_general3A_40 = tpu.matmul %get3A_36, %get3A_39, %dot_general3A {dimension_numbers = #tpu.dot_dimension_numbers<[1], [0], [0], [1], [0, 0, 1, 1], [], []>, transpose_lhs_hint = false} : vector<400x128xf32>, vector<128x128xf32>, vector<400x128xf32> -> vector<400x128xf32>
    %add3A_41 = arith.addf %div3A_33, %dot_general3A_40 : vector<400x128xf32>
    %get3A_42 = arith.constant 0 : index
    %get3A_43 = arith.constant 0 : index
    %get3A_44 = vector.load %arg6[%get3A_42, %get3A_43] : memref<1x128xf32, #tpu.memory_space<vmem>>, vector<1x128xf32>
    %add3A_45 = vector.broadcast %get3A_44 : vector<1x128xf32> to vector<400x128xf32>
    %add3A_46 = arith.addf %add3A_41, %add3A_45 : vector<400x128xf32>
    %swap3A = arith.constant 0 : index
    %swap3A_47 = arith.constant 0 : index
    %swap3A_48 = vector.load %arg7[%swap3A, %swap3A_47] : memref<400x128xf32, #tpu.memory_space<vmem>>, vector<400x128xf32>
    tpu.vector_store %arg7[%swap3A, %swap3A_47], %add3A_46 {strides = array<i32>} : memref<400x128xf32, #tpu.memory_space<vmem>>, vector<400x128xf32>,
    return
  }
  func.func @transform_0(%arg0: i32) -> (i32, i32, i32) {
    %c0_i32 = arith.constant 0 : i32
    %c0_i32_0 = arith.constant 0 : i32
    %c0_i32_1 = arith.constant 0 : i32
    return %c0_i32, %arg0, %c0_i32_0 : i32, i32, i32
  }
  func.func @transform_1(%arg0: i32) -> (i32, i32, i32) {
    %c0_i32 = arith.constant 0 : i32
    %c0_i32_0 = arith.constant 0 : i32
    %c0_i32_1 = arith.constant 0 : i32
    return %c0_i32, %arg0, %c0_i32_0 : i32, i32, i32
  }
  func.func @transform_2(%arg0: i32) -> (i32, i32, i32) {
    %c0_i32 = arith.constant 0 : i32
    %c0_i32_0 = arith.constant 0 : i32
    %c0_i32_1 = arith.constant 0 : i32
    return %c0_i32, %arg0, %c0_i32_0 : i32, i32, i32
  }
  func.func @transform_3(%arg0: i32) -> (i32, i32) {
    %c0_i32 = arith.constant 0 : i32
    %c0_i32_0 = arith.constant 0 : i32
    return %arg0, %c0_i32 : i32, i32
  }
  func.func @transform_4(%arg0: i32) -> (i32, i32) {
    %c0_i32 = arith.constant 0 : i32
    %c0_i32_0 = arith.constant 0 : i32
    %c0_i32_1 = arith.constant 0 : i32
    return %c0_i32, %c0_i32_0 : i32, i32
  }
  func.func @transform_5(%arg0: i32) -> (i32, i32) {
    %c0_i32 = arith.constant 0 : i32
    %c0_i32_0 = arith.constant 0 : i32
    %c0_i32_1 = arith.constant 0 : i32
    return %c0_i32, %c0_i32_0 : i32, i32
  }
  func.func @transform_6(%arg0: i32) -> (i32, i32) {
    %c0_i32 = arith.constant 0 : i32
    %c0_i32_0 = arith.constant 0 : i32
    return %arg0, %c0_i32 : i32, i32
  }
}

</mosaic_0001>

<sc_bundles>
// kernel: kernel.10.cloned.1.call-start
scs
__scs_entry_jumppad:
0x0: {  	(pc) =	sbr.rel $0x88, $3  }
0x1: {  	(tag) =	ssettag $0x0;
	lr =	simm.s32 $0x1  }
0x2: {  	[smem:$0x3F99] =	sst lr;
	_ =	strace $0xD0000000  }
0x3: {  	_ = 	snop  }
0x4: {  	_ = 	snop  }
0x5: {  	_ = 	snop  }
0x6: {  	_ = 	snop  }
0x7: {  	_ = 	snop  }
__scs_overlays_trampoline_lowered:
0x8: {  	[smem:$0x3FA8] =	sst s0  }
0x9: {  	[smem:$0x3FA9] =	sst s1  }
0xa: {  	[smem:$0x3FAA] =	sst s2  }
0xb: {  	[smem:$0x3FAB] =	sst s3  }
0xc: {  	[smem:$0x3FAC] =	sst s4  }
0xd: {  	[smem:$0x3FAD] =	sst s5  }
0xe: {  	[smem:$0x3FAE] =	sst s6  }
0xf: {  	[smem:$0x3FAF] =	sst s7  }
0x10: {  	[smem:$0x3FB0] =	sst s8  }
0x11: {  	[smem:$0x3FB1] =	sst s9;
	s0 =	simm.s32 @!p0 $0x0  }
0x12: {  	s1 =	sld [smem:$0x3F97];
	s0 =	simm.s32 @p0 $0x1  }
0x13: {  	[smem:$0x3FB2] =	sst s0;
	s0 =	simm.s32 @!p1 $0x0  }
0x14: {  	s2 =	sld [smem:$0x3F96];
	s0 =	simm.s32 @p1 $0x1  }
0x15: {  	[smem:$0x3FB3] =	sst s0;
	s0 =	simm.s32 @!p2 $0x0  }
0x16: {  	s3 =	sld [smem:$0x3FDB];
	s0 =	simm.s32 @p2 $0x1  }
0x17: {  	s4 =	simm.s32 $0x1BF5;
	[smem:$0x3FB5] =	sst s0  }
0x18: {  	s0 =	sld [smem:$0x3F98];
	_ =	swait.ge [sflag:s4], $0x0  }
0x19: {  	s7 =	sld [smem:$0x3F99]  }
0x1a: {  	s8 =	sadd.s32 $0xFFFFE003, lr  }
0x1b: {  	s9 =	sadd.s32 $0xFFFFFEF7, lr;
	s5 =	simm.s32 $0xFFFFFFFF;
	p2 =	slt.u32 s8, $0xFFFFF086  }
0x1c: {  	p1 =	slt.u32 s9, $0xF7A;
	s5 =	simm.s32 @!p2 $0x0  }
0x1d: {  	s5 =	simm.s32 @p1 $0x1;
	p0 =	seq.s32 s7, s2  }
0x1e: {  	s7 =	smul.u32 @!p0 $0xF7A, s2;
	p2 =	seq.s32 @!p0 s5, $0x0  }
0x1f: {  	s9 =	smul.u32 $0xF7A, s1;
	s8 =	simm.s32 @!p0 $0x1BF5;
	p2 =	por !p2, p0  }
0x20: {  	[sflag:s8] =	ssyncset.s32 @!p0 $0xFFFFF086;
	s6 =	sadd.s32 @!p0 s3, s7;
	s7 =	simm.s32 @!p0 $0x108  }
0x21: {  	s3 =	sadd.s32 s3, s9;
	s6 =	sadd.s32 @!p0 $0x88, s6;
	s7 =	simm.s32 @p2 $0x1082  }
0x22: {  	[simem:s7], [sflag:s8] =	dma.local @!p0 [hbm:s6], $0xF7A  }
0x23: {  	s9 =	sor.u32 $0xD0000000, s2;
	s6 =	simm.s32 $0x108;
	_ =	swait.ge @!p0 [sflag:s8], $0x0  }
0x24: {  	s3 =	sadd.s32 $0x88, s3;
	s6 =	simm.s32 @!p1 $0x1082;
	[sflag:s4] =	ssyncset.s32 $0xFFFFF086  }
0x25: {  	[simem:s6], [sflag:s4] =	dma.local [hbm:s3], $0xF7A  }
0x26: {  	[smem:$0x3F99] =	sst s1;
	(tag) =	ssettag s2;
	_ =	strace s9  }
0x27: {  	s1 =	sld [smem:$0x3FA9]  }
0x28: {  	s2 =	sld [smem:$0x3FAA]  }
0x29: {  	s4 =	sld [smem:$0x3FAC]  }
0x2a: {  	p0 =	seq.s32 s5, $0x0;
	s5 =	sld [smem:$0x3FAD]  }
0x2b: {  	s6 =	sld [smem:$0x3FAE]  }
0x2c: {  	s7 =	sld [smem:$0x3FAF]  }
0x2d: {  	s3 =	simm.s32 $0x108;
	s8 =	sld [smem:$0x3FB0]  }
0x2e: {  	s3 =	simm.s32 @!p0 $0x1082;
	s9 =	sld [smem:$0x3FB1]  }
0x2f: {  	lr =	sadd.s32 s0, s3;
	s0 =	sld [smem:$0x3FA8]  }
0x30: {  	s3 =	sld [smem:$0x3FAB]  }
0x31: {  	[smem:$0x3FB4] =	sst s10  }
0x32: {  	s10 =	sld [smem:$0x3FB2];
	_ =	sdelay $0x3  }
0x33: {  	p0 =	seq.s32 s10, $0x1;
	s10 =	sld [smem:$0x3FB4];
	_ =	sdelay $0x3  }
0x34: {  	[smem:$0x3FB4] =	sst s10  }
0x35: {  	s10 =	sld [smem:$0x3FB3];
	_ =	sdelay $0x3  }
0x36: {  	p1 =	seq.s32 s10, $0x1;
	s10 =	sld [smem:$0x3FB4];
	_ =	sdelay $0x3  }
0x37: {  	[smem:$0x3FB4] =	sst s10  }
0x38: {  	s10 =	sld [smem:$0x3FB5]  }
0x39: {  	_ = 	snop;
	(pc) =	sbr.ind lr, $3  }
0x3a: {  	_ = 	snop  }
0x3b: {  	_ = 	snop  }
0x3c: {  	p2 =	seq.s32 s10, $0x1;
	s10 =	sld [smem:$0x3FB4]  }
0x3d: {  	_ =	shalt  }
0x3e: {  	_ =	shalt  }
0x3f: {  	_ =	shalt  }
0x40: {  	_ =	shalt  }
0x41: {  	_ =	shalt  }
0x42: {  	_ =	shalt  }
0x43: {  	_ =	shalt  }
0x44: {  	_ =	shalt  }
0x45: {  	_ =	shalt  }
0x46: {  	_ =	shalt  }
0x47: {  	_ =	shalt  }
0x48: {  	_ =	shalt  }
0x49: {  	_ =	shalt  }
0x4a: {  	_ =	shalt  }
0x4b: {  	_ =	shalt  }
0x4c: {  	_ =	shalt  }
0x4d: {  	_ =	shalt  }
0x4e: {  	_ =	shalt  }
0x4f: {  	_ =	shalt  }
0x50: {  	_ =	shalt  }
0x51: {  	_ =	shalt  }
0x52: {  	_ =	shalt  }
0x53: {  	_ =	shalt  }
0x54: {  	_ =	shalt  }
0x55: {  	_ =	shalt  }
0x56: {  	_ =	shalt  }
0x57: {  	_ =	shalt  }
0x58: {  	_ =	shalt  }
0x59: {  	_ =	shalt  }
0x5a: {  	_ =	shalt  }
0x5b: {  	_ =	shalt  }
0x5c: {  	_ =	shalt  }
0x5d: {  	_ =	shalt  }
0x5e: {  	_ =	shalt  }
0x5f: {  	_ =	shalt  }
0x60: {  	_ =	shalt  }
0x61: {  	_ =	shalt  }
0x62: {  	_ =	shalt  }
0x63: {  	_ =	shalt  }
0x64: {  	_ =	shalt  }
0x65: {  	_ =	shalt  }
0x66: {  	_ =	shalt  }
0x67: {  	_ =	shalt  }
0x68: {  	_ =	shalt  }
0x69: {  	_ =	shalt  }
0x6a: {  	_ =	shalt  }
0x6b: {  	_ =	shalt  }
0x6c: {  	_ =	shalt  }
0x6d: {  	_ =	shalt  }
0x6e: {  	_ =	shalt  }
0x6f: {  	_ =	shalt  }
0x70: {  	_ =	shalt  }
0x71: {  	_ =	shalt  }
0x72: {  	_ =	shalt  }
0x73: {  	_ =	shalt  }
0x74: {  	_ =	shalt  }
0x75: {  	_ =	shalt  }
0x76: {  	_ =	shalt  }
0x77: {  	_ =	shalt  }
0x78: {  	_ =	shalt  }
0x79: {  	_ =	shalt  }
0x7a: {  	_ =	shalt  }
0x7b: {  	_ =	shalt  }
0x7c: {  	_ =	shalt  }
0x7d: {  	_ =	shalt  }
0x7e: {  	_ =	shalt  }
0x7f: {  	_ =	shalt  }
0x80: {  	_ =	shalt  }
0x81: {  	_ =	shalt  }
0x82: {  	_ =	shalt  }
0x83: {  	_ =	shalt  }
0x84: {  	_ =	shalt  }
0x85: {  	_ =	shalt  }
0x86: {  	_ =	shalt  }
0x87: {  	_ =	shalt  }
.Lfunc_end0:
.L_simem_size_0:
called_computation.1_lowered:
.L_overlay_start_0:
0x88: {  	s2 =	sld [smem:$0x3FD9]  }
0x89: {  	s3 =	sld [smem:$0x3FFE];
	_ =	sdelay $0x1  }
0x8a: {  	s1 =	srdreg.scid  }
0x8b: {  	s0 =	sand.u32 $0x1, s1  }
0x8c: {  	s17 =	sshll.u32 s0, $0xA;
	s2 =	sadd.s32 s3, s2  }
0x8d: {  	s2 =	sadd.s32 s2, s17  }
0x8e: {  	[smem:$0x3FC0] =	sst s2  }
0x8f: {  	_ = 	snop  }
0x90: {  	s2 =	sld [smem:$0x3FD0];
	(tm) =	ssettm $0x1  }
0x91: {  	s18 =	sld [smem:$0x3FFB];
	_ =	sdelay $0x3  }
0x92: {  	_ =	strace s18  }
0x93: {  	s3 =	sld [smem:$0x3FFC];
	_ =	sdelay $0x3  }
0x94: {  	_ =	strace s3  }
0x95: {  	s3 =	sld [smem:$0x3FFD];
	_ =	sdelay $0x3  }
0x96: {  	_ =	strace s3  }
0x97: {  	_ =	strace $0x8FFFFFFF  }
0x98: {  	s19 =	sld [smem:$0x3FDB];
	_ =	sdelay $0x1  }
0x99: {  	s4 =	simm.s32 $_scs_section_size  }
0x9a: {  	s5 =	simm.s32 $_size__tile_overlayer_lowered;
	s6 =	simm.s32 $_tile_overlayer_lowered  }
0x9b: {  	s22 =	simm.s32 $0x1BFF;
	s21 =	sshll.u32 s6, $0x1;
	s3 =	sadd.s32 s4, s19  }
0x9c: {  	s7 =	simm.s32 $0x0;
	s20 =	sshll.u32 s5, $0x1;
	s5 =	sadd.s32 s21, s3  }
0x9d: {  	[timem:s7], [sflag:s22] =	dma.local [hbm:s5], s20  }
0x9e: {  	_ =	swait.ge [sflag:s22], s20  }
0x9f: {  	s4 =	ssub.s32 $0x0, s20;
	[sflag:s22] =	ssyncset.done $0x0  }
0xa0: {  	[sflag:s22] =	ssyncadd.s32 s4;
	_ =	sdelay $0x1  }
0xa1: {  	s23 =	simm.s32 $0x1B8B  }
0xa2: {  	_ =	swait.ge [sflag:s23], $0x1  }
0xa3: {  	[sflag:s23] =	ssyncset.done $0x0  }
0xa4: {  	s25 =	simm.s32 $0x1B8E;
	s24 =	sld [smem:$0x3FFE];
	[sflag:s23] =	ssyncadd.s32 $0xFFFFFFFF  }
0xa5: {  	s26 =	simm.s32 $execute0_lowered;
	[smem:$0x3FD2] =	sst s25  }
0xa6: {  	s5 =	sshll.u32 s26, $0x1;
	_ =	strace $0x80000049;
	[dreg:$0x1] =	wrdreg $0xFFFFFFFF  }
0xa7: {  	s28 =	simm.s32 $_size_execute0_lowered;
	s3 =	sadd.s32 s3, s5;
	[dreg:$0x0] =	wrdreg $0x0  }
0xa8: {  	s5 =	sshll.u32 s28, $0x1;
	[dreg:$0x2] =	wrdreg s3  }
0xa9: {  	[dreg:$0x3] =	wrdreg s5  }
0xaa: {  	[dreg:$0x4] =	wrdreg $0xC0  }
0xab: {  	_ =	task [dreg:s7], $0x5FFFF  }
0xac: {  	[dreg:$0x1] =	wrdreg $0xFFFFFFFF  }
0xad: {  	[dreg:$0x0] =	wrdreg $0x60  }
0xae: {  	[dreg:$0x2] =	wrdreg s2  }
0xaf: {  	[dreg:$0x3] =	wrdreg s24  }
0xb0: {  	[dreg:$0x4] =	wrdreg $0xCF000  }
0xb1: {  	[dreg:$0x5] =	wrdreg $0x9  }
0xb2: {  	_ =	task.clear_ibuf [dreg:s7], $0x6FFFF;
	_ =	strace $0x90000049  }
0xb3: {  	s29 =	simm.s32 $0x9;
	_ =	strace $0x8000004B  }
0xb4: {  	_ =	swait.ge [sflag:s29], $0x1  }
0xb5: {  	[sflag:s29] =	ssyncadd.s32 $0xFFFFFFFF  }
0xb6: {  	_ =	strace $0x9000004B  }
0xb7: {  	_ =	sfence  }
0xb8: {  	s30 =	sld [smem:$0x0];
	_ =	sdelay $0x2  }
0xb9: {  	s31 =	sshll.u32 s1, $0xD;
	s1 =	sshrl.u32 s1, $0x2  }
0xba: {  	s3 =	sand.u32 $0x4000, s31;
	s1 =	sadd.s32 s1, s30  }
0xbb: {  	s0 =	sor.u32 s3, s0;
	s1 =	sshll.u32 s1, $0x11  }
0xbc: {  	s0 =	sor.u32 s1, s0  }
0xbd: {  	s0 =	sadd.s32 $0x8F2B, s0  }
0xbe: {  	[sflag:s0] =	ssyncadd.remote.s32 $0x1  }
0xbf: {  	_ =	sfence.sel $0xFFFF  }
0xc0: {  	[dreg:$0x0] =	wrdreg $0xFFFFFFFF;
	(pc) =	sbr.abs _section_cstart, $3  }
0xc1: {  	[dreg:$0x1] =	wrdreg $0xFFFFFFFF  }
0xc2: {  	_ =	task.clear_ibuf [dreg:s7], $0x2FFFF;
	_ =	strace $0x9FFFFFFF  }
0xc3: {  	(tm) =	ssettm $0x7FFFFFFF  }
tec
execute0_lowered:
.L_overlay_start_1:
0x0: {  	(tag) =	ssettag $0x1  }
0x1: {  	s1 =	rddreg [dreg:$0x0]  }
0x2: {  	s0 =	rddreg [dreg:$0x1];
	s2 =	srdreg.scid  }
0x3: {  	s9 =	stileid.u32;
	s3 =	rddreg [dreg:$0x2];
	s4 =	simm.s32 $0x0  }
0x4: {  	s28 =	simm.s32 $0x80;
	s29 =	simm.s32 $0x4F00;
	s30 =	simm.s32 $0x6F00  }
0x5: {  	s31 =	simm.s32 $0x100;
	s2 =	sand.u32 $0x1, s2;
	s5 =	sshll.u32 s9, $0x1  }
0x6: {  	[smem:$0x7FF] =	sst s4;
	s13 =	sadd.s32 $0x51C00, s0;
	s12 =	sshll.u32 s9, $0xD  }
0x7: {  	s5 =	sor.u32 s2, s5;
	_ =	strace $0x8000004A;
	s7 =	ssub.s32 $0x2, s2  }
0x8: {  	s19 =	sor.u32 $0x20000, s12;
	s14 =	sor.u32 $0x40000, s12;
	s2 =	smul.u32 $0xA0000, s2  }
0x9: {  	s15 =	sor.u32 $0x60000, s12;
	s16 =	sor.u32 $0x80000, s12;
	s6 =	smul.u32 $0x4F0, s5  }
0xa: {  	s5 =	sadd.s32 $0x16200, s0;
	s8 =	sshrl.u32 s7, $0x1;
	s9 =	sadd.s32 s19, s3  }
0xb: {  	s10 =	sadd.s32 s14, s3;
	s11 =	sadd.s32 s15, s3;
	s7 =	ssub.s32 s7, s8  }
0xc: {  	s8 =	sadd.s32 s12, s3;
	s17 =	sor.u32 s12, s2;
	s12 =	sadd.s32 s16, s3  }
0xd: {  	s14 =	sadd.s32 s2, s14;
	s15 =	sadd.s32 s2, s15;
	s6 =	sadd.s32 s6, s0  }
0xe: {  	s0 =	sadd.s32 $0x29C00, s0;
	s17 =	sshrl.u32 s17, $0x3;
	s26 =	smax.u32 s7, $0x1  }
0xf: {  	s14 =	sshrl.u32 s14, $0x3;
	s18 =	sadd.s32 $0xC400, s6;
	[dreg:$0x10] =	wrdreg s26  }
0x10: {  	s15 =	sshrl.u32 s15, $0x3;
	s6 =	sadd.s32 $0x2600, s6;
	[dreg:$0x4] =	wrdreg s18  }
0x11: {  	s21 =	sadd.s32 s13, s14;
	s22 =	sadd.s32 s13, s15;
	[dreg:$0x5] =	wrdreg s6  }
0x12: {  	s23 =	sadd.s32 s0, s17;
	s24 =	sadd.s32 s0, s14;
	[dreg:$0x8] =	wrdreg s21  }
0x13: {  	s25 =	sadd.s32 s0, s15;
	s26 =	simm.s32 $0xAF00;
	[dreg:$0x9] =	wrdreg s22  }
0x14: {  	s14 =	simm.s32 $0x4D80;
	s15 =	simm.s32 $0x4E00;
	[dreg:$0xb] =	wrdreg s23  }
0x15: {  	s6 =	sadd.s32 s2, s19;
	s18 =	sadd.s32 s13, s17;
	[dreg:$0xd] =	wrdreg s24  }
0x16: {  	s2 =	sadd.s32 s2, s16;
	[dreg:$0xe] =	wrdreg s25;
	s6 =	sshrl.u32 s6, $0x3  }
0x17: {  	[dreg:$0x6] =	wrdreg s18;
	s2 =	sshrl.u32 s2, $0x3;
	s20 =	sadd.s32 s13, s6  }
0x18: {  	s24 =	simm.s32 $0x4;
	s13 =	sadd.s32 s13, s2;
	[dreg:$0x7] =	wrdreg s20  }
0x19: {  	s25 =	simm.s32 $0x2;
	s6 =	sadd.s32 s0, s6;
	[dreg:$0xa] =	wrdreg s13  }
0x1a: {  	s23 =	simm.s32 $0x4D00;
	s0 =	sadd.s32 s0, s2;
	[dreg:$0xc] =	wrdreg s6  }
0x1b: {  	s16 =	simm.s32 $0x4E80;
	s2 =	simm.s32 $0x8F00;
	[dreg:$0xf] =	wrdreg s0  }
0x1c: {  	v0 =	vimm.f32 $0.0e+00;
	s0 =	simm.s32 $0x1;
	s6 =	simm.s32 $0x3;
	s13 =	simm.s32 $0x2700  }
.LBB2_1:
0x1d: {  	s18 =	simm.s32 $0x100;
	s17 =	simm.s32 $0x0  }
.LBB2_2:
0x1e: {  	p0 =	sne.s32 s18, $0x7F00;
	[tilespmem:s17+$0xAF30] =	vst v0;
	s19 =	smov.u32 s18;
	s18 =	sadd.s32 $0x100, s18  }
.Ltmp0:
0x1f: {  	[tilespmem:s17+$0xAF20] =	vst v0;
	(pc) =	sbr.rel @p0 .LBB2_2-.Ltmp0, $3  }
0x20: {  	[tilespmem:s17+$0xAF00] =	vst v0  }
0x21: {  	[tilespmem:s17+$0xAF10] =	vst v0;
	_ =	sdelay $0x1  }
0x22: {  	s17 =	sshra.s32 s19, $0x2  }
0x23: {  	[tilespmem:s17+$0xAF30] =	vst v0  }
0x24: {  	[tilespmem:s17+$0xAF20] =	vst v0  }
0x25: {  	[tilespmem:s17+$0xAF00] =	vst v0  }
0x26: {  	[tilespmem:s17+$0xAF10] =	vst v0;
	s21 =	simm.s32 $0x0;
	s7 =	rddreg [dreg:$0x4]  }
0x27: {  	[tilespmem:s21], [sflag:$0x4] =	stream.linear.gather [hbm4b:s7+s21], $0x2780, $0x38;
	[tilespmem:$0x16F00] =	vst v63  }
0x28: {  	_ =	swait.ge [sflag:s24], $0x2780  }
0x29: {  	[sflag:s24] =	ssyncset.done $0x0  }
0x2a: {  	s18 =	simm.s32 $0x2780;
	s22 =	rddreg [dreg:$0x5];
	[sflag:s24] =	ssyncadd.s32 $0xFFFFD880  }
0x2b: {  	[tilespmem:s18], [sflag:$0x4] =	stream.linear.gather [hbm4b:s22+s21], $0x2780, $0x38;
	[tilespmem:$0x16F00] =	vst v63  }
0x2c: {  	_ =	swait.ge [sflag:s24], $0x2780  }
0x2d: {  	[sflag:s24] =	ssyncset.done $0x0  }
0x2e: {  	[sflag:s24] =	ssyncadd.s32 $0xFFFFD880  }
0x2f: {  	[spmem:s8] =	stream.linear.scatter [tilespmem:s26], [sflag:$0x4], $0x2000, $0x38;
	[tilespmem:$0x16F00] =	vst v63  }
0x30: {  	_ =	swait.ge [sflag:s24], $0x2000  }
0x31: {  	[sflag:s24] =	ssyncset.done $0x0  }
0x32: {  	[sflag:s24] =	ssyncadd.s32 $0xFFFFE000  }
0x33: {  	[spmem:s9] =	stream.linear.scatter [tilespmem:s26], [sflag:$0x4], $0x2000, $0x38;
	[tilespmem:$0x16F00] =	vst v63  }
0x34: {  	_ =	swait.ge [sflag:s24], $0x2000  }
0x35: {  	[sflag:s24] =	ssyncset.done $0x0  }
0x36: {  	[sflag:s24] =	ssyncadd.s32 $0xFFFFE000  }
0x37: {  	[spmem:s10] =	stream.linear.scatter [tilespmem:s26], [sflag:$0x4], $0x2000, $0x38;
	[tilespmem:$0x16F00] =	vst v63  }
0x38: {  	_ =	swait.ge [sflag:s24], $0x2000  }
0x39: {  	[sflag:s24] =	ssyncset.done $0x0  }
0x3a: {  	[sflag:s24] =	ssyncadd.s32 $0xFFFFE000  }
0x3b: {  	[spmem:s11] =	stream.linear.scatter [tilespmem:s26], [sflag:$0x4], $0x2000, $0x38;
	[tilespmem:$0x16F00] =	vst v63  }
0x3c: {  	_ =	swait.ge [sflag:s24], $0x2000  }
0x3d: {  	[sflag:s24] =	ssyncset.done $0x0  }
0x3e: {  	[sflag:s24] =	ssyncadd.s32 $0xFFFFE000  }
0x3f: {  	[spmem:s12] =	stream.linear.scatter [tilespmem:s26], [sflag:$0x4], $0x2000, $0x38;
	[tilespmem:$0x16F00] =	vst v63  }
0x40: {  	_ =	swait.ge [sflag:s24], $0x2000  }
0x41: {  	[sflag:s24] =	ssyncset.done $0x0  }
0x42: {  	[sflag:s24] =	ssyncadd.s32 $0xFFFFE000  }
0x43: {  	[bflag:$0x0] =	sbarrier.arrive $0xFFFF  }
0x44: {  	[tilespmem:s29], [sflag:$0x1] =	stream.indirect.gather [hbm4b:s1+s28], $0x40, s21, s28, $0xb8;
	[tilespmem:$0x16F00] =	vst v63  }
0x45: {  	_ = 	snop  }
0x46: {  	[tilespmem:s30], [sflag:$0x2] =	stream.indirect.gather [hbm4b:s1+s28], $0x40, s28, s28, $0xb8;
	[tilespmem:$0x16F00] =	vst v63  }
0x47: {  	_ = 	snop  }
0x48: {  	[tilespmem:s2], [sflag:$0x3] =	stream.indirect.gather [hbm4b:s1+s28], $0x40, s31, s28, $0xb8;
	[tilespmem:$0x16F00] =	vst v63  }
0x49: {  	_ =	swait.ge [sflag:s0], $0x2000  }
0x4a: {  	[sflag:s0] =	ssyncset.done $0x0  }
0x4b: {  	s18 =	simm.s32 $0x2780;
	[sflag:s0] =	ssyncadd.s32 $0xFFFFE000  }
0x4c: {  	[spmem:s3] =	stream.indirect.scatter.add.f32 [tilespmem:s29], [sflag:$0x4], $0x40, s18, s28, $0xb8;
	[tilespmem:$0x16F00] =	vst v63  }
0x4d: {  	_ =	swait.ge [sflag:s24], $0x2000  }
0x4e: {  	[sflag:s24] =	ssyncset.done $0x0  }
0x4f: {  	s19 =	simm.s32 $0x180;
	[sflag:s24] =	ssyncadd.s32 $0xFFFFE000  }
0x50: {  	[tilespmem:s29], [sflag:$0x1] =	stream.indirect.gather [hbm4b:s1+s28], $0x40, s19, s28, $0xb8;
	[tilespmem:$0x16F00] =	vst v63  }
0x51: {  	_ =	swait.ge [sflag:s25], $0x2000  }
0x52: {  	[sflag:s25] =	ssyncset.done $0x0  }
0x53: {  	s20 =	simm.s32 $0x2800;
	[sflag:s25] =	ssyncadd.s32 $0xFFFFE000  }
0x54: {  	[spmem:s3] =	stream.indirect.scatter.add.f32 [tilespmem:s30], [sflag:$0x4], $0x40, s20, s28, $0xb8;
	[tilespmem:$0x16F00] =	vst v63  }
0x55: {  	_ =	swait.ge [sflag:s24], $0x2000  }
0x56: {  	[sflag:s24] =	ssyncset.done $0x0  }
0x57: {  	s21 =	simm.s32 $0x200;
	[sflag:s24] =	ssyncadd.s32 $0xFFFFE000  }
0x58: {  	[tilespmem:s30], [sflag:$0x2] =	stream.indirect.gather [hbm4b:s1+s28], $0x40, s21, s28, $0xb8;
	[tilespmem:$0x16F00] =	vst v63  }
0x59: {  	_ =	swait.ge [sflag:s6], $0x2000  }
0x5a: {  	[sflag:s6] =	ssyncset.done $0x0  }
0x5b: {  	s22 =	simm.s32 $0x2880;
	[sflag:s6] =	ssyncadd.s32 $0xFFFFE000  }
0x5c: {  	[spmem:s3] =	stream.indirect.scatter.add.f32 [tilespmem:s2], [sflag:$0x4], $0x40, s22, s28, $0xb8;
	[tilespmem:$0x16F00] =	vst v63  }
0x5d: {  	_ =	swait.ge [sflag:s24], $0x2000  }
0x5e: {  	[sflag:s24] =	ssyncset.done $0x0  }
0x5f: {  	s17 =	simm.s32 $0x600;
	s18 =	simm.s32 $0x280;
	[sflag:s24] =	ssyncadd.s32 $0xFFFFE000  }
.LBB2_4:
0x60: {  	[tilespmem:s2], [sflag:$0x3] =	stream.indirect.gather [hbm4b:s1+s28], $0x40, s18, s28, $0xb8;
	[tilespmem:$0x16F00] =	vst v63  }
0x61: {  	s18 =	smov.u32 s17  }
0x62: {  	p0 =	sne.s32 s17, $0x9000;
	s17 =	sadd.s32 $0x600, s17;
	_ =	swait.ge [sflag:s0], $0x2000  }
0x63: {  	s18 =	sshra.s32 s18, $0x2;
	[sflag:s0] =	ssyncset.done $0x0  }
0x64: {  	s19 =	sadd.s32 $0x2780, s18;
	[sflag:s0] =	ssyncadd.s32 $0xFFFFE000  }
0x65: {  	[spmem:s3] =	stream.indirect.scatter.add.f32 [tilespmem:s29], [sflag:$0x4], $0x40, s19, s28, $0xb8;
	[tilespmem:$0x16F00] =	vst v63  }
0x66: {  	_ =	swait.ge [sflag:s24], $0x2000  }
0x67: {  	[sflag:s24] =	ssyncset.done $0x0  }
0x68: {  	s19 =	sadd.s32 $0x180, s18;
	[sflag:s24] =	ssyncadd.s32 $0xFFFFE000  }
0x69: {  	[tilespmem:s29], [sflag:$0x1] =	stream.indirect.gather [hbm4b:s1+s28], $0x40, s19, s28, $0xb8;
	[tilespmem:$0x16F00] =	vst v63  }
0x6a: {  	_ =	swait.ge [sflag:s25], $0x2000  }
0x6b: {  	[sflag:s25] =	ssyncset.done $0x0  }
0x6c: {  	s19 =	sadd.s32 $0x2800, s18;
	[sflag:s25] =	ssyncadd.s32 $0xFFFFE000  }
0x6d: {  	[spmem:s3] =	stream.indirect.scatter.add.f32 [tilespmem:s30], [sflag:$0x4], $0x40, s19, s28, $0xb8;
	[tilespmem:$0x16F00] =	vst v63  }
0x6e: {  	_ =	swait.ge [sflag:s24], $0x2000  }
0x6f: {  	[sflag:s24] =	ssyncset.done $0x0  }
0x70: {  	s19 =	sadd.s32 $0x200, s18;
	[sflag:s24] =	ssyncadd.s32 $0xFFFFE000  }
0x71: {  	[tilespmem:s30], [sflag:$0x2] =	stream.indirect.gather [hbm4b:s1+s28], $0x40, s19, s28, $0xb8;
	[tilespmem:$0x16F00] =	vst v63  }
0x72: {  	_ =	swait.ge [sflag:s6], $0x2000  }
0x73: {  	[sflag:s6] =	ssyncset.done $0x0  }
.Ltmp1:
0x74: {  	s19 =	sadd.s32 $0x2880, s18;
	[sflag:s6] =	ssyncadd.s32 $0xFFFFE000;
	(pc) =	sbr.rel @p0 .LBB2_4-.Ltmp1, $4  }
0x75: {  	[spmem:s3] =	stream.indirect.scatter.add.f32 [tilespmem:s2], [sflag:$0x4], $0x40, s19, s28, $0xb8;
	[tilespmem:$0x16F00] =	vst v63  }
0x76: {  	_ =	swait.ge [sflag:s24], $0x2000  }
0x77: {  	[sflag:s24] =	ssyncset.done $0x0  }
0x78: {  	s18 =	sadd.s32 $0x280, s18;
	[sflag:s24] =	ssyncadd.s32 $0xFFFFE000  }
0x79: {  	[tilespmem:s2], [sflag:$0x3] =	stream.indirect.gather [hbm4b:s1+s28], $0x40, s18, s28, $0xb8;
	[tilespmem:$0x16F00] =	vst v63  }
0x7a: {  	_ =	swait.ge [sflag:s0], $0x2000  }
0x7b: {  	[sflag:s0] =	ssyncset.done $0x0  }
0x7c: {  	[sflag:s0] =	ssyncadd.s32 $0xFFFFE000  }
0x7d: {  	[spmem:s3] =	stream.indirect.scatter.add.f32 [tilespmem:s29], [sflag:$0x4], $0x40, s23, s28, $0xb8;
	[tilespmem:$0x16F00] =	vst v63  }
0x7e: {  	_ =	swait.ge [sflag:s24], $0x2000  }
0x7f: {  	[sflag:s24] =	ssyncset.done $0x0  }
0x80: {  	[sflag:s24] =	ssyncadd.s32 $0xFFFFE000  }
0x81: {  	[tilespmem:s29], [sflag:$0x1] =	stream.indirect.gather [hbm4b:s1+s28], $0x40, s13, s28, $0xb8;
	[tilespmem:$0x16F00] =	vst v63  }
0x82: {  	_ =	swait.ge [sflag:s25], $0x2000  }
0x83: {  	[sflag:s25] =	ssyncset.done $0x0  }
0x84: {  	[sflag:s25] =	ssyncadd.s32 $0xFFFFE000  }
0x85: {  	[spmem:s3] =	stream.indirect.scatter.add.f32 [tilespmem:s30], [sflag:$0x4], $0x40, s14, s28, $0xb8;
	[tilespmem:$0x16F00] =	vst v63  }
0x86: {  	_ =	swait.ge [sflag:s24], $0x2000  }
0x87: {  	[sflag:s24] =	ssyncset.done $0x0  }
0x88: {  	[sflag:s24] =	ssyncadd.s32 $0xFFFFE000  }
0x89: {  	_ =	swait.ge [sflag:s6], $0x2000  }
0x8a: {  	[sflag:s6] =	ssyncset.done $0x0  }
0x8b: {  	[sflag:s6] =	ssyncadd.s32 $0xFFFFE000  }
0x8c: {  	[spmem:s3] =	stream.indirect.scatter.add.f32 [tilespmem:s2], [sflag:$0x4], $0x40, s15, s28, $0xb8;
	[tilespmem:$0x16F00] =	vst v63  }
0x8d: {  	_ =	swait.ge [sflag:s24], $0x2000  }
0x8e: {  	[sflag:s24] =	ssyncset.done $0x0  }
0x8f: {  	[sflag:s24] =	ssyncadd.s32 $0xFFFFE000  }
0x90: {  	_ =	swait.ge [sflag:s0], $0x2000  }
0x91: {  	[sflag:s0] =	ssyncset.done $0x0  }
0x92: {  	[sflag:s0] =	ssyncadd.s32 $0xFFFFE000  }
0x93: {  	[spmem:s3] =	stream.indirect.scatter.add.f32 [tilespmem:s29], [sflag:$0x4], $0x40, s16, s28, $0xb8;
	[tilespmem:$0x16F00] =	vst v63  }
0x94: {  	_ =	swait.ge [sflag:s24], $0x2000  }
0x95: {  	[sflag:s24] =	ssyncset.done $0x0  }
0x96: {  	s7 =	stileid.u32;
	[sflag:s24] =	ssyncadd.s32 $0xFFFFE000  }
0x97: {  	s17 =	sshll.u32 s7, $0x6;
	[bflag:$0x0] =	sbarrier.arrive $0xFFFF  }
0x98: {  	s18 =	sshrl.u32 s8, $0x3;
	s17 =	sor.u32 $0x1C04, s17;
	s19 =	rddreg [dreg:$0x6]  }
0x99: {  	[hbm:s19], [sflag:s17] =	dma.local [spmem:s18], $0x400  }
0x9a: {  	_ =	swait.ge [sflag:s24], $0x400  }
0x9b: {  	[sflag:s24] =	ssyncset.done $0x0  }
0x9c: {  	s19 =	sshrl.u32 s9, $0x3;
	s20 =	rddreg [dreg:$0x7];
	[sflag:s24] =	ssyncadd.s32 $0xFFFFFC00  }
0x9d: {  	[hbm:s20], [sflag:s17] =	dma.local [spmem:s19], $0x400  }
0x9e: {  	_ =	swait.ge [sflag:s24], $0x400  }
0x9f: {  	[sflag:s24] =	ssyncset.done $0x0  }
0xa0: {  	s20 =	sshrl.u32 s10, $0x3;
	s21 =	rddreg [dreg:$0x8];
	[sflag:s24] =	ssyncadd.s32 $0xFFFFFC00  }
0xa1: {  	[hbm:s21], [sflag:s17] =	dma.local [spmem:s20], $0x400  }
0xa2: {  	_ =	swait.ge [sflag:s24], $0x400  }
0xa3: {  	[sflag:s24] =	ssyncset.done $0x0  }
0xa4: {  	s21 =	sshrl.u32 s11, $0x3;
	s22 =	rddreg [dreg:$0x9];
	[sflag:s24] =	ssyncadd.s32 $0xFFFFFC00  }
0xa5: {  	[hbm:s22], [sflag:s17] =	dma.local [spmem:s21], $0x400  }
0xa6: {  	_ =	swait.ge [sflag:s24], $0x400  }
0xa7: {  	[sflag:s24] =	ssyncset.done $0x0  }
0xa8: {  	s22 =	sshrl.u32 s12, $0x3;
	s23 =	rddreg [dreg:$0xa];
	[sflag:s24] =	ssyncadd.s32 $0xFFFFFC00  }
0xa9: {  	[hbm:s23], [sflag:s17] =	dma.local [spmem:s22], $0x400  }
0xaa: {  	_ =	swait.ge [sflag:s24], $0x400  }
0xab: {  	[sflag:s24] =	ssyncset.done $0x0  }
0xac: {  	[sflag:s24] =	ssyncadd.s32 $0xFFFFFC00  }
0xad: {  	[spmem:s8] =	stream.linear.scatter [tilespmem:s26], [sflag:$0x4], $0x2000, $0x38;
	[tilespmem:$0x16F00] =	vst v63  }
0xae: {  	_ =	swait.ge [sflag:s24], $0x2000  }
0xaf: {  	[sflag:s24] =	ssyncset.done $0x0  }
0xb0: {  	[sflag:s24] =	ssyncadd.s32 $0xFFFFE000  }
0xb1: {  	[spmem:s9] =	stream.linear.scatter [tilespmem:s26], [sflag:$0x4], $0x2000, $0x38;
	[tilespmem:$0x16F00] =	vst v63  }
0xb2: {  	_ =	swait.ge [sflag:s24], $0x2000  }
0xb3: {  	[sflag:s24] =	ssyncset.done $0x0  }
0xb4: {  	[sflag:s24] =	ssyncadd.s32 $0xFFFFE000  }
0xb5: {  	[spmem:s10] =	stream.linear.scatter [tilespmem:s26], [sflag:$0x4], $0x2000, $0x38;
	[tilespmem:$0x16F00] =	vst v63  }
0xb6: {  	_ =	swait.ge [sflag:s24], $0x2000  }
0xb7: {  	[sflag:s24] =	ssyncset.done $0x0  }
0xb8: {  	[sflag:s24] =	ssyncadd.s32 $0xFFFFE000  }
0xb9: {  	[spmem:s11] =	stream.linear.scatter [tilespmem:s26], [sflag:$0x4], $0x2000, $0x38;
	[tilespmem:$0x16F00] =	vst v63  }
0xba: {  	_ =	swait.ge [sflag:s24], $0x2000  }
0xbb: {  	[sflag:s24] =	ssyncset.done $0x0  }
0xbc: {  	[sflag:s24] =	ssyncadd.s32 $0xFFFFE000  }
0xbd: {  	[spmem:s12] =	stream.linear.scatter [tilespmem:s26], [sflag:$0x4], $0x2000, $0x38;
	[tilespmem:$0x16F00] =	vst v63  }
0xbe: {  	_ =	swait.ge [sflag:s24], $0x2000  }
0xbf: {  	[sflag:s24] =	ssyncset.done $0x0  }
0xc0: {  	[sflag:s24] =	ssyncadd.s32 $0xFFFFE000  }
0xc1: {  	s7 =	simm.s32 $0x0;
	[bflag:$0x0] =	sbarrier.arrive $0xFFFF  }
0xc2: {  	[tilespmem:s29], [sflag:$0x1] =	stream.indirect.gather [hbm4b:s5+s28], $0x40, s7, s28, $0xb8;
	[tilespmem:$0x16F00] =	vst v63  }
0xc3: {  	_ = 	snop  }
0xc4: {  	[tilespmem:s30], [sflag:$0x2] =	stream.indirect.gather [hbm4b:s5+s28], $0x40, s28, s28, $0xb8;
	[tilespmem:$0x16F00] =	vst v63  }
0xc5: {  	_ = 	snop  }
0xc6: {  	[tilespmem:s2], [sflag:$0x3] =	stream.indirect.gather [hbm4b:s5+s28], $0x40, s31, s28, $0xb8;
	[tilespmem:$0x16F00] =	vst v63  }
0xc7: {  	_ =	swait.ge [sflag:s0], $0x2000  }
0xc8: {  	[sflag:s0] =	ssyncset.done $0x0  }
0xc9: {  	s7 =	simm.s32 $0x2780;
	[sflag:s0] =	ssyncadd.s32 $0xFFFFE000  }
0xca: {  	[spmem:s3] =	stream.indirect.scatter.add.f32 [tilespmem:s29], [sflag:$0x4], $0x40, s7, s28, $0xb8;
	[tilespmem:$0x16F00] =	vst v63  }
0xcb: {  	_ =	swait.ge [sflag:s24], $0x2000  }
0xcc: {  	[sflag:s24] =	ssyncset.done $0x0  }
0xcd: {  	s7 =	simm.s32 $0x180;
	[sflag:s24] =	ssyncadd.s32 $0xFFFFE000  }
0xce: {  	[tilespmem:s29], [sflag:$0x1] =	stream.indirect.gather [hbm4b:s5+s28], $0x40, s7, s28, $0xb8;
	[tilespmem:$0x16F00] =	vst v63  }
0xcf: {  	_ =	swait.ge [sflag:s25], $0x2000  }
0xd0: {  	[sflag:s25] =	ssyncset.done $0x0  }
0xd1: {  	s7 =	simm.s32 $0x2800;
	[sflag:s25] =	ssyncadd.s32 $0xFFFFE000  }
0xd2: {  	[spmem:s3] =	stream.indirect.scatter.add.f32 [tilespmem:s30], [sflag:$0x4], $0x40, s7, s28, $0xb8;
	[tilespmem:$0x16F00] =	vst v63  }
0xd3: {  	_ =	swait.ge [sflag:s24], $0x2000  }
0xd4: {  	[sflag:s24] =	ssyncset.done $0x0  }
0xd5: {  	s7 =	simm.s32 $0x200;
	[sflag:s24] =	ssyncadd.s32 $0xFFFFE000  }
0xd6: {  	[tilespmem:s30], [sflag:$0x2] =	stream.indirect.gather [hbm4b:s5+s28], $0x40, s7, s28, $0xb8;
	[tilespmem:$0x16F00] =	vst v63  }
0xd7: {  	_ =	swait.ge [sflag:s6], $0x2000  }
0xd8: {  	[sflag:s6] =	ssyncset.done $0x0  }
0xd9: {  	s7 =	simm.s32 $0x2880;
	[sflag:s6] =	ssyncadd.s32 $0xFFFFE000  }
0xda: {  	[spmem:s3] =	stream.indirect.scatter.add.f32 [tilespmem:s2], [sflag:$0x4], $0x40, s7, s28, $0xb8;
	[tilespmem:$0x16F00] =	vst v63  }
0xdb: {  	_ =	swait.ge [sflag:s24], $0x2000  }
0xdc: {  	[sflag:s24] =	ssyncset.done $0x0  }
0xdd: {  	s23 =	simm.s32 $0x600;
	s31 =	simm.s32 $0x280;
	[sflag:s24] =	ssyncadd.s32 $0xFFFFE000  }
.LBB2_6:
0xde: {  	[tilespmem:s2], [sflag:$0x3] =	stream.indirect.gather [hbm4b:s5+s28], $0x40, s31, s28, $0xb8;
	[tilespmem:$0x16F00] =	vst v63  }
0xdf: {  	s31 =	smov.u32 s23  }
0xe0: {  	p0 =	sne.s32 s23, $0x9000;
	s23 =	sadd.s32 $0x600, s23;
	_ =	swait.ge [sflag:s0], $0x2000  }
0xe1: {  	s31 =	sshra.s32 s31, $0x2;
	[sflag:s0] =	ssyncset.done $0x0  }
0xe2: {  	s7 =	sadd.s32 $0x2780, s31;
	[sflag:s0] =	ssyncadd.s32 $0xFFFFE000  }
0xe3: {  	[spmem:s3] =	stream.indirect.scatter.add.f32 [tilespmem:s29], [sflag:$0x4], $0x40, s7, s28, $0xb8;
	[tilespmem:$0x16F00] =	vst v63  }
0xe4: {  	_ =	swait.ge [sflag:s24], $0x2000  }
0xe5: {  	[sflag:s24] =	ssyncset.done $0x0  }
0xe6: {  	s7 =	sadd.s32 $0x180, s31;
	[sflag:s24] =	ssyncadd.s32 $0xFFFFE000  }
0xe7: {  	[tilespmem:s29], [sflag:$0x1] =	stream.indirect.gather [hbm4b:s5+s28], $0x40, s7, s28, $0xb8;
	[tilespmem:$0x16F00] =	vst v63  }
0xe8: {  	_ =	swait.ge [sflag:s25], $0x2000  }
0xe9: {  	[sflag:s25] =	ssyncset.done $0x0  }
0xea: {  	s7 =	sadd.s32 $0x2800, s31;
	[sflag:s25] =	ssyncadd.s32 $0xFFFFE000  }
0xeb: {  	[spmem:s3] =	stream.indirect.scatter.add.f32 [tilespmem:s30], [sflag:$0x4], $0x40, s7, s28, $0xb8;
	[tilespmem:$0x16F00] =	vst v63  }
0xec: {  	_ =	swait.ge [sflag:s24], $0x2000  }
0xed: {  	[sflag:s24] =	ssyncset.done $0x0  }
0xee: {  	s7 =	sadd.s32 $0x200, s31;
	[sflag:s24] =	ssyncadd.s32 $0xFFFFE000  }
0xef: {  	[tilespmem:s30], [sflag:$0x2] =	stream.indirect.gather [hbm4b:s5+s28], $0x40, s7, s28, $0xb8;
	[tilespmem:$0x16F00] =	vst v63  }
0xf0: {  	_ =	swait.ge [sflag:s6], $0x2000  }
0xf1: {  	[sflag:s6] =	ssyncset.done $0x0  }
.Ltmp2:
0xf2: {  	s7 =	sadd.s32 $0x2880, s31;
	[sflag:s6] =	ssyncadd.s32 $0xFFFFE000;
	(pc) =	sbr.rel @p0 .LBB2_6-.Ltmp2, $4  }
0xf3: {  	[spmem:s3] =	stream.indirect.scatter.add.f32 [tilespmem:s2], [sflag:$0x4], $0x40, s7, s28, $0xb8;
	[tilespmem:$0x16F00] =	vst v63  }
0xf4: {  	_ =	swait.ge [sflag:s24], $0x2000  }
0xf5: {  	[sflag:s24] =	ssyncset.done $0x0  }
0xf6: {  	s31 =	sadd.s32 $0x280, s31;
	[sflag:s24] =	ssyncadd.s32 $0xFFFFE000  }
0xf7: {  	[tilespmem:s2], [sflag:$0x3] =	stream.indirect.gather [hbm4b:s5+s28], $0x40, s31, s28, $0xb8;
	[tilespmem:$0x16F00] =	vst v63  }
0xf8: {  	_ =	swait.ge [sflag:s0], $0x2000  }
0xf9: {  	[sflag:s0] =	ssyncset.done $0x0  }
0xfa: {  	s23 =	simm.s32 $0x4D00;
	[sflag:s0] =	ssyncadd.s32 $0xFFFFE000  }
0xfb: {  	[spmem:s3] =	stream.indirect.scatter.add.f32 [tilespmem:s29], [sflag:$0x4], $0x40, s23, s28, $0xb8;
	[tilespmem:$0x16F00] =	vst v63  }
0xfc: {  	_ =	swait.ge [sflag:s24], $0x2000  }
0xfd: {  	[sflag:s24] =	ssyncset.done $0x0  }
0xfe: {  	[sflag:s24] =	ssyncadd.s32 $0xFFFFE000  }
0xff: {  	[tilespmem:s29], [sflag:$0x1] =	stream.indirect.gather [hbm4b:s5+s28], $0x40, s13, s28, $0xb8;
	[tilespmem:$0x16F00] =	vst v63  }
0x100: {  	_ =	swait.ge [sflag:s25], $0x2000  }
0x101: {  	[sflag:s25] =	ssyncset.done $0x0  }
0x102: {  	[sflag:s25] =	ssyncadd.s32 $0xFFFFE000  }
0x103: {  	[spmem:s3] =	stream.indirect.scatter.add.f32 [tilespmem:s30], [sflag:$0x4], $0x40, s14, s28, $0xb8;
	[tilespmem:$0x16F00] =	vst v63  }
0x104: {  	_ =	swait.ge [sflag:s24], $0x2000  }
0x105: {  	[sflag:s24] =	ssyncset.done $0x0  }
0x106: {  	[sflag:s24] =	ssyncadd.s32 $0xFFFFE000  }
0x107: {  	_ =	swait.ge [sflag:s6], $0x2000  }
0x108: {  	[sflag:s6] =	ssyncset.done $0x0  }
0x109: {  	[sflag:s6] =	ssyncadd.s32 $0xFFFFE000  }
0x10a: {  	[spmem:s3] =	stream.indirect.scatter.add.f32 [tilespmem:s2], [sflag:$0x4], $0x40, s15, s28, $0xb8;
	[tilespmem:$0x16F00] =	vst v63  }
0x10b: {  	_ =	swait.ge [sflag:s24], $0x2000  }
0x10c: {  	[sflag:s24] =	ssyncset.done $0x0  }
0x10d: {  	[sflag:s24] =	ssyncadd.s32 $0xFFFFE000  }
0x10e: {  	_ =	swait.ge [sflag:s0], $0x2000  }
0x10f: {  	[sflag:s0] =	ssyncset.done $0x0  }
0x110: {  	[sflag:s0] =	ssyncadd.s32 $0xFFFFE000  }
0x111: {  	[spmem:s3] =	stream.indirect.scatter.add.f32 [tilespmem:s29], [sflag:$0x4], $0x40, s16, s28, $0xb8;
	[tilespmem:$0x16F00] =	vst v63  }
0x112: {  	_ =	swait.ge [sflag:s24], $0x2000  }
0x113: {  	[sflag:s24] =	ssyncset.done $0x0  }
0x114: {  	[sflag:s24] =	ssyncadd.s32 $0xFFFFE000  }
0x115: {  	[bflag:$0x0] =	sbarrier.arrive $0xFFFF  }
0x116: {  	s7 =	rddreg [dreg:$0xb]  }
0x117: {  	[hbm:s7], [sflag:s17] =	dma.local [spmem:s18], $0x400  }
0x118: {  	_ =	swait.ge [sflag:s24], $0x400  }
0x119: {  	[sflag:s24] =	ssyncset.done $0x0  }
0x11a: {  	s18 =	rddreg [dreg:$0xc];
	[sflag:s24] =	ssyncadd.s32 $0xFFFFFC00  }
0x11b: {  	[hbm:s18], [sflag:s17] =	dma.local [spmem:s19], $0x400  }
0x11c: {  	_ =	swait.ge [sflag:s24], $0x400  }
0x11d: {  	[sflag:s24] =	ssyncset.done $0x0  }
0x11e: {  	s19 =	rddreg [dreg:$0xd];
	[sflag:s24] =	ssyncadd.s32 $0xFFFFFC00  }
0x11f: {  	[hbm:s19], [sflag:s17] =	dma.local [spmem:s20], $0x400  }
0x120: {  	_ =	swait.ge [sflag:s24], $0x400  }
0x121: {  	[sflag:s24] =	ssyncset.done $0x0  }
0x122: {  	s20 =	rddreg [dreg:$0xe];
	[sflag:s24] =	ssyncadd.s32 $0xFFFFFC00  }
0x123: {  	[hbm:s20], [sflag:s17] =	dma.local [spmem:s21], $0x400  }
0x124: {  	_ =	swait.ge [sflag:s24], $0x400  }
0x125: {  	[sflag:s24] =	ssyncset.done $0x0  }
0x126: {  	s21 =	rddreg [dreg:$0xf];
	[sflag:s24] =	ssyncadd.s32 $0xFFFFFC00  }
0x127: {  	[hbm:s21], [sflag:s17] =	dma.local [spmem:s22], $0x400  }
0x128: {  	_ =	swait.ge [sflag:s24], $0x400  }
0x129: {  	s4 =	sadd.s32 $0x1, s4;
	s22 =	rddreg [dreg:$0x10]  }
0x12a: {  	p0 =	sne.s32 s4, s22  }
.Ltmp3:
0x12b: {  	_ = 	snop;
	(pc) =	sbr.rel @p0 .LBB2_1-.Ltmp3, $3  }
0x12c: {  	_ =	sdelay $0x1  }
0x12d: {  	[sflag:s24] =	ssyncset.done $0x0  }
0x12e: {  	s31 =	simm.s32 $0x100;
	[sflag:s24] =	ssyncadd.s32 $0xFFFFFC00  }
0x12f: {  	_ =	sfence.sel $0x180000  }
0x130: {  	[bflag:$0x0] =	sbarrier.arrive $0xFFFF  }
0x131: {  	_ =	strace $0x9000004A  }
0x132: {  	s0 =	stileid.u32;
	[bflag:$0x2] =	sbarrier.arrive $0xFFFF  }
0x133: {  	p0 =	sne.s32 s0, $0x0;
	s0 =	rddreg [dreg:$0x3]  }
0x134: {  	s0 =	sadd.s32 @!p0 $0x100000, s0  }
0x135: {  	[sflag:s0] =	ssyncadd.tile.s32 @!p0 $0x1;
	_ =	shalt  }
.Lfunc_end2:
_tile_overlayer_lowered:
.L_overlay_start_2:
0x136: {  	(tag) =	ssettag $0x2  }
0x137: {  	s0 =	rddreg [dreg:$0x0];
	s2 =	stileid.u32  }
0x138: {  	s1 =	rddreg [dreg:$0x1];
	p0 =	sne.s32 s2, $0x0  }
0x139: {  	s3 =	rddreg [dreg:$0x2];
	[bflag:$0x3] =	sbarrier.arrive $0xFFFF;
	s2 =	simm.s32 @!p0 $0x1C04  }
0x13a: {  	[timem:s3], [sflag:s2] =	dma.local @!p0 [hbm:s0], s1  }
0x13b: {  	s0 =	simm.s32 @!p0 $0x4  }
0x13c: {  	_ =	swait.ge @!p0 [sflag:s0], s1  }
0x13d: {  	s1 =	ssub.s32 @!p0 $0x0, s1;
	[sflag:s0] =	ssyncset.done @!p0 $0x0  }
0x13e: {  	[sflag:s0] =	ssyncadd.s32 @!p0 s1  }
0x13f: {  	[bflag:$0x3] =	sbarrier.arrive $0xFFFF  }
0x140: {  	_ =	shalt  }

// kernel: kernel.7.cloned.1.call-start
scs
__scs_entry_jumppad:
0x0: {  	(pc) =	sbr.rel $0x88, $3  }
0x1: {  	(tag) =	ssettag $0x0;
	lr =	simm.s32 $0x1  }
0x2: {  	[smem:$0x3F99] =	sst lr;
	_ =	strace $0xD0000000  }
0x3: {  	_ = 	snop  }
0x4: {  	_ = 	snop  }
0x5: {  	_ = 	snop  }
0x6: {  	_ = 	snop  }
0x7: {  	_ = 	snop  }
__scs_overlays_trampoline_lowered:
0x8: {  	[smem:$0x3FA8] =	sst s0  }
0x9: {  	[smem:$0x3FA9] =	sst s1  }
0xa: {  	[smem:$0x3FAA] =	sst s2  }
0xb: {  	[smem:$0x3FAB] =	sst s3  }
0xc: {  	[smem:$0x3FAC] =	sst s4  }
0xd: {  	[smem:$0x3FAD] =	sst s5  }
0xe: {  	[smem:$0x3FAE] =	sst s6  }
0xf: {  	[smem:$0x3FAF] =	sst s7  }
0x10: {  	[smem:$0x3FB0] =	sst s8  }
0x11: {  	[smem:$0x3FB1] =	sst s9;
	s0 =	simm.s32 @!p0 $0x0  }
0x12: {  	s1 =	sld [smem:$0x3F97];
	s0 =	simm.s32 @p0 $0x1  }
0x13: {  	[smem:$0x3FB2] =	sst s0;
	s0 =	simm.s32 @!p1 $0x0  }
0x14: {  	s2 =	sld [smem:$0x3F96];
	s0 =	simm.s32 @p1 $0x1  }
0x15: {  	[smem:$0x3FB3] =	sst s0;
	s0 =	simm.s32 @!p2 $0x0  }
0x16: {  	s3 =	sld [smem:$0x3FDB];
	s0 =	simm.s32 @p2 $0x1  }
0x17: {  	s4 =	simm.s32 $0x1BF5;
	[smem:$0x3FB5] =	sst s0  }
0x18: {  	s0 =	sld [smem:$0x3F98];
	_ =	swait.ge [sflag:s4], $0x0  }
0x19: {  	s7 =	sld [smem:$0x3F99]  }
0x1a: {  	s8 =	sadd.s32 $0xFFFFE003, lr  }
0x1b: {  	s9 =	sadd.s32 $0xFFFFFEF7, lr;
	s5 =	simm.s32 $0xFFFFFFFF;
	p2 =	slt.u32 s8, $0xFFFFF086  }
0x1c: {  	p1 =	slt.u32 s9, $0xF7A;
	s5 =	simm.s32 @!p2 $0x0  }
0x1d: {  	s5 =	simm.s32 @p1 $0x1;
	p0 =	seq.s32 s7, s2  }
0x1e: {  	s7 =	smul.u32 @!p0 $0xF7A, s2;
	p2 =	seq.s32 @!p0 s5, $0x0  }
0x1f: {  	s9 =	smul.u32 $0xF7A, s1;
	s8 =	simm.s32 @!p0 $0x1BF5;
	p2 =	por !p2, p0  }
0x20: {  	[sflag:s8] =	ssyncset.s32 @!p0 $0xFFFFF086;
	s6 =	sadd.s32 @!p0 s3, s7;
	s7 =	simm.s32 @!p0 $0x108  }
0x21: {  	s3 =	sadd.s32 s3, s9;
	s6 =	sadd.s32 @!p0 $0x88, s6;
	s7 =	simm.s32 @p2 $0x1082  }
0x22: {  	[simem:s7], [sflag:s8] =	dma.local @!p0 [hbm:s6], $0xF7A  }
0x23: {  	s9 =	sor.u32 $0xD0000000, s2;
	s6 =	simm.s32 $0x108;
	_ =	swait.ge @!p0 [sflag:s8], $0x0  }
0x24: {  	s3 =	sadd.s32 $0x88, s3;
	s6 =	simm.s32 @!p1 $0x1082;
	[sflag:s4] =	ssyncset.s32 $0xFFFFF086  }
0x25: {  	[simem:s6], [sflag:s4] =	dma.local [hbm:s3], $0xF7A  }
0x26: {  	[smem:$0x3F99] =	sst s1;
	(tag) =	ssettag s2;
	_ =	strace s9  }
0x27: {  	s1 =	sld [smem:$0x3FA9]  }
0x28: {  	s2 =	sld [smem:$0x3FAA]  }
0x29: {  	s4 =	sld [smem:$0x3FAC]  }
0x2a: {  	p0 =	seq.s32 s5, $0x0;
	s5 =	sld [smem:$0x3FAD]  }
0x2b: {  	s6 =	sld [smem:$0x3FAE]  }
0x2c: {  	s7 =	sld [smem:$0x3FAF]  }
0x2d: {  	s3 =	simm.s32 $0x108;
	s8 =	sld [smem:$0x3FB0]  }
0x2e: {  	s3 =	simm.s32 @!p0 $0x1082;
	s9 =	sld [smem:$0x3FB1]  }
0x2f: {  	lr =	sadd.s32 s0, s3;
	s0 =	sld [smem:$0x3FA8]  }
0x30: {  	s3 =	sld [smem:$0x3FAB]  }
0x31: {  	[smem:$0x3FB4] =	sst s10  }
0x32: {  	s10 =	sld [smem:$0x3FB2];
	_ =	sdelay $0x3  }
0x33: {  	p0 =	seq.s32 s10, $0x1;
	s10 =	sld [smem:$0x3FB4];
	_ =	sdelay $0x3  }
0x34: {  	[smem:$0x3FB4] =	sst s10  }
0x35: {  	s10 =	sld [smem:$0x3FB3];
	_ =	sdelay $0x3  }
0x36: {  	p1 =	seq.s32 s10, $0x1;
	s10 =	sld [smem:$0x3FB4];
	_ =	sdelay $0x3  }
0x37: {  	[smem:$0x3FB4] =	sst s10  }
0x38: {  	s10 =	sld [smem:$0x3FB5]  }
0x39: {  	_ = 	snop;
	(pc) =	sbr.ind lr, $3  }
0x3a: {  	_ = 	snop  }
0x3b: {  	_ = 	snop  }
0x3c: {  	p2 =	seq.s32 s10, $0x1;
	s10 =	sld [smem:$0x3FB4]  }
0x3d: {  	_ =	shalt  }
0x3e: {  	_ =	shalt  }
0x3f: {  	_ =	shalt  }
0x40: {  	_ =	shalt  }
0x41: {  	_ =	shalt  }
0x42: {  	_ =	shalt  }
0x43: {  	_ =	shalt  }
0x44: {  	_ =	shalt  }
0x45: {  	_ =	shalt  }
0x46: {  	_ =	shalt  }
0x47: {  	_ =	shalt  }
0x48: {  	_ =	shalt  }
0x49: {  	_ =	shalt  }
0x4a: {  	_ =	shalt  }
0x4b: {  	_ =	shalt  }
0x4c: {  	_ =	shalt  }
0x4d: {  	_ =	shalt  }
0x4e: {  	_ =	shalt  }
0x4f: {  	_ =	shalt  }
0x50: {  	_ =	shalt  }
0x51: {  	_ =	shalt  }
0x52: {  	_ =	shalt  }
0x53: {  	_ =	shalt  }
0x54: {  	_ =	shalt  }
0x55: {  	_ =	shalt  }
0x56: {  	_ =	shalt  }
0x57: {  	_ =	shalt  }
0x58: {  	_ =	shalt  }
0x59: {  	_ =	shalt  }
0x5a: {  	_ =	shalt  }
0x5b: {  	_ =	shalt  }
0x5c: {  	_ =	shalt  }
0x5d: {  	_ =	shalt  }
0x5e: {  	_ =	shalt  }
0x5f: {  	_ =	shalt  }
0x60: {  	_ =	shalt  }
0x61: {  	_ =	shalt  }
0x62: {  	_ =	shalt  }
0x63: {  	_ =	shalt  }
0x64: {  	_ =	shalt  }
0x65: {  	_ =	shalt  }
0x66: {  	_ =	shalt  }
0x67: {  	_ =	shalt  }
0x68: {  	_ =	shalt  }
0x69: {  	_ =	shalt  }
0x6a: {  	_ =	shalt  }
0x6b: {  	_ =	shalt  }
0x6c: {  	_ =	shalt  }
0x6d: {  	_ =	shalt  }
0x6e: {  	_ =	shalt  }
0x6f: {  	_ =	shalt  }
0x70: {  	_ =	shalt  }
0x71: {  	_ =	shalt  }
0x72: {  	_ =	shalt  }
0x73: {  	_ =	shalt  }
0x74: {  	_ =	shalt  }
0x75: {  	_ =	shalt  }
0x76: {  	_ =	shalt  }
0x77: {  	_ =	shalt  }
0x78: {  	_ =	shalt  }
0x79: {  	_ =	shalt  }
0x7a: {  	_ =	shalt  }
0x7b: {  	_ =	shalt  }
0x7c: {  	_ =	shalt  }
0x7d: {  	_ =	shalt  }
0x7e: {  	_ =	shalt  }
0x7f: {  	_ =	shalt  }
0x80: {  	_ =	shalt  }
0x81: {  	_ =	shalt  }
0x82: {  	_ =	shalt  }
0x83: {  	_ =	shalt  }
0x84: {  	_ =	shalt  }
0x85: {  	_ =	shalt  }
0x86: {  	_ =	shalt  }
0x87: {  	_ =	shalt  }
.Lfunc_end0:
.L_simem_size_0:
called_computation_lowered:
.L_overlay_start_0:
0x88: {  	s2 =	sld [smem:$0x3FD9]  }
0x89: {  	s3 =	sld [smem:$0x3FFE];
	_ =	sdelay $0x1  }
0x8a: {  	s1 =	srdreg.scid  }
0x8b: {  	s0 =	sand.u32 $0x1, s1  }
0x8c: {  	s17 =	sshll.u32 s0, $0xA;
	s2 =	sadd.s32 s3, s2  }
0x8d: {  	s2 =	sadd.s32 s2, s17  }
0x8e: {  	[smem:$0x3FC0] =	sst s2  }
0x8f: {  	_ = 	snop  }
0x90: {  	s2 =	sld [smem:$0x3FD0];
	(tm) =	ssettm $0x1  }
0x91: {  	s18 =	sld [smem:$0x3FFB];
	_ =	sdelay $0x3  }
0x92: {  	_ =	strace s18  }
0x93: {  	s3 =	sld [smem:$0x3FFC];
	_ =	sdelay $0x3  }
0x94: {  	_ =	strace s3  }
0x95: {  	s3 =	sld [smem:$0x3FFD];
	_ =	sdelay $0x3  }
0x96: {  	_ =	strace s3  }
0x97: {  	_ =	strace $0x8FFFFFFF  }
0x98: {  	s19 =	sld [smem:$0x3FDB];
	_ =	sdelay $0x1  }
0x99: {  	s4 =	simm.s32 $_scs_section_size  }
0x9a: {  	s5 =	simm.s32 $_size__tile_overlayer_lowered;
	s6 =	simm.s32 $_tile_overlayer_lowered  }
0x9b: {  	s22 =	simm.s32 $0x1BFF;
	s21 =	sshll.u32 s6, $0x1;
	s3 =	sadd.s32 s4, s19  }
0x9c: {  	s7 =	simm.s32 $0x0;
	s20 =	sshll.u32 s5, $0x1;
	s5 =	sadd.s32 s21, s3  }
0x9d: {  	[timem:s7], [sflag:s22] =	dma.local [hbm:s5], s20  }
0x9e: {  	_ =	swait.ge [sflag:s22], s20  }
0x9f: {  	s4 =	ssub.s32 $0x0, s20;
	[sflag:s22] =	ssyncset.done $0x0  }
0xa0: {  	[sflag:s22] =	ssyncadd.s32 s4;
	_ =	sdelay $0x1  }
0xa1: {  	s23 =	simm.s32 $0x1B8B  }
0xa2: {  	_ =	swait.ge [sflag:s23], $0x1  }
0xa3: {  	[sflag:s23] =	ssyncset.done $0x0  }
0xa4: {  	s25 =	simm.s32 $0x1B8E;
	s24 =	sld [smem:$0x3FFE];
	[sflag:s23] =	ssyncadd.s32 $0xFFFFFFFF  }
0xa5: {  	s26 =	simm.s32 $execute0_lowered;
	[smem:$0x3FD2] =	sst s25  }
0xa6: {  	s5 =	sshll.u32 s26, $0x1;
	_ =	strace $0x80000046;
	[dreg:$0x1] =	wrdreg $0xFFFFFFFF  }
0xa7: {  	s28 =	simm.s32 $_size_execute0_lowered;
	s3 =	sadd.s32 s3, s5;
	[dreg:$0x0] =	wrdreg $0x0  }
0xa8: {  	s5 =	sshll.u32 s28, $0x1;
	[dreg:$0x2] =	wrdreg s3  }
0xa9: {  	[dreg:$0x3] =	wrdreg s5  }
0xaa: {  	[dreg:$0x4] =	wrdreg $0xC0  }
0xab: {  	_ =	task [dreg:s7], $0x5FFFF  }
0xac: {  	[dreg:$0x1] =	wrdreg $0xFFFFFFFF  }
0xad: {  	[dreg:$0x0] =	wrdreg $0x60  }
0xae: {  	[dreg:$0x2] =	wrdreg s2  }
0xaf: {  	[dreg:$0x3] =	wrdreg s24  }
0xb0: {  	[dreg:$0x4] =	wrdreg $0xD7000  }
0xb1: {  	[dreg:$0x5] =	wrdreg $0x177000  }
0xb2: {  	[dreg:$0x6] =	wrdreg $0x9  }
0xb3: {  	_ =	task.clear_ibuf [dreg:s7], $0x7FFFF;
	_ =	strace $0x90000046  }
0xb4: {  	s29 =	simm.s32 $0x9;
	_ =	strace $0x80000048  }
0xb5: {  	_ =	swait.ge [sflag:s29], $0x1  }
0xb6: {  	[sflag:s29] =	ssyncadd.s32 $0xFFFFFFFF  }
0xb7: {  	_ =	strace $0x90000048  }
0xb8: {  	_ =	sfence  }
0xb9: {  	s30 =	sld [smem:$0x0];
	_ =	sdelay $0x2  }
0xba: {  	s31 =	sshll.u32 s1, $0xD;
	s1 =	sshrl.u32 s1, $0x2  }
0xbb: {  	s3 =	sand.u32 $0x4000, s31;
	s1 =	sadd.s32 s1, s30  }
0xbc: {  	s0 =	sor.u32 s3, s0;
	s1 =	sshll.u32 s1, $0x11  }
0xbd: {  	s0 =	sor.u32 s1, s0  }
0xbe: {  	s0 =	sadd.s32 $0x8F2B, s0  }
0xbf: {  	[sflag:s0] =	ssyncadd.remote.s32 $0x1  }
0xc0: {  	_ =	sfence.sel $0xFFFF  }
0xc1: {  	[dreg:$0x0] =	wrdreg $0xFFFFFFFF;
	(pc) =	sbr.abs _section_cstart, $3  }
0xc2: {  	[dreg:$0x1] =	wrdreg $0xFFFFFFFF  }
0xc3: {  	_ =	task.clear_ibuf [dreg:s7], $0x2FFFF;
	_ =	strace $0x9FFFFFFF  }
0xc4: {  	(tm) =	ssettm $0x7FFFFFFF  }
0xc5: {  	_ =	shalt  }
tec
execute0_lowered:
.L_overlay_start_1:
0x0: {  	(tag) =	ssettag $0x1  }
0x1: {  	s0 =	rddreg [dreg:$0x1]  }
0x2: {  	s2 =	srdreg.scid;
	s15 =	stileid.u32  }
0x3: {  	s1 =	simm.s32 $0x0;
	s4 =	sand.u32 $0x1, s2;
	s21 =	sshll.u32 s15, $0x1  }
0x4: {  	[smem:$0x7FF] =	sst s1;
	s5 =	sadd.s32 $0x51C00, s0;
	s6 =	sadd.s32 $0x79C00, s0  }
0x5: {  	s8 =	sshll.u32 s15, $0x7;
	s9 =	sshll.u32 s15, $0xD;
	s17 =	sshll.u32 s15, $0xB  }
0x6: {  	s2 =	sor.u32 s4, s21;
	s3 =	ssub.s32 $0x2, s4;
	s15 =	smul.u32 $0xA0000, s4  }
0x7: {  	s22 =	sor.u32 $0x800, s8;
	s11 =	sor.u32 $0x1000, s8;
	s4 =	smul.u32 $0x28000, s4  }
0x8: {  	s12 =	sor.u32 $0x1800, s8;
	s8 =	sor.u32 $0x2000, s8;
	s2 =	smul.u32 $0x4F0, s2  }
0x9: {  	s7 =	sshrl.u32 s3, $0x1;
	s10 =	sshll.u32 s22, $0x6;
	s13 =	sshll.u32 s11, $0x6  }
0xa: {  	s14 =	sshll.u32 s12, $0x6;
	s16 =	sshll.u32 s8, $0x6;
	s19 =	sshll.u32 s22, $0x4  }
0xb: {  	s11 =	sshll.u32 s11, $0x4;
	s12 =	sshll.u32 s12, $0x4;
	s8 =	sshll.u32 s8, $0x4  }
0xc: {  	s3 =	ssub.s32 s3, s7;
	s23 =	sor.u32 s9, s15;
	s24 =	sadd.s32 s15, s10  }
0xd: {  	s20 =	sor.u32 s17, s4;
	s26 =	sadd.s32 s4, s19;
	s18 =	sshrl.u32 s23, $0x3  }
0xe: {  	s21 =	sshrl.u32 s24, $0x3;
	s25 =	sshrl.u32 s20, $0x3;
	s23 =	sshrl.u32 s26, $0x3  }
0xf: {  	s24 =	sadd.s32 s4, s11;
	s7 =	sadd.s32 s6, s25;
	s25 =	sadd.s32 s4, s12  }
0x10: {  	s4 =	sadd.s32 s4, s8;
	[dreg:$0x5] =	wrdreg s7;
	s7 =	sadd.s32 s6, s23  }
0x11: {  	s20 =	sshrl.u32 s25, $0x3;
	s23 =	sadd.s32 s5, s18;
	[dreg:$0x6] =	wrdreg s7  }
0x12: {  	s4 =	sshrl.u32 s4, $0x3;
	s26 =	sadd.s32 s6, s20;
	[dreg:$0xa] =	wrdreg s23  }
0x13: {  	s22 =	sadd.s32 s15, s13;
	s4 =	sadd.s32 s6, s4;
	[dreg:$0x8] =	wrdreg s26  }
0x14: {  	s7 =	sshrl.u32 s24, $0x3;
	s24 =	sadd.s32 s5, s21;
	[dreg:$0x9] =	wrdreg s4  }
0x15: {  	s20 =	sshrl.u32 s22, $0x3;
	s22 =	sadd.s32 $0x29C00, s0;
	[dreg:$0xb] =	wrdreg s24  }
0x16: {  	s7 =	sadd.s32 s6, s7;
	s23 =	sadd.s32 s22, s18;
	s18 =	rddreg [dreg:$0x3]  }
0x17: {  	s2 =	sadd.s32 s2, s0;
	s25 =	sadd.s32 s5, s20;
	[dreg:$0x7] =	wrdreg s7  }
0x18: {  	s24 =	sadd.s32 s22, s21;
	s21 =	sadd.s32 $0x16200, s0;
	[dreg:$0xc] =	wrdreg s25  }
0x19: {  	s7 =	sadd.s32 s15, s14;
	s15 =	sadd.s32 s15, s16;
	[dreg:$0xf] =	wrdreg s23  }
0x1a: {  	[dreg:$0x10] =	wrdreg s24;
	s25 =	sadd.s32 s22, s20;
	s30 =	sadd.s32 s17, s18  }
0x1b: {  	s31 =	sadd.s32 s19, s18;
	s19 =	sadd.s32 s11, s18;
	s20 =	sadd.s32 s12, s18  }
0x1c: {  	s23 =	smax.u32 s3, $0x1;
	s4 =	sshrl.u32 s7, $0x3;
	s7 =	rddreg [dreg:$0x0]  }
0x1d: {  	s12 =	simm.s32 $0x8F00;
	s6 =	sshrl.u32 s15, $0x3;
	s15 =	rddreg [dreg:$0x2]  }
0x1e: {  	s17 =	simm.s32 $0x3;
	[dreg:$0x11] =	wrdreg s25;
	s26 =	sadd.s32 s5, s4  }
0x1f: {  	s5 =	sadd.s32 s5, s6;
	s4 =	sadd.s32 s22, s4;
	[dreg:$0xd] =	wrdreg s26  }
0x20: {  	s24 =	sadd.s32 s9, s15;
	s25 =	sadd.s32 s10, s15;
	[dreg:$0xe] =	wrdreg s5  }
0x21: {  	s28 =	sadd.s32 s14, s15;
	[dreg:$0x12] =	wrdreg s4;
	s26 =	sadd.s32 s22, s6  }
0x22: {  	s29 =	sadd.s32 s16, s15;
	s5 =	sadd.s32 $0xC400, s2;
	[dreg:$0x13] =	wrdreg s26  }
0x23: {  	s6 =	sadd.s32 $0x2600, s2;
	_ =	strace $0x80000047;
	[dreg:$0x14] =	wrdreg s5  }
0x24: {  	s9 =	simm.s32 $0x4F00;
	s10 =	simm.s32 $0x6F00;
	[dreg:$0x15] =	wrdreg s6  }
0x25: {  	s16 =	simm.s32 $0x2;
	s22 =	sadd.s32 s8, s18;
	[dreg:$0x16] =	wrdreg s19  }
0x26: {  	s4 =	simm.s32 $0x4;
	s8 =	simm.s32 $0x80;
	[dreg:$0x17] =	wrdreg s20  }
0x27: {  	s26 =	sadd.s32 s13, s15;
	s13 =	simm.s32 $0x1;
	[dreg:$0x18] =	wrdreg s22  }
0x28: {  	v0 =	vimm.f32 $0.0e+00;
	v1 =	vimm.f32 $1.000000000e+00;
	[dreg:$0x19] =	wrdreg s23;
	s5 =	simm.s32 $0xAF00;
	s6 =	simm.s32 $0xCF00  }
.LBB2_1:
0x29: {  	s3 =	simm.s32 $0x0  }
.LBB2_2:
0x2a: {  	p0 =	sne.s32 s3, $0x7F00  }
.Ltmp0:
0x2b: {  	s11 =	sshra.s32 s3, $0x2;
	(pc) =	sbr.rel @p0 .LBB2_2-.Ltmp0, $4  }
0x2c: {  	[tilespmem:s11+$0xAF00] =	vst v0  }
0x2d: {  	[tilespmem:s11+$0xAF10] =	vst v0  }
0x2e: {  	[tilespmem:s11+$0xAF20] =	vst v0  }
0x2f: {  	s3 =	sadd.s32 $0x100, s3;
	[tilespmem:s11+$0xAF30] =	vst v0  }
0x30: {  	s3 =	simm.s32 $0x40;
	s11 =	simm.s32 $0x0  }
.LBB2_4:
0x31: {  	p0 =	sne.s32 s3, $0x1FC0;
	[tilespmem:s11+$0xCF00] =	vst v0;
	s11 =	smov.u32 s3;
	s3 =	sadd.s32 $0x40, s3  }
.Ltmp1:
0x32: {  	(pc) =	sbr.rel @p0 .LBB2_4-.Ltmp1, $2  }
0x33: {  	_ =	sdelay $0x2  }
0x34: {  	s11 =	sshra.s32 s11, $0x2  }
0x35: {  	[tilespmem:s11+$0xCF00] =	vst v0;
	s3 =	simm.s32 $0x0;
	s14 =	rddreg [dreg:$0x14]  }
0x36: {  	[tilespmem:s3], [sflag:$0x4] =	stream.linear.gather [hbm4b:s14+s3], $0x2780, $0x38;
	[tilespmem:$0x19F00] =	vst v63  }
0x37: {  	_ =	swait.ge [sflag:s4], $0x2780  }
0x38: {  	[sflag:s4] =	ssyncset.done $0x0  }
0x39: {  	s0 =	simm.s32 $0x2780;
	s19 =	rddreg [dreg:$0x15];
	[sflag:s4] =	ssyncadd.s32 $0xFFFFD880  }
0x3a: {  	[tilespmem:s0], [sflag:$0x4] =	stream.linear.gather [hbm4b:s19+s3], $0x2780, $0x38;
	[tilespmem:$0x19F00] =	vst v63  }
0x3b: {  	_ =	swait.ge [sflag:s4], $0x2780  }
0x3c: {  	[sflag:s4] =	ssyncset.done $0x0  }
0x3d: {  	[sflag:s4] =	ssyncadd.s32 $0xFFFFD880  }
0x3e: {  	[spmem:s24] =	stream.linear.scatter [tilespmem:s5], [sflag:$0x4], $0x2000, $0x38;
	[tilespmem:$0x19F00] =	vst v63  }
0x3f: {  	_ =	swait.ge [sflag:s4], $0x2000  }
0x40: {  	[sflag:s4] =	ssyncset.done $0x0  }
0x41: {  	[sflag:s4] =	ssyncadd.s32 $0xFFFFE000  }
0x42: {  	[spmem:s25] =	stream.linear.scatter [tilespmem:s5], [sflag:$0x4], $0x2000, $0x38;
	[tilespmem:$0x19F00] =	vst v63  }
0x43: {  	_ =	swait.ge [sflag:s4], $0x2000  }
0x44: {  	[sflag:s4] =	ssyncset.done $0x0  }
0x45: {  	[sflag:s4] =	ssyncadd.s32 $0xFFFFE000  }
0x46: {  	[spmem:s26] =	stream.linear.scatter [tilespmem:s5], [sflag:$0x4], $0x2000, $0x38;
	[tilespmem:$0x19F00] =	vst v63  }
0x47: {  	_ =	swait.ge [sflag:s4], $0x2000  }
0x48: {  	[sflag:s4] =	ssyncset.done $0x0  }
0x49: {  	[sflag:s4] =	ssyncadd.s32 $0xFFFFE000  }
0x4a: {  	[spmem:s28] =	stream.linear.scatter [tilespmem:s5], [sflag:$0x4], $0x2000, $0x38;
	[tilespmem:$0x19F00] =	vst v63  }
0x4b: {  	_ =	swait.ge [sflag:s4], $0x2000  }
0x4c: {  	[sflag:s4] =	ssyncset.done $0x0  }
0x4d: {  	[sflag:s4] =	ssyncadd.s32 $0xFFFFE000  }
0x4e: {  	[spmem:s29] =	stream.linear.scatter [tilespmem:s5], [sflag:$0x4], $0x2000, $0x38;
	[tilespmem:$0x19F00] =	vst v63  }
0x4f: {  	_ =	swait.ge [sflag:s4], $0x2000  }
0x50: {  	[sflag:s4] =	ssyncset.done $0x0  }
0x51: {  	[sflag:s4] =	ssyncadd.s32 $0xFFFFE000  }
0x52: {  	[spmem:s30] =	stream.linear.scatter [tilespmem:s6], [sflag:$0x4], $0x800, $0x38;
	[tilespmem:$0x19F00] =	vst v63  }
0x53: {  	_ =	swait.ge [sflag:s4], $0x800  }
0x54: {  	[sflag:s4] =	ssyncset.done $0x0  }
0x55: {  	[sflag:s4] =	ssyncadd.s32 $0xFFFFF800  }
0x56: {  	[spmem:s31] =	stream.linear.scatter [tilespmem:s6], [sflag:$0x4], $0x800, $0x38;
	[tilespmem:$0x19F00] =	vst v63  }
0x57: {  	_ =	swait.ge [sflag:s4], $0x800  }
0x58: {  	[sflag:s4] =	ssyncset.done $0x0  }
0x59: {  	s20 =	rddreg [dreg:$0x16];
	[sflag:s4] =	ssyncadd.s32 $0xFFFFF800  }
0x5a: {  	[spmem:s20] =	stream.linear.scatter [tilespmem:s6], [sflag:$0x4], $0x800, $0x38;
	[tilespmem:$0x19F00] =	vst v63  }
0x5b: {  	_ =	swait.ge [sflag:s4], $0x800  }
0x5c: {  	[sflag:s4] =	ssyncset.done $0x0  }
0x5d: {  	s22 =	rddreg [dreg:$0x17];
	[sflag:s4] =	ssyncadd.s32 $0xFFFFF800  }
0x5e: {  	[spmem:s22] =	stream.linear.scatter [tilespmem:s6], [sflag:$0x4], $0x800, $0x38;
	[tilespmem:$0x19F00] =	vst v63  }
0x5f: {  	_ =	swait.ge [sflag:s4], $0x800  }
0x60: {  	[sflag:s4] =	ssyncset.done $0x0  }
0x61: {  	s23 =	rddreg [dreg:$0x18];
	[sflag:s4] =	ssyncadd.s32 $0xFFFFF800  }
0x62: {  	[spmem:s23] =	stream.linear.scatter [tilespmem:s6], [sflag:$0x4], $0x800, $0x38;
	[tilespmem:$0x19F00] =	vst v63  }
0x63: {  	_ =	swait.ge [sflag:s4], $0x800  }
0x64: {  	[sflag:s4] =	ssyncset.done $0x0  }
0x65: {  	s11 =	simm.s32 $0x0;
	s3 =	simm.s32 $0x40;
	[sflag:s4] =	ssyncadd.s32 $0xFFFFF800  }
.LBB2_6:
0x66: {  	p0 =	sne.s32 s3, $0x1FC0;
	[tilespmem:s11+$0xCF00] =	vst v1;
	s11 =	smov.u32 s3;
	s3 =	sadd.s32 $0x40, s3  }
.Ltmp2:
0x67: {  	(pc) =	sbr.rel @p0 .LBB2_6-.Ltmp2, $2  }
0x68: {  	_ =	sdelay $0x2  }
0x69: {  	s11 =	sshra.s32 s11, $0x2  }
0x6a: {  	[tilespmem:s11+$0xCF00] =	vst v1  }
0x6b: {  	s3 =	simm.s32 $0x0;
	[bflag:$0x0] =	sbarrier.arrive $0xFFFF  }
0x6c: {  	[tilespmem:s9], [sflag:$0x1] =	stream.indirect.gather [hbm4b:s7+s8], $0x40, s3, s8, $0xb8;
	[tilespmem:$0x19F00] =	vst v63  }
0x6d: {  	_ = 	snop  }
0x6e: {  	[tilespmem:s10], [sflag:$0x2] =	stream.indirect.gather [hbm4b:s7+s8], $0x40, s8, s8, $0xb8;
	[tilespmem:$0x19F00] =	vst v63  }
0x6f: {  	s0 =	simm.s32 $0x100  }
0x70: {  	[tilespmem:s12], [sflag:$0x3] =	stream.indirect.gather [hbm4b:s7+s8], $0x40, s0, s8, $0xb8;
	[tilespmem:$0x19F00] =	vst v63  }
0x71: {  	_ =	swait.ge [sflag:s13], $0x2000  }
0x72: {  	[sflag:s13] =	ssyncset.done $0x0  }
0x73: {  	s14 =	simm.s32 $0x2780;
	[sflag:s13] =	ssyncadd.s32 $0xFFFFE000  }
0x74: {  	[spmem:s15] =	stream.indirect.scatter.add.f32 [tilespmem:s9], [sflag:$0x4], $0x40, s14, s8, $0xb8;
	[tilespmem:$0x19F00] =	vst v63  }
0x75: {  	_ =	swait.ge [sflag:s4], $0x2000  }
0x76: {  	[sflag:s4] =	ssyncset.done $0x0  }
0x77: {  	[sflag:s4] =	ssyncadd.s32 $0xFFFFE000  }
0x78: {  	[spmem:s18] =	stream.indirect.scatter.add.f32 [tilespmem:s6], [sflag:$0x4], $0x10, s14, s8, $0xb8;
	[tilespmem:$0x19F00] =	vst v63  }
0x79: {  	_ =	swait.ge [sflag:s4], $0x800  }
0x7a: {  	[sflag:s4] =	ssyncset.done $0x0  }
0x7b: {  	s19 =	simm.s32 $0x180;
	[sflag:s4] =	ssyncadd.s32 $0xFFFFF800  }
0x7c: {  	[tilespmem:s9], [sflag:$0x1] =	stream.indirect.gather [hbm4b:s7+s8], $0x40, s19, s8, $0xb8;
	[tilespmem:$0x19F00] =	vst v63  }
0x7d: {  	_ =	swait.ge [sflag:s16], $0x2000  }
0x7e: {  	[sflag:s16] =	ssyncset.done $0x0  }
0x7f: {  	s20 =	simm.s32 $0x2800;
	[sflag:s16] =	ssyncadd.s32 $0xFFFFE000  }
0x80: {  	[spmem:s15] =	stream.indirect.scatter.add.f32 [tilespmem:s10], [sflag:$0x4], $0x40, s20, s8, $0xb8;
	[tilespmem:$0x19F00] =	vst v63  }
0x81: {  	_ =	swait.ge [sflag:s4], $0x2000  }
0x82: {  	[sflag:s4] =	ssyncset.done $0x0  }
0x83: {  	[sflag:s4] =	ssyncadd.s32 $0xFFFFE000  }
0x84: {  	[spmem:s18] =	stream.indirect.scatter.add.f32 [tilespmem:s6], [sflag:$0x4], $0x10, s20, s8, $0xb8;
	[tilespmem:$0x19F00] =	vst v63  }
0x85: {  	_ =	swait.ge [sflag:s4], $0x800  }
0x86: {  	[sflag:s4] =	ssyncset.done $0x0  }
0x87: {  	s22 =	simm.s32 $0x200;
	[sflag:s4] =	ssyncadd.s32 $0xFFFFF800  }
0x88: {  	[tilespmem:s10], [sflag:$0x2] =	stream.indirect.gather [hbm4b:s7+s8], $0x40, s22, s8, $0xb8;
	[tilespmem:$0x19F00] =	vst v63  }
0x89: {  	_ =	swait.ge [sflag:s17], $0x2000  }
0x8a: {  	[sflag:s17] =	ssyncset.done $0x0  }
0x8b: {  	s23 =	simm.s32 $0x2880;
	[sflag:s17] =	ssyncadd.s32 $0xFFFFE000  }
0x8c: {  	[spmem:s15] =	stream.indirect.scatter.add.f32 [tilespmem:s12], [sflag:$0x4], $0x40, s23, s8, $0xb8;
	[tilespmem:$0x19F00] =	vst v63  }
0x8d: {  	_ =	swait.ge [sflag:s4], $0x2000  }
0x8e: {  	[sflag:s4] =	ssyncset.done $0x0  }
0x8f: {  	[sflag:s4] =	ssyncadd.s32 $0xFFFFE000  }
0x90: {  	[spmem:s18] =	stream.indirect.scatter.add.f32 [tilespmem:s6], [sflag:$0x4], $0x10, s23, s8, $0xb8;
	[tilespmem:$0x19F00] =	vst v63  }
0x91: {  	_ =	swait.ge [sflag:s4], $0x800  }
0x92: {  	[sflag:s4] =	ssyncset.done $0x0  }
0x93: {  	s11 =	simm.s32 $0x280;
	s3 =	simm.s32 $0x600;
	[sflag:s4] =	ssyncadd.s32 $0xFFFFF800  }
.LBB2_8:
0x94: {  	[tilespmem:s12], [sflag:$0x3] =	stream.indirect.gather [hbm4b:s7+s8], $0x40, s11, s8, $0xb8;
	[tilespmem:$0x19F00] =	vst v63  }
0x95: {  	s11 =	smov.u32 s3  }
0x96: {  	p0 =	sne.s32 s3, $0x9000;
	s3 =	sadd.s32 $0x600, s3;
	_ =	swait.ge [sflag:s13], $0x2000  }
0x97: {  	s11 =	sshra.s32 s11, $0x2;
	[sflag:s13] =	ssyncset.done $0x0  }
0x98: {  	s19 =	sadd.s32 $0x2780, s11;
	[sflag:s13] =	ssyncadd.s32 $0xFFFFE000  }
0x99: {  	[spmem:s15] =	stream.indirect.scatter.add.f32 [tilespmem:s9], [sflag:$0x4], $0x40, s19, s8, $0xb8;
	[tilespmem:$0x19F00] =	vst v63  }
0x9a: {  	_ =	swait.ge [sflag:s4], $0x2000  }
0x9b: {  	[sflag:s4] =	ssyncset.done $0x0  }
0x9c: {  	[sflag:s4] =	ssyncadd.s32 $0xFFFFE000  }
0x9d: {  	[spmem:s18] =	stream.indirect.scatter.add.f32 [tilespmem:s6], [sflag:$0x4], $0x10, s19, s8, $0xb8;
	[tilespmem:$0x19F00] =	vst v63  }
0x9e: {  	_ =	swait.ge [sflag:s4], $0x800  }
0x9f: {  	[sflag:s4] =	ssyncset.done $0x0  }
0xa0: {  	s19 =	sadd.s32 $0x180, s11;
	[sflag:s4] =	ssyncadd.s32 $0xFFFFF800  }
0xa1: {  	[tilespmem:s9], [sflag:$0x1] =	stream.indirect.gather [hbm4b:s7+s8], $0x40, s19, s8, $0xb8;
	[tilespmem:$0x19F00] =	vst v63  }
0xa2: {  	_ =	swait.ge [sflag:s16], $0x2000  }
0xa3: {  	[sflag:s16] =	ssyncset.done $0x0  }
0xa4: {  	s19 =	sadd.s32 $0x2800, s11;
	[sflag:s16] =	ssyncadd.s32 $0xFFFFE000  }
0xa5: {  	[spmem:s15] =	stream.indirect.scatter.add.f32 [tilespmem:s10], [sflag:$0x4], $0x40, s19, s8, $0xb8;
	[tilespmem:$0x19F00] =	vst v63  }
0xa6: {  	_ =	swait.ge [sflag:s4], $0x2000  }
0xa7: {  	[sflag:s4] =	ssyncset.done $0x0  }
0xa8: {  	[sflag:s4] =	ssyncadd.s32 $0xFFFFE000  }
0xa9: {  	[spmem:s18] =	stream.indirect.scatter.add.f32 [tilespmem:s6], [sflag:$0x4], $0x10, s19, s8, $0xb8;
	[tilespmem:$0x19F00] =	vst v63  }
0xaa: {  	_ =	swait.ge [sflag:s4], $0x800  }
0xab: {  	[sflag:s4] =	ssyncset.done $0x0  }
0xac: {  	s19 =	sadd.s32 $0x200, s11;
	[sflag:s4] =	ssyncadd.s32 $0xFFFFF800  }
0xad: {  	[tilespmem:s10], [sflag:$0x2] =	stream.indirect.gather [hbm4b:s7+s8], $0x40, s19, s8, $0xb8;
	[tilespmem:$0x19F00] =	vst v63  }
0xae: {  	_ =	swait.ge [sflag:s17], $0x2000  }
0xaf: {  	[sflag:s17] =	ssyncset.done $0x0  }
0xb0: {  	s19 =	sadd.s32 $0x2880, s11;
	[sflag:s17] =	ssyncadd.s32 $0xFFFFE000  }
0xb1: {  	[spmem:s15] =	stream.indirect.scatter.add.f32 [tilespmem:s12], [sflag:$0x4], $0x40, s19, s8, $0xb8;
	[tilespmem:$0x19F00] =	vst v63  }
0xb2: {  	_ =	swait.ge [sflag:s4], $0x2000  }
0xb3: {  	[sflag:s4] =	ssyncset.done $0x0  }
.Ltmp3:
0xb4: {  	[sflag:s4] =	ssyncadd.s32 $0xFFFFE000;
	(pc) =	sbr.rel @p0 .LBB2_8-.Ltmp3, $4  }
0xb5: {  	[spmem:s18] =	stream.indirect.scatter.add.f32 [tilespmem:s6], [sflag:$0x4], $0x10, s19, s8, $0xb8;
	[tilespmem:$0x19F00] =	vst v63  }
0xb6: {  	_ =	swait.ge [sflag:s4], $0x800  }
0xb7: {  	[sflag:s4] =	ssyncset.done $0x0  }
0xb8: {  	s11 =	sadd.s32 $0x280, s11;
	[sflag:s4] =	ssyncadd.s32 $0xFFFFF800  }
0xb9: {  	[tilespmem:s12], [sflag:$0x3] =	stream.indirect.gather [hbm4b:s7+s8], $0x40, s11, s8, $0xb8;
	[tilespmem:$0x19F00] =	vst v63  }
0xba: {  	_ =	swait.ge [sflag:s13], $0x2000  }
0xbb: {  	[sflag:s13] =	ssyncset.done $0x0  }
0xbc: {  	s0 =	simm.s32 $0x4D00;
	[sflag:s13] =	ssyncadd.s32 $0xFFFFE000  }
0xbd: {  	[spmem:s15] =	stream.indirect.scatter.add.f32 [tilespmem:s9], [sflag:$0x4], $0x40, s0, s8, $0xb8;
	[tilespmem:$0x19F00] =	vst v63  }
0xbe: {  	_ =	swait.ge [sflag:s4], $0x2000  }
0xbf: {  	[sflag:s4] =	ssyncset.done $0x0  }
0xc0: {  	[sflag:s4] =	ssyncadd.s32 $0xFFFFE000  }
0xc1: {  	[spmem:s18] =	stream.indirect.scatter.add.f32 [tilespmem:s6], [sflag:$0x4], $0x10, s0, s8, $0xb8;
	[tilespmem:$0x19F00] =	vst v63  }
0xc2: {  	_ =	swait.ge [sflag:s4], $0x800  }
0xc3: {  	[sflag:s4] =	ssyncset.done $0x0  }
0xc4: {  	s2 =	simm.s32 $0x2700;
	[sflag:s4] =	ssyncadd.s32 $0xFFFFF800  }
0xc5: {  	[tilespmem:s9], [sflag:$0x1] =	stream.indirect.gather [hbm4b:s7+s8], $0x40, s2, s8, $0xb8;
	[tilespmem:$0x19F00] =	vst v63  }
0xc6: {  	_ =	swait.ge [sflag:s16], $0x2000  }
0xc7: {  	[sflag:s16] =	ssyncset.done $0x0  }
0xc8: {  	s3 =	simm.s32 $0x4D80;
	[sflag:s16] =	ssyncadd.s32 $0xFFFFE000  }
0xc9: {  	[spmem:s15] =	stream.indirect.scatter.add.f32 [tilespmem:s10], [sflag:$0x4], $0x40, s3, s8, $0xb8;
	[tilespmem:$0x19F00] =	vst v63  }
0xca: {  	_ =	swait.ge [sflag:s4], $0x2000  }
0xcb: {  	[sflag:s4] =	ssyncset.done $0x0  }
0xcc: {  	[sflag:s4] =	ssyncadd.s32 $0xFFFFE000  }
0xcd: {  	[spmem:s18] =	stream.indirect.scatter.add.f32 [tilespmem:s6], [sflag:$0x4], $0x10, s3, s8, $0xb8;
	[tilespmem:$0x19F00] =	vst v63  }
0xce: {  	_ =	swait.ge [sflag:s4], $0x800  }
0xcf: {  	[sflag:s4] =	ssyncset.done $0x0  }
0xd0: {  	[sflag:s4] =	ssyncadd.s32 $0xFFFFF800  }
0xd1: {  	_ =	swait.ge [sflag:s17], $0x2000  }
0xd2: {  	[sflag:s17] =	ssyncset.done $0x0  }
0xd3: {  	s11 =	simm.s32 $0x4E00;
	[sflag:s17] =	ssyncadd.s32 $0xFFFFE000  }
0xd4: {  	[spmem:s15] =	stream.indirect.scatter.add.f32 [tilespmem:s12], [sflag:$0x4], $0x40, s11, s8, $0xb8;
	[tilespmem:$0x19F00] =	vst v63  }
0xd5: {  	_ =	swait.ge [sflag:s4], $0x2000  }
0xd6: {  	[sflag:s4] =	ssyncset.done $0x0  }
0xd7: {  	[sflag:s4] =	ssyncadd.s32 $0xFFFFE000  }
0xd8: {  	[spmem:s18] =	stream.indirect.scatter.add.f32 [tilespmem:s6], [sflag:$0x4], $0x10, s11, s8, $0xb8;
	[tilespmem:$0x19F00] =	vst v63  }
0xd9: {  	_ =	swait.ge [sflag:s4], $0x800  }
0xda: {  	[sflag:s4] =	ssyncset.done $0x0  }
0xdb: {  	[sflag:s4] =	ssyncadd.s32 $0xFFFFF800  }
0xdc: {  	_ =	swait.ge [sflag:s13], $0x2000  }
0xdd: {  	[sflag:s13] =	ssyncset.done $0x0  }
0xde: {  	s14 =	simm.s32 $0x4E80;
	[sflag:s13] =	ssyncadd.s32 $0xFFFFE000  }
0xdf: {  	[spmem:s15] =	stream.indirect.scatter.add.f32 [tilespmem:s9], [sflag:$0x4], $0x40, s14, s8, $0xb8;
	[tilespmem:$0x19F00] =	vst v63  }
0xe0: {  	_ =	swait.ge [sflag:s4], $0x2000  }
0xe1: {  	[sflag:s4] =	ssyncset.done $0x0  }
0xe2: {  	[sflag:s4] =	ssyncadd.s32 $0xFFFFE000  }
0xe3: {  	[spmem:s18] =	stream.indirect.scatter.add.f32 [tilespmem:s6], [sflag:$0x4], $0x10, s14, s8, $0xb8;
	[tilespmem:$0x19F00] =	vst v63  }
0xe4: {  	_ =	swait.ge [sflag:s4], $0x800  }
0xe5: {  	[sflag:s4] =	ssyncset.done $0x0  }
0xe6: {  	s3 =	stileid.u32;
	[sflag:s4] =	ssyncadd.s32 $0xFFFFF800  }
0xe7: {  	s3 =	sshll.u32 s3, $0x6;
	[bflag:$0x0] =	sbarrier.arrive $0xFFFF  }
0xe8: {  	s20 =	sshrl.u32 s24, $0x3;
	s3 =	sor.u32 $0x1C04, s3;
	s19 =	rddreg [dreg:$0xa]  }
0xe9: {  	[hbm:s19], [sflag:s3] =	dma.local [spmem:s20], $0x400  }
0xea: {  	_ =	swait.ge [sflag:s4], $0x400  }
0xeb: {  	[sflag:s4] =	ssyncset.done $0x0  }
0xec: {  	s19 =	sshrl.u32 s25, $0x3;
	s22 =	rddreg [dreg:$0xb];
	[sflag:s4] =	ssyncadd.s32 $0xFFFFFC00  }
0xed: {  	[hbm:s22], [sflag:s3] =	dma.local [spmem:s19], $0x400  }
0xee: {  	_ =	swait.ge [sflag:s4], $0x400  }
0xef: {  	[sflag:s4] =	ssyncset.done $0x0  }
0xf0: {  	s22 =	sshrl.u32 s26, $0x3;
	s23 =	rddreg [dreg:$0xc];
	[sflag:s4] =	ssyncadd.s32 $0xFFFFFC00  }
0xf1: {  	[hbm:s23], [sflag:s3] =	dma.local [spmem:s22], $0x400  }
0xf2: {  	_ =	swait.ge [sflag:s4], $0x400  }
0xf3: {  	[sflag:s4] =	ssyncset.done $0x0  }
0xf4: {  	s23 =	sshrl.u32 s28, $0x3;
	s0 =	rddreg [dreg:$0xd];
	[sflag:s4] =	ssyncadd.s32 $0xFFFFFC00  }
0xf5: {  	[hbm:s0], [sflag:s3] =	dma.local [spmem:s23], $0x400  }
0xf6: {  	_ =	swait.ge [sflag:s4], $0x400  }
0xf7: {  	[sflag:s4] =	ssyncset.done $0x0  }
0xf8: {  	s11 =	sshrl.u32 s29, $0x3;
	s14 =	rddreg [dreg:$0xe];
	[sflag:s4] =	ssyncadd.s32 $0xFFFFFC00  }
0xf9: {  	[hbm:s14], [sflag:s3] =	dma.local [spmem:s11], $0x400  }
0xfa: {  	_ =	swait.ge [sflag:s4], $0x400  }
0xfb: {  	s0 =	smov.u32 s30;
	[sflag:s4] =	ssyncset.done $0x0  }
0xfc: {  	s30 =	sshrl.u32 s30, $0x3;
	s2 =	rddreg [dreg:$0x5];
	[sflag:s4] =	ssyncadd.s32 $0xFFFFFC00  }
0xfd: {  	[hbm:s2], [sflag:s3] =	dma.local [spmem:s30], $0x100  }
0xfe: {  	_ =	swait.ge [sflag:s4], $0x100  }
0xff: {  	[sflag:s4] =	ssyncset.done $0x0  }
0x100: {  	s30 =	sshrl.u32 s31, $0x3;
	s14 =	rddreg [dreg:$0x6];
	[sflag:s4] =	ssyncadd.s32 $0xFFFFFF00  }
0x101: {  	[hbm:s14], [sflag:s3] =	dma.local [spmem:s30], $0x100  }
0x102: {  	_ =	swait.ge [sflag:s4], $0x100  }
0x103: {  	[sflag:s4] =	ssyncset.done $0x0;
	s14 =	rddreg [dreg:$0x16]  }
0x104: {  	[sflag:s4] =	ssyncadd.s32 $0xFFFFFF00;
	s30 =	sshrl.u32 s14, $0x3;
	s14 =	rddreg [dreg:$0x7]  }
0x105: {  	[hbm:s14], [sflag:s3] =	dma.local [spmem:s30], $0x100  }
0x106: {  	_ =	swait.ge [sflag:s4], $0x100  }
0x107: {  	[sflag:s4] =	ssyncset.done $0x0;
	s14 =	rddreg [dreg:$0x17]  }
0x108: {  	[sflag:s4] =	ssyncadd.s32 $0xFFFFFF00;
	s30 =	sshrl.u32 s14, $0x3;
	s14 =	rddreg [dreg:$0x8]  }
0x109: {  	[hbm:s14], [sflag:s3] =	dma.local [spmem:s30], $0x100  }
0x10a: {  	_ =	swait.ge [sflag:s4], $0x100  }
0x10b: {  	[sflag:s4] =	ssyncset.done $0x0;
	s14 =	rddreg [dreg:$0x18]  }
0x10c: {  	[sflag:s4] =	ssyncadd.s32 $0xFFFFFF00;
	s30 =	sshrl.u32 s14, $0x3;
	s14 =	rddreg [dreg:$0x9]  }
0x10d: {  	[hbm:s14], [sflag:s3] =	dma.local [spmem:s30], $0x100  }
0x10e: {  	_ =	swait.ge [sflag:s4], $0x100  }
0x10f: {  	[sflag:s4] =	ssyncset.done $0x0  }
0x110: {  	[sflag:s4] =	ssyncadd.s32 $0xFFFFFF00  }
0x111: {  	[spmem:s24] =	stream.linear.scatter [tilespmem:s5], [sflag:$0x4], $0x2000, $0x38;
	[tilespmem:$0x19F00] =	vst v63  }
0x112: {  	_ =	swait.ge [sflag:s4], $0x2000  }
0x113: {  	[sflag:s4] =	ssyncset.done $0x0  }
0x114: {  	[sflag:s4] =	ssyncadd.s32 $0xFFFFE000  }
0x115: {  	[spmem:s25] =	stream.linear.scatter [tilespmem:s5], [sflag:$0x4], $0x2000, $0x38;
	[tilespmem:$0x19F00] =	vst v63  }
0x116: {  	_ =	swait.ge [sflag:s4], $0x2000  }
0x117: {  	[sflag:s4] =	ssyncset.done $0x0  }
0x118: {  	[sflag:s4] =	ssyncadd.s32 $0xFFFFE000  }
0x119: {  	[spmem:s26] =	stream.linear.scatter [tilespmem:s5], [sflag:$0x4], $0x2000, $0x38;
	[tilespmem:$0x19F00] =	vst v63  }
0x11a: {  	_ =	swait.ge [sflag:s4], $0x2000  }
0x11b: {  	[sflag:s4] =	ssyncset.done $0x0  }
0x11c: {  	[sflag:s4] =	ssyncadd.s32 $0xFFFFE000  }
0x11d: {  	[spmem:s28] =	stream.linear.scatter [tilespmem:s5], [sflag:$0x4], $0x2000, $0x38;
	[tilespmem:$0x19F00] =	vst v63  }
0x11e: {  	_ =	swait.ge [sflag:s4], $0x2000  }
0x11f: {  	[sflag:s4] =	ssyncset.done $0x0  }
0x120: {  	[sflag:s4] =	ssyncadd.s32 $0xFFFFE000  }
0x121: {  	[spmem:s29] =	stream.linear.scatter [tilespmem:s5], [sflag:$0x4], $0x2000, $0x38;
	[tilespmem:$0x19F00] =	vst v63  }
0x122: {  	_ =	swait.ge [sflag:s4], $0x2000  }
0x123: {  	[sflag:s4] =	ssyncset.done $0x0  }
0x124: {  	[sflag:s4] =	ssyncadd.s32 $0xFFFFE000  }
0x125: {  	s30 =	simm.s32 $0x0;
	[bflag:$0x0] =	sbarrier.arrive $0xFFFF  }
0x126: {  	[tilespmem:s9], [sflag:$0x1] =	stream.indirect.gather [hbm4b:s21+s8], $0x40, s30, s8, $0xb8;
	[tilespmem:$0x19F00] =	vst v63  }
0x127: {  	_ = 	snop  }
0x128: {  	[tilespmem:s10], [sflag:$0x2] =	stream.indirect.gather [hbm4b:s21+s8], $0x40, s8, s8, $0xb8;
	[tilespmem:$0x19F00] =	vst v63  }
0x129: {  	s14 =	simm.s32 $0x100  }
0x12a: {  	[tilespmem:s12], [sflag:$0x3] =	stream.indirect.gather [hbm4b:s21+s8], $0x40, s14, s8, $0xb8;
	[tilespmem:$0x19F00] =	vst v63  }
0x12b: {  	_ =	swait.ge [sflag:s13], $0x2000  }
0x12c: {  	[sflag:s13] =	ssyncset.done $0x0  }
0x12d: {  	s30 =	simm.s32 $0x2780;
	[sflag:s13] =	ssyncadd.s32 $0xFFFFE000  }
0x12e: {  	[spmem:s15] =	stream.indirect.scatter.add.f32 [tilespmem:s9], [sflag:$0x4], $0x40, s30, s8, $0xb8;
	[tilespmem:$0x19F00] =	vst v63  }
0x12f: {  	_ =	swait.ge [sflag:s4], $0x2000  }
0x130: {  	[sflag:s4] =	ssyncset.done $0x0  }
0x131: {  	s30 =	simm.s32 $0x180;
	[sflag:s4] =	ssyncadd.s32 $0xFFFFE000  }
0x132: {  	[tilespmem:s9], [sflag:$0x1] =	stream.indirect.gather [hbm4b:s21+s8], $0x40, s30, s8, $0xb8;
	[tilespmem:$0x19F00] =	vst v63  }
0x133: {  	_ =	swait.ge [sflag:s16], $0x2000  }
0x134: {  	[sflag:s16] =	ssyncset.done $0x0  }
0x135: {  	s30 =	simm.s32 $0x2800;
	[sflag:s16] =	ssyncadd.s32 $0xFFFFE000  }
0x136: {  	[spmem:s15] =	stream.indirect.scatter.add.f32 [tilespmem:s10], [sflag:$0x4], $0x40, s30, s8, $0xb8;
	[tilespmem:$0x19F00] =	vst v63  }
0x137: {  	_ =	swait.ge [sflag:s4], $0x2000  }
0x138: {  	[sflag:s4] =	ssyncset.done $0x0  }
0x139: {  	s30 =	simm.s32 $0x200;
	[sflag:s4] =	ssyncadd.s32 $0xFFFFE000  }
0x13a: {  	[tilespmem:s10], [sflag:$0x2] =	stream.indirect.gather [hbm4b:s21+s8], $0x40, s30, s8, $0xb8;
	[tilespmem:$0x19F00] =	vst v63  }
0x13b: {  	_ =	swait.ge [sflag:s17], $0x2000  }
0x13c: {  	[sflag:s17] =	ssyncset.done $0x0  }
0x13d: {  	s30 =	simm.s32 $0x2880;
	[sflag:s17] =	ssyncadd.s32 $0xFFFFE000  }
0x13e: {  	[spmem:s15] =	stream.indirect.scatter.add.f32 [tilespmem:s12], [sflag:$0x4], $0x40, s30, s8, $0xb8;
	[tilespmem:$0x19F00] =	vst v63  }
0x13f: {  	_ =	swait.ge [sflag:s4], $0x2000  }
0x140: {  	s2 =	smov.u32 s31;
	[sflag:s4] =	ssyncset.done $0x0  }
0x141: {  	s31 =	simm.s32 $0x280;
	s30 =	simm.s32 $0x600;
	[sflag:s4] =	ssyncadd.s32 $0xFFFFE000  }
.LBB2_10:
0x142: {  	[tilespmem:s12], [sflag:$0x3] =	stream.indirect.gather [hbm4b:s21+s8], $0x40, s31, s8, $0xb8;
	[tilespmem:$0x19F00] =	vst v63  }
0x143: {  	s31 =	smov.u32 s30  }
0x144: {  	p0 =	sne.s32 s30, $0x9000;
	s30 =	sadd.s32 $0x600, s30;
	_ =	swait.ge [sflag:s13], $0x2000  }
0x145: {  	s31 =	sshra.s32 s31, $0x2;
	[sflag:s13] =	ssyncset.done $0x0  }
0x146: {  	s14 =	sadd.s32 $0x2780, s31;
	[sflag:s13] =	ssyncadd.s32 $0xFFFFE000  }
0x147: {  	[spmem:s15] =	stream.indirect.scatter.add.f32 [tilespmem:s9], [sflag:$0x4], $0x40, s14, s8, $0xb8;
	[tilespmem:$0x19F00] =	vst v63  }
0x148: {  	_ =	swait.ge [sflag:s4], $0x2000  }
0x149: {  	[sflag:s4] =	ssyncset.done $0x0  }
0x14a: {  	s14 =	sadd.s32 $0x180, s31;
	[sflag:s4] =	ssyncadd.s32 $0xFFFFE000  }
0x14b: {  	[tilespmem:s9], [sflag:$0x1] =	stream.indirect.gather [hbm4b:s21+s8], $0x40, s14, s8, $0xb8;
	[tilespmem:$0x19F00] =	vst v63  }
0x14c: {  	_ =	swait.ge [sflag:s16], $0x2000  }
0x14d: {  	[sflag:s16] =	ssyncset.done $0x0  }
0x14e: {  	s14 =	sadd.s32 $0x2800, s31;
	[sflag:s16] =	ssyncadd.s32 $0xFFFFE000  }
0x14f: {  	[spmem:s15] =	stream.indirect.scatter.add.f32 [tilespmem:s10], [sflag:$0x4], $0x40, s14, s8, $0xb8;
	[tilespmem:$0x19F00] =	vst v63  }
0x150: {  	_ =	swait.ge [sflag:s4], $0x2000  }
0x151: {  	[sflag:s4] =	ssyncset.done $0x0  }
0x152: {  	s14 =	sadd.s32 $0x200, s31;
	[sflag:s4] =	ssyncadd.s32 $0xFFFFE000  }
0x153: {  	[tilespmem:s10], [sflag:$0x2] =	stream.indirect.gather [hbm4b:s21+s8], $0x40, s14, s8, $0xb8;
	[tilespmem:$0x19F00] =	vst v63  }
0x154: {  	_ =	swait.ge [sflag:s17], $0x2000  }
0x155: {  	[sflag:s17] =	ssyncset.done $0x0  }
.Ltmp4:
0x156: {  	s14 =	sadd.s32 $0x2880, s31;
	[sflag:s17] =	ssyncadd.s32 $0xFFFFE000;
	(pc) =	sbr.rel @p0 .LBB2_10-.Ltmp4, $4  }
0x157: {  	[spmem:s15] =	stream.indirect.scatter.add.f32 [tilespmem:s12], [sflag:$0x4], $0x40, s14, s8, $0xb8;
	[tilespmem:$0x19F00] =	vst v63  }
0x158: {  	_ =	swait.ge [sflag:s4], $0x2000  }
0x159: {  	[sflag:s4] =	ssyncset.done $0x0  }
0x15a: {  	s31 =	sadd.s32 $0x280, s31;
	[sflag:s4] =	ssyncadd.s32 $0xFFFFE000  }
0x15b: {  	[tilespmem:s12], [sflag:$0x3] =	stream.indirect.gather [hbm4b:s21+s8], $0x40, s31, s8, $0xb8;
	[tilespmem:$0x19F00] =	vst v63  }
0x15c: {  	_ =	swait.ge [sflag:s13], $0x2000  }
0x15d: {  	[sflag:s13] =	ssyncset.done $0x0  }
0x15e: {  	s14 =	simm.s32 $0x4D00;
	[sflag:s13] =	ssyncadd.s32 $0xFFFFE000  }
0x15f: {  	[spmem:s15] =	stream.indirect.scatter.add.f32 [tilespmem:s9], [sflag:$0x4], $0x40, s14, s8, $0xb8;
	[tilespmem:$0x19F00] =	vst v63  }
0x160: {  	_ =	swait.ge [sflag:s4], $0x2000  }
0x161: {  	[sflag:s4] =	ssyncset.done $0x0  }
0x162: {  	s14 =	simm.s32 $0x2700;
	[sflag:s4] =	ssyncadd.s32 $0xFFFFE000  }
0x163: {  	[tilespmem:s9], [sflag:$0x1] =	stream.indirect.gather [hbm4b:s21+s8], $0x40, s14, s8, $0xb8;
	[tilespmem:$0x19F00] =	vst v63  }
0x164: {  	_ =	swait.ge [sflag:s16], $0x2000  }
0x165: {  	[sflag:s16] =	ssyncset.done $0x0  }
0x166: {  	s14 =	simm.s32 $0x4D80;
	[sflag:s16] =	ssyncadd.s32 $0xFFFFE000  }
0x167: {  	[spmem:s15] =	stream.indirect.scatter.add.f32 [tilespmem:s10], [sflag:$0x4], $0x40, s14, s8, $0xb8;
	[tilespmem:$0x19F00] =	vst v63  }
0x168: {  	_ =	swait.ge [sflag:s4], $0x2000  }
0x169: {  	[sflag:s4] =	ssyncset.done $0x0  }
0x16a: {  	[sflag:s4] =	ssyncadd.s32 $0xFFFFE000  }
0x16b: {  	_ =	swait.ge [sflag:s17], $0x2000  }
0x16c: {  	[sflag:s17] =	ssyncset.done $0x0  }
0x16d: {  	s14 =	simm.s32 $0x4E00;
	[sflag:s17] =	ssyncadd.s32 $0xFFFFE000  }
0x16e: {  	[spmem:s15] =	stream.indirect.scatter.add.f32 [tilespmem:s12], [sflag:$0x4], $0x40, s14, s8, $0xb8;
	[tilespmem:$0x19F00] =	vst v63  }
0x16f: {  	_ =	swait.ge [sflag:s4], $0x2000  }
0x170: {  	[sflag:s4] =	ssyncset.done $0x0  }
0x171: {  	[sflag:s4] =	ssyncadd.s32 $0xFFFFE000  }
0x172: {  	_ =	swait.ge [sflag:s13], $0x2000  }
0x173: {  	[sflag:s13] =	ssyncset.done $0x0  }
0x174: {  	s14 =	simm.s32 $0x4E80;
	[sflag:s13] =	ssyncadd.s32 $0xFFFFE000  }
0x175: {  	[spmem:s15] =	stream.indirect.scatter.add.f32 [tilespmem:s9], [sflag:$0x4], $0x40, s14, s8, $0xb8;
	[tilespmem:$0x19F00] =	vst v63  }
0x176: {  	_ =	swait.ge [sflag:s4], $0x2000  }
0x177: {  	[sflag:s4] =	ssyncset.done $0x0  }
0x178: {  	[sflag:s4] =	ssyncadd.s32 $0xFFFFE000  }
0x179: {  	[bflag:$0x0] =	sbarrier.arrive $0xFFFF  }
0x17a: {  	s14 =	rddreg [dreg:$0xf]  }
0x17b: {  	[hbm:s14], [sflag:s3] =	dma.local [spmem:s20], $0x400  }
0x17c: {  	_ =	swait.ge [sflag:s4], $0x400  }
0x17d: {  	[sflag:s4] =	ssyncset.done $0x0  }
0x17e: {  	s20 =	rddreg [dreg:$0x10];
	[sflag:s4] =	ssyncadd.s32 $0xFFFFFC00  }
0x17f: {  	[hbm:s20], [sflag:s3] =	dma.local [spmem:s19], $0x400  }
0x180: {  	_ =	swait.ge [sflag:s4], $0x400  }
0x181: {  	[sflag:s4] =	ssyncset.done $0x0  }
0x182: {  	s19 =	rddreg [dreg:$0x11];
	[sflag:s4] =	ssyncadd.s32 $0xFFFFFC00  }
0x183: {  	[hbm:s19], [sflag:s3] =	dma.local [spmem:s22], $0x400  }
0x184: {  	_ =	swait.ge [sflag:s4], $0x400  }
0x185: {  	[sflag:s4] =	ssyncset.done $0x0  }
0x186: {  	s20 =	rddreg [dreg:$0x12];
	[sflag:s4] =	ssyncadd.s32 $0xFFFFFC00  }
0x187: {  	[hbm:s20], [sflag:s3] =	dma.local [spmem:s23], $0x400  }
0x188: {  	_ =	swait.ge [sflag:s4], $0x400  }
0x189: {  	[sflag:s4] =	ssyncset.done $0x0  }
0x18a: {  	s22 =	rddreg [dreg:$0x13];
	[sflag:s4] =	ssyncadd.s32 $0xFFFFFC00  }
0x18b: {  	[hbm:s22], [sflag:s3] =	dma.local [spmem:s11], $0x400  }
0x18c: {  	_ =	swait.ge [sflag:s4], $0x400  }
0x18d: {  	s1 =	sadd.s32 $0x1, s1;
	s23 =	rddreg [dreg:$0x19]  }
0x18e: {  	p0 =	sne.s32 s1, s23  }
.Ltmp5:
0x18f: {  	_ = 	snop;
	(pc) =	sbr.rel @p0 .LBB2_1-.Ltmp5, $3  }
0x190: {  	_ =	sdelay $0x1  }
0x191: {  	[sflag:s4] =	ssyncset.done $0x0  }
0x192: {  	s30 =	smov.u32 s0;
	s31 =	smov.u32 s2;
	[sflag:s4] =	ssyncadd.s32 $0xFFFFFC00  }
0x193: {  	_ =	sfence.sel $0x180000  }
0x194: {  	[bflag:$0x0] =	sbarrier.arrive $0xFFFF  }
0x195: {  	_ =	strace $0x90000047  }
0x196: {  	s0 =	stileid.u32;
	[bflag:$0x2] =	sbarrier.arrive $0xFFFF  }
0x197: {  	p0 =	sne.s32 s0, $0x0;
	s0 =	rddreg [dreg:$0x4]  }
0x198: {  	s0 =	sadd.s32 @!p0 $0x100000, s0  }
0x199: {  	[sflag:s0] =	ssyncadd.tile.s32 @!p0 $0x1;
	_ =	shalt  }
.Lfunc_end2:
_tile_overlayer_lowered:
.L_overlay_start_2:
0x19a: {  	(tag) =	ssettag $0x2  }
0x19b: {  	s0 =	rddreg [dreg:$0x0];
	s2 =	stileid.u32  }
0x19c: {  	s1 =	rddreg [dreg:$0x1];
	p0 =	sne.s32 s2, $0x0  }
0x19d: {  	s3 =	rddreg [dreg:$0x2];
	[bflag:$0x3] =	sbarrier.arrive $0xFFFF;
	s2 =	simm.s32 @!p0 $0x1C04  }
0x19e: {  	[timem:s3], [sflag:s2] =	dma.local @!p0 [hbm:s0], s1  }
0x19f: {  	s0 =	simm.s32 @!p0 $0x4  }
0x1a0: {  	_ =	swait.ge @!p0 [sflag:s0], s1  }
0x1a1: {  	s1 =	ssub.s32 @!p0 $0x0, s1;
	[sflag:s0] =	ssyncset.done @!p0 $0x0  }
0x1a2: {  	[sflag:s0] =	ssyncadd.s32 @!p0 s1  }
0x1a3: {  	[bflag:$0x3] =	sbarrier.arrive $0xFFFF  }
0x1a4: {  	_ =	shalt  }

</sc_bundles>
